<compile_context>
chip_gen: v7x
topology: tpu7x:2x2x1
jax: 0.10.2.dev20260603
libtpu: 0.0.44.dev20260713+nightly
codegen_flags: <defaults>
</compile_context>

<pallas_src>
import functools

import jax
import jax.numpy as jnp
from jax import lax
from jax.experimental import pallas as pl
from jax.experimental.pallas import tpu as pltpu
from jax.experimental.pallas import tpu_sc as plsc

N_NODES = 10000
N_PAD = 10240
N_EDGES = 320000
E_PAD = 327680
D_FEAT = 128
D_HID = 16
N_CLASSES = 7

NCORE = 2
NSUB = 16
NW = NCORE * NSUB
EPW = E_PAD // NW
NCHUNK = 80
CW = 128
NB = 4
NGROUP = NCHUNK // NB
RPT = N_PAD // NSUB
NR = N_PAD * D_HID // 128


def _edge_pipeline(shared_g, shared, sidx, didx, rows, sem_a, sem_b, sem_c):
    def _fire(g, half, sem):
        for b in range(NB):
            pltpu.async_copy(shared_g.at[sidx.at[g * NB + b]],
                             rows.at[half, b], sem)

    def _drain_scatter(g, half, sem):
        for b in range(NB):
            pltpu.make_async_copy(shared_g.at[pl.ds(0, CW)],
                                  rows.at[half, b], sem).wait()
        for b in range(NB):
            pltpu.async_copy(rows.at[half, b],
                             shared.at[didx.at[g * NB + b]], sem_c, add=True)
        for b in range(NB):
            pltpu.make_async_copy(shared_g.at[pl.ds(0, CW)],
                                  rows.at[half, b], sem_c).wait()

    _fire(0, 0, sem_a)

    def body(kk, carry):
        g0 = 2 * kk
        _fire(g0 + 1, 1, sem_b)
        _drain_scatter(g0, 0, sem_a)

        @pl.when(g0 + 2 < NGROUP)
        def _():
            _fire(g0 + 2, 0, sem_a)
        _drain_scatter(g0 + 1, 1, sem_b)
        return carry
    lax.fori_loop(0, NGROUP // 2, body, 0)


def _rsqrt16(v):
    xi = lax.bitcast_convert_type(v, jnp.int32)
    yi = jnp.int32(0x5F3759DF) - (xi >> 1)
    y = lax.bitcast_convert_type(yi, jnp.float32)
    for _ in range(3):
        y = y * (1.5 - 0.5 * v * y * y)
    return y



@functools.cache
def _get_l1_kernel():
    mesh = plsc.VectorSubcoreMesh(
        core_axis_name="c", subcore_axis_name="s",
        num_cores=NCORE, num_subcores=NSUB)
    return functools.partial(
        pl.kernel,
        out_type=(jax.ShapeDtypeStruct((NCORE, N_PAD, D_HID), jnp.float32),
                  jax.ShapeDtypeStruct((N_PAD, D_HID), jnp.float32)),
        mesh=mesh,
        scratch_types=[
            pltpu.VMEM((NCHUNK, CW), jnp.int32),
            pltpu.VMEM((NCHUNK, CW), jnp.int32),
            pltpu.VMEM((2, NB, CW, D_HID), jnp.float32),
            pltpu.VMEM((2, NCHUNK, CW), jnp.int32),
            pltpu.VMEM((RPT, D_HID), jnp.float32),
            pltpu.VMEM((NSUB, RPT // 16, D_HID), jnp.float32),
            pltpu.VMEM((RPT,), jnp.float32),
            pltpu.VMEM((RPT, D_HID), jnp.float32),
            pltpu.VMEM((RPT, D_HID), jnp.float32),
            pltpu.VMEM_SHARED((N_PAD, D_HID), jnp.float32),
            pltpu.VMEM_SHARED((N_PAD, D_HID), jnp.float32),
            pltpu.VMEM_SHARED((NSUB, RPT, D_HID), jnp.float32),
            pltpu.SemaphoreType.DMA,
            pltpu.SemaphoreType.DMA,
            pltpu.SemaphoreType.DMA,
        ],
        compiler_params=pltpu.CompilerParams(
            needs_layout_passes=False, use_tc_tiling_on_sc=False),
    )(_l1_body)


def _l1_body(h_hbm, ei_hbm, zrows_hbm,
             out_hbm, dis_hbm,
             sidx, didx, rows, dstv, hist, red, disv, hbuf, disb,
             shared, shared_g, shared_p, sem_a, sem_b, sem_c):
    c = lax.axis_index("c")
    s = lax.axis_index("s")
    wid = c * NSUB + s
    rbase = s * RPT

    pltpu.sync_copy(zrows_hbm, shared.at[pl.ds(rbase, RPT)])
    pltpu.sync_copy(h_hbm.at[pl.ds(rbase, RPT)], hbuf)
    pltpu.sync_copy(ei_hbm.at[1, 2 * s], dstv.at[0])
    pltpu.sync_copy(ei_hbm.at[1, 2 * s + 1], dstv.at[1])
    pltpu.sync_copy(ei_hbm.at[0, wid], sidx)
    pltpu.sync_copy(ei_hbm.at[1, wid], didx)
    pltpu.sync_copy(zrows_hbm, hist)

    ones16 = jnp.ones((16,), jnp.float32)

    for w in range(2):
        def count_body(ch, carry):
            for k in range(CW // 16):
                idx = dstv[w, ch, pl.ds(k * 16, 16)]
                plsc.addupdate_scatter(hist, [idx >> 4, idx & 15], ones16)
            return carry
        lax.fori_loop(0, NCHUNK, count_body, 0)

    pltpu.sync_copy(hist, shared_p.at[s])
    plsc.subcore_barrier()

    pltpu.sync_copy(shared_p.at[:, pl.ds(s * (RPT // 16), RPT // 16)], red)

    def dis_body(jj, carry):
        v = red[0, jj]
        for t in range(1, NSUB):
            v = v + red[t, jj]
        disv[pl.ds(jj * 16, 16)] = _rsqrt16(v + 1.0)
        return carry
    lax.fori_loop(0, RPT // 16, dis_body, 0)

    def scale_body(jj, carry):
        col = jj * 16
        dv = disv[pl.ds(col, 16)]
        for i in range(16):
            hbuf[col + i] = hbuf[col + i] * dv[i]
            disb[col + i] = ones16 * dv[i]
        return carry
    lax.fori_loop(0, RPT // 16, scale_body, 0)

    @pl.when(c == 0)
    def _():
        pltpu.sync_copy(disb, dis_hbm.at[pl.ds(rbase, RPT)])

    pltpu.sync_copy(hbuf, shared_g.at[pl.ds(rbase, RPT)])
    plsc.subcore_barrier()

    _edge_pipeline(shared_g, shared, sidx, didx, rows, sem_a, sem_b, sem_c)

    plsc.subcore_barrier()
    pltpu.sync_copy(shared.at[pl.ds(rbase, RPT)],
                    out_hbm.at[c, pl.ds(rbase, RPT)])



@functools.cache
def _get_edge_kernel():
    mesh = plsc.VectorSubcoreMesh(
        core_axis_name="c", subcore_axis_name="s",
        num_cores=NCORE, num_subcores=NSUB)
    return functools.partial(
        pl.kernel,
        out_type=jax.ShapeDtypeStruct((NCORE, N_PAD, D_HID), jnp.float32),
        mesh=mesh,
        scratch_types=[
            pltpu.VMEM((NCHUNK, CW), jnp.int32),
            pltpu.VMEM((NCHUNK, CW), jnp.int32),
            pltpu.VMEM((2, NB, CW, D_HID), jnp.float32),
            pltpu.VMEM_SHARED((N_PAD, D_HID), jnp.float32),
            pltpu.VMEM_SHARED((N_PAD, D_HID), jnp.float32),
            pltpu.SemaphoreType.DMA,
            pltpu.SemaphoreType.DMA,
            pltpu.SemaphoreType.DMA,
        ],
        compiler_params=pltpu.CompilerParams(
            needs_layout_passes=False, use_tc_tiling_on_sc=False),
    )(_edge_body)


def _edge_body(g_hbm, ei_hbm, zrows_hbm, out_hbm,
               sidx, didx, rows, shared, shared_g, sem_a, sem_b, sem_c):
    c = lax.axis_index("c")
    s = lax.axis_index("s")
    wid = c * NSUB + s
    rbase = s * RPT

    pltpu.sync_copy(zrows_hbm, shared.at[pl.ds(rbase, RPT)])
    pltpu.sync_copy(g_hbm.at[pl.ds(rbase, RPT)], shared_g.at[pl.ds(rbase, RPT)])
    pltpu.sync_copy(ei_hbm.at[0, wid], sidx)
    pltpu.sync_copy(ei_hbm.at[1, wid], didx)
    plsc.subcore_barrier()

    _edge_pipeline(shared_g, shared, sidx, didx, rows, sem_a, sem_b, sem_c)

    plsc.subcore_barrier()
    pltpu.sync_copy(shared.at[pl.ds(rbase, RPT)],
                    out_hbm.at[c, pl.ds(rbase, RPT)])



def _tc_m_body(x_ref, m1_ref, h_ref):
    h_ref[...] = jnp.dot(x_ref[...], m1_ref[...],
                         preferred_element_type=jnp.float32)


_tc_m = pl.pallas_call(
    _tc_m_body,
    out_shape=jax.ShapeDtypeStruct((NR, 128), jnp.float32),
)


def _tc_b_body(accp_ref, h1_ref, dis_ref, b1_ref, w2k_ref, g2_ref):
    dis = dis_ref[...]
    acc = accp_ref[0] + accp_ref[1] + h1_ref[...] * dis
    t = jnp.maximum(acc * dis + b1_ref[...], 0.0)
    g2_ref[...] = jnp.dot(t, w2k_ref[...],
                          preferred_element_type=jnp.float32) * dis


_tc_b = pl.pallas_call(
    _tc_b_body,
    out_shape=jax.ShapeDtypeStruct((NR, 128), jnp.float32),
)


def _tc_c_body(accp_ref, g2_ref, dis_ref, b2_ref, k0_ref, ks_ref, out_ref):
    acc = accp_ref[0] + accp_ref[1] + g2_ref[...]
    z = acc * dis_ref[...] + b2_ref[...]
    col = lax.broadcasted_iota(jnp.int32, z.shape, 1)
    zm = jnp.where(col % D_HID < N_CLASSES, z, -jnp.inf)
    y = zm
    for sft in (1, 2, 4, 8):
        y = jnp.maximum(y, jnp.roll(y, -sft, axis=1))
    mask0 = (col % D_HID == 0).astype(jnp.float32)
    m = jnp.dot(y * mask0, k0_ref[...], preferred_element_type=jnp.float32)
    e = jnp.exp(zm - m)
    se = jnp.dot(e, ks_ref[...], preferred_element_type=jnp.float32)
    out_ref[...] = z - m - jnp.log(se)


_tc_c = pl.pallas_call(
    _tc_c_body,
    out_shape=jax.ShapeDtypeStruct((NR, 128), jnp.float32),
)


def kernel(x, edge_index, W1, b1, W2, b2):
    eye8 = jnp.eye(8, dtype=jnp.float32)
    ei = jnp.concatenate(
        [edge_index.astype(jnp.int32),
         jnp.full((2, E_PAD - N_EDGES), N_NODES, jnp.int32)],
        axis=1).reshape(2, NW, NCHUNK, CW)
    x1024 = jnp.pad(x, ((0, N_PAD - N_NODES), (0, 0))).reshape(NR, 8 * D_FEAT)
    m1 = jnp.kron(eye8, W1)
    w2k = jnp.kron(eye8, jnp.pad(W2, ((0, 0), (0, D_HID - N_CLASSES))))
    b1t = jnp.tile(b1.reshape(1, D_HID), (1, 8))
    b2t = jnp.tile(jnp.pad(b2, (0, D_HID - N_CLASSES)).reshape(1, D_HID),
                   (1, 8))
    zrows = jnp.zeros((RPT, D_HID), jnp.float32)

    e0 = jnp.zeros((D_HID, D_HID), jnp.float32).at[0].set(1.0)
    k0 = jnp.kron(eye8, e0)
    ks = jnp.kron(eye8, jnp.ones((D_HID, D_HID), jnp.float32))

    h1_128 = _tc_m(x1024, m1)
    accp1, dis16 = _get_l1_kernel()(h1_128.reshape(N_PAD, D_HID), ei, zrows)
    dis128 = dis16.reshape(NR, 128)
    g2_128 = _tc_b(accp1.reshape(NCORE, NR, 128), h1_128, dis128, b1t, w2k)
    accp2 = _get_edge_kernel()(g2_128.reshape(N_PAD, D_HID), ei, zrows)
    z128 = _tc_c(accp2.reshape(NCORE, NR, 128), g2_128, dis128, b2t, k0, ks)
    z = z128.reshape(N_PAD, D_HID)
    return z[:N_NODES, :N_CLASSES]

# --- scband reference (transcript-rebuilt; emitter-appended) ---
"""Pipeline reference for scband-net-2937757630586 (READ-ONLY COPY).

The authoritative reference and input builder live on the scoring server;
editing this copy changes nothing except your own understanding.
"""

import jax, jax.numpy as jnp
import numpy as np

N_NODES = 10000
N_EDGES = 320000
D_FEAT = 128
D_HID = 16
N_CLASSES = 7


def gcn_conv(x, edge_index, W, b, num_nodes):
    # GCNConv: out = D^{-1/2} (A + I) D^{-1/2} X W + b
    src = edge_index[0]
    dst = edge_index[1]
    loop = jnp.arange(num_nodes, dtype=src.dtype)
    src = jnp.concatenate([src, loop])
    dst = jnp.concatenate([dst, loop])
    h = x @ W
    deg = jnp.zeros((num_nodes,), dtype=h.dtype).at[dst].add(1.0)
    deg_inv_sqrt = jnp.where(deg > 0, jax.lax.rsqrt(jnp.maximum(deg, 1e-12)), 0.0)
    norm = deg_inv_sqrt[src] * deg_inv_sqrt[dst]
    msg = h[src] * norm[:, None]
    out = jnp.zeros((num_nodes, h.shape[1]), dtype=h.dtype).at[dst].add(msg)
    return out + b


def setup_inputs(seed: int = 0) -> dict:
    key = jax.random.key(seed)
    k_x, k_e, k_w1, k_b1, k_w2, k_b2 = jax.random.split(key, 6)
    x = jax.random.normal(k_x, (N_NODES, D_FEAT), dtype=jnp.float32)
    edge_index = jax.random.randint(k_e, (2, N_EDGES), 0, N_NODES, dtype=jnp.int64)
    s1 = 1.0 / np.sqrt(D_FEAT)
    s2 = 1.0 / np.sqrt(D_HID)
    W1 = jax.random.uniform(k_w1, (D_FEAT, D_HID), dtype=jnp.float32, minval=-s1, maxval=s1)
    b1 = jax.random.uniform(k_b1, (D_HID,), dtype=jnp.float32, minval=-s1, maxval=s1)
    W2 = jax.random.uniform(k_w2, (D_HID, N_CLASSES), dtype=jnp.float32, minval=-s2, maxval=s2)
    b2 = jax.random.uniform(k_b2, (N_CLASSES,), dtype=jnp.float32, minval=-s2, maxval=s2)
    return {"x": x, "edge_index": edge_index, "W1": W1, "b1": b1, "W2": W2, "b2": b2}


def reference(x, edge_index, W1, b1, W2, b2):
    num_nodes = x.shape[0]
    h = gcn_conv(x, edge_index, W1, b1, num_nodes)
    h = jax.nn.relu(h)
    # F.dropout with training=self.training; module evaluated in eval mode -> identity
    h = gcn_conv(h, edge_index, W2, b2, num_nodes)
    return jax.nn.log_softmax(h, axis=1)

if __name__ == "__main__":
    import jax
    _d = setup_inputs()
    print(jax.jit(kernel)(*tuple(_d.values())))

</pallas_src>

<mosaic_0001>
#map = affine_map<(d0, d1) -> (0, 0)>
#map1 = affine_map<(d0, d1) -> (0, 0, 0, 0)>
#map2 = affine_map<(d0, d1) -> (0, 0, 0)>
module attributes {stable_mosaic.version = 14 : i64} {
  func.func @_edge_body(%arg0: i32, %arg1: i32, %arg2: memref<10240x16xf32, #tpu.memory_space<hbm>>, %arg3: memref<2x32x80x128xi32, #tpu.memory_space<hbm>>, %arg4: memref<640x16xf32, #tpu.memory_space<hbm>>, %arg5: memref<2x10240x16xf32, #tpu.memory_space<hbm>>, %arg6: memref<80x128xi32, #tpu.memory_space<vmem>>, %arg7: memref<80x128xi32, #tpu.memory_space<vmem>>, %arg8: memref<2x4x128x16xf32, #tpu.memory_space<vmem>>, %arg9: memref<10240x16xf32, #tpu.memory_space<vmem_shared>>, %arg10: memref<10240x16xf32, #tpu.memory_space<vmem_shared>>, %arg11: memref<!tpu.dma_semaphore, #tpu.memory_space<semaphore_mem>>, %arg12: memref<!tpu.dma_semaphore, #tpu.memory_space<semaphore_mem>>, %arg13: memref<!tpu.dma_semaphore, #tpu.memory_space<semaphore_mem>>) attributes {dimension_semantics = [#tpu.dimension_semantics<core_parallel>, #tpu.dimension_semantics<subcore_parallel>], iteration_bounds = array<i64: 2, 16>, scalar_prefetch = 0 : i64, scratch_operands = 8 : i64, tpu.core_type = #tpu.core_type<sc_vector_subcore>, window_params = [{transform_indices = #map}, {transform_indices = #map1}, {transform_indices = #map}, {transform_indices = #map2}]} {
    %mul3A = arith.constant 16 : i32
    %mul3A_0 = arith.muli %arg0, %mul3A : i32
    %add3A = arith.addi %mul3A_0, %arg1 : i32
    %mul3A_1 = arith.constant 640 : i32
    %mul3A_2 = arith.muli %arg1, %mul3A_1 : i32
    "tpu.region"() ({
      %run_scoped3A_61 = tpu.sem_alloc : memref<!tpu.dma_semaphore, #tpu.memory_space<semaphore_mem>>
      %dma_start3A_62 = arith.constant 0 : i32
      %dma_start3A_63 = tpu.memref_slice %arg9[%mul3A_2, %dma_start3A_62] : memref<10240x16xf32, #tpu.memory_space<vmem_shared>> -> memref<640x16xf32, #tpu.memory_space<vmem_shared>>
      tpu.enqueue_dma source(%arg4 : memref<640x16xf32, #tpu.memory_space<hbm>>) target(%dma_start3A_63 : memref<640x16xf32, #tpu.memory_space<vmem_shared>>) target_semaphore(%run_scoped3A_61 : memref<!tpu.dma_semaphore, #tpu.memory_space<semaphore_mem>>)
      %dma_wait3A = arith.constant 0 : i32
      %dma_wait3A_64 = tpu.memref_slice %arg9[%mul3A_2, %dma_wait3A] : memref<10240x16xf32, #tpu.memory_space<vmem_shared>> -> memref<640x16xf32, #tpu.memory_space<vmem_shared>>
      tpu.wait_dma2 semaphore(%run_scoped3A_61 : memref<!tpu.dma_semaphore, #tpu.memory_space<semaphore_mem>>) src(%arg4 : memref<640x16xf32, #tpu.memory_space<hbm>>) dst(%dma_wait3A_64 : memref<640x16xf32, #tpu.memory_space<vmem_shared>>)
      tpu.yield
    }) : () -> ()
    "tpu.region"() ({
      %run_scoped3A_61 = tpu.sem_alloc : memref<!tpu.dma_semaphore, #tpu.memory_space<semaphore_mem>>
      %dma_start3A_62 = arith.constant 0 : i32
      %dma_start3A_63 = tpu.memref_slice %arg10[%mul3A_2, %dma_start3A_62] : memref<10240x16xf32, #tpu.memory_space<vmem_shared>> -> memref<640x16xf32, #tpu.memory_space<vmem_shared>>
      %dma_start3A_64 = arith.constant 0 : i32
      %dma_start3A_65 = tpu.memref_slice %arg2[%mul3A_2, %dma_start3A_64] : memref<10240x16xf32, #tpu.memory_space<hbm>> -> memref<640x16xf32, #tpu.memory_space<hbm>>
      tpu.enqueue_dma source(%dma_start3A_65 : memref<640x16xf32, #tpu.memory_space<hbm>>) target(%dma_start3A_63 : memref<640x16xf32, #tpu.memory_space<vmem_shared>>) target_semaphore(%run_scoped3A_61 : memref<!tpu.dma_semaphore, #tpu.memory_space<semaphore_mem>>)
      %dma_wait3A = arith.constant 0 : i32
      %dma_wait3A_66 = tpu.memref_slice %arg10[%mul3A_2, %dma_wait3A] : memref<10240x16xf32, #tpu.memory_space<vmem_shared>> -> memref<640x16xf32, #tpu.memory_space<vmem_shared>>
      %dma_wait3A_67 = arith.constant 0 : i32
      %dma_wait3A_68 = tpu.memref_slice %arg2[%mul3A_2, %dma_wait3A_67] : memref<10240x16xf32, #tpu.memory_space<hbm>> -> memref<640x16xf32, #tpu.memory_space<hbm>>
      tpu.wait_dma2 semaphore(%run_scoped3A_61 : memref<!tpu.dma_semaphore, #tpu.memory_space<semaphore_mem>>) src(%dma_wait3A_68 : memref<640x16xf32, #tpu.memory_space<hbm>>) dst(%dma_wait3A_66 : memref<640x16xf32, #tpu.memory_space<vmem_shared>>)
      tpu.yield
    }) : () -> ()
    %run_scoped3A = arith.constant 0 : i32
    "tpu.region"() ({
      %run_scoped3A_61 = tpu.sem_alloc : memref<!tpu.dma_semaphore, #tpu.memory_space<semaphore_mem>>
      %dma_start3A_62 = arith.constant 0 : i32
      %dma_start3A_63 = arith.constant 0 : i32
      %dma_start3A_64 = tpu.memref_slice %arg3[%run_scoped3A, %add3A, %dma_start3A_62, %dma_start3A_63] : memref<2x32x80x128xi32, #tpu.memory_space<hbm>> -> memref<1x1x80x128xi32, #tpu.memory_space<hbm>>
      %dma_start3A_65 = tpu.memref_squeeze %dma_start3A_64 : memref<1x1x80x128xi32, #tpu.memory_space<hbm>> -> memref<80x128xi32, #tpu.memory_space<hbm>>
      %dma_start3A_66 = arith.constant 0 : i32
      %dma_start3A_67 = arith.constant 0 : i32
      %dma_start3A_68 = tpu.memref_slice %arg3[%run_scoped3A, %add3A, %dma_start3A_66, %dma_start3A_67] : memref<2x32x80x128xi32, #tpu.memory_space<hbm>> -> memref<1x1x80x128xi32, #tpu.memory_space<hbm>>
      %dma_start3A_69 = tpu.memref_squeeze %dma_start3A_68 : memref<1x1x80x128xi32, #tpu.memory_space<hbm>> -> memref<80x128xi32, #tpu.memory_space<hbm>>
      tpu.enqueue_dma source(%dma_start3A_69 : memref<80x128xi32, #tpu.memory_space<hbm>>) target(%arg6 : memref<80x128xi32, #tpu.memory_space<vmem>>) target_semaphore(%run_scoped3A_61 : memref<!tpu.dma_semaphore, #tpu.memory_space<semaphore_mem>>)
      %dma_wait3A = arith.constant 0 : i32
      %dma_wait3A_70 = arith.constant 0 : i32
      %dma_wait3A_71 = tpu.memref_slice %arg3[%run_scoped3A, %add3A, %dma_wait3A, %dma_wait3A_70] : memref<2x32x80x128xi32, #tpu.memory_space<hbm>> -> memref<1x1x80x128xi32, #tpu.memory_space<hbm>>
      %dma_wait3A_72 = tpu.memref_squeeze %dma_wait3A_71 : memref<1x1x80x128xi32, #tpu.memory_space<hbm>> -> memref<80x128xi32, #tpu.memory_space<hbm>>
      %dma_wait3A_73 = arith.constant 0 : i32
      %dma_wait3A_74 = arith.constant 0 : i32
      %dma_wait3A_75 = tpu.memref_slice %arg3[%run_scoped3A, %add3A, %dma_wait3A_73, %dma_wait3A_74] : memref<2x32x80x128xi32, #tpu.memory_space<hbm>> -> memref<1x1x80x128xi32, #tpu.memory_space<hbm>>
      %dma_wait3A_76 = tpu.memref_squeeze %dma_wait3A_75 : memref<1x1x80x128xi32, #tpu.memory_space<hbm>> -> memref<80x128xi32, #tpu.memory_space<hbm>>
      tpu.wait_dma2 semaphore(%run_scoped3A_61 : memref<!tpu.dma_semaphore, #tpu.memory_space<semaphore_mem>>) src(%dma_wait3A_76 : memref<80x128xi32, #tpu.memory_space<hbm>>) dst(%arg6 : memref<80x128xi32, #tpu.memory_space<vmem>>)
      tpu.yield
    }) : () -> ()
    %run_scoped3A_3 = arith.constant 1 : i32
    "tpu.region"() ({
      %run_scoped3A_61 = tpu.sem_alloc : memref<!tpu.dma_semaphore, #tpu.memory_space<semaphore_mem>>
      %dma_start3A_62 = arith.constant 0 : i32
      %dma_start3A_63 = arith.constant 0 : i32
      %dma_start3A_64 = tpu.memref_slice %arg3[%run_scoped3A_3, %add3A, %dma_start3A_62, %dma_start3A_63] : memref<2x32x80x128xi32, #tpu.memory_space<hbm>> -> memref<1x1x80x128xi32, #tpu.memory_space<hbm>>
      %dma_start3A_65 = tpu.memref_squeeze %dma_start3A_64 : memref<1x1x80x128xi32, #tpu.memory_space<hbm>> -> memref<80x128xi32, #tpu.memory_space<hbm>>
      %dma_start3A_66 = arith.constant 0 : i32
      %dma_start3A_67 = arith.constant 0 : i32
      %dma_start3A_68 = tpu.memref_slice %arg3[%run_scoped3A_3, %add3A, %dma_start3A_66, %dma_start3A_67] : memref<2x32x80x128xi32, #tpu.memory_space<hbm>> -> memref<1x1x80x128xi32, #tpu.memory_space<hbm>>
      %dma_start3A_69 = tpu.memref_squeeze %dma_start3A_68 : memref<1x1x80x128xi32, #tpu.memory_space<hbm>> -> memref<80x128xi32, #tpu.memory_space<hbm>>
      tpu.enqueue_dma source(%dma_start3A_69 : memref<80x128xi32, #tpu.memory_space<hbm>>) target(%arg7 : memref<80x128xi32, #tpu.memory_space<vmem>>) target_semaphore(%run_scoped3A_61 : memref<!tpu.dma_semaphore, #tpu.memory_space<semaphore_mem>>)
      %dma_wait3A = arith.constant 0 : i32
      %dma_wait3A_70 = arith.constant 0 : i32
      %dma_wait3A_71 = tpu.memref_slice %arg3[%run_scoped3A_3, %add3A, %dma_wait3A, %dma_wait3A_70] : memref<2x32x80x128xi32, #tpu.memory_space<hbm>> -> memref<1x1x80x128xi32, #tpu.memory_space<hbm>>
      %dma_wait3A_72 = tpu.memref_squeeze %dma_wait3A_71 : memref<1x1x80x128xi32, #tpu.memory_space<hbm>> -> memref<80x128xi32, #tpu.memory_space<hbm>>
      %dma_wait3A_73 = arith.constant 0 : i32
      %dma_wait3A_74 = arith.constant 0 : i32
      %dma_wait3A_75 = tpu.memref_slice %arg3[%run_scoped3A_3, %add3A, %dma_wait3A_73, %dma_wait3A_74] : memref<2x32x80x128xi32, #tpu.memory_space<hbm>> -> memref<1x1x80x128xi32, #tpu.memory_space<hbm>>
      %dma_wait3A_76 = tpu.memref_squeeze %dma_wait3A_75 : memref<1x1x80x128xi32, #tpu.memory_space<hbm>> -> memref<80x128xi32, #tpu.memory_space<hbm>>
      tpu.wait_dma2 semaphore(%run_scoped3A_61 : memref<!tpu.dma_semaphore, #tpu.memory_space<semaphore_mem>>) src(%dma_wait3A_76 : memref<80x128xi32, #tpu.memory_space<hbm>>) dst(%arg7 : memref<80x128xi32, #tpu.memory_space<vmem>>)
      tpu.yield
    }) : () -> ()
    %barrier3A = arith.constant 0 : index
    tpu.barrier barrier_id(%barrier3A)
    %dma_start3A = arith.constant 0 : i32
    %dma_start3A_4 = arith.constant 0 : i32
    %dma_start3A_5 = arith.constant 0 : i32
    %dma_start3A_6 = arith.constant 0 : i32
    %dma_start3A_7 = arith.constant 0 : i32
    %dma_start3A_8 = tpu.memref_slice %arg8[%dma_start3A_4, %dma_start3A_5, %dma_start3A_6, %dma_start3A_7] : memref<2x4x128x16xf32, #tpu.memory_space<vmem>> -> memref<1x1x128x16xf32, #tpu.memory_space<vmem>>
    %dma_start3A_9 = tpu.memref_squeeze %dma_start3A_8 : memref<1x1x128x16xf32, #tpu.memory_space<vmem>> -> memref<128x16xf32, #tpu.memory_space<vmem>>
    %dma_start3A_10 = arith.constant 0 : i32
    %dma_start3A_11 = tpu.memref_slice %arg6[%dma_start3A, %dma_start3A_10] : memref<80x128xi32, #tpu.memory_space<vmem>> -> memref<1x128xi32, #tpu.memory_space<vmem>>
    %dma_start3A_12 = tpu.memref_squeeze %dma_start3A_11 : memref<1x128xi32, #tpu.memory_space<vmem>> -> memref<128xi32, #tpu.memory_space<vmem>>
    %dma_start3A_13 = arith.constant 0 : i32
    %dma_start3A_14 = arith.constant 0 : i32
    %dma_start3A_15 = tpu.memref_slice %arg10[%dma_start3A_13, %dma_start3A_14] : memref<10240x16xf32, #tpu.memory_space<vmem_shared>> -> memref<10240x16xf32, #tpu.memory_space<vmem_shared>>
    tpu.enqueue_indirect_dma source(%dma_start3A_15 : memref<10240x16xf32, #tpu.memory_space<vmem_shared>>) target(%dma_start3A_9 : memref<128x16xf32, #tpu.memory_space<vmem>>) offsets(%dma_start3A_12 : memref<128xi32, #tpu.memory_space<vmem>>) semaphore(%arg11 : memref<!tpu.dma_semaphore, #tpu.memory_space<semaphore_mem>>)
    %dma_start3A_16 = arith.constant 1 : i32
    %dma_start3A_17 = arith.constant 0 : i32
    %dma_start3A_18 = arith.constant 1 : i32
    %dma_start3A_19 = arith.constant 0 : i32
    %dma_start3A_20 = arith.constant 0 : i32
    %dma_start3A_21 = tpu.memref_slice %arg8[%dma_start3A_17, %dma_start3A_18, %dma_start3A_19, %dma_start3A_20] : memref<2x4x128x16xf32, #tpu.memory_space<vmem>> -> memref<1x1x128x16xf32, #tpu.memory_space<vmem>>
    %dma_start3A_22 = tpu.memref_squeeze %dma_start3A_21 : memref<1x1x128x16xf32, #tpu.memory_space<vmem>> -> memref<128x16xf32, #tpu.memory_space<vmem>>
    %dma_start3A_23 = arith.constant 0 : i32
    %dma_start3A_24 = tpu.memref_slice %arg6[%dma_start3A_16, %dma_start3A_23] : memref<80x128xi32, #tpu.memory_space<vmem>> -> memref<1x128xi32, #tpu.memory_space<vmem>>
    %dma_start3A_25 = tpu.memref_squeeze %dma_start3A_24 : memref<1x128xi32, #tpu.memory_space<vmem>> -> memref<128xi32, #tpu.memory_space<vmem>>
    %dma_start3A_26 = arith.constant 0 : i32
    %dma_start3A_27 = arith.constant 0 : i32
    %dma_start3A_28 = tpu.memref_slice %arg10[%dma_start3A_26, %dma_start3A_27] : memref<10240x16xf32, #tpu.memory_space<vmem_shared>> -> memref<10240x16xf32, #tpu.memory_space<vmem_shared>>
    tpu.enqueue_indirect_dma source(%dma_start3A_28 : memref<10240x16xf32, #tpu.memory_space<vmem_shared>>) target(%dma_start3A_22 : memref<128x16xf32, #tpu.memory_space<vmem>>) offsets(%dma_start3A_25 : memref<128xi32, #tpu.memory_space<vmem>>) semaphore(%arg11 : memref<!tpu.dma_semaphore, #tpu.memory_space<semaphore_mem>>)
    %dma_start3A_29 = arith.constant 2 : i32
    %dma_start3A_30 = arith.constant 0 : i32
    %dma_start3A_31 = arith.constant 2 : i32
    %dma_start3A_32 = arith.constant 0 : i32
    %dma_start3A_33 = arith.constant 0 : i32
    %dma_start3A_34 = tpu.memref_slice %arg8[%dma_start3A_30, %dma_start3A_31, %dma_start3A_32, %dma_start3A_33] : memref<2x4x128x16xf32, #tpu.memory_space<vmem>> -> memref<1x1x128x16xf32, #tpu.memory_space<vmem>>
    %dma_start3A_35 = tpu.memref_squeeze %dma_start3A_34 : memref<1x1x128x16xf32, #tpu.memory_space<vmem>> -> memref<128x16xf32, #tpu.memory_space<vmem>>
    %dma_start3A_36 = arith.constant 0 : i32
    %dma_start3A_37 = tpu.memref_slice %arg6[%dma_start3A_29, %dma_start3A_36] : memref<80x128xi32, #tpu.memory_space<vmem>> -> memref<1x128xi32, #tpu.memory_space<vmem>>
    %dma_start3A_38 = tpu.memref_squeeze %dma_start3A_37 : memref<1x128xi32, #tpu.memory_space<vmem>> -> memref<128xi32, #tpu.memory_space<vmem>>
    %dma_start3A_39 = arith.constant 0 : i32
    %dma_start3A_40 = arith.constant 0 : i32
    %dma_start3A_41 = tpu.memref_slice %arg10[%dma_start3A_39, %dma_start3A_40] : memref<10240x16xf32, #tpu.memory_space<vmem_shared>> -> memref<10240x16xf32, #tpu.memory_space<vmem_shared>>
    tpu.enqueue_indirect_dma source(%dma_start3A_41 : memref<10240x16xf32, #tpu.memory_space<vmem_shared>>) target(%dma_start3A_35 : memref<128x16xf32, #tpu.memory_space<vmem>>) offsets(%dma_start3A_38 : memref<128xi32, #tpu.memory_space<vmem>>) semaphore(%arg11 : memref<!tpu.dma_semaphore, #tpu.memory_space<semaphore_mem>>)
    %dma_start3A_42 = arith.constant 3 : i32
    %dma_start3A_43 = arith.constant 0 : i32
    %dma_start3A_44 = arith.constant 3 : i32
    %dma_start3A_45 = arith.constant 0 : i32
    %dma_start3A_46 = arith.constant 0 : i32
    %dma_start3A_47 = tpu.memref_slice %arg8[%dma_start3A_43, %dma_start3A_44, %dma_start3A_45, %dma_start3A_46] : memref<2x4x128x16xf32, #tpu.memory_space<vmem>> -> memref<1x1x128x16xf32, #tpu.memory_space<vmem>>
    %dma_start3A_48 = tpu.memref_squeeze %dma_start3A_47 : memref<1x1x128x16xf32, #tpu.memory_space<vmem>> -> memref<128x16xf32, #tpu.memory_space<vmem>>
    %dma_start3A_49 = arith.constant 0 : i32
    %dma_start3A_50 = tpu.memref_slice %arg6[%dma_start3A_42, %dma_start3A_49] : memref<80x128xi32, #tpu.memory_space<vmem>> -> memref<1x128xi32, #tpu.memory_space<vmem>>
    %dma_start3A_51 = tpu.memref_squeeze %dma_start3A_50 : memref<1x128xi32, #tpu.memory_space<vmem>> -> memref<128xi32, #tpu.memory_space<vmem>>
    %dma_start3A_52 = arith.constant 0 : i32
    %dma_start3A_53 = arith.constant 0 : i32
    %dma_start3A_54 = tpu.memref_slice %arg10[%dma_start3A_52, %dma_start3A_53] : memref<10240x16xf32, #tpu.memory_space<vmem_shared>> -> memref<10240x16xf32, #tpu.memory_space<vmem_shared>>
    tpu.enqueue_indirect_dma source(%dma_start3A_54 : memref<10240x16xf32, #tpu.memory_space<vmem_shared>>) target(%dma_start3A_48 : memref<128x16xf32, #tpu.memory_space<vmem>>) offsets(%dma_start3A_51 : memref<128xi32, #tpu.memory_space<vmem>>) semaphore(%arg11 : memref<!tpu.dma_semaphore, #tpu.memory_space<semaphore_mem>>)
    %scan3A = arith.constant 0 : i32
    %scan3A_55 = arith.constant 0 : i32
    %scan3A_56 = arith.constant 10 : i32
    %scan3A_57 = arith.addi %scan3A_55, %scan3A_56 : i32
    %scan3A_58 = arith.constant 1 : i32
    scf.for %scan3A_61 = %scan3A_55 to %scan3A_57 step %scan3A_58  : i32 {
      %mul3A_62 = arith.constant 2 : i32
      %mul3A_63 = arith.muli %mul3A_62, %scan3A_61 : i32
      %add3A_64 = arith.constant 1 : i32
      %add3A_65 = arith.addi %mul3A_63, %add3A_64 : i32
      %mul3A_66 = arith.constant 4 : i32
      %mul3A_67 = arith.muli %add3A_65, %mul3A_66 : i32
      %add3A_68 = arith.constant 0 : i32
      %add3A_69 = arith.addi %mul3A_67, %add3A_68 : i32
      %dma_start3A_70 = arith.constant 1 : i32
      %dma_start3A_71 = arith.constant 0 : i32
      %dma_start3A_72 = arith.constant 0 : i32
      %dma_start3A_73 = arith.constant 0 : i32
      %dma_start3A_74 = tpu.memref_slice %arg8[%dma_start3A_70, %dma_start3A_71, %dma_start3A_72, %dma_start3A_73] : memref<2x4x128x16xf32, #tpu.memory_space<vmem>> -> memref<1x1x128x16xf32, #tpu.memory_space<vmem>>
      %dma_start3A_75 = tpu.memref_squeeze %dma_start3A_74 : memref<1x1x128x16xf32, #tpu.memory_space<vmem>> -> memref<128x16xf32, #tpu.memory_space<vmem>>
      %dma_start3A_76 = arith.constant 0 : i32
      %dma_start3A_77 = tpu.memref_slice %arg6[%add3A_69, %dma_start3A_76] : memref<80x128xi32, #tpu.memory_space<vmem>> -> memref<1x128xi32, #tpu.memory_space<vmem>>
      %dma_start3A_78 = tpu.memref_squeeze %dma_start3A_77 : memref<1x128xi32, #tpu.memory_space<vmem>> -> memref<128xi32, #tpu.memory_space<vmem>>
      %dma_start3A_79 = arith.constant 0 : i32
      %dma_start3A_80 = arith.constant 0 : i32
      %dma_start3A_81 = tpu.memref_slice %arg10[%dma_start3A_79, %dma_start3A_80] : memref<10240x16xf32, #tpu.memory_space<vmem_shared>> -> memref<10240x16xf32, #tpu.memory_space<vmem_shared>>
      tpu.enqueue_indirect_dma source(%dma_start3A_81 : memref<10240x16xf32, #tpu.memory_space<vmem_shared>>) target(%dma_start3A_75 : memref<128x16xf32, #tpu.memory_space<vmem>>) offsets(%dma_start3A_78 : memref<128xi32, #tpu.memory_space<vmem>>) semaphore(%arg12 : memref<!tpu.dma_semaphore, #tpu.memory_space<semaphore_mem>>)
      %mul3A_82 = arith.constant 4 : i32
      %mul3A_83 = arith.muli %add3A_65, %mul3A_82 : i32
      %add3A_84 = arith.constant 1 : i32
      %add3A_85 = arith.addi %mul3A_83, %add3A_84 : i32
      %dma_start3A_86 = arith.constant 1 : i32
      %dma_start3A_87 = arith.constant 1 : i32
      %dma_start3A_88 = arith.constant 0 : i32
      %dma_start3A_89 = arith.constant 0 : i32
      %dma_start3A_90 = tpu.memref_slice %arg8[%dma_start3A_86, %dma_start3A_87, %dma_start3A_88, %dma_start3A_89] : memref<2x4x128x16xf32, #tpu.memory_space<vmem>> -> memref<1x1x128x16xf32, #tpu.memory_space<vmem>>
      %dma_start3A_91 = tpu.memref_squeeze %dma_start3A_90 : memref<1x1x128x16xf32, #tpu.memory_space<vmem>> -> memref<128x16xf32, #tpu.memory_space<vmem>>
      %dma_start3A_92 = arith.constant 0 : i32
      %dma_start3A_93 = tpu.memref_slice %arg6[%add3A_85, %dma_start3A_92] : memref<80x128xi32, #tpu.memory_space<vmem>> -> memref<1x128xi32, #tpu.memory_space<vmem>>
      %dma_start3A_94 = tpu.memref_squeeze %dma_start3A_93 : memref<1x128xi32, #tpu.memory_space<vmem>> -> memref<128xi32, #tpu.memory_space<vmem>>
      %dma_start3A_95 = arith.constant 0 : i32
      %dma_start3A_96 = arith.constant 0 : i32
      %dma_start3A_97 = tpu.memref_slice %arg10[%dma_start3A_95, %dma_start3A_96] : memref<10240x16xf32, #tpu.memory_space<vmem_shared>> -> memref<10240x16xf32, #tpu.memory_space<vmem_shared>>
      tpu.enqueue_indirect_dma source(%dma_start3A_97 : memref<10240x16xf32, #tpu.memory_space<vmem_shared>>) target(%dma_start3A_91 : memref<128x16xf32, #tpu.memory_space<vmem>>) offsets(%dma_start3A_94 : memref<128xi32, #tpu.memory_space<vmem>>) semaphore(%arg12 : memref<!tpu.dma_semaphore, #tpu.memory_space<semaphore_mem>>)
      %mul3A_98 = arith.constant 4 : i32
      %mul3A_99 = arith.muli %add3A_65, %mul3A_98 : i32
      %add3A_100 = arith.constant 2 : i32
      %add3A_101 = arith.addi %mul3A_99, %add3A_100 : i32
      %dma_start3A_102 = arith.constant 1 : i32
      %dma_start3A_103 = arith.constant 2 : i32
      %dma_start3A_104 = arith.constant 0 : i32
      %dma_start3A_105 = arith.constant 0 : i32
      %dma_start3A_106 = tpu.memref_slice %arg8[%dma_start3A_102, %dma_start3A_103, %dma_start3A_104, %dma_start3A_105] : memref<2x4x128x16xf32, #tpu.memory_space<vmem>> -> memref<1x1x128x16xf32, #tpu.memory_space<vmem>>
      %dma_start3A_107 = tpu.memref_squeeze %dma_start3A_106 : memref<1x1x128x16xf32, #tpu.memory_space<vmem>> -> memref<128x16xf32, #tpu.memory_space<vmem>>
      %dma_start3A_108 = arith.constant 0 : i32
      %dma_start3A_109 = tpu.memref_slice %arg6[%add3A_101, %dma_start3A_108] : memref<80x128xi32, #tpu.memory_space<vmem>> -> memref<1x128xi32, #tpu.memory_space<vmem>>
      %dma_start3A_110 = tpu.memref_squeeze %dma_start3A_109 : memref<1x128xi32, #tpu.memory_space<vmem>> -> memref<128xi32, #tpu.memory_space<vmem>>
      %dma_start3A_111 = arith.constant 0 : i32
      %dma_start3A_112 = arith.constant 0 : i32
      %dma_start3A_113 = tpu.memref_slice %arg10[%dma_start3A_111, %dma_start3A_112] : memref<10240x16xf32, #tpu.memory_space<vmem_shared>> -> memref<10240x16xf32, #tpu.memory_space<vmem_shared>>
      tpu.enqueue_indirect_dma source(%dma_start3A_113 : memref<10240x16xf32, #tpu.memory_space<vmem_shared>>) target(%dma_start3A_107 : memref<128x16xf32, #tpu.memory_space<vmem>>) offsets(%dma_start3A_110 : memref<128xi32, #tpu.memory_space<vmem>>) semaphore(%arg12 : memref<!tpu.dma_semaphore, #tpu.memory_space<semaphore_mem>>)
      %mul3A_114 = arith.constant 4 : i32
      %mul3A_115 = arith.muli %add3A_65, %mul3A_114 : i32
      %add3A_116 = arith.constant 3 : i32
      %add3A_117 = arith.addi %mul3A_115, %add3A_116 : i32
      %dma_start3A_118 = arith.constant 1 : i32
      %dma_start3A_119 = arith.constant 3 : i32
      %dma_start3A_120 = arith.constant 0 : i32
      %dma_start3A_121 = arith.constant 0 : i32
      %dma_start3A_122 = tpu.memref_slice %arg8[%dma_start3A_118, %dma_start3A_119, %dma_start3A_120, %dma_start3A_121] : memref<2x4x128x16xf32, #tpu.memory_space<vmem>> -> memref<1x1x128x16xf32, #tpu.memory_space<vmem>>
      %dma_start3A_123 = tpu.memref_squeeze %dma_start3A_122 : memref<1x1x128x16xf32, #tpu.memory_space<vmem>> -> memref<128x16xf32, #tpu.memory_space<vmem>>
      %dma_start3A_124 = arith.constant 0 : i32
      %dma_start3A_125 = tpu.memref_slice %arg6[%add3A_117, %dma_start3A_124] : memref<80x128xi32, #tpu.memory_space<vmem>> -> memref<1x128xi32, #tpu.memory_space<vmem>>
      %dma_start3A_126 = tpu.memref_squeeze %dma_start3A_125 : memref<1x128xi32, #tpu.memory_space<vmem>> -> memref<128xi32, #tpu.memory_space<vmem>>
      %dma_start3A_127 = arith.constant 0 : i32
      %dma_start3A_128 = arith.constant 0 : i32
      %dma_start3A_129 = tpu.memref_slice %arg10[%dma_start3A_127, %dma_start3A_128] : memref<10240x16xf32, #tpu.memory_space<vmem_shared>> -> memref<10240x16xf32, #tpu.memory_space<vmem_shared>>
      tpu.enqueue_indirect_dma source(%dma_start3A_129 : memref<10240x16xf32, #tpu.memory_space<vmem_shared>>) target(%dma_start3A_123 : memref<128x16xf32, #tpu.memory_space<vmem>>) offsets(%dma_start3A_126 : memref<128xi32, #tpu.memory_space<vmem>>) semaphore(%arg12 : memref<!tpu.dma_semaphore, #tpu.memory_space<semaphore_mem>>)
      %dma_wait3A = arith.constant 0 : i32
      %dma_wait3A_130 = arith.constant 0 : i32
      %dma_wait3A_131 = arith.constant 0 : i32
      %dma_wait3A_132 = arith.constant 0 : i32
      %dma_wait3A_133 = tpu.memref_slice %arg8[%dma_wait3A, %dma_wait3A_130, %dma_wait3A_131, %dma_wait3A_132] : memref<2x4x128x16xf32, #tpu.memory_space<vmem>> -> memref<1x1x128x16xf32, #tpu.memory_space<vmem>>
      %dma_wait3A_134 = tpu.memref_squeeze %dma_wait3A_133 : memref<1x1x128x16xf32, #tpu.memory_space<vmem>> -> memref<128x16xf32, #tpu.memory_space<vmem>>
      %dma_wait3A_135 = arith.constant 0 : i32
      %dma_wait3A_136 = arith.constant 0 : i32
      %dma_wait3A_137 = tpu.memref_slice %arg10[%dma_wait3A_135, %dma_wait3A_136] : memref<10240x16xf32, #tpu.memory_space<vmem_shared>> -> memref<128x16xf32, #tpu.memory_space<vmem_shared>>
      %dma_wait3A_138 = arith.constant 0 : i32
      %dma_wait3A_139 = arith.constant 0 : i32
      %dma_wait3A_140 = tpu.memref_slice %arg8[%dma_wait3A, %dma_wait3A_130, %dma_wait3A_138, %dma_wait3A_139] : memref<2x4x128x16xf32, #tpu.memory_space<vmem>> -> memref<1x1x128x16xf32, #tpu.memory_space<vmem>>
      %dma_wait3A_141 = tpu.memref_squeeze %dma_wait3A_140 : memref<1x1x128x16xf32, #tpu.memory_space<vmem>> -> memref<128x16xf32, #tpu.memory_space<vmem>>
      %dma_wait3A_142 = arith.constant 0 : i32
      %dma_wait3A_143 = arith.constant 0 : i32
      %dma_wait3A_144 = tpu.memref_slice %arg10[%dma_wait3A_142, %dma_wait3A_143] : memref<10240x16xf32, #tpu.memory_space<vmem_shared>> -> memref<128x16xf32, #tpu.memory_space<vmem_shared>>
      tpu.wait_dma2 semaphore(%arg11 : memref<!tpu.dma_semaphore, #tpu.memory_space<semaphore_mem>>) src(%dma_wait3A_144 : memref<128x16xf32, #tpu.memory_space<vmem_shared>>) dst(%dma_wait3A_141 : memref<128x16xf32, #tpu.memory_space<vmem>>)
      %dma_wait3A_145 = arith.constant 0 : i32
      %dma_wait3A_146 = arith.constant 1 : i32
      %dma_wait3A_147 = arith.constant 0 : i32
      %dma_wait3A_148 = arith.constant 0 : i32
      %dma_wait3A_149 = tpu.memref_slice %arg8[%dma_wait3A_145, %dma_wait3A_146, %dma_wait3A_147, %dma_wait3A_148] : memref<2x4x128x16xf32, #tpu.memory_space<vmem>> -> memref<1x1x128x16xf32, #tpu.memory_space<vmem>>
      %dma_wait3A_150 = tpu.memref_squeeze %dma_wait3A_149 : memref<1x1x128x16xf32, #tpu.memory_space<vmem>> -> memref<128x16xf32, #tpu.memory_space<vmem>>
      %dma_wait3A_151 = arith.constant 0 : i32
      %dma_wait3A_152 = arith.constant 0 : i32
      %dma_wait3A_153 = tpu.memref_slice %arg10[%dma_wait3A_151, %dma_wait3A_152] : memref<10240x16xf32, #tpu.memory_space<vmem_shared>> -> memref<128x16xf32, #tpu.memory_space<vmem_shared>>
      %dma_wait3A_154 = arith.constant 0 : i32
      %dma_wait3A_155 = arith.constant 0 : i32
      %dma_wait3A_156 = tpu.memref_slice %arg8[%dma_wait3A_145, %dma_wait3A_146, %dma_wait3A_154, %dma_wait3A_155] : memref<2x4x128x16xf32, #tpu.memory_space<vmem>> -> memref<1x1x128x16xf32, #tpu.memory_space<vmem>>
      %dma_wait3A_157 = tpu.memref_squeeze %dma_wait3A_156 : memref<1x1x128x16xf32, #tpu.memory_space<vmem>> -> memref<128x16xf32, #tpu.memory_space<vmem>>
      %dma_wait3A_158 = arith.constant 0 : i32
      %dma_wait3A_159 = arith.constant 0 : i32
      %dma_wait3A_160 = tpu.memref_slice %arg10[%dma_wait3A_158, %dma_wait3A_159] : memref<10240x16xf32, #tpu.memory_space<vmem_shared>> -> memref<128x16xf32, #tpu.memory_space<vmem_shared>>
      tpu.wait_dma2 semaphore(%arg11 : memref<!tpu.dma_semaphore, #tpu.memory_space<semaphore_mem>>) src(%dma_wait3A_160 : memref<128x16xf32, #tpu.memory_space<vmem_shared>>) dst(%dma_wait3A_157 : memref<128x16xf32, #tpu.memory_space<vmem>>)
      %dma_wait3A_161 = arith.constant 0 : i32
      %dma_wait3A_162 = arith.constant 2 : i32
      %dma_wait3A_163 = arith.constant 0 : i32
      %dma_wait3A_164 = arith.constant 0 : i32
      %dma_wait3A_165 = tpu.memref_slice %arg8[%dma_wait3A_161, %dma_wait3A_162, %dma_wait3A_163, %dma_wait3A_164] : memref<2x4x128x16xf32, #tpu.memory_space<vmem>> -> memref<1x1x128x16xf32, #tpu.memory_space<vmem>>
      %dma_wait3A_166 = tpu.memref_squeeze %dma_wait3A_165 : memref<1x1x128x16xf32, #tpu.memory_space<vmem>> -> memref<128x16xf32, #tpu.memory_space<vmem>>
      %dma_wait3A_167 = arith.constant 0 : i32
      %dma_wait3A_168 = arith.constant 0 : i32
      %dma_wait3A_169 = tpu.memref_slice %arg10[%dma_wait3A_167, %dma_wait3A_168] : memref<10240x16xf32, #tpu.memory_space<vmem_shared>> -> memref<128x16xf32, #tpu.memory_space<vmem_shared>>
      %dma_wait3A_170 = arith.constant 0 : i32
      %dma_wait3A_171 = arith.constant 0 : i32
      %dma_wait3A_172 = tpu.memref_slice %arg8[%dma_wait3A_161, %dma_wait3A_162, %dma_wait3A_170, %dma_wait3A_171] : memref<2x4x128x16xf32, #tpu.memory_space<vmem>> -> memref<1x1x128x16xf32, #tpu.memory_space<vmem>>
      %dma_wait3A_173 = tpu.memref_squeeze %dma_wait3A_172 : memref<1x1x128x16xf32, #tpu.memory_space<vmem>> -> memref<128x16xf32, #tpu.memory_space<vmem>>
      %dma_wait3A_174 = arith.constant 0 : i32
      %dma_wait3A_175 = arith.constant 0 : i32
      %dma_wait3A_176 = tpu.memref_slice %arg10[%dma_wait3A_174, %dma_wait3A_175] : memref<10240x16xf32, #tpu.memory_space<vmem_shared>> -> memref<128x16xf32, #tpu.memory_space<vmem_shared>>
      tpu.wait_dma2 semaphore(%arg11 : memref<!tpu.dma_semaphore, #tpu.memory_space<semaphore_mem>>) src(%dma_wait3A_176 : memref<128x16xf32, #tpu.memory_space<vmem_shared>>) dst(%dma_wait3A_173 : memref<128x16xf32, #tpu.memory_space<vmem>>)
      %dma_wait3A_177 = arith.constant 0 : i32
      %dma_wait3A_178 = arith.constant 3 : i32
      %dma_wait3A_179 = arith.constant 0 : i32
      %dma_wait3A_180 = arith.constant 0 : i32
      %dma_wait3A_181 = tpu.memref_slice %arg8[%dma_wait3A_177, %dma_wait3A_178, %dma_wait3A_179, %dma_wait3A_180] : memref<2x4x128x16xf32, #tpu.memory_space<vmem>> -> memref<1x1x128x16xf32, #tpu.memory_space<vmem>>
      %dma_wait3A_182 = tpu.memref_squeeze %dma_wait3A_181 : memref<1x1x128x16xf32, #tpu.memory_space<vmem>> -> memref<128x16xf32, #tpu.memory_space<vmem>>
      %dma_wait3A_183 = arith.constant 0 : i32
      %dma_wait3A_184 = arith.constant 0 : i32
      %dma_wait3A_185 = tpu.memref_slice %arg10[%dma_wait3A_183, %dma_wait3A_184] : memref<10240x16xf32, #tpu.memory_space<vmem_shared>> -> memref<128x16xf32, #tpu.memory_space<vmem_shared>>
      %dma_wait3A_186 = arith.constant 0 : i32
      %dma_wait3A_187 = arith.constant 0 : i32
      %dma_wait3A_188 = tpu.memref_slice %arg8[%dma_wait3A_177, %dma_wait3A_178, %dma_wait3A_186, %dma_wait3A_187] : memref<2x4x128x16xf32, #tpu.memory_space<vmem>> -> memref<1x1x128x16xf32, #tpu.memory_space<vmem>>
      %dma_wait3A_189 = tpu.memref_squeeze %dma_wait3A_188 : memref<1x1x128x16xf32, #tpu.memory_space<vmem>> -> memref<128x16xf32, #tpu.memory_space<vmem>>
      %dma_wait3A_190 = arith.constant 0 : i32
      %dma_wait3A_191 = arith.constant 0 : i32
      %dma_wait3A_192 = tpu.memref_slice %arg10[%dma_wait3A_190, %dma_wait3A_191] : memref<10240x16xf32, #tpu.memory_space<vmem_shared>> -> memref<128x16xf32, #tpu.memory_space<vmem_shared>>
      tpu.wait_dma2 semaphore(%arg11 : memref<!tpu.dma_semaphore, #tpu.memory_space<semaphore_mem>>) src(%dma_wait3A_192 : memref<128x16xf32, #tpu.memory_space<vmem_shared>>) dst(%dma_wait3A_189 : memref<128x16xf32, #tpu.memory_space<vmem>>)
      %mul3A_193 = arith.constant 4 : i32
      %mul3A_194 = arith.muli %mul3A_63, %mul3A_193 : i32
      %add3A_195 = arith.constant 0 : i32
      %add3A_196 = arith.addi %mul3A_194, %add3A_195 : i32
      %dma_start3A_197 = arith.constant 0 : i32
      %dma_start3A_198 = arith.constant 0 : i32
      %dma_start3A_199 = arith.constant 0 : i32
      %dma_start3A_200 = arith.constant 0 : i32
      %dma_start3A_201 = tpu.memref_slice %arg8[%dma_start3A_197, %dma_start3A_198, %dma_start3A_199, %dma_start3A_200] : memref<2x4x128x16xf32, #tpu.memory_space<vmem>> -> memref<1x1x128x16xf32, #tpu.memory_space<vmem>>
      %dma_start3A_202 = tpu.memref_squeeze %dma_start3A_201 : memref<1x1x128x16xf32, #tpu.memory_space<vmem>> -> memref<128x16xf32, #tpu.memory_space<vmem>>
      %dma_start3A_203 = arith.constant 0 : i32
      %dma_start3A_204 = tpu.memref_slice %arg7[%add3A_196, %dma_start3A_203] : memref<80x128xi32, #tpu.memory_space<vmem>> -> memref<1x128xi32, #tpu.memory_space<vmem>>
      %dma_start3A_205 = tpu.memref_squeeze %dma_start3A_204 : memref<1x128xi32, #tpu.memory_space<vmem>> -> memref<128xi32, #tpu.memory_space<vmem>>
      %dma_start3A_206 = arith.constant 0 : i32
      %dma_start3A_207 = arith.constant 0 : i32
      %dma_start3A_208 = tpu.memref_slice %arg9[%dma_start3A_206, %dma_start3A_207] : memref<10240x16xf32, #tpu.memory_space<vmem_shared>> -> memref<10240x16xf32, #tpu.memory_space<vmem_shared>>
      tpu.enqueue_indirect_dma source(%dma_start3A_202 : memref<128x16xf32, #tpu.memory_space<vmem>>) target(%dma_start3A_208 : memref<10240x16xf32, #tpu.memory_space<vmem_shared>>) offsets(%dma_start3A_205 : memref<128xi32, #tpu.memory_space<vmem>>) semaphore(%arg13 : memref<!tpu.dma_semaphore, #tpu.memory_space<semaphore_mem>>) {add = true}
      %mul3A_209 = arith.constant 4 : i32
      %mul3A_210 = arith.muli %mul3A_63, %mul3A_209 : i32
      %add3A_211 = arith.constant 1 : i32
      %add3A_212 = arith.addi %mul3A_210, %add3A_211 : i32
      %dma_start3A_213 = arith.constant 0 : i32
      %dma_start3A_214 = arith.constant 1 : i32
      %dma_start3A_215 = arith.constant 0 : i32
      %dma_start3A_216 = arith.constant 0 : i32
      %dma_start3A_217 = tpu.memref_slice %arg8[%dma_start3A_213, %dma_start3A_214, %dma_start3A_215, %dma_start3A_216] : memref<2x4x128x16xf32, #tpu.memory_space<vmem>> -> memref<1x1x128x16xf32, #tpu.memory_space<vmem>>
      %dma_start3A_218 = tpu.memref_squeeze %dma_start3A_217 : memref<1x1x128x16xf32, #tpu.memory_space<vmem>> -> memref<128x16xf32, #tpu.memory_space<vmem>>
      %dma_start3A_219 = arith.constant 0 : i32
      %dma_start3A_220 = tpu.memref_slice %arg7[%add3A_212, %dma_start3A_219] : memref<80x128xi32, #tpu.memory_space<vmem>> -> memref<1x128xi32, #tpu.memory_space<vmem>>
      %dma_start3A_221 = tpu.memref_squeeze %dma_start3A_220 : memref<1x128xi32, #tpu.memory_space<vmem>> -> memref<128xi32, #tpu.memory_space<vmem>>
      %dma_start3A_222 = arith.constant 0 : i32
      %dma_start3A_223 = arith.constant 0 : i32
      %dma_start3A_224 = tpu.memref_slice %arg9[%dma_start3A_222, %dma_start3A_223] : memref<10240x16xf32, #tpu.memory_space<vmem_shared>> -> memref<10240x16xf32, #tpu.memory_space<vmem_shared>>
      tpu.enqueue_indirect_dma source(%dma_start3A_218 : memref<128x16xf32, #tpu.memory_space<vmem>>) target(%dma_start3A_224 : memref<10240x16xf32, #tpu.memory_space<vmem_shared>>) offsets(%dma_start3A_221 : memref<128xi32, #tpu.memory_space<vmem>>) semaphore(%arg13 : memref<!tpu.dma_semaphore, #tpu.memory_space<semaphore_mem>>) {add = true}
      %mul3A_225 = arith.constant 4 : i32
      %mul3A_226 = arith.muli %mul3A_63, %mul3A_225 : i32
      %add3A_227 = arith.constant 2 : i32
      %add3A_228 = arith.addi %mul3A_226, %add3A_227 : i32
      %dma_start3A_229 = arith.constant 0 : i32
      %dma_start3A_230 = arith.constant 2 : i32
      %dma_start3A_231 = arith.constant 0 : i32
      %dma_start3A_232 = arith.constant 0 : i32
      %dma_start3A_233 = tpu.memref_slice %arg8[%dma_start3A_229, %dma_start3A_230, %dma_start3A_231, %dma_start3A_232] : memref<2x4x128x16xf32, #tpu.memory_space<vmem>> -> memref<1x1x128x16xf32, #tpu.memory_space<vmem>>
      %dma_start3A_234 = tpu.memref_squeeze %dma_start3A_233 : memref<1x1x128x16xf32, #tpu.memory_space<vmem>> -> memref<128x16xf32, #tpu.memory_space<vmem>>
      %dma_start3A_235 = arith.constant 0 : i32
      %dma_start3A_236 = tpu.memref_slice %arg7[%add3A_228, %dma_start3A_235] : memref<80x128xi32, #tpu.memory_space<vmem>> -> memref<1x128xi32, #tpu.memory_space<vmem>>
      %dma_start3A_237 = tpu.memref_squeeze %dma_start3A_236 : memref<1x128xi32, #tpu.memory_space<vmem>> -> memref<128xi32, #tpu.memory_space<vmem>>
      %dma_start3A_238 = arith.constant 0 : i32
      %dma_start3A_239 = arith.constant 0 : i32
      %dma_start3A_240 = tpu.memref_slice %arg9[%dma_start3A_238, %dma_start3A_239] : memref<10240x16xf32, #tpu.memory_space<vmem_shared>> -> memref<10240x16xf32, #tpu.memory_space<vmem_shared>>
      tpu.enqueue_indirect_dma source(%dma_start3A_234 : memref<128x16xf32, #tpu.memory_space<vmem>>) target(%dma_start3A_240 : memref<10240x16xf32, #tpu.memory_space<vmem_shared>>) offsets(%dma_start3A_237 : memref<128xi32, #tpu.memory_space<vmem>>) semaphore(%arg13 : memref<!tpu.dma_semaphore, #tpu.memory_space<semaphore_mem>>) {add = true}
      %mul3A_241 = arith.constant 4 : i32
      %mul3A_242 = arith.muli %mul3A_63, %mul3A_241 : i32
      %add3A_243 = arith.constant 3 : i32
      %add3A_244 = arith.addi %mul3A_242, %add3A_243 : i32
      %dma_start3A_245 = arith.constant 0 : i32
      %dma_start3A_246 = arith.constant 3 : i32
      %dma_start3A_247 = arith.constant 0 : i32
      %dma_start3A_248 = arith.constant 0 : i32
      %dma_start3A_249 = tpu.memref_slice %arg8[%dma_start3A_245, %dma_start3A_246, %dma_start3A_247, %dma_start3A_248] : memref<2x4x128x16xf32, #tpu.memory_space<vmem>> -> memref<1x1x128x16xf32, #tpu.memory_space<vmem>>
      %dma_start3A_250 = tpu.memref_squeeze %dma_start3A_249 : memref<1x1x128x16xf32, #tpu.memory_space<vmem>> -> memref<128x16xf32, #tpu.memory_space<vmem>>
      %dma_start3A_251 = arith.constant 0 : i32
      %dma_start3A_252 = tpu.memref_slice %arg7[%add3A_244, %dma_start3A_251] : memref<80x128xi32, #tpu.memory_space<vmem>> -> memref<1x128xi32, #tpu.memory_space<vmem>>
      %dma_start3A_253 = tpu.memref_squeeze %dma_start3A_252 : memref<1x128xi32, #tpu.memory_space<vmem>> -> memref<128xi32, #tpu.memory_space<vmem>>
      %dma_start3A_254 = arith.constant 0 : i32
      %dma_start3A_255 = arith.constant 0 : i32
      %dma_start3A_256 = tpu.memref_slice %arg9[%dma_start3A_254, %dma_start3A_255] : memref<10240x16xf32, #tpu.memory_space<vmem_shared>> -> memref<10240x16xf32, #tpu.memory_space<vmem_shared>>
      tpu.enqueue_indirect_dma source(%dma_start3A_250 : memref<128x16xf32, #tpu.memory_space<vmem>>) target(%dma_start3A_256 : memref<10240x16xf32, #tpu.memory_space<vmem_shared>>) offsets(%dma_start3A_253 : memref<128xi32, #tpu.memory_space<vmem>>) semaphore(%arg13 : memref<!tpu.dma_semaphore, #tpu.memory_space<semaphore_mem>>) {add = true}
      %dma_wait3A_257 = arith.constant 0 : i32
      %dma_wait3A_258 = arith.constant 0 : i32
      %dma_wait3A_259 = arith.constant 0 : i32
      %dma_wait3A_260 = arith.constant 0 : i32
      %dma_wait3A_261 = tpu.memref_slice %arg8[%dma_wait3A_257, %dma_wait3A_258, %dma_wait3A_259, %dma_wait3A_260] : memref<2x4x128x16xf32, #tpu.memory_space<vmem>> -> memref<1x1x128x16xf32, #tpu.memory_space<vmem>>
      %dma_wait3A_262 = tpu.memref_squeeze %dma_wait3A_261 : memref<1x1x128x16xf32, #tpu.memory_space<vmem>> -> memref<128x16xf32, #tpu.memory_space<vmem>>
      %dma_wait3A_263 = arith.constant 0 : i32
      %dma_wait3A_264 = arith.constant 0 : i32
      %dma_wait3A_265 = tpu.memref_slice %arg10[%dma_wait3A_263, %dma_wait3A_264] : memref<10240x16xf32, #tpu.memory_space<vmem_shared>> -> memref<128x16xf32, #tpu.memory_space<vmem_shared>>
      %dma_wait3A_266 = arith.constant 0 : i32
      %dma_wait3A_267 = arith.constant 0 : i32
      %dma_wait3A_268 = tpu.memref_slice %arg8[%dma_wait3A_257, %dma_wait3A_258, %dma_wait3A_266, %dma_wait3A_267] : memref<2x4x128x16xf32, #tpu.memory_space<vmem>> -> memref<1x1x128x16xf32, #tpu.memory_space<vmem>>
      %dma_wait3A_269 = tpu.memref_squeeze %dma_wait3A_268 : memref<1x1x128x16xf32, #tpu.memory_space<vmem>> -> memref<128x16xf32, #tpu.memory_space<vmem>>
      %dma_wait3A_270 = arith.constant 0 : i32
      %dma_wait3A_271 = arith.constant 0 : i32
      %dma_wait3A_272 = tpu.memref_slice %arg10[%dma_wait3A_270, %dma_wait3A_271] : memref<10240x16xf32, #tpu.memory_space<vmem_shared>> -> memref<128x16xf32, #tpu.memory_space<vmem_shared>>
      tpu.wait_dma2 semaphore(%arg13 : memref<!tpu.dma_semaphore, #tpu.memory_space<semaphore_mem>>) src(%dma_wait3A_272 : memref<128x16xf32, #tpu.memory_space<vmem_shared>>) dst(%dma_wait3A_269 : memref<128x16xf32, #tpu.memory_space<vmem>>)
      %dma_wait3A_273 = arith.constant 0 : i32
      %dma_wait3A_274 = arith.constant 1 : i32
      %dma_wait3A_275 = arith.constant 0 : i32
      %dma_wait3A_276 = arith.constant 0 : i32
      %dma_wait3A_277 = tpu.memref_slice %arg8[%dma_wait3A_273, %dma_wait3A_274, %dma_wait3A_275, %dma_wait3A_276] : memref<2x4x128x16xf32, #tpu.memory_space<vmem>> -> memref<1x1x128x16xf32, #tpu.memory_space<vmem>>
      %dma_wait3A_278 = tpu.memref_squeeze %dma_wait3A_277 : memref<1x1x128x16xf32, #tpu.memory_space<vmem>> -> memref<128x16xf32, #tpu.memory_space<vmem>>
      %dma_wait3A_279 = arith.constant 0 : i32
      %dma_wait3A_280 = arith.constant 0 : i32
      %dma_wait3A_281 = tpu.memref_slice %arg10[%dma_wait3A_279, %dma_wait3A_280] : memref<10240x16xf32, #tpu.memory_space<vmem_shared>> -> memref<128x16xf32, #tpu.memory_space<vmem_shared>>
      %dma_wait3A_282 = arith.constant 0 : i32
      %dma_wait3A_283 = arith.constant 0 : i32
      %dma_wait3A_284 = tpu.memref_slice %arg8[%dma_wait3A_273, %dma_wait3A_274, %dma_wait3A_282, %dma_wait3A_283] : memref<2x4x128x16xf32, #tpu.memory_space<vmem>> -> memref<1x1x128x16xf32, #tpu.memory_space<vmem>>
      %dma_wait3A_285 = tpu.memref_squeeze %dma_wait3A_284 : memref<1x1x128x16xf32, #tpu.memory_space<vmem>> -> memref<128x16xf32, #tpu.memory_space<vmem>>
      %dma_wait3A_286 = arith.constant 0 : i32
      %dma_wait3A_287 = arith.constant 0 : i32
      %dma_wait3A_288 = tpu.memref_slice %arg10[%dma_wait3A_286, %dma_wait3A_287] : memref<10240x16xf32, #tpu.memory_space<vmem_shared>> -> memref<128x16xf32, #tpu.memory_space<vmem_shared>>
      tpu.wait_dma2 semaphore(%arg13 : memref<!tpu.dma_semaphore, #tpu.memory_space<semaphore_mem>>) src(%dma_wait3A_288 : memref<128x16xf32, #tpu.memory_space<vmem_shared>>) dst(%dma_wait3A_285 : memref<128x16xf32, #tpu.memory_space<vmem>>)
      %dma_wait3A_289 = arith.constant 0 : i32
      %dma_wait3A_290 = arith.constant 2 : i32
      %dma_wait3A_291 = arith.constant 0 : i32
      %dma_wait3A_292 = arith.constant 0 : i32
      %dma_wait3A_293 = tpu.memref_slice %arg8[%dma_wait3A_289, %dma_wait3A_290, %dma_wait3A_291, %dma_wait3A_292] : memref<2x4x128x16xf32, #tpu.memory_space<vmem>> -> memref<1x1x128x16xf32, #tpu.memory_space<vmem>>
      %dma_wait3A_294 = tpu.memref_squeeze %dma_wait3A_293 : memref<1x1x128x16xf32, #tpu.memory_space<vmem>> -> memref<128x16xf32, #tpu.memory_space<vmem>>
      %dma_wait3A_295 = arith.constant 0 : i32
      %dma_wait3A_296 = arith.constant 0 : i32
      %dma_wait3A_297 = tpu.memref_slice %arg10[%dma_wait3A_295, %dma_wait3A_296] : memref<10240x16xf32, #tpu.memory_space<vmem_shared>> -> memref<128x16xf32, #tpu.memory_space<vmem_shared>>
      %dma_wait3A_298 = arith.constant 0 : i32
      %dma_wait3A_299 = arith.constant 0 : i32
      %dma_wait3A_300 = tpu.memref_slice %arg8[%dma_wait3A_289, %dma_wait3A_290, %dma_wait3A_298, %dma_wait3A_299] : memref<2x4x128x16xf32, #tpu.memory_space<vmem>> -> memref<1x1x128x16xf32, #tpu.memory_space<vmem>>
      %dma_wait3A_301 = tpu.memref_squeeze %dma_wait3A_300 : memref<1x1x128x16xf32, #tpu.memory_space<vmem>> -> memref<128x16xf32, #tpu.memory_space<vmem>>
      %dma_wait3A_302 = arith.constant 0 : i32
      %dma_wait3A_303 = arith.constant 0 : i32
      %dma_wait3A_304 = tpu.memref_slice %arg10[%dma_wait3A_302, %dma_wait3A_303] : memref<10240x16xf32, #tpu.memory_space<vmem_shared>> -> memref<128x16xf32, #tpu.memory_space<vmem_shared>>
      tpu.wait_dma2 semaphore(%arg13 : memref<!tpu.dma_semaphore, #tpu.memory_space<semaphore_mem>>) src(%dma_wait3A_304 : memref<128x16xf32, #tpu.memory_space<vmem_shared>>) dst(%dma_wait3A_301 : memref<128x16xf32, #tpu.memory_space<vmem>>)
      %dma_wait3A_305 = arith.constant 0 : i32
      %dma_wait3A_306 = arith.constant 3 : i32
      %dma_wait3A_307 = arith.constant 0 : i32
      %dma_wait3A_308 = arith.constant 0 : i32
      %dma_wait3A_309 = tpu.memref_slice %arg8[%dma_wait3A_305, %dma_wait3A_306, %dma_wait3A_307, %dma_wait3A_308] : memref<2x4x128x16xf32, #tpu.memory_space<vmem>> -> memref<1x1x128x16xf32, #tpu.memory_space<vmem>>
      %dma_wait3A_310 = tpu.memref_squeeze %dma_wait3A_309 : memref<1x1x128x16xf32, #tpu.memory_space<vmem>> -> memref<128x16xf32, #tpu.memory_space<vmem>>
      %dma_wait3A_311 = arith.constant 0 : i32
      %dma_wait3A_312 = arith.constant 0 : i32
      %dma_wait3A_313 = tpu.memref_slice %arg10[%dma_wait3A_311, %dma_wait3A_312] : memref<10240x16xf32, #tpu.memory_space<vmem_shared>> -> memref<128x16xf32, #tpu.memory_space<vmem_shared>>
      %dma_wait3A_314 = arith.constant 0 : i32
      %dma_wait3A_315 = arith.constant 0 : i32
      %dma_wait3A_316 = tpu.memref_slice %arg8[%dma_wait3A_305, %dma_wait3A_306, %dma_wait3A_314, %dma_wait3A_315] : memref<2x4x128x16xf32, #tpu.memory_space<vmem>> -> memref<1x1x128x16xf32, #tpu.memory_space<vmem>>
      %dma_wait3A_317 = tpu.memref_squeeze %dma_wait3A_316 : memref<1x1x128x16xf32, #tpu.memory_space<vmem>> -> memref<128x16xf32, #tpu.memory_space<vmem>>
      %dma_wait3A_318 = arith.constant 0 : i32
      %dma_wait3A_319 = arith.constant 0 : i32
      %dma_wait3A_320 = tpu.memref_slice %arg10[%dma_wait3A_318, %dma_wait3A_319] : memref<10240x16xf32, #tpu.memory_space<vmem_shared>> -> memref<128x16xf32, #tpu.memory_space<vmem_shared>>
      tpu.wait_dma2 semaphore(%arg13 : memref<!tpu.dma_semaphore, #tpu.memory_space<semaphore_mem>>) src(%dma_wait3A_320 : memref<128x16xf32, #tpu.memory_space<vmem_shared>>) dst(%dma_wait3A_317 : memref<128x16xf32, #tpu.memory_space<vmem>>)
      %add3A_321 = arith.constant 2 : i32
      %add3A_322 = arith.addi %mul3A_63, %add3A_321 : i32
      %lt3A = arith.constant 20 : i32
      %lt3A_323 = arith.cmpi slt, %add3A_322, %lt3A : i32
      %convert_element_type3A = arith.extui %lt3A_323 : i1 to i32
      %cond3A = arith.constant 0 : i32
      %cond3A_324 = arith.cmpi ne, %convert_element_type3A, %cond3A : i32
      scf.if %cond3A_324 {
        %add3A_519 = arith.constant 2 : i32
        %add3A_520 = arith.addi %mul3A_63, %add3A_519 : i32
        %mul3A_521 = arith.constant 4 : i32
        %mul3A_522 = arith.muli %add3A_520, %mul3A_521 : i32
        %add3A_523 = arith.constant 0 : i32
        %add3A_524 = arith.addi %mul3A_522, %add3A_523 : i32
        %dma_start3A_525 = arith.constant 0 : i32
        %dma_start3A_526 = arith.constant 0 : i32
        %dma_start3A_527 = arith.constant 0 : i32
        %dma_start3A_528 = arith.constant 0 : i32
        %dma_start3A_529 = tpu.memref_slice %arg8[%dma_start3A_525, %dma_start3A_526, %dma_start3A_527, %dma_start3A_528] : memref<2x4x128x16xf32, #tpu.memory_space<vmem>> -> memref<1x1x128x16xf32, #tpu.memory_space<vmem>>
        %dma_start3A_530 = tpu.memref_squeeze %dma_start3A_529 : memref<1x1x128x16xf32, #tpu.memory_space<vmem>> -> memref<128x16xf32, #tpu.memory_space<vmem>>
        %dma_start3A_531 = arith.constant 0 : i32
        %dma_start3A_532 = tpu.memref_slice %arg6[%add3A_524, %dma_start3A_531] : memref<80x128xi32, #tpu.memory_space<vmem>> -> memref<1x128xi32, #tpu.memory_space<vmem>>
        %dma_start3A_533 = tpu.memref_squeeze %dma_start3A_532 : memref<1x128xi32, #tpu.memory_space<vmem>> -> memref<128xi32, #tpu.memory_space<vmem>>
        %dma_start3A_534 = arith.constant 0 : i32
        %dma_start3A_535 = arith.constant 0 : i32
        %dma_start3A_536 = tpu.memref_slice %arg10[%dma_start3A_534, %dma_start3A_535] : memref<10240x16xf32, #tpu.memory_space<vmem_shared>> -> memref<10240x16xf32, #tpu.memory_space<vmem_shared>>
        tpu.enqueue_indirect_dma source(%dma_start3A_536 : memref<10240x16xf32, #tpu.memory_space<vmem_shared>>) target(%dma_start3A_530 : memref<128x16xf32, #tpu.memory_space<vmem>>) offsets(%dma_start3A_533 : memref<128xi32, #tpu.memory_space<vmem>>) semaphore(%arg11 : memref<!tpu.dma_semaphore, #tpu.memory_space<semaphore_mem>>)
        %mul3A_537 = arith.constant 4 : i32
        %mul3A_538 = arith.muli %add3A_520, %mul3A_537 : i32
        %add3A_539 = arith.constant 1 : i32
        %add3A_540 = arith.addi %mul3A_538, %add3A_539 : i32
        %dma_start3A_541 = arith.constant 0 : i32
        %dma_start3A_542 = arith.constant 1 : i32
        %dma_start3A_543 = arith.constant 0 : i32
        %dma_start3A_544 = arith.constant 0 : i32
        %dma_start3A_545 = tpu.memref_slice %arg8[%dma_start3A_541, %dma_start3A_542, %dma_start3A_543, %dma_start3A_544] : memref<2x4x128x16xf32, #tpu.memory_space<vmem>> -> memref<1x1x128x16xf32, #tpu.memory_space<vmem>>
        %dma_start3A_546 = tpu.memref_squeeze %dma_start3A_545 : memref<1x1x128x16xf32, #tpu.memory_space<vmem>> -> memref<128x16xf32, #tpu.memory_space<vmem>>
        %dma_start3A_547 = arith.constant 0 : i32
        %dma_start3A_548 = tpu.memref_slice %arg6[%add3A_540, %dma_start3A_547] : memref<80x128xi32, #tpu.memory_space<vmem>> -> memref<1x128xi32, #tpu.memory_space<vmem>>
        %dma_start3A_549 = tpu.memref_squeeze %dma_start3A_548 : memref<1x128xi32, #tpu.memory_space<vmem>> -> memref<128xi32, #tpu.memory_space<vmem>>
        %dma_start3A_550 = arith.constant 0 : i32
        %dma_start3A_551 = arith.constant 0 : i32
        %dma_start3A_552 = tpu.memref_slice %arg10[%dma_start3A_550, %dma_start3A_551] : memref<10240x16xf32, #tpu.memory_space<vmem_shared>> -> memref<10240x16xf32, #tpu.memory_space<vmem_shared>>
        tpu.enqueue_indirect_dma source(%dma_start3A_552 : memref<10240x16xf32, #tpu.memory_space<vmem_shared>>) target(%dma_start3A_546 : memref<128x16xf32, #tpu.memory_space<vmem>>) offsets(%dma_start3A_549 : memref<128xi32, #tpu.memory_space<vmem>>) semaphore(%arg11 : memref<!tpu.dma_semaphore, #tpu.memory_space<semaphore_mem>>)
        %mul3A_553 = arith.constant 4 : i32
        %mul3A_554 = arith.muli %add3A_520, %mul3A_553 : i32
        %add3A_555 = arith.constant 2 : i32
        %add3A_556 = arith.addi %mul3A_554, %add3A_555 : i32
        %dma_start3A_557 = arith.constant 0 : i32
        %dma_start3A_558 = arith.constant 2 : i32
        %dma_start3A_559 = arith.constant 0 : i32
        %dma_start3A_560 = arith.constant 0 : i32
        %dma_start3A_561 = tpu.memref_slice %arg8[%dma_start3A_557, %dma_start3A_558, %dma_start3A_559, %dma_start3A_560] : memref<2x4x128x16xf32, #tpu.memory_space<vmem>> -> memref<1x1x128x16xf32, #tpu.memory_space<vmem>>
        %dma_start3A_562 = tpu.memref_squeeze %dma_start3A_561 : memref<1x1x128x16xf32, #tpu.memory_space<vmem>> -> memref<128x16xf32, #tpu.memory_space<vmem>>
        %dma_start3A_563 = arith.constant 0 : i32
        %dma_start3A_564 = tpu.memref_slice %arg6[%add3A_556, %dma_start3A_563] : memref<80x128xi32, #tpu.memory_space<vmem>> -> memref<1x128xi32, #tpu.memory_space<vmem>>
        %dma_start3A_565 = tpu.memref_squeeze %dma_start3A_564 : memref<1x128xi32, #tpu.memory_space<vmem>> -> memref<128xi32, #tpu.memory_space<vmem>>
        %dma_start3A_566 = arith.constant 0 : i32
        %dma_start3A_567 = arith.constant 0 : i32
        %dma_start3A_568 = tpu.memref_slice %arg10[%dma_start3A_566, %dma_start3A_567] : memref<10240x16xf32, #tpu.memory_space<vmem_shared>> -> memref<10240x16xf32, #tpu.memory_space<vmem_shared>>
        tpu.enqueue_indirect_dma source(%dma_start3A_568 : memref<10240x16xf32, #tpu.memory_space<vmem_shared>>) target(%dma_start3A_562 : memref<128x16xf32, #tpu.memory_space<vmem>>) offsets(%dma_start3A_565 : memref<128xi32, #tpu.memory_space<vmem>>) semaphore(%arg11 : memref<!tpu.dma_semaphore, #tpu.memory_space<semaphore_mem>>)
        %mul3A_569 = arith.constant 4 : i32
        %mul3A_570 = arith.muli %add3A_520, %mul3A_569 : i32
        %add3A_571 = arith.constant 3 : i32
        %add3A_572 = arith.addi %mul3A_570, %add3A_571 : i32
        %dma_start3A_573 = arith.constant 0 : i32
        %dma_start3A_574 = arith.constant 3 : i32
        %dma_start3A_575 = arith.constant 0 : i32
        %dma_start3A_576 = arith.constant 0 : i32
        %dma_start3A_577 = tpu.memref_slice %arg8[%dma_start3A_573, %dma_start3A_574, %dma_start3A_575, %dma_start3A_576] : memref<2x4x128x16xf32, #tpu.memory_space<vmem>> -> memref<1x1x128x16xf32, #tpu.memory_space<vmem>>
        %dma_start3A_578 = tpu.memref_squeeze %dma_start3A_577 : memref<1x1x128x16xf32, #tpu.memory_space<vmem>> -> memref<128x16xf32, #tpu.memory_space<vmem>>
        %dma_start3A_579 = arith.constant 0 : i32
        %dma_start3A_580 = tpu.memref_slice %arg6[%add3A_572, %dma_start3A_579] : memref<80x128xi32, #tpu.memory_space<vmem>> -> memref<1x128xi32, #tpu.memory_space<vmem>>
        %dma_start3A_581 = tpu.memref_squeeze %dma_start3A_580 : memref<1x128xi32, #tpu.memory_space<vmem>> -> memref<128xi32, #tpu.memory_space<vmem>>
        %dma_start3A_582 = arith.constant 0 : i32
        %dma_start3A_583 = arith.constant 0 : i32
        %dma_start3A_584 = tpu.memref_slice %arg10[%dma_start3A_582, %dma_start3A_583] : memref<10240x16xf32, #tpu.memory_space<vmem_shared>> -> memref<10240x16xf32, #tpu.memory_space<vmem_shared>>
        tpu.enqueue_indirect_dma source(%dma_start3A_584 : memref<10240x16xf32, #tpu.memory_space<vmem_shared>>) target(%dma_start3A_578 : memref<128x16xf32, #tpu.memory_space<vmem>>) offsets(%dma_start3A_581 : memref<128xi32, #tpu.memory_space<vmem>>) semaphore(%arg11 : memref<!tpu.dma_semaphore, #tpu.memory_space<semaphore_mem>>)
      } else {
      }
      %add3A_325 = arith.constant 1 : i32
      %add3A_326 = arith.addi %mul3A_63, %add3A_325 : i32
      %dma_wait3A_327 = arith.constant 1 : i32
      %dma_wait3A_328 = arith.constant 0 : i32
      %dma_wait3A_329 = arith.constant 0 : i32
      %dma_wait3A_330 = arith.constant 0 : i32
      %dma_wait3A_331 = tpu.memref_slice %arg8[%dma_wait3A_327, %dma_wait3A_328, %dma_wait3A_329, %dma_wait3A_330] : memref<2x4x128x16xf32, #tpu.memory_space<vmem>> -> memref<1x1x128x16xf32, #tpu.memory_space<vmem>>
      %dma_wait3A_332 = tpu.memref_squeeze %dma_wait3A_331 : memref<1x1x128x16xf32, #tpu.memory_space<vmem>> -> memref<128x16xf32, #tpu.memory_space<vmem>>
      %dma_wait3A_333 = arith.constant 0 : i32
      %dma_wait3A_334 = arith.constant 0 : i32
      %dma_wait3A_335 = tpu.memref_slice %arg10[%dma_wait3A_333, %dma_wait3A_334] : memref<10240x16xf32, #tpu.memory_space<vmem_shared>> -> memref<128x16xf32, #tpu.memory_space<vmem_shared>>
      %dma_wait3A_336 = arith.constant 0 : i32
      %dma_wait3A_337 = arith.constant 0 : i32
      %dma_wait3A_338 = tpu.memref_slice %arg8[%dma_wait3A_327, %dma_wait3A_328, %dma_wait3A_336, %dma_wait3A_337] : memref<2x4x128x16xf32, #tpu.memory_space<vmem>> -> memref<1x1x128x16xf32, #tpu.memory_space<vmem>>
      %dma_wait3A_339 = tpu.memref_squeeze %dma_wait3A_338 : memref<1x1x128x16xf32, #tpu.memory_space<vmem>> -> memref<128x16xf32, #tpu.memory_space<vmem>>
      %dma_wait3A_340 = arith.constant 0 : i32
      %dma_wait3A_341 = arith.constant 0 : i32
      %dma_wait3A_342 = tpu.memref_slice %arg10[%dma_wait3A_340, %dma_wait3A_341] : memref<10240x16xf32, #tpu.memory_space<vmem_shared>> -> memref<128x16xf32, #tpu.memory_space<vmem_shared>>
      tpu.wait_dma2 semaphore(%arg12 : memref<!tpu.dma_semaphore, #tpu.memory_space<semaphore_mem>>) src(%dma_wait3A_342 : memref<128x16xf32, #tpu.memory_space<vmem_shared>>) dst(%dma_wait3A_339 : memref<128x16xf32, #tpu.memory_space<vmem>>)
      %dma_wait3A_343 = arith.constant 1 : i32
      %dma_wait3A_344 = arith.constant 1 : i32
      %dma_wait3A_345 = arith.constant 0 : i32
      %dma_wait3A_346 = arith.constant 0 : i32
      %dma_wait3A_347 = tpu.memref_slice %arg8[%dma_wait3A_343, %dma_wait3A_344, %dma_wait3A_345, %dma_wait3A_346] : memref<2x4x128x16xf32, #tpu.memory_space<vmem>> -> memref<1x1x128x16xf32, #tpu.memory_space<vmem>>
      %dma_wait3A_348 = tpu.memref_squeeze %dma_wait3A_347 : memref<1x1x128x16xf32, #tpu.memory_space<vmem>> -> memref<128x16xf32, #tpu.memory_space<vmem>>
      %dma_wait3A_349 = arith.constant 0 : i32
      %dma_wait3A_350 = arith.constant 0 : i32
      %dma_wait3A_351 = tpu.memref_slice %arg10[%dma_wait3A_349, %dma_wait3A_350] : memref<10240x16xf32, #tpu.memory_space<vmem_shared>> -> memref<128x16xf32, #tpu.memory_space<vmem_shared>>
      %dma_wait3A_352 = arith.constant 0 : i32
      %dma_wait3A_353 = arith.constant 0 : i32
      %dma_wait3A_354 = tpu.memref_slice %arg8[%dma_wait3A_343, %dma_wait3A_344, %dma_wait3A_352, %dma_wait3A_353] : memref<2x4x128x16xf32, #tpu.memory_space<vmem>> -> memref<1x1x128x16xf32, #tpu.memory_space<vmem>>
      %dma_wait3A_355 = tpu.memref_squeeze %dma_wait3A_354 : memref<1x1x128x16xf32, #tpu.memory_space<vmem>> -> memref<128x16xf32, #tpu.memory_space<vmem>>
      %dma_wait3A_356 = arith.constant 0 : i32
      %dma_wait3A_357 = arith.constant 0 : i32
      %dma_wait3A_358 = tpu.memref_slice %arg10[%dma_wait3A_356, %dma_wait3A_357] : memref<10240x16xf32, #tpu.memory_space<vmem_shared>> -> memref<128x16xf32, #tpu.memory_space<vmem_shared>>
      tpu.wait_dma2 semaphore(%arg12 : memref<!tpu.dma_semaphore, #tpu.memory_space<semaphore_mem>>) src(%dma_wait3A_358 : memref<128x16xf32, #tpu.memory_space<vmem_shared>>) dst(%dma_wait3A_355 : memref<128x16xf32, #tpu.memory_space<vmem>>)
      %dma_wait3A_359 = arith.constant 1 : i32
      %dma_wait3A_360 = arith.constant 2 : i32
      %dma_wait3A_361 = arith.constant 0 : i32
      %dma_wait3A_362 = arith.constant 0 : i32
      %dma_wait3A_363 = tpu.memref_slice %arg8[%dma_wait3A_359, %dma_wait3A_360, %dma_wait3A_361, %dma_wait3A_362] : memref<2x4x128x16xf32, #tpu.memory_space<vmem>> -> memref<1x1x128x16xf32, #tpu.memory_space<vmem>>
      %dma_wait3A_364 = tpu.memref_squeeze %dma_wait3A_363 : memref<1x1x128x16xf32, #tpu.memory_space<vmem>> -> memref<128x16xf32, #tpu.memory_space<vmem>>
      %dma_wait3A_365 = arith.constant 0 : i32
      %dma_wait3A_366 = arith.constant 0 : i32
      %dma_wait3A_367 = tpu.memref_slice %arg10[%dma_wait3A_365, %dma_wait3A_366] : memref<10240x16xf32, #tpu.memory_space<vmem_shared>> -> memref<128x16xf32, #tpu.memory_space<vmem_shared>>
      %dma_wait3A_368 = arith.constant 0 : i32
      %dma_wait3A_369 = arith.constant 0 : i32
      %dma_wait3A_370 = tpu.memref_slice %arg8[%dma_wait3A_359, %dma_wait3A_360, %dma_wait3A_368, %dma_wait3A_369] : memref<2x4x128x16xf32, #tpu.memory_space<vmem>> -> memref<1x1x128x16xf32, #tpu.memory_space<vmem>>
      %dma_wait3A_371 = tpu.memref_squeeze %dma_wait3A_370 : memref<1x1x128x16xf32, #tpu.memory_space<vmem>> -> memref<128x16xf32, #tpu.memory_space<vmem>>
      %dma_wait3A_372 = arith.constant 0 : i32
      %dma_wait3A_373 = arith.constant 0 : i32
      %dma_wait3A_374 = tpu.memref_slice %arg10[%dma_wait3A_372, %dma_wait3A_373] : memref<10240x16xf32, #tpu.memory_space<vmem_shared>> -> memref<128x16xf32, #tpu.memory_space<vmem_shared>>
      tpu.wait_dma2 semaphore(%arg12 : memref<!tpu.dma_semaphore, #tpu.memory_space<semaphore_mem>>) src(%dma_wait3A_374 : memref<128x16xf32, #tpu.memory_space<vmem_shared>>) dst(%dma_wait3A_371 : memref<128x16xf32, #tpu.memory_space<vmem>>)
      %dma_wait3A_375 = arith.constant 1 : i32
      %dma_wait3A_376 = arith.constant 3 : i32
      %dma_wait3A_377 = arith.constant 0 : i32
      %dma_wait3A_378 = arith.constant 0 : i32
      %dma_wait3A_379 = tpu.memref_slice %arg8[%dma_wait3A_375, %dma_wait3A_376, %dma_wait3A_377, %dma_wait3A_378] : memref<2x4x128x16xf32, #tpu.memory_space<vmem>> -> memref<1x1x128x16xf32, #tpu.memory_space<vmem>>
      %dma_wait3A_380 = tpu.memref_squeeze %dma_wait3A_379 : memref<1x1x128x16xf32, #tpu.memory_space<vmem>> -> memref<128x16xf32, #tpu.memory_space<vmem>>
      %dma_wait3A_381 = arith.constant 0 : i32
      %dma_wait3A_382 = arith.constant 0 : i32
      %dma_wait3A_383 = tpu.memref_slice %arg10[%dma_wait3A_381, %dma_wait3A_382] : memref<10240x16xf32, #tpu.memory_space<vmem_shared>> -> memref<128x16xf32, #tpu.memory_space<vmem_shared>>
      %dma_wait3A_384 = arith.constant 0 : i32
      %dma_wait3A_385 = arith.constant 0 : i32
      %dma_wait3A_386 = tpu.memref_slice %arg8[%dma_wait3A_375, %dma_wait3A_376, %dma_wait3A_384, %dma_wait3A_385] : memref<2x4x128x16xf32, #tpu.memory_space<vmem>> -> memref<1x1x128x16xf32, #tpu.memory_space<vmem>>
      %dma_wait3A_387 = tpu.memref_squeeze %dma_wait3A_386 : memref<1x1x128x16xf32, #tpu.memory_space<vmem>> -> memref<128x16xf32, #tpu.memory_space<vmem>>
      %dma_wait3A_388 = arith.constant 0 : i32
      %dma_wait3A_389 = arith.constant 0 : i32
      %dma_wait3A_390 = tpu.memref_slice %arg10[%dma_wait3A_388, %dma_wait3A_389] : memref<10240x16xf32, #tpu.memory_space<vmem_shared>> -> memref<128x16xf32, #tpu.memory_space<vmem_shared>>
      tpu.wait_dma2 semaphore(%arg12 : memref<!tpu.dma_semaphore, #tpu.memory_space<semaphore_mem>>) src(%dma_wait3A_390 : memref<128x16xf32, #tpu.memory_space<vmem_shared>>) dst(%dma_wait3A_387 : memref<128x16xf32, #tpu.memory_space<vmem>>)
      %mul3A_391 = arith.constant 4 : i32
      %mul3A_392 = arith.muli %add3A_326, %mul3A_391 : i32
      %add3A_393 = arith.constant 0 : i32
      %add3A_394 = arith.addi %mul3A_392, %add3A_393 : i32
      %dma_start3A_395 = arith.constant 1 : i32
      %dma_start3A_396 = arith.constant 0 : i32
      %dma_start3A_397 = arith.constant 0 : i32
      %dma_start3A_398 = arith.constant 0 : i32
      %dma_start3A_399 = tpu.memref_slice %arg8[%dma_start3A_395, %dma_start3A_396, %dma_start3A_397, %dma_start3A_398] : memref<2x4x128x16xf32, #tpu.memory_space<vmem>> -> memref<1x1x128x16xf32, #tpu.memory_space<vmem>>
      %dma_start3A_400 = tpu.memref_squeeze %dma_start3A_399 : memref<1x1x128x16xf32, #tpu.memory_space<vmem>> -> memref<128x16xf32, #tpu.memory_space<vmem>>
      %dma_start3A_401 = arith.constant 0 : i32
      %dma_start3A_402 = tpu.memref_slice %arg7[%add3A_394, %dma_start3A_401] : memref<80x128xi32, #tpu.memory_space<vmem>> -> memref<1x128xi32, #tpu.memory_space<vmem>>
      %dma_start3A_403 = tpu.memref_squeeze %dma_start3A_402 : memref<1x128xi32, #tpu.memory_space<vmem>> -> memref<128xi32, #tpu.memory_space<vmem>>
      %dma_start3A_404 = arith.constant 0 : i32
      %dma_start3A_405 = arith.constant 0 : i32
      %dma_start3A_406 = tpu.memref_slice %arg9[%dma_start3A_404, %dma_start3A_405] : memref<10240x16xf32, #tpu.memory_space<vmem_shared>> -> memref<10240x16xf32, #tpu.memory_space<vmem_shared>>
      tpu.enqueue_indirect_dma source(%dma_start3A_400 : memref<128x16xf32, #tpu.memory_space<vmem>>) target(%dma_start3A_406 : memref<10240x16xf32, #tpu.memory_space<vmem_shared>>) offsets(%dma_start3A_403 : memref<128xi32, #tpu.memory_space<vmem>>) semaphore(%arg13 : memref<!tpu.dma_semaphore, #tpu.memory_space<semaphore_mem>>) {add = true}
      %mul3A_407 = arith.constant 4 : i32
      %mul3A_408 = arith.muli %add3A_326, %mul3A_407 : i32
      %add3A_409 = arith.constant 1 : i32
      %add3A_410 = arith.addi %mul3A_408, %add3A_409 : i32
      %dma_start3A_411 = arith.constant 1 : i32
      %dma_start3A_412 = arith.constant 1 : i32
      %dma_start3A_413 = arith.constant 0 : i32
      %dma_start3A_414 = arith.constant 0 : i32
      %dma_start3A_415 = tpu.memref_slice %arg8[%dma_start3A_411, %dma_start3A_412, %dma_start3A_413, %dma_start3A_414] : memref<2x4x128x16xf32, #tpu.memory_space<vmem>> -> memref<1x1x128x16xf32, #tpu.memory_space<vmem>>
      %dma_start3A_416 = tpu.memref_squeeze %dma_start3A_415 : memref<1x1x128x16xf32, #tpu.memory_space<vmem>> -> memref<128x16xf32, #tpu.memory_space<vmem>>
      %dma_start3A_417 = arith.constant 0 : i32
      %dma_start3A_418 = tpu.memref_slice %arg7[%add3A_410, %dma_start3A_417] : memref<80x128xi32, #tpu.memory_space<vmem>> -> memref<1x128xi32, #tpu.memory_space<vmem>>
      %dma_start3A_419 = tpu.memref_squeeze %dma_start3A_418 : memref<1x128xi32, #tpu.memory_space<vmem>> -> memref<128xi32, #tpu.memory_space<vmem>>
      %dma_start3A_420 = arith.constant 0 : i32
      %dma_start3A_421 = arith.constant 0 : i32
      %dma_start3A_422 = tpu.memref_slice %arg9[%dma_start3A_420, %dma_start3A_421] : memref<10240x16xf32, #tpu.memory_space<vmem_shared>> -> memref<10240x16xf32, #tpu.memory_space<vmem_shared>>
      tpu.enqueue_indirect_dma source(%dma_start3A_416 : memref<128x16xf32, #tpu.memory_space<vmem>>) target(%dma_start3A_422 : memref<10240x16xf32, #tpu.memory_space<vmem_shared>>) offsets(%dma_start3A_419 : memref<128xi32, #tpu.memory_space<vmem>>) semaphore(%arg13 : memref<!tpu.dma_semaphore, #tpu.memory_space<semaphore_mem>>) {add = true}
      %mul3A_423 = arith.constant 4 : i32
      %mul3A_424 = arith.muli %add3A_326, %mul3A_423 : i32
      %add3A_425 = arith.constant 2 : i32
      %add3A_426 = arith.addi %mul3A_424, %add3A_425 : i32
      %dma_start3A_427 = arith.constant 1 : i32
      %dma_start3A_428 = arith.constant 2 : i32
      %dma_start3A_429 = arith.constant 0 : i32
      %dma_start3A_430 = arith.constant 0 : i32
      %dma_start3A_431 = tpu.memref_slice %arg8[%dma_start3A_427, %dma_start3A_428, %dma_start3A_429, %dma_start3A_430] : memref<2x4x128x16xf32, #tpu.memory_space<vmem>> -> memref<1x1x128x16xf32, #tpu.memory_space<vmem>>
      %dma_start3A_432 = tpu.memref_squeeze %dma_start3A_431 : memref<1x1x128x16xf32, #tpu.memory_space<vmem>> -> memref<128x16xf32, #tpu.memory_space<vmem>>
      %dma_start3A_433 = arith.constant 0 : i32
      %dma_start3A_434 = tpu.memref_slice %arg7[%add3A_426, %dma_start3A_433] : memref<80x128xi32, #tpu.memory_space<vmem>> -> memref<1x128xi32, #tpu.memory_space<vmem>>
      %dma_start3A_435 = tpu.memref_squeeze %dma_start3A_434 : memref<1x128xi32, #tpu.memory_space<vmem>> -> memref<128xi32, #tpu.memory_space<vmem>>
      %dma_start3A_436 = arith.constant 0 : i32
      %dma_start3A_437 = arith.constant 0 : i32
      %dma_start3A_438 = tpu.memref_slice %arg9[%dma_start3A_436, %dma_start3A_437] : memref<10240x16xf32, #tpu.memory_space<vmem_shared>> -> memref<10240x16xf32, #tpu.memory_space<vmem_shared>>
      tpu.enqueue_indirect_dma source(%dma_start3A_432 : memref<128x16xf32, #tpu.memory_space<vmem>>) target(%dma_start3A_438 : memref<10240x16xf32, #tpu.memory_space<vmem_shared>>) offsets(%dma_start3A_435 : memref<128xi32, #tpu.memory_space<vmem>>) semaphore(%arg13 : memref<!tpu.dma_semaphore, #tpu.memory_space<semaphore_mem>>) {add = true}
      %mul3A_439 = arith.constant 4 : i32
      %mul3A_440 = arith.muli %add3A_326, %mul3A_439 : i32
      %add3A_441 = arith.constant 3 : i32
      %add3A_442 = arith.addi %mul3A_440, %add3A_441 : i32
      %dma_start3A_443 = arith.constant 1 : i32
      %dma_start3A_444 = arith.constant 3 : i32
      %dma_start3A_445 = arith.constant 0 : i32
      %dma_start3A_446 = arith.constant 0 : i32
      %dma_start3A_447 = tpu.memref_slice %arg8[%dma_start3A_443, %dma_start3A_444, %dma_start3A_445, %dma_start3A_446] : memref<2x4x128x16xf32, #tpu.memory_space<vmem>> -> memref<1x1x128x16xf32, #tpu.memory_space<vmem>>
      %dma_start3A_448 = tpu.memref_squeeze %dma_start3A_447 : memref<1x1x128x16xf32, #tpu.memory_space<vmem>> -> memref<128x16xf32, #tpu.memory_space<vmem>>
      %dma_start3A_449 = arith.constant 0 : i32
      %dma_start3A_450 = tpu.memref_slice %arg7[%add3A_442, %dma_start3A_449] : memref<80x128xi32, #tpu.memory_space<vmem>> -> memref<1x128xi32, #tpu.memory_space<vmem>>
      %dma_start3A_451 = tpu.memref_squeeze %dma_start3A_450 : memref<1x128xi32, #tpu.memory_space<vmem>> -> memref<128xi32, #tpu.memory_space<vmem>>
      %dma_start3A_452 = arith.constant 0 : i32
      %dma_start3A_453 = arith.constant 0 : i32
      %dma_start3A_454 = tpu.memref_slice %arg9[%dma_start3A_452, %dma_start3A_453] : memref<10240x16xf32, #tpu.memory_space<vmem_shared>> -> memref<10240x16xf32, #tpu.memory_space<vmem_shared>>
      tpu.enqueue_indirect_dma source(%dma_start3A_448 : memref<128x16xf32, #tpu.memory_space<vmem>>) target(%dma_start3A_454 : memref<10240x16xf32, #tpu.memory_space<vmem_shared>>) offsets(%dma_start3A_451 : memref<128xi32, #tpu.memory_space<vmem>>) semaphore(%arg13 : memref<!tpu.dma_semaphore, #tpu.memory_space<semaphore_mem>>) {add = true}
      %dma_wait3A_455 = arith.constant 1 : i32
      %dma_wait3A_456 = arith.constant 0 : i32
      %dma_wait3A_457 = arith.constant 0 : i32
      %dma_wait3A_458 = arith.constant 0 : i32
      %dma_wait3A_459 = tpu.memref_slice %arg8[%dma_wait3A_455, %dma_wait3A_456, %dma_wait3A_457, %dma_wait3A_458] : memref<2x4x128x16xf32, #tpu.memory_space<vmem>> -> memref<1x1x128x16xf32, #tpu.memory_space<vmem>>
      %dma_wait3A_460 = tpu.memref_squeeze %dma_wait3A_459 : memref<1x1x128x16xf32, #tpu.memory_space<vmem>> -> memref<128x16xf32, #tpu.memory_space<vmem>>
      %dma_wait3A_461 = arith.constant 0 : i32
      %dma_wait3A_462 = arith.constant 0 : i32
      %dma_wait3A_463 = tpu.memref_slice %arg10[%dma_wait3A_461, %dma_wait3A_462] : memref<10240x16xf32, #tpu.memory_space<vmem_shared>> -> memref<128x16xf32, #tpu.memory_space<vmem_shared>>
      %dma_wait3A_464 = arith.constant 0 : i32
      %dma_wait3A_465 = arith.constant 0 : i32
      %dma_wait3A_466 = tpu.memref_slice %arg8[%dma_wait3A_455, %dma_wait3A_456, %dma_wait3A_464, %dma_wait3A_465] : memref<2x4x128x16xf32, #tpu.memory_space<vmem>> -> memref<1x1x128x16xf32, #tpu.memory_space<vmem>>
      %dma_wait3A_467 = tpu.memref_squeeze %dma_wait3A_466 : memref<1x1x128x16xf32, #tpu.memory_space<vmem>> -> memref<128x16xf32, #tpu.memory_space<vmem>>
      %dma_wait3A_468 = arith.constant 0 : i32
      %dma_wait3A_469 = arith.constant 0 : i32
      %dma_wait3A_470 = tpu.memref_slice %arg10[%dma_wait3A_468, %dma_wait3A_469] : memref<10240x16xf32, #tpu.memory_space<vmem_shared>> -> memref<128x16xf32, #tpu.memory_space<vmem_shared>>
      tpu.wait_dma2 semaphore(%arg13 : memref<!tpu.dma_semaphore, #tpu.memory_space<semaphore_mem>>) src(%dma_wait3A_470 : memref<128x16xf32, #tpu.memory_space<vmem_shared>>) dst(%dma_wait3A_467 : memref<128x16xf32, #tpu.memory_space<vmem>>)
      %dma_wait3A_471 = arith.constant 1 : i32
      %dma_wait3A_472 = arith.constant 1 : i32
      %dma_wait3A_473 = arith.constant 0 : i32
      %dma_wait3A_474 = arith.constant 0 : i32
      %dma_wait3A_475 = tpu.memref_slice %arg8[%dma_wait3A_471, %dma_wait3A_472, %dma_wait3A_473, %dma_wait3A_474] : memref<2x4x128x16xf32, #tpu.memory_space<vmem>> -> memref<1x1x128x16xf32, #tpu.memory_space<vmem>>
      %dma_wait3A_476 = tpu.memref_squeeze %dma_wait3A_475 : memref<1x1x128x16xf32, #tpu.memory_space<vmem>> -> memref<128x16xf32, #tpu.memory_space<vmem>>
      %dma_wait3A_477 = arith.constant 0 : i32
      %dma_wait3A_478 = arith.constant 0 : i32
      %dma_wait3A_479 = tpu.memref_slice %arg10[%dma_wait3A_477, %dma_wait3A_478] : memref<10240x16xf32, #tpu.memory_space<vmem_shared>> -> memref<128x16xf32, #tpu.memory_space<vmem_shared>>
      %dma_wait3A_480 = arith.constant 0 : i32
      %dma_wait3A_481 = arith.constant 0 : i32
      %dma_wait3A_482 = tpu.memref_slice %arg8[%dma_wait3A_471, %dma_wait3A_472, %dma_wait3A_480, %dma_wait3A_481] : memref<2x4x128x16xf32, #tpu.memory_space<vmem>> -> memref<1x1x128x16xf32, #tpu.memory_space<vmem>>
      %dma_wait3A_483 = tpu.memref_squeeze %dma_wait3A_482 : memref<1x1x128x16xf32, #tpu.memory_space<vmem>> -> memref<128x16xf32, #tpu.memory_space<vmem>>
      %dma_wait3A_484 = arith.constant 0 : i32
      %dma_wait3A_485 = arith.constant 0 : i32
      %dma_wait3A_486 = tpu.memref_slice %arg10[%dma_wait3A_484, %dma_wait3A_485] : memref<10240x16xf32, #tpu.memory_space<vmem_shared>> -> memref<128x16xf32, #tpu.memory_space<vmem_shared>>
      tpu.wait_dma2 semaphore(%arg13 : memref<!tpu.dma_semaphore, #tpu.memory_space<semaphore_mem>>) src(%dma_wait3A_486 : memref<128x16xf32, #tpu.memory_space<vmem_shared>>) dst(%dma_wait3A_483 : memref<128x16xf32, #tpu.memory_space<vmem>>)
      %dma_wait3A_487 = arith.constant 1 : i32
      %dma_wait3A_488 = arith.constant 2 : i32
      %dma_wait3A_489 = arith.constant 0 : i32
      %dma_wait3A_490 = arith.constant 0 : i32
      %dma_wait3A_491 = tpu.memref_slice %arg8[%dma_wait3A_487, %dma_wait3A_488, %dma_wait3A_489, %dma_wait3A_490] : memref<2x4x128x16xf32, #tpu.memory_space<vmem>> -> memref<1x1x128x16xf32, #tpu.memory_space<vmem>>
      %dma_wait3A_492 = tpu.memref_squeeze %dma_wait3A_491 : memref<1x1x128x16xf32, #tpu.memory_space<vmem>> -> memref<128x16xf32, #tpu.memory_space<vmem>>
      %dma_wait3A_493 = arith.constant 0 : i32
      %dma_wait3A_494 = arith.constant 0 : i32
      %dma_wait3A_495 = tpu.memref_slice %arg10[%dma_wait3A_493, %dma_wait3A_494] : memref<10240x16xf32, #tpu.memory_space<vmem_shared>> -> memref<128x16xf32, #tpu.memory_space<vmem_shared>>
      %dma_wait3A_496 = arith.constant 0 : i32
      %dma_wait3A_497 = arith.constant 0 : i32
      %dma_wait3A_498 = tpu.memref_slice %arg8[%dma_wait3A_487, %dma_wait3A_488, %dma_wait3A_496, %dma_wait3A_497] : memref<2x4x128x16xf32, #tpu.memory_space<vmem>> -> memref<1x1x128x16xf32, #tpu.memory_space<vmem>>
      %dma_wait3A_499 = tpu.memref_squeeze %dma_wait3A_498 : memref<1x1x128x16xf32, #tpu.memory_space<vmem>> -> memref<128x16xf32, #tpu.memory_space<vmem>>
      %dma_wait3A_500 = arith.constant 0 : i32
      %dma_wait3A_501 = arith.constant 0 : i32
      %dma_wait3A_502 = tpu.memref_slice %arg10[%dma_wait3A_500, %dma_wait3A_501] : memref<10240x16xf32, #tpu.memory_space<vmem_shared>> -> memref<128x16xf32, #tpu.memory_space<vmem_shared>>
      tpu.wait_dma2 semaphore(%arg13 : memref<!tpu.dma_semaphore, #tpu.memory_space<semaphore_mem>>) src(%dma_wait3A_502 : memref<128x16xf32, #tpu.memory_space<vmem_shared>>) dst(%dma_wait3A_499 : memref<128x16xf32, #tpu.memory_space<vmem>>)
      %dma_wait3A_503 = arith.constant 1 : i32
      %dma_wait3A_504 = arith.constant 3 : i32
      %dma_wait3A_505 = arith.constant 0 : i32
      %dma_wait3A_506 = arith.constant 0 : i32
      %dma_wait3A_507 = tpu.memref_slice %arg8[%dma_wait3A_503, %dma_wait3A_504, %dma_wait3A_505, %dma_wait3A_506] : memref<2x4x128x16xf32, #tpu.memory_space<vmem>> -> memref<1x1x128x16xf32, #tpu.memory_space<vmem>>
      %dma_wait3A_508 = tpu.memref_squeeze %dma_wait3A_507 : memref<1x1x128x16xf32, #tpu.memory_space<vmem>> -> memref<128x16xf32, #tpu.memory_space<vmem>>
      %dma_wait3A_509 = arith.constant 0 : i32
      %dma_wait3A_510 = arith.constant 0 : i32
      %dma_wait3A_511 = tpu.memref_slice %arg10[%dma_wait3A_509, %dma_wait3A_510] : memref<10240x16xf32, #tpu.memory_space<vmem_shared>> -> memref<128x16xf32, #tpu.memory_space<vmem_shared>>
      %dma_wait3A_512 = arith.constant 0 : i32
      %dma_wait3A_513 = arith.constant 0 : i32
      %dma_wait3A_514 = tpu.memref_slice %arg8[%dma_wait3A_503, %dma_wait3A_504, %dma_wait3A_512, %dma_wait3A_513] : memref<2x4x128x16xf32, #tpu.memory_space<vmem>> -> memref<1x1x128x16xf32, #tpu.memory_space<vmem>>
      %dma_wait3A_515 = tpu.memref_squeeze %dma_wait3A_514 : memref<1x1x128x16xf32, #tpu.memory_space<vmem>> -> memref<128x16xf32, #tpu.memory_space<vmem>>
      %dma_wait3A_516 = arith.constant 0 : i32
      %dma_wait3A_517 = arith.constant 0 : i32
      %dma_wait3A_518 = tpu.memref_slice %arg10[%dma_wait3A_516, %dma_wait3A_517] : memref<10240x16xf32, #tpu.memory_space<vmem_shared>> -> memref<128x16xf32, #tpu.memory_space<vmem_shared>>
      tpu.wait_dma2 semaphore(%arg13 : memref<!tpu.dma_semaphore, #tpu.memory_space<semaphore_mem>>) src(%dma_wait3A_518 : memref<128x16xf32, #tpu.memory_space<vmem_shared>>) dst(%dma_wait3A_515 : memref<128x16xf32, #tpu.memory_space<vmem>>)
    }
    %scan3A_59 = arith.constant 10 : i32
    %barrier3A_60 = arith.constant 0 : index
    tpu.barrier barrier_id(%barrier3A_60)
    "tpu.region"() ({
      %run_scoped3A_61 = tpu.sem_alloc : memref<!tpu.dma_semaphore, #tpu.memory_space<semaphore_mem>>
      %dma_start3A_62 = arith.constant 0 : i32
      %dma_start3A_63 = tpu.memref_slice %arg5[%arg0, %mul3A_2, %dma_start3A_62] : memref<2x10240x16xf32, #tpu.memory_space<hbm>> -> memref<1x640x16xf32, #tpu.memory_space<hbm>>
      %dma_start3A_64 = tpu.memref_squeeze %dma_start3A_63 : memref<1x640x16xf32, #tpu.memory_space<hbm>> -> memref<640x16xf32, #tpu.memory_space<hbm>>
      %dma_start3A_65 = arith.constant 0 : i32
      %dma_start3A_66 = tpu.memref_slice %arg9[%mul3A_2, %dma_start3A_65] : memref<10240x16xf32, #tpu.memory_space<vmem_shared>> -> memref<640x16xf32, #tpu.memory_space<vmem_shared>>
      tpu.enqueue_dma source(%dma_start3A_66 : memref<640x16xf32, #tpu.memory_space<vmem_shared>>) target(%dma_start3A_64 : memref<640x16xf32, #tpu.memory_space<hbm>>) target_semaphore(%run_scoped3A_61 : memref<!tpu.dma_semaphore, #tpu.memory_space<semaphore_mem>>)
      %dma_wait3A = arith.constant 0 : i32
      %dma_wait3A_67 = tpu.memref_slice %arg5[%arg0, %mul3A_2, %dma_wait3A] : memref<2x10240x16xf32, #tpu.memory_space<hbm>> -> memref<1x640x16xf32, #tpu.memory_space<hbm>>
      %dma_wait3A_68 = tpu.memref_squeeze %dma_wait3A_67 : memref<1x640x16xf32, #tpu.memory_space<hbm>> -> memref<640x16xf32, #tpu.memory_space<hbm>>
      %dma_wait3A_69 = arith.constant 0 : i32
      %dma_wait3A_70 = tpu.memref_slice %arg9[%mul3A_2, %dma_wait3A_69] : memref<10240x16xf32, #tpu.memory_space<vmem_shared>> -> memref<640x16xf32, #tpu.memory_space<vmem_shared>>
      tpu.wait_dma2 semaphore(%run_scoped3A_61 : memref<!tpu.dma_semaphore, #tpu.memory_space<semaphore_mem>>) src(%dma_wait3A_70 : memref<640x16xf32, #tpu.memory_space<vmem_shared>>) dst(%dma_wait3A_68 : memref<640x16xf32, #tpu.memory_space<hbm>>)
      tpu.yield
    }) : () -> ()
    return
  }
}

#map = affine_map<(d0, d1) -> (0, 0)>
#map1 = affine_map<(d0, d1) -> (0, 0, 0, 0)>
#map2 = affine_map<(d0, d1) -> (0, 0, 0)>
module attributes {stable_mosaic.version = 14 : i64} {
  func.func @_l1_body(%arg0: i32, %arg1: i32, %arg2: memref<10240x16xf32, #tpu.memory_space<hbm>>, %arg3: memref<2x32x80x128xi32, #tpu.memory_space<hbm>>, %arg4: memref<640x16xf32, #tpu.memory_space<hbm>>, %arg5: memref<2x10240x16xf32, #tpu.memory_space<hbm>>, %arg6: memref<10240x16xf32, #tpu.memory_space<hbm>>, %arg7: memref<80x128xi32, #tpu.memory_space<vmem>>, %arg8: memref<80x128xi32, #tpu.memory_space<vmem>>, %arg9: memref<2x4x128x16xf32, #tpu.memory_space<vmem>>, %arg10: memref<2x80x128xi32, #tpu.memory_space<vmem>>, %arg11: memref<640x16xf32, #tpu.memory_space<vmem>>, %arg12: memref<16x40x16xf32, #tpu.memory_space<vmem>>, %arg13: memref<640xf32, #tpu.memory_space<vmem>>, %arg14: memref<640x16xf32, #tpu.memory_space<vmem>>, %arg15: memref<640x16xf32, #tpu.memory_space<vmem>>, %arg16: memref<10240x16xf32, #tpu.memory_space<vmem_shared>>, %arg17: memref<10240x16xf32, #tpu.memory_space<vmem_shared>>, %arg18: memref<16x640x16xf32, #tpu.memory_space<vmem_shared>>, %arg19: memref<!tpu.dma_semaphore, #tpu.memory_space<semaphore_mem>>, %arg20: memref<!tpu.dma_semaphore, #tpu.memory_space<semaphore_mem>>, %arg21: memref<!tpu.dma_semaphore, #tpu.memory_space<semaphore_mem>>) attributes {dimension_semantics = [#tpu.dimension_semantics<core_parallel>, #tpu.dimension_semantics<subcore_parallel>], iteration_bounds = array<i64: 2, 16>, scalar_prefetch = 0 : i64, scratch_operands = 15 : i64, tpu.core_type = #tpu.core_type<sc_vector_subcore>, window_params = [{transform_indices = #map}, {transform_indices = #map1}, {transform_indices = #map}, {transform_indices = #map2}, {transform_indices = #map}]} {
    %mul3A = arith.constant 16 : i32
    %mul3A_0 = arith.muli %arg0, %mul3A : i32
    %add3A = arith.addi %mul3A_0, %arg1 : i32
    %mul3A_1 = arith.constant 640 : i32
    %mul3A_2 = arith.muli %arg1, %mul3A_1 : i32
    "tpu.region"() ({
      %run_scoped3A_101 = tpu.sem_alloc : memref<!tpu.dma_semaphore, #tpu.memory_space<semaphore_mem>>
      %dma_start3A_102 = arith.constant 0 : i32
      %dma_start3A_103 = tpu.memref_slice %arg16[%mul3A_2, %dma_start3A_102] : memref<10240x16xf32, #tpu.memory_space<vmem_shared>> -> memref<640x16xf32, #tpu.memory_space<vmem_shared>>
      tpu.enqueue_dma source(%arg4 : memref<640x16xf32, #tpu.memory_space<hbm>>) target(%dma_start3A_103 : memref<640x16xf32, #tpu.memory_space<vmem_shared>>) target_semaphore(%run_scoped3A_101 : memref<!tpu.dma_semaphore, #tpu.memory_space<semaphore_mem>>)
      %dma_wait3A = arith.constant 0 : i32
      %dma_wait3A_104 = tpu.memref_slice %arg16[%mul3A_2, %dma_wait3A] : memref<10240x16xf32, #tpu.memory_space<vmem_shared>> -> memref<640x16xf32, #tpu.memory_space<vmem_shared>>
      tpu.wait_dma2 semaphore(%run_scoped3A_101 : memref<!tpu.dma_semaphore, #tpu.memory_space<semaphore_mem>>) src(%arg4 : memref<640x16xf32, #tpu.memory_space<hbm>>) dst(%dma_wait3A_104 : memref<640x16xf32, #tpu.memory_space<vmem_shared>>)
      tpu.yield
    }) : () -> ()
    "tpu.region"() ({
      %run_scoped3A_101 = tpu.sem_alloc : memref<!tpu.dma_semaphore, #tpu.memory_space<semaphore_mem>>
      %dma_start3A_102 = arith.constant 0 : i32
      %dma_start3A_103 = tpu.memref_slice %arg2[%mul3A_2, %dma_start3A_102] : memref<10240x16xf32, #tpu.memory_space<hbm>> -> memref<640x16xf32, #tpu.memory_space<hbm>>
      %dma_start3A_104 = arith.constant 0 : i32
      %dma_start3A_105 = tpu.memref_slice %arg2[%mul3A_2, %dma_start3A_104] : memref<10240x16xf32, #tpu.memory_space<hbm>> -> memref<640x16xf32, #tpu.memory_space<hbm>>
      tpu.enqueue_dma source(%dma_start3A_105 : memref<640x16xf32, #tpu.memory_space<hbm>>) target(%arg14 : memref<640x16xf32, #tpu.memory_space<vmem>>) target_semaphore(%run_scoped3A_101 : memref<!tpu.dma_semaphore, #tpu.memory_space<semaphore_mem>>)
      %dma_wait3A = arith.constant 0 : i32
      %dma_wait3A_106 = tpu.memref_slice %arg2[%mul3A_2, %dma_wait3A] : memref<10240x16xf32, #tpu.memory_space<hbm>> -> memref<640x16xf32, #tpu.memory_space<hbm>>
      %dma_wait3A_107 = arith.constant 0 : i32
      %dma_wait3A_108 = tpu.memref_slice %arg2[%mul3A_2, %dma_wait3A_107] : memref<10240x16xf32, #tpu.memory_space<hbm>> -> memref<640x16xf32, #tpu.memory_space<hbm>>
      tpu.wait_dma2 semaphore(%run_scoped3A_101 : memref<!tpu.dma_semaphore, #tpu.memory_space<semaphore_mem>>) src(%dma_wait3A_108 : memref<640x16xf32, #tpu.memory_space<hbm>>) dst(%arg14 : memref<640x16xf32, #tpu.memory_space<vmem>>)
      tpu.yield
    }) : () -> ()
    %mul3A_3 = arith.constant 2 : i32
    %mul3A_4 = arith.muli %mul3A_3, %arg1 : i32
    %run_scoped3A = arith.constant 1 : i32
    %run_scoped3A_5 = arith.constant 0 : i32
    "tpu.region"() ({
      %run_scoped3A_101 = tpu.sem_alloc : memref<!tpu.dma_semaphore, #tpu.memory_space<semaphore_mem>>
      %dma_start3A_102 = arith.constant 0 : i32
      %dma_start3A_103 = arith.constant 0 : i32
      %dma_start3A_104 = tpu.memref_slice %arg10[%run_scoped3A_5, %dma_start3A_102, %dma_start3A_103] : memref<2x80x128xi32, #tpu.memory_space<vmem>> -> memref<1x80x128xi32, #tpu.memory_space<vmem>>
      %dma_start3A_105 = tpu.memref_squeeze %dma_start3A_104 : memref<1x80x128xi32, #tpu.memory_space<vmem>> -> memref<80x128xi32, #tpu.memory_space<vmem>>
      %dma_start3A_106 = arith.constant 0 : i32
      %dma_start3A_107 = arith.constant 0 : i32
      %dma_start3A_108 = tpu.memref_slice %arg3[%run_scoped3A, %mul3A_4, %dma_start3A_106, %dma_start3A_107] : memref<2x32x80x128xi32, #tpu.memory_space<hbm>> -> memref<1x1x80x128xi32, #tpu.memory_space<hbm>>
      %dma_start3A_109 = tpu.memref_squeeze %dma_start3A_108 : memref<1x1x80x128xi32, #tpu.memory_space<hbm>> -> memref<80x128xi32, #tpu.memory_space<hbm>>
      %dma_start3A_110 = arith.constant 0 : i32
      %dma_start3A_111 = arith.constant 0 : i32
      %dma_start3A_112 = tpu.memref_slice %arg10[%run_scoped3A_5, %dma_start3A_110, %dma_start3A_111] : memref<2x80x128xi32, #tpu.memory_space<vmem>> -> memref<1x80x128xi32, #tpu.memory_space<vmem>>
      %dma_start3A_113 = tpu.memref_squeeze %dma_start3A_112 : memref<1x80x128xi32, #tpu.memory_space<vmem>> -> memref<80x128xi32, #tpu.memory_space<vmem>>
      %dma_start3A_114 = arith.constant 0 : i32
      %dma_start3A_115 = arith.constant 0 : i32
      %dma_start3A_116 = tpu.memref_slice %arg3[%run_scoped3A, %mul3A_4, %dma_start3A_114, %dma_start3A_115] : memref<2x32x80x128xi32, #tpu.memory_space<hbm>> -> memref<1x1x80x128xi32, #tpu.memory_space<hbm>>
      %dma_start3A_117 = tpu.memref_squeeze %dma_start3A_116 : memref<1x1x80x128xi32, #tpu.memory_space<hbm>> -> memref<80x128xi32, #tpu.memory_space<hbm>>
      tpu.enqueue_dma source(%dma_start3A_117 : memref<80x128xi32, #tpu.memory_space<hbm>>) target(%dma_start3A_113 : memref<80x128xi32, #tpu.memory_space<vmem>>) target_semaphore(%run_scoped3A_101 : memref<!tpu.dma_semaphore, #tpu.memory_space<semaphore_mem>>)
      %dma_wait3A = arith.constant 0 : i32
      %dma_wait3A_118 = arith.constant 0 : i32
      %dma_wait3A_119 = tpu.memref_slice %arg10[%run_scoped3A_5, %dma_wait3A, %dma_wait3A_118] : memref<2x80x128xi32, #tpu.memory_space<vmem>> -> memref<1x80x128xi32, #tpu.memory_space<vmem>>
      %dma_wait3A_120 = tpu.memref_squeeze %dma_wait3A_119 : memref<1x80x128xi32, #tpu.memory_space<vmem>> -> memref<80x128xi32, #tpu.memory_space<vmem>>
      %dma_wait3A_121 = arith.constant 0 : i32
      %dma_wait3A_122 = arith.constant 0 : i32
      %dma_wait3A_123 = tpu.memref_slice %arg3[%run_scoped3A, %mul3A_4, %dma_wait3A_121, %dma_wait3A_122] : memref<2x32x80x128xi32, #tpu.memory_space<hbm>> -> memref<1x1x80x128xi32, #tpu.memory_space<hbm>>
      %dma_wait3A_124 = tpu.memref_squeeze %dma_wait3A_123 : memref<1x1x80x128xi32, #tpu.memory_space<hbm>> -> memref<80x128xi32, #tpu.memory_space<hbm>>
      %dma_wait3A_125 = arith.constant 0 : i32
      %dma_wait3A_126 = arith.constant 0 : i32
      %dma_wait3A_127 = tpu.memref_slice %arg10[%run_scoped3A_5, %dma_wait3A_125, %dma_wait3A_126] : memref<2x80x128xi32, #tpu.memory_space<vmem>> -> memref<1x80x128xi32, #tpu.memory_space<vmem>>
      %dma_wait3A_128 = tpu.memref_squeeze %dma_wait3A_127 : memref<1x80x128xi32, #tpu.memory_space<vmem>> -> memref<80x128xi32, #tpu.memory_space<vmem>>
      %dma_wait3A_129 = arith.constant 0 : i32
      %dma_wait3A_130 = arith.constant 0 : i32
      %dma_wait3A_131 = tpu.memref_slice %arg3[%run_scoped3A, %mul3A_4, %dma_wait3A_129, %dma_wait3A_130] : memref<2x32x80x128xi32, #tpu.memory_space<hbm>> -> memref<1x1x80x128xi32, #tpu.memory_space<hbm>>
      %dma_wait3A_132 = tpu.memref_squeeze %dma_wait3A_131 : memref<1x1x80x128xi32, #tpu.memory_space<hbm>> -> memref<80x128xi32, #tpu.memory_space<hbm>>
      tpu.wait_dma2 semaphore(%run_scoped3A_101 : memref<!tpu.dma_semaphore, #tpu.memory_space<semaphore_mem>>) src(%dma_wait3A_132 : memref<80x128xi32, #tpu.memory_space<hbm>>) dst(%dma_wait3A_128 : memref<80x128xi32, #tpu.memory_space<vmem>>)
      tpu.yield
    }) : () -> ()
    %mul3A_6 = arith.constant 2 : i32
    %mul3A_7 = arith.muli %mul3A_6, %arg1 : i32
    %add3A_8 = arith.constant 1 : i32
    %add3A_9 = arith.addi %mul3A_7, %add3A_8 : i32
    %run_scoped3A_10 = arith.constant 1 : i32
    %run_scoped3A_11 = arith.constant 1 : i32
    "tpu.region"() ({
      %run_scoped3A_101 = tpu.sem_alloc : memref<!tpu.dma_semaphore, #tpu.memory_space<semaphore_mem>>
      %dma_start3A_102 = arith.constant 0 : i32
      %dma_start3A_103 = arith.constant 0 : i32
      %dma_start3A_104 = tpu.memref_slice %arg10[%run_scoped3A_11, %dma_start3A_102, %dma_start3A_103] : memref<2x80x128xi32, #tpu.memory_space<vmem>> -> memref<1x80x128xi32, #tpu.memory_space<vmem>>
      %dma_start3A_105 = tpu.memref_squeeze %dma_start3A_104 : memref<1x80x128xi32, #tpu.memory_space<vmem>> -> memref<80x128xi32, #tpu.memory_space<vmem>>
      %dma_start3A_106 = arith.constant 0 : i32
      %dma_start3A_107 = arith.constant 0 : i32
      %dma_start3A_108 = tpu.memref_slice %arg3[%run_scoped3A_10, %add3A_9, %dma_start3A_106, %dma_start3A_107] : memref<2x32x80x128xi32, #tpu.memory_space<hbm>> -> memref<1x1x80x128xi32, #tpu.memory_space<hbm>>
      %dma_start3A_109 = tpu.memref_squeeze %dma_start3A_108 : memref<1x1x80x128xi32, #tpu.memory_space<hbm>> -> memref<80x128xi32, #tpu.memory_space<hbm>>
      %dma_start3A_110 = arith.constant 0 : i32
      %dma_start3A_111 = arith.constant 0 : i32
      %dma_start3A_112 = tpu.memref_slice %arg10[%run_scoped3A_11, %dma_start3A_110, %dma_start3A_111] : memref<2x80x128xi32, #tpu.memory_space<vmem>> -> memref<1x80x128xi32, #tpu.memory_space<vmem>>
      %dma_start3A_113 = tpu.memref_squeeze %dma_start3A_112 : memref<1x80x128xi32, #tpu.memory_space<vmem>> -> memref<80x128xi32, #tpu.memory_space<vmem>>
      %dma_start3A_114 = arith.constant 0 : i32
      %dma_start3A_115 = arith.constant 0 : i32
      %dma_start3A_116 = tpu.memref_slice %arg3[%run_scoped3A_10, %add3A_9, %dma_start3A_114, %dma_start3A_115] : memref<2x32x80x128xi32, #tpu.memory_space<hbm>> -> memref<1x1x80x128xi32, #tpu.memory_space<hbm>>
      %dma_start3A_117 = tpu.memref_squeeze %dma_start3A_116 : memref<1x1x80x128xi32, #tpu.memory_space<hbm>> -> memref<80x128xi32, #tpu.memory_space<hbm>>
      tpu.enqueue_dma source(%dma_start3A_117 : memref<80x128xi32, #tpu.memory_space<hbm>>) target(%dma_start3A_113 : memref<80x128xi32, #tpu.memory_space<vmem>>) target_semaphore(%run_scoped3A_101 : memref<!tpu.dma_semaphore, #tpu.memory_space<semaphore_mem>>)
      %dma_wait3A = arith.constant 0 : i32
      %dma_wait3A_118 = arith.constant 0 : i32
      %dma_wait3A_119 = tpu.memref_slice %arg10[%run_scoped3A_11, %dma_wait3A, %dma_wait3A_118] : memref<2x80x128xi32, #tpu.memory_space<vmem>> -> memref<1x80x128xi32, #tpu.memory_space<vmem>>
      %dma_wait3A_120 = tpu.memref_squeeze %dma_wait3A_119 : memref<1x80x128xi32, #tpu.memory_space<vmem>> -> memref<80x128xi32, #tpu.memory_space<vmem>>
      %dma_wait3A_121 = arith.constant 0 : i32
      %dma_wait3A_122 = arith.constant 0 : i32
      %dma_wait3A_123 = tpu.memref_slice %arg3[%run_scoped3A_10, %add3A_9, %dma_wait3A_121, %dma_wait3A_122] : memref<2x32x80x128xi32, #tpu.memory_space<hbm>> -> memref<1x1x80x128xi32, #tpu.memory_space<hbm>>
      %dma_wait3A_124 = tpu.memref_squeeze %dma_wait3A_123 : memref<1x1x80x128xi32, #tpu.memory_space<hbm>> -> memref<80x128xi32, #tpu.memory_space<hbm>>
      %dma_wait3A_125 = arith.constant 0 : i32
      %dma_wait3A_126 = arith.constant 0 : i32
      %dma_wait3A_127 = tpu.memref_slice %arg10[%run_scoped3A_11, %dma_wait3A_125, %dma_wait3A_126] : memref<2x80x128xi32, #tpu.memory_space<vmem>> -> memref<1x80x128xi32, #tpu.memory_space<vmem>>
      %dma_wait3A_128 = tpu.memref_squeeze %dma_wait3A_127 : memref<1x80x128xi32, #tpu.memory_space<vmem>> -> memref<80x128xi32, #tpu.memory_space<vmem>>
      %dma_wait3A_129 = arith.constant 0 : i32
      %dma_wait3A_130 = arith.constant 0 : i32
      %dma_wait3A_131 = tpu.memref_slice %arg3[%run_scoped3A_10, %add3A_9, %dma_wait3A_129, %dma_wait3A_130] : memref<2x32x80x128xi32, #tpu.memory_space<hbm>> -> memref<1x1x80x128xi32, #tpu.memory_space<hbm>>
      %dma_wait3A_132 = tpu.memref_squeeze %dma_wait3A_131 : memref<1x1x80x128xi32, #tpu.memory_space<hbm>> -> memref<80x128xi32, #tpu.memory_space<hbm>>
      tpu.wait_dma2 semaphore(%run_scoped3A_101 : memref<!tpu.dma_semaphore, #tpu.memory_space<semaphore_mem>>) src(%dma_wait3A_132 : memref<80x128xi32, #tpu.memory_space<hbm>>) dst(%dma_wait3A_128 : memref<80x128xi32, #tpu.memory_space<vmem>>)
      tpu.yield
    }) : () -> ()
    %run_scoped3A_12 = arith.constant 0 : i32
    "tpu.region"() ({
      %run_scoped3A_101 = tpu.sem_alloc : memref<!tpu.dma_semaphore, #tpu.memory_space<semaphore_mem>>
      %dma_start3A_102 = arith.constant 0 : i32
      %dma_start3A_103 = arith.constant 0 : i32
      %dma_start3A_104 = tpu.memref_slice %arg3[%run_scoped3A_12, %add3A, %dma_start3A_102, %dma_start3A_103] : memref<2x32x80x128xi32, #tpu.memory_space<hbm>> -> memref<1x1x80x128xi32, #tpu.memory_space<hbm>>
      %dma_start3A_105 = tpu.memref_squeeze %dma_start3A_104 : memref<1x1x80x128xi32, #tpu.memory_space<hbm>> -> memref<80x128xi32, #tpu.memory_space<hbm>>
      %dma_start3A_106 = arith.constant 0 : i32
      %dma_start3A_107 = arith.constant 0 : i32
      %dma_start3A_108 = tpu.memref_slice %arg3[%run_scoped3A_12, %add3A, %dma_start3A_106, %dma_start3A_107] : memref<2x32x80x128xi32, #tpu.memory_space<hbm>> -> memref<1x1x80x128xi32, #tpu.memory_space<hbm>>
      %dma_start3A_109 = tpu.memref_squeeze %dma_start3A_108 : memref<1x1x80x128xi32, #tpu.memory_space<hbm>> -> memref<80x128xi32, #tpu.memory_space<hbm>>
      tpu.enqueue_dma source(%dma_start3A_109 : memref<80x128xi32, #tpu.memory_space<hbm>>) target(%arg7 : memref<80x128xi32, #tpu.memory_space<vmem>>) target_semaphore(%run_scoped3A_101 : memref<!tpu.dma_semaphore, #tpu.memory_space<semaphore_mem>>)
      %dma_wait3A = arith.constant 0 : i32
      %dma_wait3A_110 = arith.constant 0 : i32
      %dma_wait3A_111 = tpu.memref_slice %arg3[%run_scoped3A_12, %add3A, %dma_wait3A, %dma_wait3A_110] : memref<2x32x80x128xi32, #tpu.memory_space<hbm>> -> memref<1x1x80x128xi32, #tpu.memory_space<hbm>>
      %dma_wait3A_112 = tpu.memref_squeeze %dma_wait3A_111 : memref<1x1x80x128xi32, #tpu.memory_space<hbm>> -> memref<80x128xi32, #tpu.memory_space<hbm>>
      %dma_wait3A_113 = arith.constant 0 : i32
      %dma_wait3A_114 = arith.constant 0 : i32
      %dma_wait3A_115 = tpu.memref_slice %arg3[%run_scoped3A_12, %add3A, %dma_wait3A_113, %dma_wait3A_114] : memref<2x32x80x128xi32, #tpu.memory_space<hbm>> -> memref<1x1x80x128xi32, #tpu.memory_space<hbm>>
      %dma_wait3A_116 = tpu.memref_squeeze %dma_wait3A_115 : memref<1x1x80x128xi32, #tpu.memory_space<hbm>> -> memref<80x128xi32, #tpu.memory_space<hbm>>
      tpu.wait_dma2 semaphore(%run_scoped3A_101 : memref<!tpu.dma_semaphore, #tpu.memory_space<semaphore_mem>>) src(%dma_wait3A_116 : memref<80x128xi32, #tpu.memory_space<hbm>>) dst(%arg7 : memref<80x128xi32, #tpu.memory_space<vmem>>)
      tpu.yield
    }) : () -> ()
    %run_scoped3A_13 = arith.constant 1 : i32
    "tpu.region"() ({
      %run_scoped3A_101 = tpu.sem_alloc : memref<!tpu.dma_semaphore, #tpu.memory_space<semaphore_mem>>
      %dma_start3A_102 = arith.constant 0 : i32
      %dma_start3A_103 = arith.constant 0 : i32
      %dma_start3A_104 = tpu.memref_slice %arg3[%run_scoped3A_13, %add3A, %dma_start3A_102, %dma_start3A_103] : memref<2x32x80x128xi32, #tpu.memory_space<hbm>> -> memref<1x1x80x128xi32, #tpu.memory_space<hbm>>
      %dma_start3A_105 = tpu.memref_squeeze %dma_start3A_104 : memref<1x1x80x128xi32, #tpu.memory_space<hbm>> -> memref<80x128xi32, #tpu.memory_space<hbm>>
      %dma_start3A_106 = arith.constant 0 : i32
      %dma_start3A_107 = arith.constant 0 : i32
      %dma_start3A_108 = tpu.memref_slice %arg3[%run_scoped3A_13, %add3A, %dma_start3A_106, %dma_start3A_107] : memref<2x32x80x128xi32, #tpu.memory_space<hbm>> -> memref<1x1x80x128xi32, #tpu.memory_space<hbm>>
      %dma_start3A_109 = tpu.memref_squeeze %dma_start3A_108 : memref<1x1x80x128xi32, #tpu.memory_space<hbm>> -> memref<80x128xi32, #tpu.memory_space<hbm>>
      tpu.enqueue_dma source(%dma_start3A_109 : memref<80x128xi32, #tpu.memory_space<hbm>>) target(%arg8 : memref<80x128xi32, #tpu.memory_space<vmem>>) target_semaphore(%run_scoped3A_101 : memref<!tpu.dma_semaphore, #tpu.memory_space<semaphore_mem>>)
      %dma_wait3A = arith.constant 0 : i32
      %dma_wait3A_110 = arith.constant 0 : i32
      %dma_wait3A_111 = tpu.memref_slice %arg3[%run_scoped3A_13, %add3A, %dma_wait3A, %dma_wait3A_110] : memref<2x32x80x128xi32, #tpu.memory_space<hbm>> -> memref<1x1x80x128xi32, #tpu.memory_space<hbm>>
      %dma_wait3A_112 = tpu.memref_squeeze %dma_wait3A_111 : memref<1x1x80x128xi32, #tpu.memory_space<hbm>> -> memref<80x128xi32, #tpu.memory_space<hbm>>
      %dma_wait3A_113 = arith.constant 0 : i32
      %dma_wait3A_114 = arith.constant 0 : i32
      %dma_wait3A_115 = tpu.memref_slice %arg3[%run_scoped3A_13, %add3A, %dma_wait3A_113, %dma_wait3A_114] : memref<2x32x80x128xi32, #tpu.memory_space<hbm>> -> memref<1x1x80x128xi32, #tpu.memory_space<hbm>>
      %dma_wait3A_116 = tpu.memref_squeeze %dma_wait3A_115 : memref<1x1x80x128xi32, #tpu.memory_space<hbm>> -> memref<80x128xi32, #tpu.memory_space<hbm>>
      tpu.wait_dma2 semaphore(%run_scoped3A_101 : memref<!tpu.dma_semaphore, #tpu.memory_space<semaphore_mem>>) src(%dma_wait3A_116 : memref<80x128xi32, #tpu.memory_space<hbm>>) dst(%arg8 : memref<80x128xi32, #tpu.memory_space<vmem>>)
      tpu.yield
    }) : () -> ()
    "tpu.region"() ({
      %run_scoped3A_101 = tpu.sem_alloc : memref<!tpu.dma_semaphore, #tpu.memory_space<semaphore_mem>>
      tpu.enqueue_dma source(%arg4 : memref<640x16xf32, #tpu.memory_space<hbm>>) target(%arg11 : memref<640x16xf32, #tpu.memory_space<vmem>>) target_semaphore(%run_scoped3A_101 : memref<!tpu.dma_semaphore, #tpu.memory_space<semaphore_mem>>)
      tpu.wait_dma2 semaphore(%run_scoped3A_101 : memref<!tpu.dma_semaphore, #tpu.memory_space<semaphore_mem>>) src(%arg4 : memref<640x16xf32, #tpu.memory_space<hbm>>) dst(%arg11 : memref<640x16xf32, #tpu.memory_space<vmem>>)
      tpu.yield
    }) : () -> ()
    %broadcast_in_dim3A = arith.constant 1.000000e+00 : f32
    %broadcast_in_dim3A_14 = vector.broadcast %broadcast_in_dim3A : f32 to vector<16xf32>
    %scan3A = arith.constant 0 : i32
    %scan3A_15 = arith.constant 0 : i32
    %scan3A_16 = arith.constant 80 : i32
    %scan3A_17 = arith.addi %scan3A_15, %scan3A_16 : i32
    %scan3A_18 = arith.constant 1 : i32
    scf.for %scan3A_101 = %scan3A_15 to %scan3A_17 step %scan3A_18  : i32 {
      %get3A = arith.constant 0 : i32
      %get3A_102 = arith.index_cast %get3A : i32 to index
      %get3A_103 = arith.index_cast %scan3A_101 : i32 to index
      %get3A_104 = arith.constant 0 : index
      %get3A_105 = tpu.vector_load %arg10[%get3A_102, %get3A_103, %get3A_104] {strides = array<i32>} : memref<2x80x128xi32, #tpu.memory_space<vmem>>, vector<16xi32>,
      %shift_right_arithmetic3A = arith.constant 4 : i32
      %shift_right_arithmetic3A_106 = vector.broadcast %shift_right_arithmetic3A : i32 to vector<16xi32>
      %shift_right_arithmetic3A_107 = arith.shrsi %get3A_105, %shift_right_arithmetic3A_106 : vector<16xi32>
      %and3A = arith.constant 15 : i32
      %and3A_108 = vector.broadcast %and3A : i32 to vector<16xi32>
      %and3A_109 = arith.andi %get3A_105, %and3A_108 : vector<16xi32>
      tpu.vector_store_idx %arg11[%shift_right_arithmetic3A_107, %and3A_109], %broadcast_in_dim3A_14 {add = true} : memref<640x16xf32, #tpu.memory_space<vmem>>[vector<16xi32>, vector<16xi32>], vector<16xf32>,
      %get3A_110 = arith.constant 0 : i32
      %get3A_111 = arith.index_cast %get3A_110 : i32 to index
      %get3A_112 = arith.index_cast %scan3A_101 : i32 to index
      %get3A_113 = arith.constant 16 : index
      %get3A_114 = tpu.vector_load %arg10[%get3A_111, %get3A_112, %get3A_113] {strides = array<i32>} : memref<2x80x128xi32, #tpu.memory_space<vmem>>, vector<16xi32>,
      %shift_right_arithmetic3A_115 = arith.constant 4 : i32
      %shift_right_arithmetic3A_116 = vector.broadcast %shift_right_arithmetic3A_115 : i32 to vector<16xi32>
      %shift_right_arithmetic3A_117 = arith.shrsi %get3A_114, %shift_right_arithmetic3A_116 : vector<16xi32>
      %and3A_118 = arith.constant 15 : i32
      %and3A_119 = vector.broadcast %and3A_118 : i32 to vector<16xi32>
      %and3A_120 = arith.andi %get3A_114, %and3A_119 : vector<16xi32>
      tpu.vector_store_idx %arg11[%shift_right_arithmetic3A_117, %and3A_120], %broadcast_in_dim3A_14 {add = true} : memref<640x16xf32, #tpu.memory_space<vmem>>[vector<16xi32>, vector<16xi32>], vector<16xf32>,
      %get3A_121 = arith.constant 0 : i32
      %get3A_122 = arith.index_cast %get3A_121 : i32 to index
      %get3A_123 = arith.index_cast %scan3A_101 : i32 to index
      %get3A_124 = arith.constant 32 : index
      %get3A_125 = tpu.vector_load %arg10[%get3A_122, %get3A_123, %get3A_124] {strides = array<i32>} : memref<2x80x128xi32, #tpu.memory_space<vmem>>, vector<16xi32>,
      %shift_right_arithmetic3A_126 = arith.constant 4 : i32
      %shift_right_arithmetic3A_127 = vector.broadcast %shift_right_arithmetic3A_126 : i32 to vector<16xi32>
      %shift_right_arithmetic3A_128 = arith.shrsi %get3A_125, %shift_right_arithmetic3A_127 : vector<16xi32>
      %and3A_129 = arith.constant 15 : i32
      %and3A_130 = vector.broadcast %and3A_129 : i32 to vector<16xi32>
      %and3A_131 = arith.andi %get3A_125, %and3A_130 : vector<16xi32>
      tpu.vector_store_idx %arg11[%shift_right_arithmetic3A_128, %and3A_131], %broadcast_in_dim3A_14 {add = true} : memref<640x16xf32, #tpu.memory_space<vmem>>[vector<16xi32>, vector<16xi32>], vector<16xf32>,
      %get3A_132 = arith.constant 0 : i32
      %get3A_133 = arith.index_cast %get3A_132 : i32 to index
      %get3A_134 = arith.index_cast %scan3A_101 : i32 to index
      %get3A_135 = arith.constant 48 : index
      %get3A_136 = tpu.vector_load %arg10[%get3A_133, %get3A_134, %get3A_135] {strides = array<i32>} : memref<2x80x128xi32, #tpu.memory_space<vmem>>, vector<16xi32>,
      %shift_right_arithmetic3A_137 = arith.constant 4 : i32
      %shift_right_arithmetic3A_138 = vector.broadcast %shift_right_arithmetic3A_137 : i32 to vector<16xi32>
      %shift_right_arithmetic3A_139 = arith.shrsi %get3A_136, %shift_right_arithmetic3A_138 : vector<16xi32>
      %and3A_140 = arith.constant 15 : i32
      %and3A_141 = vector.broadcast %and3A_140 : i32 to vector<16xi32>
      %and3A_142 = arith.andi %get3A_136, %and3A_141 : vector<16xi32>
      tpu.vector_store_idx %arg11[%shift_right_arithmetic3A_139, %and3A_142], %broadcast_in_dim3A_14 {add = true} : memref<640x16xf32, #tpu.memory_space<vmem>>[vector<16xi32>, vector<16xi32>], vector<16xf32>,
      %get3A_143 = arith.constant 0 : i32
      %get3A_144 = arith.index_cast %get3A_143 : i32 to index
      %get3A_145 = arith.index_cast %scan3A_101 : i32 to index
      %get3A_146 = arith.constant 64 : index
      %get3A_147 = tpu.vector_load %arg10[%get3A_144, %get3A_145, %get3A_146] {strides = array<i32>} : memref<2x80x128xi32, #tpu.memory_space<vmem>>, vector<16xi32>,
      %shift_right_arithmetic3A_148 = arith.constant 4 : i32
      %shift_right_arithmetic3A_149 = vector.broadcast %shift_right_arithmetic3A_148 : i32 to vector<16xi32>
      %shift_right_arithmetic3A_150 = arith.shrsi %get3A_147, %shift_right_arithmetic3A_149 : vector<16xi32>
      %and3A_151 = arith.constant 15 : i32
      %and3A_152 = vector.broadcast %and3A_151 : i32 to vector<16xi32>
      %and3A_153 = arith.andi %get3A_147, %and3A_152 : vector<16xi32>
      tpu.vector_store_idx %arg11[%shift_right_arithmetic3A_150, %and3A_153], %broadcast_in_dim3A_14 {add = true} : memref<640x16xf32, #tpu.memory_space<vmem>>[vector<16xi32>, vector<16xi32>], vector<16xf32>,
      %get3A_154 = arith.constant 0 : i32
      %get3A_155 = arith.index_cast %get3A_154 : i32 to index
      %get3A_156 = arith.index_cast %scan3A_101 : i32 to index
      %get3A_157 = arith.constant 80 : index
      %get3A_158 = tpu.vector_load %arg10[%get3A_155, %get3A_156, %get3A_157] {strides = array<i32>} : memref<2x80x128xi32, #tpu.memory_space<vmem>>, vector<16xi32>,
      %shift_right_arithmetic3A_159 = arith.constant 4 : i32
      %shift_right_arithmetic3A_160 = vector.broadcast %shift_right_arithmetic3A_159 : i32 to vector<16xi32>
      %shift_right_arithmetic3A_161 = arith.shrsi %get3A_158, %shift_right_arithmetic3A_160 : vector<16xi32>
      %and3A_162 = arith.constant 15 : i32
      %and3A_163 = vector.broadcast %and3A_162 : i32 to vector<16xi32>
      %and3A_164 = arith.andi %get3A_158, %and3A_163 : vector<16xi32>
      tpu.vector_store_idx %arg11[%shift_right_arithmetic3A_161, %and3A_164], %broadcast_in_dim3A_14 {add = true} : memref<640x16xf32, #tpu.memory_space<vmem>>[vector<16xi32>, vector<16xi32>], vector<16xf32>,
      %get3A_165 = arith.constant 0 : i32
      %get3A_166 = arith.index_cast %get3A_165 : i32 to index
      %get3A_167 = arith.index_cast %scan3A_101 : i32 to index
      %get3A_168 = arith.constant 96 : index
      %get3A_169 = tpu.vector_load %arg10[%get3A_166, %get3A_167, %get3A_168] {strides = array<i32>} : memref<2x80x128xi32, #tpu.memory_space<vmem>>, vector<16xi32>,
      %shift_right_arithmetic3A_170 = arith.constant 4 : i32
      %shift_right_arithmetic3A_171 = vector.broadcast %shift_right_arithmetic3A_170 : i32 to vector<16xi32>
      %shift_right_arithmetic3A_172 = arith.shrsi %get3A_169, %shift_right_arithmetic3A_171 : vector<16xi32>
      %and3A_173 = arith.constant 15 : i32
      %and3A_174 = vector.broadcast %and3A_173 : i32 to vector<16xi32>
      %and3A_175 = arith.andi %get3A_169, %and3A_174 : vector<16xi32>
      tpu.vector_store_idx %arg11[%shift_right_arithmetic3A_172, %and3A_175], %broadcast_in_dim3A_14 {add = true} : memref<640x16xf32, #tpu.memory_space<vmem>>[vector<16xi32>, vector<16xi32>], vector<16xf32>,
      %get3A_176 = arith.constant 0 : i32
      %get3A_177 = arith.index_cast %get3A_176 : i32 to index
      %get3A_178 = arith.index_cast %scan3A_101 : i32 to index
      %get3A_179 = arith.constant 112 : index
      %get3A_180 = tpu.vector_load %arg10[%get3A_177, %get3A_178, %get3A_179] {strides = array<i32>} : memref<2x80x128xi32, #tpu.memory_space<vmem>>, vector<16xi32>,
      %shift_right_arithmetic3A_181 = arith.constant 4 : i32
      %shift_right_arithmetic3A_182 = vector.broadcast %shift_right_arithmetic3A_181 : i32 to vector<16xi32>
      %shift_right_arithmetic3A_183 = arith.shrsi %get3A_180, %shift_right_arithmetic3A_182 : vector<16xi32>
      %and3A_184 = arith.constant 15 : i32
      %and3A_185 = vector.broadcast %and3A_184 : i32 to vector<16xi32>
      %and3A_186 = arith.andi %get3A_180, %and3A_185 : vector<16xi32>
      tpu.vector_store_idx %arg11[%shift_right_arithmetic3A_183, %and3A_186], %broadcast_in_dim3A_14 {add = true} : memref<640x16xf32, #tpu.memory_space<vmem>>[vector<16xi32>, vector<16xi32>], vector<16xf32>,
    }
    %scan3A_19 = arith.constant 80 : i32
    %scan3A_20 = arith.constant 0 : i32
    %scan3A_21 = arith.constant 0 : i32
    %scan3A_22 = arith.constant 80 : i32
    %scan3A_23 = arith.addi %scan3A_21, %scan3A_22 : i32
    %scan3A_24 = arith.constant 1 : i32
    scf.for %scan3A_101 = %scan3A_21 to %scan3A_23 step %scan3A_24  : i32 {
      %get3A = arith.constant 1 : i32
      %get3A_102 = arith.index_cast %get3A : i32 to index
      %get3A_103 = arith.index_cast %scan3A_101 : i32 to index
      %get3A_104 = arith.constant 0 : index
      %get3A_105 = tpu.vector_load %arg10[%get3A_102, %get3A_103, %get3A_104] {strides = array<i32>} : memref<2x80x128xi32, #tpu.memory_space<vmem>>, vector<16xi32>,
      %shift_right_arithmetic3A = arith.constant 4 : i32
      %shift_right_arithmetic3A_106 = vector.broadcast %shift_right_arithmetic3A : i32 to vector<16xi32>
      %shift_right_arithmetic3A_107 = arith.shrsi %get3A_105, %shift_right_arithmetic3A_106 : vector<16xi32>
      %and3A = arith.constant 15 : i32
      %and3A_108 = vector.broadcast %and3A : i32 to vector<16xi32>
      %and3A_109 = arith.andi %get3A_105, %and3A_108 : vector<16xi32>
      tpu.vector_store_idx %arg11[%shift_right_arithmetic3A_107, %and3A_109], %broadcast_in_dim3A_14 {add = true} : memref<640x16xf32, #tpu.memory_space<vmem>>[vector<16xi32>, vector<16xi32>], vector<16xf32>,
      %get3A_110 = arith.constant 1 : i32
      %get3A_111 = arith.index_cast %get3A_110 : i32 to index
      %get3A_112 = arith.index_cast %scan3A_101 : i32 to index
      %get3A_113 = arith.constant 16 : index
      %get3A_114 = tpu.vector_load %arg10[%get3A_111, %get3A_112, %get3A_113] {strides = array<i32>} : memref<2x80x128xi32, #tpu.memory_space<vmem>>, vector<16xi32>,
      %shift_right_arithmetic3A_115 = arith.constant 4 : i32
      %shift_right_arithmetic3A_116 = vector.broadcast %shift_right_arithmetic3A_115 : i32 to vector<16xi32>
      %shift_right_arithmetic3A_117 = arith.shrsi %get3A_114, %shift_right_arithmetic3A_116 : vector<16xi32>
      %and3A_118 = arith.constant 15 : i32
      %and3A_119 = vector.broadcast %and3A_118 : i32 to vector<16xi32>
      %and3A_120 = arith.andi %get3A_114, %and3A_119 : vector<16xi32>
      tpu.vector_store_idx %arg11[%shift_right_arithmetic3A_117, %and3A_120], %broadcast_in_dim3A_14 {add = true} : memref<640x16xf32, #tpu.memory_space<vmem>>[vector<16xi32>, vector<16xi32>], vector<16xf32>,
      %get3A_121 = arith.constant 1 : i32
      %get3A_122 = arith.index_cast %get3A_121 : i32 to index
      %get3A_123 = arith.index_cast %scan3A_101 : i32 to index
      %get3A_124 = arith.constant 32 : index
      %get3A_125 = tpu.vector_load %arg10[%get3A_122, %get3A_123, %get3A_124] {strides = array<i32>} : memref<2x80x128xi32, #tpu.memory_space<vmem>>, vector<16xi32>,
      %shift_right_arithmetic3A_126 = arith.constant 4 : i32
      %shift_right_arithmetic3A_127 = vector.broadcast %shift_right_arithmetic3A_126 : i32 to vector<16xi32>
      %shift_right_arithmetic3A_128 = arith.shrsi %get3A_125, %shift_right_arithmetic3A_127 : vector<16xi32>
      %and3A_129 = arith.constant 15 : i32
      %and3A_130 = vector.broadcast %and3A_129 : i32 to vector<16xi32>
      %and3A_131 = arith.andi %get3A_125, %and3A_130 : vector<16xi32>
      tpu.vector_store_idx %arg11[%shift_right_arithmetic3A_128, %and3A_131], %broadcast_in_dim3A_14 {add = true} : memref<640x16xf32, #tpu.memory_space<vmem>>[vector<16xi32>, vector<16xi32>], vector<16xf32>,
      %get3A_132 = arith.constant 1 : i32
      %get3A_133 = arith.index_cast %get3A_132 : i32 to index
      %get3A_134 = arith.index_cast %scan3A_101 : i32 to index
      %get3A_135 = arith.constant 48 : index
      %get3A_136 = tpu.vector_load %arg10[%get3A_133, %get3A_134, %get3A_135] {strides = array<i32>} : memref<2x80x128xi32, #tpu.memory_space<vmem>>, vector<16xi32>,
      %shift_right_arithmetic3A_137 = arith.constant 4 : i32
      %shift_right_arithmetic3A_138 = vector.broadcast %shift_right_arithmetic3A_137 : i32 to vector<16xi32>
      %shift_right_arithmetic3A_139 = arith.shrsi %get3A_136, %shift_right_arithmetic3A_138 : vector<16xi32>
      %and3A_140 = arith.constant 15 : i32
      %and3A_141 = vector.broadcast %and3A_140 : i32 to vector<16xi32>
      %and3A_142 = arith.andi %get3A_136, %and3A_141 : vector<16xi32>
      tpu.vector_store_idx %arg11[%shift_right_arithmetic3A_139, %and3A_142], %broadcast_in_dim3A_14 {add = true} : memref<640x16xf32, #tpu.memory_space<vmem>>[vector<16xi32>, vector<16xi32>], vector<16xf32>,
      %get3A_143 = arith.constant 1 : i32
      %get3A_144 = arith.index_cast %get3A_143 : i32 to index
      %get3A_145 = arith.index_cast %scan3A_101 : i32 to index
      %get3A_146 = arith.constant 64 : index
      %get3A_147 = tpu.vector_load %arg10[%get3A_144, %get3A_145, %get3A_146] {strides = array<i32>} : memref<2x80x128xi32, #tpu.memory_space<vmem>>, vector<16xi32>,
      %shift_right_arithmetic3A_148 = arith.constant 4 : i32
      %shift_right_arithmetic3A_149 = vector.broadcast %shift_right_arithmetic3A_148 : i32 to vector<16xi32>
      %shift_right_arithmetic3A_150 = arith.shrsi %get3A_147, %shift_right_arithmetic3A_149 : vector<16xi32>
      %and3A_151 = arith.constant 15 : i32
      %and3A_152 = vector.broadcast %and3A_151 : i32 to vector<16xi32>
      %and3A_153 = arith.andi %get3A_147, %and3A_152 : vector<16xi32>
      tpu.vector_store_idx %arg11[%shift_right_arithmetic3A_150, %and3A_153], %broadcast_in_dim3A_14 {add = true} : memref<640x16xf32, #tpu.memory_space<vmem>>[vector<16xi32>, vector<16xi32>], vector<16xf32>,
      %get3A_154 = arith.constant 1 : i32
      %get3A_155 = arith.index_cast %get3A_154 : i32 to index
      %get3A_156 = arith.index_cast %scan3A_101 : i32 to index
      %get3A_157 = arith.constant 80 : index
      %get3A_158 = tpu.vector_load %arg10[%get3A_155, %get3A_156, %get3A_157] {strides = array<i32>} : memref<2x80x128xi32, #tpu.memory_space<vmem>>, vector<16xi32>,
      %shift_right_arithmetic3A_159 = arith.constant 4 : i32
      %shift_right_arithmetic3A_160 = vector.broadcast %shift_right_arithmetic3A_159 : i32 to vector<16xi32>
      %shift_right_arithmetic3A_161 = arith.shrsi %get3A_158, %shift_right_arithmetic3A_160 : vector<16xi32>
      %and3A_162 = arith.constant 15 : i32
      %and3A_163 = vector.broadcast %and3A_162 : i32 to vector<16xi32>
      %and3A_164 = arith.andi %get3A_158, %and3A_163 : vector<16xi32>
      tpu.vector_store_idx %arg11[%shift_right_arithmetic3A_161, %and3A_164], %broadcast_in_dim3A_14 {add = true} : memref<640x16xf32, #tpu.memory_space<vmem>>[vector<16xi32>, vector<16xi32>], vector<16xf32>,
      %get3A_165 = arith.constant 1 : i32
      %get3A_166 = arith.index_cast %get3A_165 : i32 to index
      %get3A_167 = arith.index_cast %scan3A_101 : i32 to index
      %get3A_168 = arith.constant 96 : index
      %get3A_169 = tpu.vector_load %arg10[%get3A_166, %get3A_167, %get3A_168] {strides = array<i32>} : memref<2x80x128xi32, #tpu.memory_space<vmem>>, vector<16xi32>,
      %shift_right_arithmetic3A_170 = arith.constant 4 : i32
      %shift_right_arithmetic3A_171 = vector.broadcast %shift_right_arithmetic3A_170 : i32 to vector<16xi32>
      %shift_right_arithmetic3A_172 = arith.shrsi %get3A_169, %shift_right_arithmetic3A_171 : vector<16xi32>
      %and3A_173 = arith.constant 15 : i32
      %and3A_174 = vector.broadcast %and3A_173 : i32 to vector<16xi32>
      %and3A_175 = arith.andi %get3A_169, %and3A_174 : vector<16xi32>
      tpu.vector_store_idx %arg11[%shift_right_arithmetic3A_172, %and3A_175], %broadcast_in_dim3A_14 {add = true} : memref<640x16xf32, #tpu.memory_space<vmem>>[vector<16xi32>, vector<16xi32>], vector<16xf32>,
      %get3A_176 = arith.constant 1 : i32
      %get3A_177 = arith.index_cast %get3A_176 : i32 to index
      %get3A_178 = arith.index_cast %scan3A_101 : i32 to index
      %get3A_179 = arith.constant 112 : index
      %get3A_180 = tpu.vector_load %arg10[%get3A_177, %get3A_178, %get3A_179] {strides = array<i32>} : memref<2x80x128xi32, #tpu.memory_space<vmem>>, vector<16xi32>,
      %shift_right_arithmetic3A_181 = arith.constant 4 : i32
      %shift_right_arithmetic3A_182 = vector.broadcast %shift_right_arithmetic3A_181 : i32 to vector<16xi32>
      %shift_right_arithmetic3A_183 = arith.shrsi %get3A_180, %shift_right_arithmetic3A_182 : vector<16xi32>
      %and3A_184 = arith.constant 15 : i32
      %and3A_185 = vector.broadcast %and3A_184 : i32 to vector<16xi32>
      %and3A_186 = arith.andi %get3A_180, %and3A_185 : vector<16xi32>
      tpu.vector_store_idx %arg11[%shift_right_arithmetic3A_183, %and3A_186], %broadcast_in_dim3A_14 {add = true} : memref<640x16xf32, #tpu.memory_space<vmem>>[vector<16xi32>, vector<16xi32>], vector<16xf32>,
    }
    %scan3A_25 = arith.constant 80 : i32
    "tpu.region"() ({
      %run_scoped3A_101 = tpu.sem_alloc : memref<!tpu.dma_semaphore, #tpu.memory_space<semaphore_mem>>
      %dma_start3A_102 = arith.constant 0 : i32
      %dma_start3A_103 = arith.constant 0 : i32
      %dma_start3A_104 = tpu.memref_slice %arg18[%arg1, %dma_start3A_102, %dma_start3A_103] : memref<16x640x16xf32, #tpu.memory_space<vmem_shared>> -> memref<1x640x16xf32, #tpu.memory_space<vmem_shared>>
      %dma_start3A_105 = tpu.memref_squeeze %dma_start3A_104 : memref<1x640x16xf32, #tpu.memory_space<vmem_shared>> -> memref<640x16xf32, #tpu.memory_space<vmem_shared>>
      %dma_start3A_106 = arith.constant 0 : i32
      %dma_start3A_107 = arith.constant 0 : i32
      %dma_start3A_108 = tpu.memref_slice %arg18[%arg1, %dma_start3A_106, %dma_start3A_107] : memref<16x640x16xf32, #tpu.memory_space<vmem_shared>> -> memref<1x640x16xf32, #tpu.memory_space<vmem_shared>>
      %dma_start3A_109 = tpu.memref_squeeze %dma_start3A_108 : memref<1x640x16xf32, #tpu.memory_space<vmem_shared>> -> memref<640x16xf32, #tpu.memory_space<vmem_shared>>
      tpu.enqueue_dma source(%arg11 : memref<640x16xf32, #tpu.memory_space<vmem>>) target(%dma_start3A_109 : memref<640x16xf32, #tpu.memory_space<vmem_shared>>) target_semaphore(%run_scoped3A_101 : memref<!tpu.dma_semaphore, #tpu.memory_space<semaphore_mem>>)
      %dma_wait3A = arith.constant 0 : i32
      %dma_wait3A_110 = arith.constant 0 : i32
      %dma_wait3A_111 = tpu.memref_slice %arg18[%arg1, %dma_wait3A, %dma_wait3A_110] : memref<16x640x16xf32, #tpu.memory_space<vmem_shared>> -> memref<1x640x16xf32, #tpu.memory_space<vmem_shared>>
      %dma_wait3A_112 = tpu.memref_squeeze %dma_wait3A_111 : memref<1x640x16xf32, #tpu.memory_space<vmem_shared>> -> memref<640x16xf32, #tpu.memory_space<vmem_shared>>
      %dma_wait3A_113 = arith.constant 0 : i32
      %dma_wait3A_114 = arith.constant 0 : i32
      %dma_wait3A_115 = tpu.memref_slice %arg18[%arg1, %dma_wait3A_113, %dma_wait3A_114] : memref<16x640x16xf32, #tpu.memory_space<vmem_shared>> -> memref<1x640x16xf32, #tpu.memory_space<vmem_shared>>
      %dma_wait3A_116 = tpu.memref_squeeze %dma_wait3A_115 : memref<1x640x16xf32, #tpu.memory_space<vmem_shared>> -> memref<640x16xf32, #tpu.memory_space<vmem_shared>>
      tpu.wait_dma2 semaphore(%run_scoped3A_101 : memref<!tpu.dma_semaphore, #tpu.memory_space<semaphore_mem>>) src(%arg11 : memref<640x16xf32, #tpu.memory_space<vmem>>) dst(%dma_wait3A_116 : memref<640x16xf32, #tpu.memory_space<vmem_shared>>)
      tpu.yield
    }) : () -> ()
    %barrier3A = arith.constant 0 : index
    tpu.barrier barrier_id(%barrier3A)
    %mul3A_26 = arith.constant 40 : i32
    %mul3A_27 = arith.muli %arg1, %mul3A_26 : i32
    "tpu.region"() ({
      %run_scoped3A_101 = tpu.sem_alloc : memref<!tpu.dma_semaphore, #tpu.memory_space<semaphore_mem>>
      %dma_start3A_102 = arith.constant 0 : i32
      %dma_start3A_103 = arith.constant 0 : i32
      %dma_start3A_104 = tpu.memref_slice %arg18[%dma_start3A_102, %mul3A_27, %dma_start3A_103] : memref<16x640x16xf32, #tpu.memory_space<vmem_shared>> -> memref<16x40x16xf32, #tpu.memory_space<vmem_shared>>
      %dma_start3A_105 = arith.constant 0 : i32
      %dma_start3A_106 = arith.constant 0 : i32
      %dma_start3A_107 = tpu.memref_slice %arg18[%dma_start3A_105, %mul3A_27, %dma_start3A_106] : memref<16x640x16xf32, #tpu.memory_space<vmem_shared>> -> memref<16x40x16xf32, #tpu.memory_space<vmem_shared>>
      tpu.enqueue_dma source(%dma_start3A_107 : memref<16x40x16xf32, #tpu.memory_space<vmem_shared>>) target(%arg12 : memref<16x40x16xf32, #tpu.memory_space<vmem>>) target_semaphore(%run_scoped3A_101 : memref<!tpu.dma_semaphore, #tpu.memory_space<semaphore_mem>>)
      %dma_wait3A = arith.constant 0 : i32
      %dma_wait3A_108 = arith.constant 0 : i32
      %dma_wait3A_109 = tpu.memref_slice %arg18[%dma_wait3A, %mul3A_27, %dma_wait3A_108] : memref<16x640x16xf32, #tpu.memory_space<vmem_shared>> -> memref<16x40x16xf32, #tpu.memory_space<vmem_shared>>
      %dma_wait3A_110 = arith.constant 0 : i32
      %dma_wait3A_111 = arith.constant 0 : i32
      %dma_wait3A_112 = tpu.memref_slice %arg18[%dma_wait3A_110, %mul3A_27, %dma_wait3A_111] : memref<16x640x16xf32, #tpu.memory_space<vmem_shared>> -> memref<16x40x16xf32, #tpu.memory_space<vmem_shared>>
      tpu.wait_dma2 semaphore(%run_scoped3A_101 : memref<!tpu.dma_semaphore, #tpu.memory_space<semaphore_mem>>) src(%dma_wait3A_112 : memref<16x40x16xf32, #tpu.memory_space<vmem_shared>>) dst(%arg12 : memref<16x40x16xf32, #tpu.memory_space<vmem>>)
      tpu.yield
    }) : () -> ()
    %scan3A_28 = arith.constant 0 : i32
    %scan3A_29 = arith.constant 0 : i32
    %scan3A_30 = arith.constant 40 : i32
    %scan3A_31 = arith.addi %scan3A_29, %scan3A_30 : i32
    %scan3A_32 = arith.constant 1 : i32
    scf.for %scan3A_101 = %scan3A_29 to %scan3A_31 step %scan3A_32  : i32 {
      %get3A = arith.constant 0 : i32
      %get3A_102 = arith.index_cast %get3A : i32 to index
      %get3A_103 = arith.index_cast %scan3A_101 : i32 to index
      %get3A_104 = arith.constant 0 : index
      %get3A_105 = tpu.vector_load %arg12[%get3A_102, %get3A_103, %get3A_104] {strides = array<i32>} : memref<16x40x16xf32, #tpu.memory_space<vmem>>, vector<16xf32>,
      %get3A_106 = arith.constant 1 : i32
      %get3A_107 = arith.index_cast %get3A_106 : i32 to index
      %get3A_108 = arith.index_cast %scan3A_101 : i32 to index
      %get3A_109 = arith.constant 0 : index
      %get3A_110 = tpu.vector_load %arg12[%get3A_107, %get3A_108, %get3A_109] {strides = array<i32>} : memref<16x40x16xf32, #tpu.memory_space<vmem>>, vector<16xf32>,
      %add3A_111 = arith.addf %get3A_105, %get3A_110 : vector<16xf32>
      %get3A_112 = arith.constant 2 : i32
      %get3A_113 = arith.index_cast %get3A_112 : i32 to index
      %get3A_114 = arith.index_cast %scan3A_101 : i32 to index
      %get3A_115 = arith.constant 0 : index
      %get3A_116 = tpu.vector_load %arg12[%get3A_113, %get3A_114, %get3A_115] {strides = array<i32>} : memref<16x40x16xf32, #tpu.memory_space<vmem>>, vector<16xf32>,
      %add3A_117 = arith.addf %add3A_111, %get3A_116 : vector<16xf32>
      %get3A_118 = arith.constant 3 : i32
      %get3A_119 = arith.index_cast %get3A_118 : i32 to index
      %get3A_120 = arith.index_cast %scan3A_101 : i32 to index
      %get3A_121 = arith.constant 0 : index
      %get3A_122 = tpu.vector_load %arg12[%get3A_119, %get3A_120, %get3A_121] {strides = array<i32>} : memref<16x40x16xf32, #tpu.memory_space<vmem>>, vector<16xf32>,
      %add3A_123 = arith.addf %add3A_117, %get3A_122 : vector<16xf32>
      %get3A_124 = arith.constant 4 : i32
      %get3A_125 = arith.index_cast %get3A_124 : i32 to index
      %get3A_126 = arith.index_cast %scan3A_101 : i32 to index
      %get3A_127 = arith.constant 0 : index
      %get3A_128 = tpu.vector_load %arg12[%get3A_125, %get3A_126, %get3A_127] {strides = array<i32>} : memref<16x40x16xf32, #tpu.memory_space<vmem>>, vector<16xf32>,
      %add3A_129 = arith.addf %add3A_123, %get3A_128 : vector<16xf32>
      %get3A_130 = arith.constant 5 : i32
      %get3A_131 = arith.index_cast %get3A_130 : i32 to index
      %get3A_132 = arith.index_cast %scan3A_101 : i32 to index
      %get3A_133 = arith.constant 0 : index
      %get3A_134 = tpu.vector_load %arg12[%get3A_131, %get3A_132, %get3A_133] {strides = array<i32>} : memref<16x40x16xf32, #tpu.memory_space<vmem>>, vector<16xf32>,
      %add3A_135 = arith.addf %add3A_129, %get3A_134 : vector<16xf32>
      %get3A_136 = arith.constant 6 : i32
      %get3A_137 = arith.index_cast %get3A_136 : i32 to index
      %get3A_138 = arith.index_cast %scan3A_101 : i32 to index
      %get3A_139 = arith.constant 0 : index
      %get3A_140 = tpu.vector_load %arg12[%get3A_137, %get3A_138, %get3A_139] {strides = array<i32>} : memref<16x40x16xf32, #tpu.memory_space<vmem>>, vector<16xf32>,
      %add3A_141 = arith.addf %add3A_135, %get3A_140 : vector<16xf32>
      %get3A_142 = arith.constant 7 : i32
      %get3A_143 = arith.index_cast %get3A_142 : i32 to index
      %get3A_144 = arith.index_cast %scan3A_101 : i32 to index
      %get3A_145 = arith.constant 0 : index
      %get3A_146 = tpu.vector_load %arg12[%get3A_143, %get3A_144, %get3A_145] {strides = array<i32>} : memref<16x40x16xf32, #tpu.memory_space<vmem>>, vector<16xf32>,
      %add3A_147 = arith.addf %add3A_141, %get3A_146 : vector<16xf32>
      %get3A_148 = arith.constant 8 : i32
      %get3A_149 = arith.index_cast %get3A_148 : i32 to index
      %get3A_150 = arith.index_cast %scan3A_101 : i32 to index
      %get3A_151 = arith.constant 0 : index
      %get3A_152 = tpu.vector_load %arg12[%get3A_149, %get3A_150, %get3A_151] {strides = array<i32>} : memref<16x40x16xf32, #tpu.memory_space<vmem>>, vector<16xf32>,
      %add3A_153 = arith.addf %add3A_147, %get3A_152 : vector<16xf32>
      %get3A_154 = arith.constant 9 : i32
      %get3A_155 = arith.index_cast %get3A_154 : i32 to index
      %get3A_156 = arith.index_cast %scan3A_101 : i32 to index
      %get3A_157 = arith.constant 0 : index
      %get3A_158 = tpu.vector_load %arg12[%get3A_155, %get3A_156, %get3A_157] {strides = array<i32>} : memref<16x40x16xf32, #tpu.memory_space<vmem>>, vector<16xf32>,
      %add3A_159 = arith.addf %add3A_153, %get3A_158 : vector<16xf32>
      %get3A_160 = arith.constant 10 : i32
      %get3A_161 = arith.index_cast %get3A_160 : i32 to index
      %get3A_162 = arith.index_cast %scan3A_101 : i32 to index
      %get3A_163 = arith.constant 0 : index
      %get3A_164 = tpu.vector_load %arg12[%get3A_161, %get3A_162, %get3A_163] {strides = array<i32>} : memref<16x40x16xf32, #tpu.memory_space<vmem>>, vector<16xf32>,
      %add3A_165 = arith.addf %add3A_159, %get3A_164 : vector<16xf32>
      %get3A_166 = arith.constant 11 : i32
      %get3A_167 = arith.index_cast %get3A_166 : i32 to index
      %get3A_168 = arith.index_cast %scan3A_101 : i32 to index
      %get3A_169 = arith.constant 0 : index
      %get3A_170 = tpu.vector_load %arg12[%get3A_167, %get3A_168, %get3A_169] {strides = array<i32>} : memref<16x40x16xf32, #tpu.memory_space<vmem>>, vector<16xf32>,
      %add3A_171 = arith.addf %add3A_165, %get3A_170 : vector<16xf32>
      %get3A_172 = arith.constant 12 : i32
      %get3A_173 = arith.index_cast %get3A_172 : i32 to index
      %get3A_174 = arith.index_cast %scan3A_101 : i32 to index
      %get3A_175 = arith.constant 0 : index
      %get3A_176 = tpu.vector_load %arg12[%get3A_173, %get3A_174, %get3A_175] {strides = array<i32>} : memref<16x40x16xf32, #tpu.memory_space<vmem>>, vector<16xf32>,
      %add3A_177 = arith.addf %add3A_171, %get3A_176 : vector<16xf32>
      %get3A_178 = arith.constant 13 : i32
      %get3A_179 = arith.index_cast %get3A_178 : i32 to index
      %get3A_180 = arith.index_cast %scan3A_101 : i32 to index
      %get3A_181 = arith.constant 0 : index
      %get3A_182 = tpu.vector_load %arg12[%get3A_179, %get3A_180, %get3A_181] {strides = array<i32>} : memref<16x40x16xf32, #tpu.memory_space<vmem>>, vector<16xf32>,
      %add3A_183 = arith.addf %add3A_177, %get3A_182 : vector<16xf32>
      %get3A_184 = arith.constant 14 : i32
      %get3A_185 = arith.index_cast %get3A_184 : i32 to index
      %get3A_186 = arith.index_cast %scan3A_101 : i32 to index
      %get3A_187 = arith.constant 0 : index
      %get3A_188 = tpu.vector_load %arg12[%get3A_185, %get3A_186, %get3A_187] {strides = array<i32>} : memref<16x40x16xf32, #tpu.memory_space<vmem>>, vector<16xf32>,
      %add3A_189 = arith.addf %add3A_183, %get3A_188 : vector<16xf32>
      %get3A_190 = arith.constant 15 : i32
      %get3A_191 = arith.index_cast %get3A_190 : i32 to index
      %get3A_192 = arith.index_cast %scan3A_101 : i32 to index
      %get3A_193 = arith.constant 0 : index
      %get3A_194 = tpu.vector_load %arg12[%get3A_191, %get3A_192, %get3A_193] {strides = array<i32>} : memref<16x40x16xf32, #tpu.memory_space<vmem>>, vector<16xf32>,
      %add3A_195 = arith.addf %add3A_189, %get3A_194 : vector<16xf32>
      %add3A_196 = arith.constant 1.000000e+00 : f32
      %add3A_197 = vector.broadcast %add3A_196 : f32 to vector<16xf32>
      %add3A_198 = arith.addf %add3A_195, %add3A_197 : vector<16xf32>
      %bitcast_convert_type3A = tpu.bitcast %add3A_198 : vector<16xf32> -> vector<16xi32>
      %shift_right_arithmetic3A = arith.constant 1 : i32
      %shift_right_arithmetic3A_199 = vector.broadcast %shift_right_arithmetic3A : i32 to vector<16xi32>
      %shift_right_arithmetic3A_200 = arith.shrsi %bitcast_convert_type3A, %shift_right_arithmetic3A_199 : vector<16xi32>
      %sub3A = arith.constant 1597463007 : i32
      %sub3A_201 = vector.broadcast %sub3A : i32 to vector<16xi32>
      %sub3A_202 = arith.subi %sub3A_201, %shift_right_arithmetic3A_200 : vector<16xi32>
      %bitcast_convert_type3A_203 = tpu.bitcast %sub3A_202 : vector<16xi32> -> vector<16xf32>
      %mul3A_204 = arith.constant 5.000000e-01 : f32
      %mul3A_205 = vector.broadcast %mul3A_204 : f32 to vector<16xf32>
      %mul3A_206 = arith.mulf %mul3A_205, %add3A_198 : vector<16xf32>
      %mul3A_207 = arith.mulf %mul3A_206, %bitcast_convert_type3A_203 : vector<16xf32>
      %mul3A_208 = arith.mulf %mul3A_207, %bitcast_convert_type3A_203 : vector<16xf32>
      %sub3A_209 = arith.constant 1.500000e+00 : f32
      %sub3A_210 = vector.broadcast %sub3A_209 : f32 to vector<16xf32>
      %sub3A_211 = arith.subf %sub3A_210, %mul3A_208 : vector<16xf32>
      %mul3A_212 = arith.mulf %bitcast_convert_type3A_203, %sub3A_211 : vector<16xf32>
      %mul3A_213 = arith.constant 5.000000e-01 : f32
      %mul3A_214 = vector.broadcast %mul3A_213 : f32 to vector<16xf32>
      %mul3A_215 = arith.mulf %mul3A_214, %add3A_198 : vector<16xf32>
      %mul3A_216 = arith.mulf %mul3A_215, %mul3A_212 : vector<16xf32>
      %mul3A_217 = arith.mulf %mul3A_216, %mul3A_212 : vector<16xf32>
      %sub3A_218 = arith.constant 1.500000e+00 : f32
      %sub3A_219 = vector.broadcast %sub3A_218 : f32 to vector<16xf32>
      %sub3A_220 = arith.subf %sub3A_219, %mul3A_217 : vector<16xf32>
      %mul3A_221 = arith.mulf %mul3A_212, %sub3A_220 : vector<16xf32>
      %mul3A_222 = arith.constant 5.000000e-01 : f32
      %mul3A_223 = vector.broadcast %mul3A_222 : f32 to vector<16xf32>
      %mul3A_224 = arith.mulf %mul3A_223, %add3A_198 : vector<16xf32>
      %mul3A_225 = arith.mulf %mul3A_224, %mul3A_221 : vector<16xf32>
      %mul3A_226 = arith.mulf %mul3A_225, %mul3A_221 : vector<16xf32>
      %sub3A_227 = arith.constant 1.500000e+00 : f32
      %sub3A_228 = vector.broadcast %sub3A_227 : f32 to vector<16xf32>
      %sub3A_229 = arith.subf %sub3A_228, %mul3A_226 : vector<16xf32>
      %mul3A_230 = arith.mulf %mul3A_221, %sub3A_229 : vector<16xf32>
      %mul3A_231 = arith.constant 16 : i32
      %mul3A_232 = arith.muli %scan3A_101, %mul3A_231 : i32
      %swap3A = arith.index_cast %mul3A_232 : i32 to index
      %swap3A_233 = tpu.vector_load %arg13[%swap3A] {strides = array<i32>} : memref<640xf32, #tpu.memory_space<vmem>>, vector<16xf32>,
      tpu.vector_store %arg13[%swap3A], %mul3A_230 {strides = array<i32>} : memref<640xf32, #tpu.memory_space<vmem>>, vector<16xf32>,
    }
    %scan3A_33 = arith.constant 40 : i32
    %scan3A_34 = arith.constant 0 : i32
    %scan3A_35 = arith.constant 0 : i32
    %scan3A_36 = arith.constant 40 : i32
    %scan3A_37 = arith.addi %scan3A_35, %scan3A_36 : i32
    %scan3A_38 = arith.constant 1 : i32
    scf.for %scan3A_101 = %scan3A_35 to %scan3A_37 step %scan3A_38  : i32 {
      %mul3A_102 = arith.constant 16 : i32
      %mul3A_103 = arith.muli %scan3A_101, %mul3A_102 : i32
      %get3A = arith.index_cast %mul3A_103 : i32 to index
      %get3A_104 = tpu.vector_load %arg13[%get3A] {strides = array<i32>} : memref<640xf32, #tpu.memory_space<vmem>>, vector<16xf32>,
      %add3A_105 = arith.constant 0 : i32
      %add3A_106 = arith.addi %mul3A_103, %add3A_105 : i32
      %get3A_107 = arith.index_cast %add3A_106 : i32 to index
      %get3A_108 = arith.constant 0 : index
      %get3A_109 = tpu.vector_load %arg14[%get3A_107, %get3A_108] {strides = array<i32>} : memref<640x16xf32, #tpu.memory_space<vmem>>, vector<16xf32>,
      %slice3A = vector.extract_strided_slice %get3A_104 {offsets = [0], sizes = [1], strides = [1]} : vector<16xf32> to vector<1xf32>
      %squeeze3A = vector.extract %slice3A[0] : f32 from vector<1xf32>
      %mul3A_110 = vector.broadcast %squeeze3A : f32 to vector<16xf32>
      %mul3A_111 = arith.mulf %get3A_109, %mul3A_110 : vector<16xf32>
      %add3A_112 = arith.constant 0 : i32
      %add3A_113 = arith.addi %mul3A_103, %add3A_112 : i32
      %swap3A = arith.index_cast %add3A_113 : i32 to index
      %swap3A_114 = arith.constant 0 : index
      %swap3A_115 = tpu.vector_load %arg14[%swap3A, %swap3A_114] {strides = array<i32>} : memref<640x16xf32, #tpu.memory_space<vmem>>, vector<16xf32>,
      tpu.vector_store %arg14[%swap3A, %swap3A_114], %mul3A_111 {strides = array<i32>} : memref<640x16xf32, #tpu.memory_space<vmem>>, vector<16xf32>,
      %slice3A_116 = vector.extract_strided_slice %get3A_104 {offsets = [0], sizes = [1], strides = [1]} : vector<16xf32> to vector<1xf32>
      %squeeze3A_117 = vector.extract %slice3A_116[0] : f32 from vector<1xf32>
      %mul3A_118 = vector.broadcast %squeeze3A_117 : f32 to vector<16xf32>
      %mul3A_119 = arith.mulf %broadcast_in_dim3A_14, %mul3A_118 : vector<16xf32>
      %add3A_120 = arith.constant 0 : i32
      %add3A_121 = arith.addi %mul3A_103, %add3A_120 : i32
      %swap3A_122 = arith.index_cast %add3A_121 : i32 to index
      %swap3A_123 = arith.constant 0 : index
      %swap3A_124 = tpu.vector_load %arg15[%swap3A_122, %swap3A_123] {strides = array<i32>} : memref<640x16xf32, #tpu.memory_space<vmem>>, vector<16xf32>,
      tpu.vector_store %arg15[%swap3A_122, %swap3A_123], %mul3A_119 {strides = array<i32>} : memref<640x16xf32, #tpu.memory_space<vmem>>, vector<16xf32>,
      %add3A_125 = arith.constant 1 : i32
      %add3A_126 = arith.addi %mul3A_103, %add3A_125 : i32
      %get3A_127 = arith.index_cast %add3A_126 : i32 to index
      %get3A_128 = arith.constant 0 : index
      %get3A_129 = tpu.vector_load %arg14[%get3A_127, %get3A_128] {strides = array<i32>} : memref<640x16xf32, #tpu.memory_space<vmem>>, vector<16xf32>,
      %slice3A_130 = vector.extract_strided_slice %get3A_104 {offsets = [1], sizes = [1], strides = [1]} : vector<16xf32> to vector<1xf32>
      %squeeze3A_131 = vector.extract %slice3A_130[0] : f32 from vector<1xf32>
      %mul3A_132 = vector.broadcast %squeeze3A_131 : f32 to vector<16xf32>
      %mul3A_133 = arith.mulf %get3A_129, %mul3A_132 : vector<16xf32>
      %add3A_134 = arith.constant 1 : i32
      %add3A_135 = arith.addi %mul3A_103, %add3A_134 : i32
      %swap3A_136 = arith.index_cast %add3A_135 : i32 to index
      %swap3A_137 = arith.constant 0 : index
      %swap3A_138 = tpu.vector_load %arg14[%swap3A_136, %swap3A_137] {strides = array<i32>} : memref<640x16xf32, #tpu.memory_space<vmem>>, vector<16xf32>,
      tpu.vector_store %arg14[%swap3A_136, %swap3A_137], %mul3A_133 {strides = array<i32>} : memref<640x16xf32, #tpu.memory_space<vmem>>, vector<16xf32>,
      %slice3A_139 = vector.extract_strided_slice %get3A_104 {offsets = [1], sizes = [1], strides = [1]} : vector<16xf32> to vector<1xf32>
      %squeeze3A_140 = vector.extract %slice3A_139[0] : f32 from vector<1xf32>
      %mul3A_141 = vector.broadcast %squeeze3A_140 : f32 to vector<16xf32>
      %mul3A_142 = arith.mulf %broadcast_in_dim3A_14, %mul3A_141 : vector<16xf32>
      %add3A_143 = arith.constant 1 : i32
      %add3A_144 = arith.addi %mul3A_103, %add3A_143 : i32
      %swap3A_145 = arith.index_cast %add3A_144 : i32 to index
      %swap3A_146 = arith.constant 0 : index
      %swap3A_147 = tpu.vector_load %arg15[%swap3A_145, %swap3A_146] {strides = array<i32>} : memref<640x16xf32, #tpu.memory_space<vmem>>, vector<16xf32>,
      tpu.vector_store %arg15[%swap3A_145, %swap3A_146], %mul3A_142 {strides = array<i32>} : memref<640x16xf32, #tpu.memory_space<vmem>>, vector<16xf32>,
      %add3A_148 = arith.constant 2 : i32
      %add3A_149 = arith.addi %mul3A_103, %add3A_148 : i32
      %get3A_150 = arith.index_cast %add3A_149 : i32 to index
      %get3A_151 = arith.constant 0 : index
      %get3A_152 = tpu.vector_load %arg14[%get3A_150, %get3A_151] {strides = array<i32>} : memref<640x16xf32, #tpu.memory_space<vmem>>, vector<16xf32>,
      %slice3A_153 = vector.extract_strided_slice %get3A_104 {offsets = [2], sizes = [1], strides = [1]} : vector<16xf32> to vector<1xf32>
      %squeeze3A_154 = vector.extract %slice3A_153[0] : f32 from vector<1xf32>
      %mul3A_155 = vector.broadcast %squeeze3A_154 : f32 to vector<16xf32>
      %mul3A_156 = arith.mulf %get3A_152, %mul3A_155 : vector<16xf32>
      %add3A_157 = arith.constant 2 : i32
      %add3A_158 = arith.addi %mul3A_103, %add3A_157 : i32
      %swap3A_159 = arith.index_cast %add3A_158 : i32 to index
      %swap3A_160 = arith.constant 0 : index
      %swap3A_161 = tpu.vector_load %arg14[%swap3A_159, %swap3A_160] {strides = array<i32>} : memref<640x16xf32, #tpu.memory_space<vmem>>, vector<16xf32>,
      tpu.vector_store %arg14[%swap3A_159, %swap3A_160], %mul3A_156 {strides = array<i32>} : memref<640x16xf32, #tpu.memory_space<vmem>>, vector<16xf32>,
      %slice3A_162 = vector.extract_strided_slice %get3A_104 {offsets = [2], sizes = [1], strides = [1]} : vector<16xf32> to vector<1xf32>
      %squeeze3A_163 = vector.extract %slice3A_162[0] : f32 from vector<1xf32>
      %mul3A_164 = vector.broadcast %squeeze3A_163 : f32 to vector<16xf32>
      %mul3A_165 = arith.mulf %broadcast_in_dim3A_14, %mul3A_164 : vector<16xf32>
      %add3A_166 = arith.constant 2 : i32
      %add3A_167 = arith.addi %mul3A_103, %add3A_166 : i32
      %swap3A_168 = arith.index_cast %add3A_167 : i32 to index
      %swap3A_169 = arith.constant 0 : index
      %swap3A_170 = tpu.vector_load %arg15[%swap3A_168, %swap3A_169] {strides = array<i32>} : memref<640x16xf32, #tpu.memory_space<vmem>>, vector<16xf32>,
      tpu.vector_store %arg15[%swap3A_168, %swap3A_169], %mul3A_165 {strides = array<i32>} : memref<640x16xf32, #tpu.memory_space<vmem>>, vector<16xf32>,
      %add3A_171 = arith.constant 3 : i32
      %add3A_172 = arith.addi %mul3A_103, %add3A_171 : i32
      %get3A_173 = arith.index_cast %add3A_172 : i32 to index
      %get3A_174 = arith.constant 0 : index
      %get3A_175 = tpu.vector_load %arg14[%get3A_173, %get3A_174] {strides = array<i32>} : memref<640x16xf32, #tpu.memory_space<vmem>>, vector<16xf32>,
      %slice3A_176 = vector.extract_strided_slice %get3A_104 {offsets = [3], sizes = [1], strides = [1]} : vector<16xf32> to vector<1xf32>
      %squeeze3A_177 = vector.extract %slice3A_176[0] : f32 from vector<1xf32>
      %mul3A_178 = vector.broadcast %squeeze3A_177 : f32 to vector<16xf32>
      %mul3A_179 = arith.mulf %get3A_175, %mul3A_178 : vector<16xf32>
      %add3A_180 = arith.constant 3 : i32
      %add3A_181 = arith.addi %mul3A_103, %add3A_180 : i32
      %swap3A_182 = arith.index_cast %add3A_181 : i32 to index
      %swap3A_183 = arith.constant 0 : index
      %swap3A_184 = tpu.vector_load %arg14[%swap3A_182, %swap3A_183] {strides = array<i32>} : memref<640x16xf32, #tpu.memory_space<vmem>>, vector<16xf32>,
      tpu.vector_store %arg14[%swap3A_182, %swap3A_183], %mul3A_179 {strides = array<i32>} : memref<640x16xf32, #tpu.memory_space<vmem>>, vector<16xf32>,
      %slice3A_185 = vector.extract_strided_slice %get3A_104 {offsets = [3], sizes = [1], strides = [1]} : vector<16xf32> to vector<1xf32>
      %squeeze3A_186 = vector.extract %slice3A_185[0] : f32 from vector<1xf32>
      %mul3A_187 = vector.broadcast %squeeze3A_186 : f32 to vector<16xf32>
      %mul3A_188 = arith.mulf %broadcast_in_dim3A_14, %mul3A_187 : vector<16xf32>
      %add3A_189 = arith.constant 3 : i32
      %add3A_190 = arith.addi %mul3A_103, %add3A_189 : i32
      %swap3A_191 = arith.index_cast %add3A_190 : i32 to index
      %swap3A_192 = arith.constant 0 : index
      %swap3A_193 = tpu.vector_load %arg15[%swap3A_191, %swap3A_192] {strides = array<i32>} : memref<640x16xf32, #tpu.memory_space<vmem>>, vector<16xf32>,
      tpu.vector_store %arg15[%swap3A_191, %swap3A_192], %mul3A_188 {strides = array<i32>} : memref<640x16xf32, #tpu.memory_space<vmem>>, vector<16xf32>,
      %add3A_194 = arith.constant 4 : i32
      %add3A_195 = arith.addi %mul3A_103, %add3A_194 : i32
      %get3A_196 = arith.index_cast %add3A_195 : i32 to index
      %get3A_197 = arith.constant 0 : index
      %get3A_198 = tpu.vector_load %arg14[%get3A_196, %get3A_197] {strides = array<i32>} : memref<640x16xf32, #tpu.memory_space<vmem>>, vector<16xf32>,
      %slice3A_199 = vector.extract_strided_slice %get3A_104 {offsets = [4], sizes = [1], strides = [1]} : vector<16xf32> to vector<1xf32>
      %squeeze3A_200 = vector.extract %slice3A_199[0] : f32 from vector<1xf32>
      %mul3A_201 = vector.broadcast %squeeze3A_200 : f32 to vector<16xf32>
      %mul3A_202 = arith.mulf %get3A_198, %mul3A_201 : vector<16xf32>
      %add3A_203 = arith.constant 4 : i32
      %add3A_204 = arith.addi %mul3A_103, %add3A_203 : i32
      %swap3A_205 = arith.index_cast %add3A_204 : i32 to index
      %swap3A_206 = arith.constant 0 : index
      %swap3A_207 = tpu.vector_load %arg14[%swap3A_205, %swap3A_206] {strides = array<i32>} : memref<640x16xf32, #tpu.memory_space<vmem>>, vector<16xf32>,
      tpu.vector_store %arg14[%swap3A_205, %swap3A_206], %mul3A_202 {strides = array<i32>} : memref<640x16xf32, #tpu.memory_space<vmem>>, vector<16xf32>,
      %slice3A_208 = vector.extract_strided_slice %get3A_104 {offsets = [4], sizes = [1], strides = [1]} : vector<16xf32> to vector<1xf32>
      %squeeze3A_209 = vector.extract %slice3A_208[0] : f32 from vector<1xf32>
      %mul3A_210 = vector.broadcast %squeeze3A_209 : f32 to vector<16xf32>
      %mul3A_211 = arith.mulf %broadcast_in_dim3A_14, %mul3A_210 : vector<16xf32>
      %add3A_212 = arith.constant 4 : i32
      %add3A_213 = arith.addi %mul3A_103, %add3A_212 : i32
      %swap3A_214 = arith.index_cast %add3A_213 : i32 to index
      %swap3A_215 = arith.constant 0 : index
      %swap3A_216 = tpu.vector_load %arg15[%swap3A_214, %swap3A_215] {strides = array<i32>} : memref<640x16xf32, #tpu.memory_space<vmem>>, vector<16xf32>,
      tpu.vector_store %arg15[%swap3A_214, %swap3A_215], %mul3A_211 {strides = array<i32>} : memref<640x16xf32, #tpu.memory_space<vmem>>, vector<16xf32>,
      %add3A_217 = arith.constant 5 : i32
      %add3A_218 = arith.addi %mul3A_103, %add3A_217 : i32
      %get3A_219 = arith.index_cast %add3A_218 : i32 to index
      %get3A_220 = arith.constant 0 : index
      %get3A_221 = tpu.vector_load %arg14[%get3A_219, %get3A_220] {strides = array<i32>} : memref<640x16xf32, #tpu.memory_space<vmem>>, vector<16xf32>,
      %slice3A_222 = vector.extract_strided_slice %get3A_104 {offsets = [5], sizes = [1], strides = [1]} : vector<16xf32> to vector<1xf32>
      %squeeze3A_223 = vector.extract %slice3A_222[0] : f32 from vector<1xf32>
      %mul3A_224 = vector.broadcast %squeeze3A_223 : f32 to vector<16xf32>
      %mul3A_225 = arith.mulf %get3A_221, %mul3A_224 : vector<16xf32>
      %add3A_226 = arith.constant 5 : i32
      %add3A_227 = arith.addi %mul3A_103, %add3A_226 : i32
      %swap3A_228 = arith.index_cast %add3A_227 : i32 to index
      %swap3A_229 = arith.constant 0 : index
      %swap3A_230 = tpu.vector_load %arg14[%swap3A_228, %swap3A_229] {strides = array<i32>} : memref<640x16xf32, #tpu.memory_space<vmem>>, vector<16xf32>,
      tpu.vector_store %arg14[%swap3A_228, %swap3A_229], %mul3A_225 {strides = array<i32>} : memref<640x16xf32, #tpu.memory_space<vmem>>, vector<16xf32>,
      %slice3A_231 = vector.extract_strided_slice %get3A_104 {offsets = [5], sizes = [1], strides = [1]} : vector<16xf32> to vector<1xf32>
      %squeeze3A_232 = vector.extract %slice3A_231[0] : f32 from vector<1xf32>
      %mul3A_233 = vector.broadcast %squeeze3A_232 : f32 to vector<16xf32>
      %mul3A_234 = arith.mulf %broadcast_in_dim3A_14, %mul3A_233 : vector<16xf32>
      %add3A_235 = arith.constant 5 : i32
      %add3A_236 = arith.addi %mul3A_103, %add3A_235 : i32
      %swap3A_237 = arith.index_cast %add3A_236 : i32 to index
      %swap3A_238 = arith.constant 0 : index
      %swap3A_239 = tpu.vector_load %arg15[%swap3A_237, %swap3A_238] {strides = array<i32>} : memref<640x16xf32, #tpu.memory_space<vmem>>, vector<16xf32>,
      tpu.vector_store %arg15[%swap3A_237, %swap3A_238], %mul3A_234 {strides = array<i32>} : memref<640x16xf32, #tpu.memory_space<vmem>>, vector<16xf32>,
      %add3A_240 = arith.constant 6 : i32
      %add3A_241 = arith.addi %mul3A_103, %add3A_240 : i32
      %get3A_242 = arith.index_cast %add3A_241 : i32 to index
      %get3A_243 = arith.constant 0 : index
      %get3A_244 = tpu.vector_load %arg14[%get3A_242, %get3A_243] {strides = array<i32>} : memref<640x16xf32, #tpu.memory_space<vmem>>, vector<16xf32>,
      %slice3A_245 = vector.extract_strided_slice %get3A_104 {offsets = [6], sizes = [1], strides = [1]} : vector<16xf32> to vector<1xf32>
      %squeeze3A_246 = vector.extract %slice3A_245[0] : f32 from vector<1xf32>
      %mul3A_247 = vector.broadcast %squeeze3A_246 : f32 to vector<16xf32>
      %mul3A_248 = arith.mulf %get3A_244, %mul3A_247 : vector<16xf32>
      %add3A_249 = arith.constant 6 : i32
      %add3A_250 = arith.addi %mul3A_103, %add3A_249 : i32
      %swap3A_251 = arith.index_cast %add3A_250 : i32 to index
      %swap3A_252 = arith.constant 0 : index
      %swap3A_253 = tpu.vector_load %arg14[%swap3A_251, %swap3A_252] {strides = array<i32>} : memref<640x16xf32, #tpu.memory_space<vmem>>, vector<16xf32>,
      tpu.vector_store %arg14[%swap3A_251, %swap3A_252], %mul3A_248 {strides = array<i32>} : memref<640x16xf32, #tpu.memory_space<vmem>>, vector<16xf32>,
      %slice3A_254 = vector.extract_strided_slice %get3A_104 {offsets = [6], sizes = [1], strides = [1]} : vector<16xf32> to vector<1xf32>
      %squeeze3A_255 = vector.extract %slice3A_254[0] : f32 from vector<1xf32>
      %mul3A_256 = vector.broadcast %squeeze3A_255 : f32 to vector<16xf32>
      %mul3A_257 = arith.mulf %broadcast_in_dim3A_14, %mul3A_256 : vector<16xf32>
      %add3A_258 = arith.constant 6 : i32
      %add3A_259 = arith.addi %mul3A_103, %add3A_258 : i32
      %swap3A_260 = arith.index_cast %add3A_259 : i32 to index
      %swap3A_261 = arith.constant 0 : index
      %swap3A_262 = tpu.vector_load %arg15[%swap3A_260, %swap3A_261] {strides = array<i32>} : memref<640x16xf32, #tpu.memory_space<vmem>>, vector<16xf32>,
      tpu.vector_store %arg15[%swap3A_260, %swap3A_261], %mul3A_257 {strides = array<i32>} : memref<640x16xf32, #tpu.memory_space<vmem>>, vector<16xf32>,
      %add3A_263 = arith.constant 7 : i32
      %add3A_264 = arith.addi %mul3A_103, %add3A_263 : i32
      %get3A_265 = arith.index_cast %add3A_264 : i32 to index
      %get3A_266 = arith.constant 0 : index
      %get3A_267 = tpu.vector_load %arg14[%get3A_265, %get3A_266] {strides = array<i32>} : memref<640x16xf32, #tpu.memory_space<vmem>>, vector<16xf32>,
      %slice3A_268 = vector.extract_strided_slice %get3A_104 {offsets = [7], sizes = [1], strides = [1]} : vector<16xf32> to vector<1xf32>
      %squeeze3A_269 = vector.extract %slice3A_268[0] : f32 from vector<1xf32>
      %mul3A_270 = vector.broadcast %squeeze3A_269 : f32 to vector<16xf32>
      %mul3A_271 = arith.mulf %get3A_267, %mul3A_270 : vector<16xf32>
      %add3A_272 = arith.constant 7 : i32
      %add3A_273 = arith.addi %mul3A_103, %add3A_272 : i32
      %swap3A_274 = arith.index_cast %add3A_273 : i32 to index
      %swap3A_275 = arith.constant 0 : index
      %swap3A_276 = tpu.vector_load %arg14[%swap3A_274, %swap3A_275] {strides = array<i32>} : memref<640x16xf32, #tpu.memory_space<vmem>>, vector<16xf32>,
      tpu.vector_store %arg14[%swap3A_274, %swap3A_275], %mul3A_271 {strides = array<i32>} : memref<640x16xf32, #tpu.memory_space<vmem>>, vector<16xf32>,
      %slice3A_277 = vector.extract_strided_slice %get3A_104 {offsets = [7], sizes = [1], strides = [1]} : vector<16xf32> to vector<1xf32>
      %squeeze3A_278 = vector.extract %slice3A_277[0] : f32 from vector<1xf32>
      %mul3A_279 = vector.broadcast %squeeze3A_278 : f32 to vector<16xf32>
      %mul3A_280 = arith.mulf %broadcast_in_dim3A_14, %mul3A_279 : vector<16xf32>
      %add3A_281 = arith.constant 7 : i32
      %add3A_282 = arith.addi %mul3A_103, %add3A_281 : i32
      %swap3A_283 = arith.index_cast %add3A_282 : i32 to index
      %swap3A_284 = arith.constant 0 : index
      %swap3A_285 = tpu.vector_load %arg15[%swap3A_283, %swap3A_284] {strides = array<i32>} : memref<640x16xf32, #tpu.memory_space<vmem>>, vector<16xf32>,
      tpu.vector_store %arg15[%swap3A_283, %swap3A_284], %mul3A_280 {strides = array<i32>} : memref<640x16xf32, #tpu.memory_space<vmem>>, vector<16xf32>,
      %add3A_286 = arith.constant 8 : i32
      %add3A_287 = arith.addi %mul3A_103, %add3A_286 : i32
      %get3A_288 = arith.index_cast %add3A_287 : i32 to index
      %get3A_289 = arith.constant 0 : index
      %get3A_290 = tpu.vector_load %arg14[%get3A_288, %get3A_289] {strides = array<i32>} : memref<640x16xf32, #tpu.memory_space<vmem>>, vector<16xf32>,
      %slice3A_291 = vector.extract_strided_slice %get3A_104 {offsets = [8], sizes = [1], strides = [1]} : vector<16xf32> to vector<1xf32>
      %squeeze3A_292 = vector.extract %slice3A_291[0] : f32 from vector<1xf32>
      %mul3A_293 = vector.broadcast %squeeze3A_292 : f32 to vector<16xf32>
      %mul3A_294 = arith.mulf %get3A_290, %mul3A_293 : vector<16xf32>
      %add3A_295 = arith.constant 8 : i32
      %add3A_296 = arith.addi %mul3A_103, %add3A_295 : i32
      %swap3A_297 = arith.index_cast %add3A_296 : i32 to index
      %swap3A_298 = arith.constant 0 : index
      %swap3A_299 = tpu.vector_load %arg14[%swap3A_297, %swap3A_298] {strides = array<i32>} : memref<640x16xf32, #tpu.memory_space<vmem>>, vector<16xf32>,
      tpu.vector_store %arg14[%swap3A_297, %swap3A_298], %mul3A_294 {strides = array<i32>} : memref<640x16xf32, #tpu.memory_space<vmem>>, vector<16xf32>,
      %slice3A_300 = vector.extract_strided_slice %get3A_104 {offsets = [8], sizes = [1], strides = [1]} : vector<16xf32> to vector<1xf32>
      %squeeze3A_301 = vector.extract %slice3A_300[0] : f32 from vector<1xf32>
      %mul3A_302 = vector.broadcast %squeeze3A_301 : f32 to vector<16xf32>
      %mul3A_303 = arith.mulf %broadcast_in_dim3A_14, %mul3A_302 : vector<16xf32>
      %add3A_304 = arith.constant 8 : i32
      %add3A_305 = arith.addi %mul3A_103, %add3A_304 : i32
      %swap3A_306 = arith.index_cast %add3A_305 : i32 to index
      %swap3A_307 = arith.constant 0 : index
      %swap3A_308 = tpu.vector_load %arg15[%swap3A_306, %swap3A_307] {strides = array<i32>} : memref<640x16xf32, #tpu.memory_space<vmem>>, vector<16xf32>,
      tpu.vector_store %arg15[%swap3A_306, %swap3A_307], %mul3A_303 {strides = array<i32>} : memref<640x16xf32, #tpu.memory_space<vmem>>, vector<16xf32>,
      %add3A_309 = arith.constant 9 : i32
      %add3A_310 = arith.addi %mul3A_103, %add3A_309 : i32
      %get3A_311 = arith.index_cast %add3A_310 : i32 to index
      %get3A_312 = arith.constant 0 : index
      %get3A_313 = tpu.vector_load %arg14[%get3A_311, %get3A_312] {strides = array<i32>} : memref<640x16xf32, #tpu.memory_space<vmem>>, vector<16xf32>,
      %slice3A_314 = vector.extract_strided_slice %get3A_104 {offsets = [9], sizes = [1], strides = [1]} : vector<16xf32> to vector<1xf32>
      %squeeze3A_315 = vector.extract %slice3A_314[0] : f32 from vector<1xf32>
      %mul3A_316 = vector.broadcast %squeeze3A_315 : f32 to vector<16xf32>
      %mul3A_317 = arith.mulf %get3A_313, %mul3A_316 : vector<16xf32>
      %add3A_318 = arith.constant 9 : i32
      %add3A_319 = arith.addi %mul3A_103, %add3A_318 : i32
      %swap3A_320 = arith.index_cast %add3A_319 : i32 to index
      %swap3A_321 = arith.constant 0 : index
      %swap3A_322 = tpu.vector_load %arg14[%swap3A_320, %swap3A_321] {strides = array<i32>} : memref<640x16xf32, #tpu.memory_space<vmem>>, vector<16xf32>,
      tpu.vector_store %arg14[%swap3A_320, %swap3A_321], %mul3A_317 {strides = array<i32>} : memref<640x16xf32, #tpu.memory_space<vmem>>, vector<16xf32>,
      %slice3A_323 = vector.extract_strided_slice %get3A_104 {offsets = [9], sizes = [1], strides = [1]} : vector<16xf32> to vector<1xf32>
      %squeeze3A_324 = vector.extract %slice3A_323[0] : f32 from vector<1xf32>
      %mul3A_325 = vector.broadcast %squeeze3A_324 : f32 to vector<16xf32>
      %mul3A_326 = arith.mulf %broadcast_in_dim3A_14, %mul3A_325 : vector<16xf32>
      %add3A_327 = arith.constant 9 : i32
      %add3A_328 = arith.addi %mul3A_103, %add3A_327 : i32
      %swap3A_329 = arith.index_cast %add3A_328 : i32 to index
      %swap3A_330 = arith.constant 0 : index
      %swap3A_331 = tpu.vector_load %arg15[%swap3A_329, %swap3A_330] {strides = array<i32>} : memref<640x16xf32, #tpu.memory_space<vmem>>, vector<16xf32>,
      tpu.vector_store %arg15[%swap3A_329, %swap3A_330], %mul3A_326 {strides = array<i32>} : memref<640x16xf32, #tpu.memory_space<vmem>>, vector<16xf32>,
      %add3A_332 = arith.constant 10 : i32
      %add3A_333 = arith.addi %mul3A_103, %add3A_332 : i32
      %get3A_334 = arith.index_cast %add3A_333 : i32 to index
      %get3A_335 = arith.constant 0 : index
      %get3A_336 = tpu.vector_load %arg14[%get3A_334, %get3A_335] {strides = array<i32>} : memref<640x16xf32, #tpu.memory_space<vmem>>, vector<16xf32>,
      %slice3A_337 = vector.extract_strided_slice %get3A_104 {offsets = [10], sizes = [1], strides = [1]} : vector<16xf32> to vector<1xf32>
      %squeeze3A_338 = vector.extract %slice3A_337[0] : f32 from vector<1xf32>
      %mul3A_339 = vector.broadcast %squeeze3A_338 : f32 to vector<16xf32>
      %mul3A_340 = arith.mulf %get3A_336, %mul3A_339 : vector<16xf32>
      %add3A_341 = arith.constant 10 : i32
      %add3A_342 = arith.addi %mul3A_103, %add3A_341 : i32
      %swap3A_343 = arith.index_cast %add3A_342 : i32 to index
      %swap3A_344 = arith.constant 0 : index
      %swap3A_345 = tpu.vector_load %arg14[%swap3A_343, %swap3A_344] {strides = array<i32>} : memref<640x16xf32, #tpu.memory_space<vmem>>, vector<16xf32>,
      tpu.vector_store %arg14[%swap3A_343, %swap3A_344], %mul3A_340 {strides = array<i32>} : memref<640x16xf32, #tpu.memory_space<vmem>>, vector<16xf32>,
      %slice3A_346 = vector.extract_strided_slice %get3A_104 {offsets = [10], sizes = [1], strides = [1]} : vector<16xf32> to vector<1xf32>
      %squeeze3A_347 = vector.extract %slice3A_346[0] : f32 from vector<1xf32>
      %mul3A_348 = vector.broadcast %squeeze3A_347 : f32 to vector<16xf32>
      %mul3A_349 = arith.mulf %broadcast_in_dim3A_14, %mul3A_348 : vector<16xf32>
      %add3A_350 = arith.constant 10 : i32
      %add3A_351 = arith.addi %mul3A_103, %add3A_350 : i32
      %swap3A_352 = arith.index_cast %add3A_351 : i32 to index
      %swap3A_353 = arith.constant 0 : index
      %swap3A_354 = tpu.vector_load %arg15[%swap3A_352, %swap3A_353] {strides = array<i32>} : memref<640x16xf32, #tpu.memory_space<vmem>>, vector<16xf32>,
      tpu.vector_store %arg15[%swap3A_352, %swap3A_353], %mul3A_349 {strides = array<i32>} : memref<640x16xf32, #tpu.memory_space<vmem>>, vector<16xf32>,
      %add3A_355 = arith.constant 11 : i32
      %add3A_356 = arith.addi %mul3A_103, %add3A_355 : i32
      %get3A_357 = arith.index_cast %add3A_356 : i32 to index
      %get3A_358 = arith.constant 0 : index
      %get3A_359 = tpu.vector_load %arg14[%get3A_357, %get3A_358] {strides = array<i32>} : memref<640x16xf32, #tpu.memory_space<vmem>>, vector<16xf32>,
      %slice3A_360 = vector.extract_strided_slice %get3A_104 {offsets = [11], sizes = [1], strides = [1]} : vector<16xf32> to vector<1xf32>
      %squeeze3A_361 = vector.extract %slice3A_360[0] : f32 from vector<1xf32>
      %mul3A_362 = vector.broadcast %squeeze3A_361 : f32 to vector<16xf32>
      %mul3A_363 = arith.mulf %get3A_359, %mul3A_362 : vector<16xf32>
      %add3A_364 = arith.constant 11 : i32
      %add3A_365 = arith.addi %mul3A_103, %add3A_364 : i32
      %swap3A_366 = arith.index_cast %add3A_365 : i32 to index
      %swap3A_367 = arith.constant 0 : index
      %swap3A_368 = tpu.vector_load %arg14[%swap3A_366, %swap3A_367] {strides = array<i32>} : memref<640x16xf32, #tpu.memory_space<vmem>>, vector<16xf32>,
      tpu.vector_store %arg14[%swap3A_366, %swap3A_367], %mul3A_363 {strides = array<i32>} : memref<640x16xf32, #tpu.memory_space<vmem>>, vector<16xf32>,
      %slice3A_369 = vector.extract_strided_slice %get3A_104 {offsets = [11], sizes = [1], strides = [1]} : vector<16xf32> to vector<1xf32>
      %squeeze3A_370 = vector.extract %slice3A_369[0] : f32 from vector<1xf32>
      %mul3A_371 = vector.broadcast %squeeze3A_370 : f32 to vector<16xf32>
      %mul3A_372 = arith.mulf %broadcast_in_dim3A_14, %mul3A_371 : vector<16xf32>
      %add3A_373 = arith.constant 11 : i32
      %add3A_374 = arith.addi %mul3A_103, %add3A_373 : i32
      %swap3A_375 = arith.index_cast %add3A_374 : i32 to index
      %swap3A_376 = arith.constant 0 : index
      %swap3A_377 = tpu.vector_load %arg15[%swap3A_375, %swap3A_376] {strides = array<i32>} : memref<640x16xf32, #tpu.memory_space<vmem>>, vector<16xf32>,
      tpu.vector_store %arg15[%swap3A_375, %swap3A_376], %mul3A_372 {strides = array<i32>} : memref<640x16xf32, #tpu.memory_space<vmem>>, vector<16xf32>,
      %add3A_378 = arith.constant 12 : i32
      %add3A_379 = arith.addi %mul3A_103, %add3A_378 : i32
      %get3A_380 = arith.index_cast %add3A_379 : i32 to index
      %get3A_381 = arith.constant 0 : index
      %get3A_382 = tpu.vector_load %arg14[%get3A_380, %get3A_381] {strides = array<i32>} : memref<640x16xf32, #tpu.memory_space<vmem>>, vector<16xf32>,
      %slice3A_383 = vector.extract_strided_slice %get3A_104 {offsets = [12], sizes = [1], strides = [1]} : vector<16xf32> to vector<1xf32>
      %squeeze3A_384 = vector.extract %slice3A_383[0] : f32 from vector<1xf32>
      %mul3A_385 = vector.broadcast %squeeze3A_384 : f32 to vector<16xf32>
      %mul3A_386 = arith.mulf %get3A_382, %mul3A_385 : vector<16xf32>
      %add3A_387 = arith.constant 12 : i32
      %add3A_388 = arith.addi %mul3A_103, %add3A_387 : i32
      %swap3A_389 = arith.index_cast %add3A_388 : i32 to index
      %swap3A_390 = arith.constant 0 : index
      %swap3A_391 = tpu.vector_load %arg14[%swap3A_389, %swap3A_390] {strides = array<i32>} : memref<640x16xf32, #tpu.memory_space<vmem>>, vector<16xf32>,
      tpu.vector_store %arg14[%swap3A_389, %swap3A_390], %mul3A_386 {strides = array<i32>} : memref<640x16xf32, #tpu.memory_space<vmem>>, vector<16xf32>,
      %slice3A_392 = vector.extract_strided_slice %get3A_104 {offsets = [12], sizes = [1], strides = [1]} : vector<16xf32> to vector<1xf32>
      %squeeze3A_393 = vector.extract %slice3A_392[0] : f32 from vector<1xf32>
      %mul3A_394 = vector.broadcast %squeeze3A_393 : f32 to vector<16xf32>
      %mul3A_395 = arith.mulf %broadcast_in_dim3A_14, %mul3A_394 : vector<16xf32>
      %add3A_396 = arith.constant 12 : i32
      %add3A_397 = arith.addi %mul3A_103, %add3A_396 : i32
      %swap3A_398 = arith.index_cast %add3A_397 : i32 to index
      %swap3A_399 = arith.constant 0 : index
      %swap3A_400 = tpu.vector_load %arg15[%swap3A_398, %swap3A_399] {strides = array<i32>} : memref<640x16xf32, #tpu.memory_space<vmem>>, vector<16xf32>,
      tpu.vector_store %arg15[%swap3A_398, %swap3A_399], %mul3A_395 {strides = array<i32>} : memref<640x16xf32, #tpu.memory_space<vmem>>, vector<16xf32>,
      %add3A_401 = arith.constant 13 : i32
      %add3A_402 = arith.addi %mul3A_103, %add3A_401 : i32
      %get3A_403 = arith.index_cast %add3A_402 : i32 to index
      %get3A_404 = arith.constant 0 : index
      %get3A_405 = tpu.vector_load %arg14[%get3A_403, %get3A_404] {strides = array<i32>} : memref<640x16xf32, #tpu.memory_space<vmem>>, vector<16xf32>,
      %slice3A_406 = vector.extract_strided_slice %get3A_104 {offsets = [13], sizes = [1], strides = [1]} : vector<16xf32> to vector<1xf32>
      %squeeze3A_407 = vector.extract %slice3A_406[0] : f32 from vector<1xf32>
      %mul3A_408 = vector.broadcast %squeeze3A_407 : f32 to vector<16xf32>
      %mul3A_409 = arith.mulf %get3A_405, %mul3A_408 : vector<16xf32>
      %add3A_410 = arith.constant 13 : i32
      %add3A_411 = arith.addi %mul3A_103, %add3A_410 : i32
      %swap3A_412 = arith.index_cast %add3A_411 : i32 to index
      %swap3A_413 = arith.constant 0 : index
      %swap3A_414 = tpu.vector_load %arg14[%swap3A_412, %swap3A_413] {strides = array<i32>} : memref<640x16xf32, #tpu.memory_space<vmem>>, vector<16xf32>,
      tpu.vector_store %arg14[%swap3A_412, %swap3A_413], %mul3A_409 {strides = array<i32>} : memref<640x16xf32, #tpu.memory_space<vmem>>, vector<16xf32>,
      %slice3A_415 = vector.extract_strided_slice %get3A_104 {offsets = [13], sizes = [1], strides = [1]} : vector<16xf32> to vector<1xf32>
      %squeeze3A_416 = vector.extract %slice3A_415[0] : f32 from vector<1xf32>
      %mul3A_417 = vector.broadcast %squeeze3A_416 : f32 to vector<16xf32>
      %mul3A_418 = arith.mulf %broadcast_in_dim3A_14, %mul3A_417 : vector<16xf32>
      %add3A_419 = arith.constant 13 : i32
      %add3A_420 = arith.addi %mul3A_103, %add3A_419 : i32
      %swap3A_421 = arith.index_cast %add3A_420 : i32 to index
      %swap3A_422 = arith.constant 0 : index
      %swap3A_423 = tpu.vector_load %arg15[%swap3A_421, %swap3A_422] {strides = array<i32>} : memref<640x16xf32, #tpu.memory_space<vmem>>, vector<16xf32>,
      tpu.vector_store %arg15[%swap3A_421, %swap3A_422], %mul3A_418 {strides = array<i32>} : memref<640x16xf32, #tpu.memory_space<vmem>>, vector<16xf32>,
      %add3A_424 = arith.constant 14 : i32
      %add3A_425 = arith.addi %mul3A_103, %add3A_424 : i32
      %get3A_426 = arith.index_cast %add3A_425 : i32 to index
      %get3A_427 = arith.constant 0 : index
      %get3A_428 = tpu.vector_load %arg14[%get3A_426, %get3A_427] {strides = array<i32>} : memref<640x16xf32, #tpu.memory_space<vmem>>, vector<16xf32>,
      %slice3A_429 = vector.extract_strided_slice %get3A_104 {offsets = [14], sizes = [1], strides = [1]} : vector<16xf32> to vector<1xf32>
      %squeeze3A_430 = vector.extract %slice3A_429[0] : f32 from vector<1xf32>
      %mul3A_431 = vector.broadcast %squeeze3A_430 : f32 to vector<16xf32>
      %mul3A_432 = arith.mulf %get3A_428, %mul3A_431 : vector<16xf32>
      %add3A_433 = arith.constant 14 : i32
      %add3A_434 = arith.addi %mul3A_103, %add3A_433 : i32
      %swap3A_435 = arith.index_cast %add3A_434 : i32 to index
      %swap3A_436 = arith.constant 0 : index
      %swap3A_437 = tpu.vector_load %arg14[%swap3A_435, %swap3A_436] {strides = array<i32>} : memref<640x16xf32, #tpu.memory_space<vmem>>, vector<16xf32>,
      tpu.vector_store %arg14[%swap3A_435, %swap3A_436], %mul3A_432 {strides = array<i32>} : memref<640x16xf32, #tpu.memory_space<vmem>>, vector<16xf32>,
      %slice3A_438 = vector.extract_strided_slice %get3A_104 {offsets = [14], sizes = [1], strides = [1]} : vector<16xf32> to vector<1xf32>
      %squeeze3A_439 = vector.extract %slice3A_438[0] : f32 from vector<1xf32>
      %mul3A_440 = vector.broadcast %squeeze3A_439 : f32 to vector<16xf32>
      %mul3A_441 = arith.mulf %broadcast_in_dim3A_14, %mul3A_440 : vector<16xf32>
      %add3A_442 = arith.constant 14 : i32
      %add3A_443 = arith.addi %mul3A_103, %add3A_442 : i32
      %swap3A_444 = arith.index_cast %add3A_443 : i32 to index
      %swap3A_445 = arith.constant 0 : index
      %swap3A_446 = tpu.vector_load %arg15[%swap3A_444, %swap3A_445] {strides = array<i32>} : memref<640x16xf32, #tpu.memory_space<vmem>>, vector<16xf32>,
      tpu.vector_store %arg15[%swap3A_444, %swap3A_445], %mul3A_441 {strides = array<i32>} : memref<640x16xf32, #tpu.memory_space<vmem>>, vector<16xf32>,
      %add3A_447 = arith.constant 15 : i32
      %add3A_448 = arith.addi %mul3A_103, %add3A_447 : i32
      %get3A_449 = arith.index_cast %add3A_448 : i32 to index
      %get3A_450 = arith.constant 0 : index
      %get3A_451 = tpu.vector_load %arg14[%get3A_449, %get3A_450] {strides = array<i32>} : memref<640x16xf32, #tpu.memory_space<vmem>>, vector<16xf32>,
      %slice3A_452 = vector.extract_strided_slice %get3A_104 {offsets = [15], sizes = [1], strides = [1]} : vector<16xf32> to vector<1xf32>
      %squeeze3A_453 = vector.extract %slice3A_452[0] : f32 from vector<1xf32>
      %mul3A_454 = vector.broadcast %squeeze3A_453 : f32 to vector<16xf32>
      %mul3A_455 = arith.mulf %get3A_451, %mul3A_454 : vector<16xf32>
      %add3A_456 = arith.constant 15 : i32
      %add3A_457 = arith.addi %mul3A_103, %add3A_456 : i32
      %swap3A_458 = arith.index_cast %add3A_457 : i32 to index
      %swap3A_459 = arith.constant 0 : index
      %swap3A_460 = tpu.vector_load %arg14[%swap3A_458, %swap3A_459] {strides = array<i32>} : memref<640x16xf32, #tpu.memory_space<vmem>>, vector<16xf32>,
      tpu.vector_store %arg14[%swap3A_458, %swap3A_459], %mul3A_455 {strides = array<i32>} : memref<640x16xf32, #tpu.memory_space<vmem>>, vector<16xf32>,
      %slice3A_461 = vector.extract_strided_slice %get3A_104 {offsets = [15], sizes = [1], strides = [1]} : vector<16xf32> to vector<1xf32>
      %squeeze3A_462 = vector.extract %slice3A_461[0] : f32 from vector<1xf32>
      %mul3A_463 = vector.broadcast %squeeze3A_462 : f32 to vector<16xf32>
      %mul3A_464 = arith.mulf %broadcast_in_dim3A_14, %mul3A_463 : vector<16xf32>
      %add3A_465 = arith.constant 15 : i32
      %add3A_466 = arith.addi %mul3A_103, %add3A_465 : i32
      %swap3A_467 = arith.index_cast %add3A_466 : i32 to index
      %swap3A_468 = arith.constant 0 : index
      %swap3A_469 = tpu.vector_load %arg15[%swap3A_467, %swap3A_468] {strides = array<i32>} : memref<640x16xf32, #tpu.memory_space<vmem>>, vector<16xf32>,
      tpu.vector_store %arg15[%swap3A_467, %swap3A_468], %mul3A_464 {strides = array<i32>} : memref<640x16xf32, #tpu.memory_space<vmem>>, vector<16xf32>,
    }
    %scan3A_39 = arith.constant 40 : i32
    %eq3A = arith.constant 0 : i32
    %eq3A_40 = arith.cmpi eq, %arg0, %eq3A : i32
    %convert_element_type3A = arith.extui %eq3A_40 : i1 to i32
    %cond3A = arith.constant 0 : i32
    %cond3A_41 = arith.cmpi ne, %convert_element_type3A, %cond3A : i32
    scf.if %cond3A_41 {
      "tpu.region"() ({
        %run_scoped3A_101 = tpu.sem_alloc : memref<!tpu.dma_semaphore, #tpu.memory_space<semaphore_mem>>
        %dma_start3A_102 = arith.constant 0 : i32
        %dma_start3A_103 = tpu.memref_slice %arg6[%mul3A_2, %dma_start3A_102] : memref<10240x16xf32, #tpu.memory_space<hbm>> -> memref<640x16xf32, #tpu.memory_space<hbm>>
        %dma_start3A_104 = arith.constant 0 : i32
        %dma_start3A_105 = tpu.memref_slice %arg6[%mul3A_2, %dma_start3A_104] : memref<10240x16xf32, #tpu.memory_space<hbm>> -> memref<640x16xf32, #tpu.memory_space<hbm>>
        tpu.enqueue_dma source(%arg15 : memref<640x16xf32, #tpu.memory_space<vmem>>) target(%dma_start3A_105 : memref<640x16xf32, #tpu.memory_space<hbm>>) target_semaphore(%run_scoped3A_101 : memref<!tpu.dma_semaphore, #tpu.memory_space<semaphore_mem>>)
        %dma_wait3A = arith.constant 0 : i32
        %dma_wait3A_106 = tpu.memref_slice %arg6[%mul3A_2, %dma_wait3A] : memref<10240x16xf32, #tpu.memory_space<hbm>> -> memref<640x16xf32, #tpu.memory_space<hbm>>
        %dma_wait3A_107 = arith.constant 0 : i32
        %dma_wait3A_108 = tpu.memref_slice %arg6[%mul3A_2, %dma_wait3A_107] : memref<10240x16xf32, #tpu.memory_space<hbm>> -> memref<640x16xf32, #tpu.memory_space<hbm>>
        tpu.wait_dma2 semaphore(%run_scoped3A_101 : memref<!tpu.dma_semaphore, #tpu.memory_space<semaphore_mem>>) src(%arg15 : memref<640x16xf32, #tpu.memory_space<vmem>>) dst(%dma_wait3A_108 : memref<640x16xf32, #tpu.memory_space<hbm>>)
        tpu.yield
      }) : () -> ()
    } else {
    }
    "tpu.region"() ({
      %run_scoped3A_101 = tpu.sem_alloc : memref<!tpu.dma_semaphore, #tpu.memory_space<semaphore_mem>>
      %dma_start3A_102 = arith.constant 0 : i32
      %dma_start3A_103 = tpu.memref_slice %arg17[%mul3A_2, %dma_start3A_102] : memref<10240x16xf32, #tpu.memory_space<vmem_shared>> -> memref<640x16xf32, #tpu.memory_space<vmem_shared>>
      %dma_start3A_104 = arith.constant 0 : i32
      %dma_start3A_105 = tpu.memref_slice %arg17[%mul3A_2, %dma_start3A_104] : memref<10240x16xf32, #tpu.memory_space<vmem_shared>> -> memref<640x16xf32, #tpu.memory_space<vmem_shared>>
      tpu.enqueue_dma source(%arg14 : memref<640x16xf32, #tpu.memory_space<vmem>>) target(%dma_start3A_105 : memref<640x16xf32, #tpu.memory_space<vmem_shared>>) target_semaphore(%run_scoped3A_101 : memref<!tpu.dma_semaphore, #tpu.memory_space<semaphore_mem>>)
      %dma_wait3A = arith.constant 0 : i32
      %dma_wait3A_106 = tpu.memref_slice %arg17[%mul3A_2, %dma_wait3A] : memref<10240x16xf32, #tpu.memory_space<vmem_shared>> -> memref<640x16xf32, #tpu.memory_space<vmem_shared>>
      %dma_wait3A_107 = arith.constant 0 : i32
      %dma_wait3A_108 = tpu.memref_slice %arg17[%mul3A_2, %dma_wait3A_107] : memref<10240x16xf32, #tpu.memory_space<vmem_shared>> -> memref<640x16xf32, #tpu.memory_space<vmem_shared>>
      tpu.wait_dma2 semaphore(%run_scoped3A_101 : memref<!tpu.dma_semaphore, #tpu.memory_space<semaphore_mem>>) src(%arg14 : memref<640x16xf32, #tpu.memory_space<vmem>>) dst(%dma_wait3A_108 : memref<640x16xf32, #tpu.memory_space<vmem_shared>>)
      tpu.yield
    }) : () -> ()
    %barrier3A_42 = arith.constant 0 : index
    tpu.barrier barrier_id(%barrier3A_42)
    %dma_start3A = arith.constant 0 : i32
    %dma_start3A_43 = arith.constant 0 : i32
    %dma_start3A_44 = arith.constant 0 : i32
    %dma_start3A_45 = arith.constant 0 : i32
    %dma_start3A_46 = arith.constant 0 : i32
    %dma_start3A_47 = tpu.memref_slice %arg9[%dma_start3A_43, %dma_start3A_44, %dma_start3A_45, %dma_start3A_46] : memref<2x4x128x16xf32, #tpu.memory_space<vmem>> -> memref<1x1x128x16xf32, #tpu.memory_space<vmem>>
    %dma_start3A_48 = tpu.memref_squeeze %dma_start3A_47 : memref<1x1x128x16xf32, #tpu.memory_space<vmem>> -> memref<128x16xf32, #tpu.memory_space<vmem>>
    %dma_start3A_49 = arith.constant 0 : i32
    %dma_start3A_50 = tpu.memref_slice %arg7[%dma_start3A, %dma_start3A_49] : memref<80x128xi32, #tpu.memory_space<vmem>> -> memref<1x128xi32, #tpu.memory_space<vmem>>
    %dma_start3A_51 = tpu.memref_squeeze %dma_start3A_50 : memref<1x128xi32, #tpu.memory_space<vmem>> -> memref<128xi32, #tpu.memory_space<vmem>>
    %dma_start3A_52 = arith.constant 0 : i32
    %dma_start3A_53 = arith.constant 0 : i32
    %dma_start3A_54 = tpu.memref_slice %arg17[%dma_start3A_52, %dma_start3A_53] : memref<10240x16xf32, #tpu.memory_space<vmem_shared>> -> memref<10240x16xf32, #tpu.memory_space<vmem_shared>>
    tpu.enqueue_indirect_dma source(%dma_start3A_54 : memref<10240x16xf32, #tpu.memory_space<vmem_shared>>) target(%dma_start3A_48 : memref<128x16xf32, #tpu.memory_space<vmem>>) offsets(%dma_start3A_51 : memref<128xi32, #tpu.memory_space<vmem>>) semaphore(%arg19 : memref<!tpu.dma_semaphore, #tpu.memory_space<semaphore_mem>>)
    %dma_start3A_55 = arith.constant 1 : i32
    %dma_start3A_56 = arith.constant 0 : i32
    %dma_start3A_57 = arith.constant 1 : i32
    %dma_start3A_58 = arith.constant 0 : i32
    %dma_start3A_59 = arith.constant 0 : i32
    %dma_start3A_60 = tpu.memref_slice %arg9[%dma_start3A_56, %dma_start3A_57, %dma_start3A_58, %dma_start3A_59] : memref<2x4x128x16xf32, #tpu.memory_space<vmem>> -> memref<1x1x128x16xf32, #tpu.memory_space<vmem>>
    %dma_start3A_61 = tpu.memref_squeeze %dma_start3A_60 : memref<1x1x128x16xf32, #tpu.memory_space<vmem>> -> memref<128x16xf32, #tpu.memory_space<vmem>>
    %dma_start3A_62 = arith.constant 0 : i32
    %dma_start3A_63 = tpu.memref_slice %arg7[%dma_start3A_55, %dma_start3A_62] : memref<80x128xi32, #tpu.memory_space<vmem>> -> memref<1x128xi32, #tpu.memory_space<vmem>>
    %dma_start3A_64 = tpu.memref_squeeze %dma_start3A_63 : memref<1x128xi32, #tpu.memory_space<vmem>> -> memref<128xi32, #tpu.memory_space<vmem>>
    %dma_start3A_65 = arith.constant 0 : i32
    %dma_start3A_66 = arith.constant 0 : i32
    %dma_start3A_67 = tpu.memref_slice %arg17[%dma_start3A_65, %dma_start3A_66] : memref<10240x16xf32, #tpu.memory_space<vmem_shared>> -> memref<10240x16xf32, #tpu.memory_space<vmem_shared>>
    tpu.enqueue_indirect_dma source(%dma_start3A_67 : memref<10240x16xf32, #tpu.memory_space<vmem_shared>>) target(%dma_start3A_61 : memref<128x16xf32, #tpu.memory_space<vmem>>) offsets(%dma_start3A_64 : memref<128xi32, #tpu.memory_space<vmem>>) semaphore(%arg19 : memref<!tpu.dma_semaphore, #tpu.memory_space<semaphore_mem>>)
    %dma_start3A_68 = arith.constant 2 : i32
    %dma_start3A_69 = arith.constant 0 : i32
    %dma_start3A_70 = arith.constant 2 : i32
    %dma_start3A_71 = arith.constant 0 : i32
    %dma_start3A_72 = arith.constant 0 : i32
    %dma_start3A_73 = tpu.memref_slice %arg9[%dma_start3A_69, %dma_start3A_70, %dma_start3A_71, %dma_start3A_72] : memref<2x4x128x16xf32, #tpu.memory_space<vmem>> -> memref<1x1x128x16xf32, #tpu.memory_space<vmem>>
    %dma_start3A_74 = tpu.memref_squeeze %dma_start3A_73 : memref<1x1x128x16xf32, #tpu.memory_space<vmem>> -> memref<128x16xf32, #tpu.memory_space<vmem>>
    %dma_start3A_75 = arith.constant 0 : i32
    %dma_start3A_76 = tpu.memref_slice %arg7[%dma_start3A_68, %dma_start3A_75] : memref<80x128xi32, #tpu.memory_space<vmem>> -> memref<1x128xi32, #tpu.memory_space<vmem>>
    %dma_start3A_77 = tpu.memref_squeeze %dma_start3A_76 : memref<1x128xi32, #tpu.memory_space<vmem>> -> memref<128xi32, #tpu.memory_space<vmem>>
    %dma_start3A_78 = arith.constant 0 : i32
    %dma_start3A_79 = arith.constant 0 : i32
    %dma_start3A_80 = tpu.memref_slice %arg17[%dma_start3A_78, %dma_start3A_79] : memref<10240x16xf32, #tpu.memory_space<vmem_shared>> -> memref<10240x16xf32, #tpu.memory_space<vmem_shared>>
    tpu.enqueue_indirect_dma source(%dma_start3A_80 : memref<10240x16xf32, #tpu.memory_space<vmem_shared>>) target(%dma_start3A_74 : memref<128x16xf32, #tpu.memory_space<vmem>>) offsets(%dma_start3A_77 : memref<128xi32, #tpu.memory_space<vmem>>) semaphore(%arg19 : memref<!tpu.dma_semaphore, #tpu.memory_space<semaphore_mem>>)
    %dma_start3A_81 = arith.constant 3 : i32
    %dma_start3A_82 = arith.constant 0 : i32
    %dma_start3A_83 = arith.constant 3 : i32
    %dma_start3A_84 = arith.constant 0 : i32
    %dma_start3A_85 = arith.constant 0 : i32
    %dma_start3A_86 = tpu.memref_slice %arg9[%dma_start3A_82, %dma_start3A_83, %dma_start3A_84, %dma_start3A_85] : memref<2x4x128x16xf32, #tpu.memory_space<vmem>> -> memref<1x1x128x16xf32, #tpu.memory_space<vmem>>
    %dma_start3A_87 = tpu.memref_squeeze %dma_start3A_86 : memref<1x1x128x16xf32, #tpu.memory_space<vmem>> -> memref<128x16xf32, #tpu.memory_space<vmem>>
    %dma_start3A_88 = arith.constant 0 : i32
    %dma_start3A_89 = tpu.memref_slice %arg7[%dma_start3A_81, %dma_start3A_88] : memref<80x128xi32, #tpu.memory_space<vmem>> -> memref<1x128xi32, #tpu.memory_space<vmem>>
    %dma_start3A_90 = tpu.memref_squeeze %dma_start3A_89 : memref<1x128xi32, #tpu.memory_space<vmem>> -> memref<128xi32, #tpu.memory_space<vmem>>
    %dma_start3A_91 = arith.constant 0 : i32
    %dma_start3A_92 = arith.constant 0 : i32
    %dma_start3A_93 = tpu.memref_slice %arg17[%dma_start3A_91, %dma_start3A_92] : memref<10240x16xf32, #tpu.memory_space<vmem_shared>> -> memref<10240x16xf32, #tpu.memory_space<vmem_shared>>
    tpu.enqueue_indirect_dma source(%dma_start3A_93 : memref<10240x16xf32, #tpu.memory_space<vmem_shared>>) target(%dma_start3A_87 : memref<128x16xf32, #tpu.memory_space<vmem>>) offsets(%dma_start3A_90 : memref<128xi32, #tpu.memory_space<vmem>>) semaphore(%arg19 : memref<!tpu.dma_semaphore, #tpu.memory_space<semaphore_mem>>)
    %scan3A_94 = arith.constant 0 : i32
    %scan3A_95 = arith.constant 0 : i32
    %scan3A_96 = arith.constant 10 : i32
    %scan3A_97 = arith.addi %scan3A_95, %scan3A_96 : i32
    %scan3A_98 = arith.constant 1 : i32
    scf.for %scan3A_101 = %scan3A_95 to %scan3A_97 step %scan3A_98  : i32 {
      %mul3A_102 = arith.constant 2 : i32
      %mul3A_103 = arith.muli %mul3A_102, %scan3A_101 : i32
      %add3A_104 = arith.constant 1 : i32
      %add3A_105 = arith.addi %mul3A_103, %add3A_104 : i32
      %mul3A_106 = arith.constant 4 : i32
      %mul3A_107 = arith.muli %add3A_105, %mul3A_106 : i32
      %add3A_108 = arith.constant 0 : i32
      %add3A_109 = arith.addi %mul3A_107, %add3A_108 : i32
      %dma_start3A_110 = arith.constant 1 : i32
      %dma_start3A_111 = arith.constant 0 : i32
      %dma_start3A_112 = arith.constant 0 : i32
      %dma_start3A_113 = arith.constant 0 : i32
      %dma_start3A_114 = tpu.memref_slice %arg9[%dma_start3A_110, %dma_start3A_111, %dma_start3A_112, %dma_start3A_113] : memref<2x4x128x16xf32, #tpu.memory_space<vmem>> -> memref<1x1x128x16xf32, #tpu.memory_space<vmem>>
      %dma_start3A_115 = tpu.memref_squeeze %dma_start3A_114 : memref<1x1x128x16xf32, #tpu.memory_space<vmem>> -> memref<128x16xf32, #tpu.memory_space<vmem>>
      %dma_start3A_116 = arith.constant 0 : i32
      %dma_start3A_117 = tpu.memref_slice %arg7[%add3A_109, %dma_start3A_116] : memref<80x128xi32, #tpu.memory_space<vmem>> -> memref<1x128xi32, #tpu.memory_space<vmem>>
      %dma_start3A_118 = tpu.memref_squeeze %dma_start3A_117 : memref<1x128xi32, #tpu.memory_space<vmem>> -> memref<128xi32, #tpu.memory_space<vmem>>
      %dma_start3A_119 = arith.constant 0 : i32
      %dma_start3A_120 = arith.constant 0 : i32
      %dma_start3A_121 = tpu.memref_slice %arg17[%dma_start3A_119, %dma_start3A_120] : memref<10240x16xf32, #tpu.memory_space<vmem_shared>> -> memref<10240x16xf32, #tpu.memory_space<vmem_shared>>
      tpu.enqueue_indirect_dma source(%dma_start3A_121 : memref<10240x16xf32, #tpu.memory_space<vmem_shared>>) target(%dma_start3A_115 : memref<128x16xf32, #tpu.memory_space<vmem>>) offsets(%dma_start3A_118 : memref<128xi32, #tpu.memory_space<vmem>>) semaphore(%arg20 : memref<!tpu.dma_semaphore, #tpu.memory_space<semaphore_mem>>)
      %mul3A_122 = arith.constant 4 : i32
      %mul3A_123 = arith.muli %add3A_105, %mul3A_122 : i32
      %add3A_124 = arith.constant 1 : i32
      %add3A_125 = arith.addi %mul3A_123, %add3A_124 : i32
      %dma_start3A_126 = arith.constant 1 : i32
      %dma_start3A_127 = arith.constant 1 : i32
      %dma_start3A_128 = arith.constant 0 : i32
      %dma_start3A_129 = arith.constant 0 : i32
      %dma_start3A_130 = tpu.memref_slice %arg9[%dma_start3A_126, %dma_start3A_127, %dma_start3A_128, %dma_start3A_129] : memref<2x4x128x16xf32, #tpu.memory_space<vmem>> -> memref<1x1x128x16xf32, #tpu.memory_space<vmem>>
      %dma_start3A_131 = tpu.memref_squeeze %dma_start3A_130 : memref<1x1x128x16xf32, #tpu.memory_space<vmem>> -> memref<128x16xf32, #tpu.memory_space<vmem>>
      %dma_start3A_132 = arith.constant 0 : i32
      %dma_start3A_133 = tpu.memref_slice %arg7[%add3A_125, %dma_start3A_132] : memref<80x128xi32, #tpu.memory_space<vmem>> -> memref<1x128xi32, #tpu.memory_space<vmem>>
      %dma_start3A_134 = tpu.memref_squeeze %dma_start3A_133 : memref<1x128xi32, #tpu.memory_space<vmem>> -> memref<128xi32, #tpu.memory_space<vmem>>
      %dma_start3A_135 = arith.constant 0 : i32
      %dma_start3A_136 = arith.constant 0 : i32
      %dma_start3A_137 = tpu.memref_slice %arg17[%dma_start3A_135, %dma_start3A_136] : memref<10240x16xf32, #tpu.memory_space<vmem_shared>> -> memref<10240x16xf32, #tpu.memory_space<vmem_shared>>
      tpu.enqueue_indirect_dma source(%dma_start3A_137 : memref<10240x16xf32, #tpu.memory_space<vmem_shared>>) target(%dma_start3A_131 : memref<128x16xf32, #tpu.memory_space<vmem>>) offsets(%dma_start3A_134 : memref<128xi32, #tpu.memory_space<vmem>>) semaphore(%arg20 : memref<!tpu.dma_semaphore, #tpu.memory_space<semaphore_mem>>)
      %mul3A_138 = arith.constant 4 : i32
      %mul3A_139 = arith.muli %add3A_105, %mul3A_138 : i32
      %add3A_140 = arith.constant 2 : i32
      %add3A_141 = arith.addi %mul3A_139, %add3A_140 : i32
      %dma_start3A_142 = arith.constant 1 : i32
      %dma_start3A_143 = arith.constant 2 : i32
      %dma_start3A_144 = arith.constant 0 : i32
      %dma_start3A_145 = arith.constant 0 : i32
      %dma_start3A_146 = tpu.memref_slice %arg9[%dma_start3A_142, %dma_start3A_143, %dma_start3A_144, %dma_start3A_145] : memref<2x4x128x16xf32, #tpu.memory_space<vmem>> -> memref<1x1x128x16xf32, #tpu.memory_space<vmem>>
      %dma_start3A_147 = tpu.memref_squeeze %dma_start3A_146 : memref<1x1x128x16xf32, #tpu.memory_space<vmem>> -> memref<128x16xf32, #tpu.memory_space<vmem>>
      %dma_start3A_148 = arith.constant 0 : i32
      %dma_start3A_149 = tpu.memref_slice %arg7[%add3A_141, %dma_start3A_148] : memref<80x128xi32, #tpu.memory_space<vmem>> -> memref<1x128xi32, #tpu.memory_space<vmem>>
      %dma_start3A_150 = tpu.memref_squeeze %dma_start3A_149 : memref<1x128xi32, #tpu.memory_space<vmem>> -> memref<128xi32, #tpu.memory_space<vmem>>
      %dma_start3A_151 = arith.constant 0 : i32
      %dma_start3A_152 = arith.constant 0 : i32
      %dma_start3A_153 = tpu.memref_slice %arg17[%dma_start3A_151, %dma_start3A_152] : memref<10240x16xf32, #tpu.memory_space<vmem_shared>> -> memref<10240x16xf32, #tpu.memory_space<vmem_shared>>
      tpu.enqueue_indirect_dma source(%dma_start3A_153 : memref<10240x16xf32, #tpu.memory_space<vmem_shared>>) target(%dma_start3A_147 : memref<128x16xf32, #tpu.memory_space<vmem>>) offsets(%dma_start3A_150 : memref<128xi32, #tpu.memory_space<vmem>>) semaphore(%arg20 : memref<!tpu.dma_semaphore, #tpu.memory_space<semaphore_mem>>)
      %mul3A_154 = arith.constant 4 : i32
      %mul3A_155 = arith.muli %add3A_105, %mul3A_154 : i32
      %add3A_156 = arith.constant 3 : i32
      %add3A_157 = arith.addi %mul3A_155, %add3A_156 : i32
      %dma_start3A_158 = arith.constant 1 : i32
      %dma_start3A_159 = arith.constant 3 : i32
      %dma_start3A_160 = arith.constant 0 : i32
      %dma_start3A_161 = arith.constant 0 : i32
      %dma_start3A_162 = tpu.memref_slice %arg9[%dma_start3A_158, %dma_start3A_159, %dma_start3A_160, %dma_start3A_161] : memref<2x4x128x16xf32, #tpu.memory_space<vmem>> -> memref<1x1x128x16xf32, #tpu.memory_space<vmem>>
      %dma_start3A_163 = tpu.memref_squeeze %dma_start3A_162 : memref<1x1x128x16xf32, #tpu.memory_space<vmem>> -> memref<128x16xf32, #tpu.memory_space<vmem>>
      %dma_start3A_164 = arith.constant 0 : i32
      %dma_start3A_165 = tpu.memref_slice %arg7[%add3A_157, %dma_start3A_164] : memref<80x128xi32, #tpu.memory_space<vmem>> -> memref<1x128xi32, #tpu.memory_space<vmem>>
      %dma_start3A_166 = tpu.memref_squeeze %dma_start3A_165 : memref<1x128xi32, #tpu.memory_space<vmem>> -> memref<128xi32, #tpu.memory_space<vmem>>
      %dma_start3A_167 = arith.constant 0 : i32
      %dma_start3A_168 = arith.constant 0 : i32
      %dma_start3A_169 = tpu.memref_slice %arg17[%dma_start3A_167, %dma_start3A_168] : memref<10240x16xf32, #tpu.memory_space<vmem_shared>> -> memref<10240x16xf32, #tpu.memory_space<vmem_shared>>
      tpu.enqueue_indirect_dma source(%dma_start3A_169 : memref<10240x16xf32, #tpu.memory_space<vmem_shared>>) target(%dma_start3A_163 : memref<128x16xf32, #tpu.memory_space<vmem>>) offsets(%dma_start3A_166 : memref<128xi32, #tpu.memory_space<vmem>>) semaphore(%arg20 : memref<!tpu.dma_semaphore, #tpu.memory_space<semaphore_mem>>)
      %dma_wait3A = arith.constant 0 : i32
      %dma_wait3A_170 = arith.constant 0 : i32
      %dma_wait3A_171 = arith.constant 0 : i32
      %dma_wait3A_172 = arith.constant 0 : i32
      %dma_wait3A_173 = tpu.memref_slice %arg9[%dma_wait3A, %dma_wait3A_170, %dma_wait3A_171, %dma_wait3A_172] : memref<2x4x128x16xf32, #tpu.memory_space<vmem>> -> memref<1x1x128x16xf32, #tpu.memory_space<vmem>>
      %dma_wait3A_174 = tpu.memref_squeeze %dma_wait3A_173 : memref<1x1x128x16xf32, #tpu.memory_space<vmem>> -> memref<128x16xf32, #tpu.memory_space<vmem>>
      %dma_wait3A_175 = arith.constant 0 : i32
      %dma_wait3A_176 = arith.constant 0 : i32
      %dma_wait3A_177 = tpu.memref_slice %arg17[%dma_wait3A_175, %dma_wait3A_176] : memref<10240x16xf32, #tpu.memory_space<vmem_shared>> -> memref<128x16xf32, #tpu.memory_space<vmem_shared>>
      %dma_wait3A_178 = arith.constant 0 : i32
      %dma_wait3A_179 = arith.constant 0 : i32
      %dma_wait3A_180 = tpu.memref_slice %arg9[%dma_wait3A, %dma_wait3A_170, %dma_wait3A_178, %dma_wait3A_179] : memref<2x4x128x16xf32, #tpu.memory_space<vmem>> -> memref<1x1x128x16xf32, #tpu.memory_space<vmem>>
      %dma_wait3A_181 = tpu.memref_squeeze %dma_wait3A_180 : memref<1x1x128x16xf32, #tpu.memory_space<vmem>> -> memref<128x16xf32, #tpu.memory_space<vmem>>
      %dma_wait3A_182 = arith.constant 0 : i32
      %dma_wait3A_183 = arith.constant 0 : i32
      %dma_wait3A_184 = tpu.memref_slice %arg17[%dma_wait3A_182, %dma_wait3A_183] : memref<10240x16xf32, #tpu.memory_space<vmem_shared>> -> memref<128x16xf32, #tpu.memory_space<vmem_shared>>
      tpu.wait_dma2 semaphore(%arg19 : memref<!tpu.dma_semaphore, #tpu.memory_space<semaphore_mem>>) src(%dma_wait3A_184 : memref<128x16xf32, #tpu.memory_space<vmem_shared>>) dst(%dma_wait3A_181 : memref<128x16xf32, #tpu.memory_space<vmem>>)
      %dma_wait3A_185 = arith.constant 0 : i32
      %dma_wait3A_186 = arith.constant 1 : i32
      %dma_wait3A_187 = arith.constant 0 : i32
      %dma_wait3A_188 = arith.constant 0 : i32
      %dma_wait3A_189 = tpu.memref_slice %arg9[%dma_wait3A_185, %dma_wait3A_186, %dma_wait3A_187, %dma_wait3A_188] : memref<2x4x128x16xf32, #tpu.memory_space<vmem>> -> memref<1x1x128x16xf32, #tpu.memory_space<vmem>>
      %dma_wait3A_190 = tpu.memref_squeeze %dma_wait3A_189 : memref<1x1x128x16xf32, #tpu.memory_space<vmem>> -> memref<128x16xf32, #tpu.memory_space<vmem>>
      %dma_wait3A_191 = arith.constant 0 : i32
      %dma_wait3A_192 = arith.constant 0 : i32
      %dma_wait3A_193 = tpu.memref_slice %arg17[%dma_wait3A_191, %dma_wait3A_192] : memref<10240x16xf32, #tpu.memory_space<vmem_shared>> -> memref<128x16xf32, #tpu.memory_space<vmem_shared>>
      %dma_wait3A_194 = arith.constant 0 : i32
      %dma_wait3A_195 = arith.constant 0 : i32
      %dma_wait3A_196 = tpu.memref_slice %arg9[%dma_wait3A_185, %dma_wait3A_186, %dma_wait3A_194, %dma_wait3A_195] : memref<2x4x128x16xf32, #tpu.memory_space<vmem>> -> memref<1x1x128x16xf32, #tpu.memory_space<vmem>>
      %dma_wait3A_197 = tpu.memref_squeeze %dma_wait3A_196 : memref<1x1x128x16xf32, #tpu.memory_space<vmem>> -> memref<128x16xf32, #tpu.memory_space<vmem>>
      %dma_wait3A_198 = arith.constant 0 : i32
      %dma_wait3A_199 = arith.constant 0 : i32
      %dma_wait3A_200 = tpu.memref_slice %arg17[%dma_wait3A_198, %dma_wait3A_199] : memref<10240x16xf32, #tpu.memory_space<vmem_shared>> -> memref<128x16xf32, #tpu.memory_space<vmem_shared>>
      tpu.wait_dma2 semaphore(%arg19 : memref<!tpu.dma_semaphore, #tpu.memory_space<semaphore_mem>>) src(%dma_wait3A_200 : memref<128x16xf32, #tpu.memory_space<vmem_shared>>) dst(%dma_wait3A_197 : memref<128x16xf32, #tpu.memory_space<vmem>>)
      %dma_wait3A_201 = arith.constant 0 : i32
      %dma_wait3A_202 = arith.constant 2 : i32
      %dma_wait3A_203 = arith.constant 0 : i32
      %dma_wait3A_204 = arith.constant 0 : i32
      %dma_wait3A_205 = tpu.memref_slice %arg9[%dma_wait3A_201, %dma_wait3A_202, %dma_wait3A_203, %dma_wait3A_204] : memref<2x4x128x16xf32, #tpu.memory_space<vmem>> -> memref<1x1x128x16xf32, #tpu.memory_space<vmem>>
      %dma_wait3A_206 = tpu.memref_squeeze %dma_wait3A_205 : memref<1x1x128x16xf32, #tpu.memory_space<vmem>> -> memref<128x16xf32, #tpu.memory_space<vmem>>
      %dma_wait3A_207 = arith.constant 0 : i32
      %dma_wait3A_208 = arith.constant 0 : i32
      %dma_wait3A_209 = tpu.memref_slice %arg17[%dma_wait3A_207, %dma_wait3A_208] : memref<10240x16xf32, #tpu.memory_space<vmem_shared>> -> memref<128x16xf32, #tpu.memory_space<vmem_shared>>
      %dma_wait3A_210 = arith.constant 0 : i32
      %dma_wait3A_211 = arith.constant 0 : i32
      %dma_wait3A_212 = tpu.memref_slice %arg9[%dma_wait3A_201, %dma_wait3A_202, %dma_wait3A_210, %dma_wait3A_211] : memref<2x4x128x16xf32, #tpu.memory_space<vmem>> -> memref<1x1x128x16xf32, #tpu.memory_space<vmem>>
      %dma_wait3A_213 = tpu.memref_squeeze %dma_wait3A_212 : memref<1x1x128x16xf32, #tpu.memory_space<vmem>> -> memref<128x16xf32, #tpu.memory_space<vmem>>
      %dma_wait3A_214 = arith.constant 0 : i32
      %dma_wait3A_215 = arith.constant 0 : i32
      %dma_wait3A_216 = tpu.memref_slice %arg17[%dma_wait3A_214, %dma_wait3A_215] : memref<10240x16xf32, #tpu.memory_space<vmem_shared>> -> memref<128x16xf32, #tpu.memory_space<vmem_shared>>
      tpu.wait_dma2 semaphore(%arg19 : memref<!tpu.dma_semaphore, #tpu.memory_space<semaphore_mem>>) src(%dma_wait3A_216 : memref<128x16xf32, #tpu.memory_space<vmem_shared>>) dst(%dma_wait3A_213 : memref<128x16xf32, #tpu.memory_space<vmem>>)
      %dma_wait3A_217 = arith.constant 0 : i32
      %dma_wait3A_218 = arith.constant 3 : i32
      %dma_wait3A_219 = arith.constant 0 : i32
      %dma_wait3A_220 = arith.constant 0 : i32
      %dma_wait3A_221 = tpu.memref_slice %arg9[%dma_wait3A_217, %dma_wait3A_218, %dma_wait3A_219, %dma_wait3A_220] : memref<2x4x128x16xf32, #tpu.memory_space<vmem>> -> memref<1x1x128x16xf32, #tpu.memory_space<vmem>>
      %dma_wait3A_222 = tpu.memref_squeeze %dma_wait3A_221 : memref<1x1x128x16xf32, #tpu.memory_space<vmem>> -> memref<128x16xf32, #tpu.memory_space<vmem>>
      %dma_wait3A_223 = arith.constant 0 : i32
      %dma_wait3A_224 = arith.constant 0 : i32
      %dma_wait3A_225 = tpu.memref_slice %arg17[%dma_wait3A_223, %dma_wait3A_224] : memref<10240x16xf32, #tpu.memory_space<vmem_shared>> -> memref<128x16xf32, #tpu.memory_space<vmem_shared>>
      %dma_wait3A_226 = arith.constant 0 : i32
      %dma_wait3A_227 = arith.constant 0 : i32
      %dma_wait3A_228 = tpu.memref_slice %arg9[%dma_wait3A_217, %dma_wait3A_218, %dma_wait3A_226, %dma_wait3A_227] : memref<2x4x128x16xf32, #tpu.memory_space<vmem>> -> memref<1x1x128x16xf32, #tpu.memory_space<vmem>>
      %dma_wait3A_229 = tpu.memref_squeeze %dma_wait3A_228 : memref<1x1x128x16xf32, #tpu.memory_space<vmem>> -> memref<128x16xf32, #tpu.memory_space<vmem>>
      %dma_wait3A_230 = arith.constant 0 : i32
      %dma_wait3A_231 = arith.constant 0 : i32
      %dma_wait3A_232 = tpu.memref_slice %arg17[%dma_wait3A_230, %dma_wait3A_231] : memref<10240x16xf32, #tpu.memory_space<vmem_shared>> -> memref<128x16xf32, #tpu.memory_space<vmem_shared>>
      tpu.wait_dma2 semaphore(%arg19 : memref<!tpu.dma_semaphore, #tpu.memory_space<semaphore_mem>>) src(%dma_wait3A_232 : memref<128x16xf32, #tpu.memory_space<vmem_shared>>) dst(%dma_wait3A_229 : memref<128x16xf32, #tpu.memory_space<vmem>>)
      %mul3A_233 = arith.constant 4 : i32
      %mul3A_234 = arith.muli %mul3A_103, %mul3A_233 : i32
      %add3A_235 = arith.constant 0 : i32
      %add3A_236 = arith.addi %mul3A_234, %add3A_235 : i32
      %dma_start3A_237 = arith.constant 0 : i32
      %dma_start3A_238 = arith.constant 0 : i32
      %dma_start3A_239 = arith.constant 0 : i32
      %dma_start3A_240 = arith.constant 0 : i32
      %dma_start3A_241 = tpu.memref_slice %arg9[%dma_start3A_237, %dma_start3A_238, %dma_start3A_239, %dma_start3A_240] : memref<2x4x128x16xf32, #tpu.memory_space<vmem>> -> memref<1x1x128x16xf32, #tpu.memory_space<vmem>>
      %dma_start3A_242 = tpu.memref_squeeze %dma_start3A_241 : memref<1x1x128x16xf32, #tpu.memory_space<vmem>> -> memref<128x16xf32, #tpu.memory_space<vmem>>
      %dma_start3A_243 = arith.constant 0 : i32
      %dma_start3A_244 = tpu.memref_slice %arg8[%add3A_236, %dma_start3A_243] : memref<80x128xi32, #tpu.memory_space<vmem>> -> memref<1x128xi32, #tpu.memory_space<vmem>>
      %dma_start3A_245 = tpu.memref_squeeze %dma_start3A_244 : memref<1x128xi32, #tpu.memory_space<vmem>> -> memref<128xi32, #tpu.memory_space<vmem>>
      %dma_start3A_246 = arith.constant 0 : i32
      %dma_start3A_247 = arith.constant 0 : i32
      %dma_start3A_248 = tpu.memref_slice %arg16[%dma_start3A_246, %dma_start3A_247] : memref<10240x16xf32, #tpu.memory_space<vmem_shared>> -> memref<10240x16xf32, #tpu.memory_space<vmem_shared>>
      tpu.enqueue_indirect_dma source(%dma_start3A_242 : memref<128x16xf32, #tpu.memory_space<vmem>>) target(%dma_start3A_248 : memref<10240x16xf32, #tpu.memory_space<vmem_shared>>) offsets(%dma_start3A_245 : memref<128xi32, #tpu.memory_space<vmem>>) semaphore(%arg21 : memref<!tpu.dma_semaphore, #tpu.memory_space<semaphore_mem>>) {add = true}
      %mul3A_249 = arith.constant 4 : i32
      %mul3A_250 = arith.muli %mul3A_103, %mul3A_249 : i32
      %add3A_251 = arith.constant 1 : i32
      %add3A_252 = arith.addi %mul3A_250, %add3A_251 : i32
      %dma_start3A_253 = arith.constant 0 : i32
      %dma_start3A_254 = arith.constant 1 : i32
      %dma_start3A_255 = arith.constant 0 : i32
      %dma_start3A_256 = arith.constant 0 : i32
      %dma_start3A_257 = tpu.memref_slice %arg9[%dma_start3A_253, %dma_start3A_254, %dma_start3A_255, %dma_start3A_256] : memref<2x4x128x16xf32, #tpu.memory_space<vmem>> -> memref<1x1x128x16xf32, #tpu.memory_space<vmem>>
      %dma_start3A_258 = tpu.memref_squeeze %dma_start3A_257 : memref<1x1x128x16xf32, #tpu.memory_space<vmem>> -> memref<128x16xf32, #tpu.memory_space<vmem>>
      %dma_start3A_259 = arith.constant 0 : i32
      %dma_start3A_260 = tpu.memref_slice %arg8[%add3A_252, %dma_start3A_259] : memref<80x128xi32, #tpu.memory_space<vmem>> -> memref<1x128xi32, #tpu.memory_space<vmem>>
      %dma_start3A_261 = tpu.memref_squeeze %dma_start3A_260 : memref<1x128xi32, #tpu.memory_space<vmem>> -> memref<128xi32, #tpu.memory_space<vmem>>
      %dma_start3A_262 = arith.constant 0 : i32
      %dma_start3A_263 = arith.constant 0 : i32
      %dma_start3A_264 = tpu.memref_slice %arg16[%dma_start3A_262, %dma_start3A_263] : memref<10240x16xf32, #tpu.memory_space<vmem_shared>> -> memref<10240x16xf32, #tpu.memory_space<vmem_shared>>
      tpu.enqueue_indirect_dma source(%dma_start3A_258 : memref<128x16xf32, #tpu.memory_space<vmem>>) target(%dma_start3A_264 : memref<10240x16xf32, #tpu.memory_space<vmem_shared>>) offsets(%dma_start3A_261 : memref<128xi32, #tpu.memory_space<vmem>>) semaphore(%arg21 : memref<!tpu.dma_semaphore, #tpu.memory_space<semaphore_mem>>) {add = true}
      %mul3A_265 = arith.constant 4 : i32
      %mul3A_266 = arith.muli %mul3A_103, %mul3A_265 : i32
      %add3A_267 = arith.constant 2 : i32
      %add3A_268 = arith.addi %mul3A_266, %add3A_267 : i32
      %dma_start3A_269 = arith.constant 0 : i32
      %dma_start3A_270 = arith.constant 2 : i32
      %dma_start3A_271 = arith.constant 0 : i32
      %dma_start3A_272 = arith.constant 0 : i32
      %dma_start3A_273 = tpu.memref_slice %arg9[%dma_start3A_269, %dma_start3A_270, %dma_start3A_271, %dma_start3A_272] : memref<2x4x128x16xf32, #tpu.memory_space<vmem>> -> memref<1x1x128x16xf32, #tpu.memory_space<vmem>>
      %dma_start3A_274 = tpu.memref_squeeze %dma_start3A_273 : memref<1x1x128x16xf32, #tpu.memory_space<vmem>> -> memref<128x16xf32, #tpu.memory_space<vmem>>
      %dma_start3A_275 = arith.constant 0 : i32
      %dma_start3A_276 = tpu.memref_slice %arg8[%add3A_268, %dma_start3A_275] : memref<80x128xi32, #tpu.memory_space<vmem>> -> memref<1x128xi32, #tpu.memory_space<vmem>>
      %dma_start3A_277 = tpu.memref_squeeze %dma_start3A_276 : memref<1x128xi32, #tpu.memory_space<vmem>> -> memref<128xi32, #tpu.memory_space<vmem>>
      %dma_start3A_278 = arith.constant 0 : i32
      %dma_start3A_279 = arith.constant 0 : i32
      %dma_start3A_280 = tpu.memref_slice %arg16[%dma_start3A_278, %dma_start3A_279] : memref<10240x16xf32, #tpu.memory_space<vmem_shared>> -> memref<10240x16xf32, #tpu.memory_space<vmem_shared>>
      tpu.enqueue_indirect_dma source(%dma_start3A_274 : memref<128x16xf32, #tpu.memory_space<vmem>>) target(%dma_start3A_280 : memref<10240x16xf32, #tpu.memory_space<vmem_shared>>) offsets(%dma_start3A_277 : memref<128xi32, #tpu.memory_space<vmem>>) semaphore(%arg21 : memref<!tpu.dma_semaphore, #tpu.memory_space<semaphore_mem>>) {add = true}
      %mul3A_281 = arith.constant 4 : i32
      %mul3A_282 = arith.muli %mul3A_103, %mul3A_281 : i32
      %add3A_283 = arith.constant 3 : i32
      %add3A_284 = arith.addi %mul3A_282, %add3A_283 : i32
      %dma_start3A_285 = arith.constant 0 : i32
      %dma_start3A_286 = arith.constant 3 : i32
      %dma_start3A_287 = arith.constant 0 : i32
      %dma_start3A_288 = arith.constant 0 : i32
      %dma_start3A_289 = tpu.memref_slice %arg9[%dma_start3A_285, %dma_start3A_286, %dma_start3A_287, %dma_start3A_288] : memref<2x4x128x16xf32, #tpu.memory_space<vmem>> -> memref<1x1x128x16xf32, #tpu.memory_space<vmem>>
      %dma_start3A_290 = tpu.memref_squeeze %dma_start3A_289 : memref<1x1x128x16xf32, #tpu.memory_space<vmem>> -> memref<128x16xf32, #tpu.memory_space<vmem>>
      %dma_start3A_291 = arith.constant 0 : i32
      %dma_start3A_292 = tpu.memref_slice %arg8[%add3A_284, %dma_start3A_291] : memref<80x128xi32, #tpu.memory_space<vmem>> -> memref<1x128xi32, #tpu.memory_space<vmem>>
      %dma_start3A_293 = tpu.memref_squeeze %dma_start3A_292 : memref<1x128xi32, #tpu.memory_space<vmem>> -> memref<128xi32, #tpu.memory_space<vmem>>
      %dma_start3A_294 = arith.constant 0 : i32
      %dma_start3A_295 = arith.constant 0 : i32
      %dma_start3A_296 = tpu.memref_slice %arg16[%dma_start3A_294, %dma_start3A_295] : memref<10240x16xf32, #tpu.memory_space<vmem_shared>> -> memref<10240x16xf32, #tpu.memory_space<vmem_shared>>
      tpu.enqueue_indirect_dma source(%dma_start3A_290 : memref<128x16xf32, #tpu.memory_space<vmem>>) target(%dma_start3A_296 : memref<10240x16xf32, #tpu.memory_space<vmem_shared>>) offsets(%dma_start3A_293 : memref<128xi32, #tpu.memory_space<vmem>>) semaphore(%arg21 : memref<!tpu.dma_semaphore, #tpu.memory_space<semaphore_mem>>) {add = true}
      %dma_wait3A_297 = arith.constant 0 : i32
      %dma_wait3A_298 = arith.constant 0 : i32
      %dma_wait3A_299 = arith.constant 0 : i32
      %dma_wait3A_300 = arith.constant 0 : i32
      %dma_wait3A_301 = tpu.memref_slice %arg9[%dma_wait3A_297, %dma_wait3A_298, %dma_wait3A_299, %dma_wait3A_300] : memref<2x4x128x16xf32, #tpu.memory_space<vmem>> -> memref<1x1x128x16xf32, #tpu.memory_space<vmem>>
      %dma_wait3A_302 = tpu.memref_squeeze %dma_wait3A_301 : memref<1x1x128x16xf32, #tpu.memory_space<vmem>> -> memref<128x16xf32, #tpu.memory_space<vmem>>
      %dma_wait3A_303 = arith.constant 0 : i32
      %dma_wait3A_304 = arith.constant 0 : i32
      %dma_wait3A_305 = tpu.memref_slice %arg17[%dma_wait3A_303, %dma_wait3A_304] : memref<10240x16xf32, #tpu.memory_space<vmem_shared>> -> memref<128x16xf32, #tpu.memory_space<vmem_shared>>
      %dma_wait3A_306 = arith.constant 0 : i32
      %dma_wait3A_307 = arith.constant 0 : i32
      %dma_wait3A_308 = tpu.memref_slice %arg9[%dma_wait3A_297, %dma_wait3A_298, %dma_wait3A_306, %dma_wait3A_307] : memref<2x4x128x16xf32, #tpu.memory_space<vmem>> -> memref<1x1x128x16xf32, #tpu.memory_space<vmem>>
      %dma_wait3A_309 = tpu.memref_squeeze %dma_wait3A_308 : memref<1x1x128x16xf32, #tpu.memory_space<vmem>> -> memref<128x16xf32, #tpu.memory_space<vmem>>
      %dma_wait3A_310 = arith.constant 0 : i32
      %dma_wait3A_311 = arith.constant 0 : i32
      %dma_wait3A_312 = tpu.memref_slice %arg17[%dma_wait3A_310, %dma_wait3A_311] : memref<10240x16xf32, #tpu.memory_space<vmem_shared>> -> memref<128x16xf32, #tpu.memory_space<vmem_shared>>
      tpu.wait_dma2 semaphore(%arg21 : memref<!tpu.dma_semaphore, #tpu.memory_space<semaphore_mem>>) src(%dma_wait3A_312 : memref<128x16xf32, #tpu.memory_space<vmem_shared>>) dst(%dma_wait3A_309 : memref<128x16xf32, #tpu.memory_space<vmem>>)
      %dma_wait3A_313 = arith.constant 0 : i32
      %dma_wait3A_314 = arith.constant 1 : i32
      %dma_wait3A_315 = arith.constant 0 : i32
      %dma_wait3A_316 = arith.constant 0 : i32
      %dma_wait3A_317 = tpu.memref_slice %arg9[%dma_wait3A_313, %dma_wait3A_314, %dma_wait3A_315, %dma_wait3A_316] : memref<2x4x128x16xf32, #tpu.memory_space<vmem>> -> memref<1x1x128x16xf32, #tpu.memory_space<vmem>>
      %dma_wait3A_318 = tpu.memref_squeeze %dma_wait3A_317 : memref<1x1x128x16xf32, #tpu.memory_space<vmem>> -> memref<128x16xf32, #tpu.memory_space<vmem>>
      %dma_wait3A_319 = arith.constant 0 : i32
      %dma_wait3A_320 = arith.constant 0 : i32
      %dma_wait3A_321 = tpu.memref_slice %arg17[%dma_wait3A_319, %dma_wait3A_320] : memref<10240x16xf32, #tpu.memory_space<vmem_shared>> -> memref<128x16xf32, #tpu.memory_space<vmem_shared>>
      %dma_wait3A_322 = arith.constant 0 : i32
      %dma_wait3A_323 = arith.constant 0 : i32
      %dma_wait3A_324 = tpu.memref_slice %arg9[%dma_wait3A_313, %dma_wait3A_314, %dma_wait3A_322, %dma_wait3A_323] : memref<2x4x128x16xf32, #tpu.memory_space<vmem>> -> memref<1x1x128x16xf32, #tpu.memory_space<vmem>>
      %dma_wait3A_325 = tpu.memref_squeeze %dma_wait3A_324 : memref<1x1x128x16xf32, #tpu.memory_space<vmem>> -> memref<128x16xf32, #tpu.memory_space<vmem>>
      %dma_wait3A_326 = arith.constant 0 : i32
      %dma_wait3A_327 = arith.constant 0 : i32
      %dma_wait3A_328 = tpu.memref_slice %arg17[%dma_wait3A_326, %dma_wait3A_327] : memref<10240x16xf32, #tpu.memory_space<vmem_shared>> -> memref<128x16xf32, #tpu.memory_space<vmem_shared>>
      tpu.wait_dma2 semaphore(%arg21 : memref<!tpu.dma_semaphore, #tpu.memory_space<semaphore_mem>>) src(%dma_wait3A_328 : memref<128x16xf32, #tpu.memory_space<vmem_shared>>) dst(%dma_wait3A_325 : memref<128x16xf32, #tpu.memory_space<vmem>>)
      %dma_wait3A_329 = arith.constant 0 : i32
      %dma_wait3A_330 = arith.constant 2 : i32
      %dma_wait3A_331 = arith.constant 0 : i32
      %dma_wait3A_332 = arith.constant 0 : i32
      %dma_wait3A_333 = tpu.memref_slice %arg9[%dma_wait3A_329, %dma_wait3A_330, %dma_wait3A_331, %dma_wait3A_332] : memref<2x4x128x16xf32, #tpu.memory_space<vmem>> -> memref<1x1x128x16xf32, #tpu.memory_space<vmem>>
      %dma_wait3A_334 = tpu.memref_squeeze %dma_wait3A_333 : memref<1x1x128x16xf32, #tpu.memory_space<vmem>> -> memref<128x16xf32, #tpu.memory_space<vmem>>
      %dma_wait3A_335 = arith.constant 0 : i32
      %dma_wait3A_336 = arith.constant 0 : i32
      %dma_wait3A_337 = tpu.memref_slice %arg17[%dma_wait3A_335, %dma_wait3A_336] : memref<10240x16xf32, #tpu.memory_space<vmem_shared>> -> memref<128x16xf32, #tpu.memory_space<vmem_shared>>
      %dma_wait3A_338 = arith.constant 0 : i32
      %dma_wait3A_339 = arith.constant 0 : i32
      %dma_wait3A_340 = tpu.memref_slice %arg9[%dma_wait3A_329, %dma_wait3A_330, %dma_wait3A_338, %dma_wait3A_339] : memref<2x4x128x16xf32, #tpu.memory_space<vmem>> -> memref<1x1x128x16xf32, #tpu.memory_space<vmem>>
      %dma_wait3A_341 = tpu.memref_squeeze %dma_wait3A_340 : memref<1x1x128x16xf32, #tpu.memory_space<vmem>> -> memref<128x16xf32, #tpu.memory_space<vmem>>
      %dma_wait3A_342 = arith.constant 0 : i32
      %dma_wait3A_343 = arith.constant 0 : i32
      %dma_wait3A_344 = tpu.memref_slice %arg17[%dma_wait3A_342, %dma_wait3A_343] : memref<10240x16xf32, #tpu.memory_space<vmem_shared>> -> memref<128x16xf32, #tpu.memory_space<vmem_shared>>
      tpu.wait_dma2 semaphore(%arg21 : memref<!tpu.dma_semaphore, #tpu.memory_space<semaphore_mem>>) src(%dma_wait3A_344 : memref<128x16xf32, #tpu.memory_space<vmem_shared>>) dst(%dma_wait3A_341 : memref<128x16xf32, #tpu.memory_space<vmem>>)
      %dma_wait3A_345 = arith.constant 0 : i32
      %dma_wait3A_346 = arith.constant 3 : i32
      %dma_wait3A_347 = arith.constant 0 : i32
      %dma_wait3A_348 = arith.constant 0 : i32
      %dma_wait3A_349 = tpu.memref_slice %arg9[%dma_wait3A_345, %dma_wait3A_346, %dma_wait3A_347, %dma_wait3A_348] : memref<2x4x128x16xf32, #tpu.memory_space<vmem>> -> memref<1x1x128x16xf32, #tpu.memory_space<vmem>>
      %dma_wait3A_350 = tpu.memref_squeeze %dma_wait3A_349 : memref<1x1x128x16xf32, #tpu.memory_space<vmem>> -> memref<128x16xf32, #tpu.memory_space<vmem>>
      %dma_wait3A_351 = arith.constant 0 : i32
      %dma_wait3A_352 = arith.constant 0 : i32
      %dma_wait3A_353 = tpu.memref_slice %arg17[%dma_wait3A_351, %dma_wait3A_352] : memref<10240x16xf32, #tpu.memory_space<vmem_shared>> -> memref<128x16xf32, #tpu.memory_space<vmem_shared>>
      %dma_wait3A_354 = arith.constant 0 : i32
      %dma_wait3A_355 = arith.constant 0 : i32
      %dma_wait3A_356 = tpu.memref_slice %arg9[%dma_wait3A_345, %dma_wait3A_346, %dma_wait3A_354, %dma_wait3A_355] : memref<2x4x128x16xf32, #tpu.memory_space<vmem>> -> memref<1x1x128x16xf32, #tpu.memory_space<vmem>>
      %dma_wait3A_357 = tpu.memref_squeeze %dma_wait3A_356 : memref<1x1x128x16xf32, #tpu.memory_space<vmem>> -> memref<128x16xf32, #tpu.memory_space<vmem>>
      %dma_wait3A_358 = arith.constant 0 : i32
      %dma_wait3A_359 = arith.constant 0 : i32
      %dma_wait3A_360 = tpu.memref_slice %arg17[%dma_wait3A_358, %dma_wait3A_359] : memref<10240x16xf32, #tpu.memory_space<vmem_shared>> -> memref<128x16xf32, #tpu.memory_space<vmem_shared>>
      tpu.wait_dma2 semaphore(%arg21 : memref<!tpu.dma_semaphore, #tpu.memory_space<semaphore_mem>>) src(%dma_wait3A_360 : memref<128x16xf32, #tpu.memory_space<vmem_shared>>) dst(%dma_wait3A_357 : memref<128x16xf32, #tpu.memory_space<vmem>>)
      %add3A_361 = arith.constant 2 : i32
      %add3A_362 = arith.addi %mul3A_103, %add3A_361 : i32
      %lt3A = arith.constant 20 : i32
      %lt3A_363 = arith.cmpi slt, %add3A_362, %lt3A : i32
      %convert_element_type3A_364 = arith.extui %lt3A_363 : i1 to i32
      %cond3A_365 = arith.constant 0 : i32
      %cond3A_366 = arith.cmpi ne, %convert_element_type3A_364, %cond3A_365 : i32
      scf.if %cond3A_366 {
        %add3A_561 = arith.constant 2 : i32
        %add3A_562 = arith.addi %mul3A_103, %add3A_561 : i32
        %mul3A_563 = arith.constant 4 : i32
        %mul3A_564 = arith.muli %add3A_562, %mul3A_563 : i32
        %add3A_565 = arith.constant 0 : i32
        %add3A_566 = arith.addi %mul3A_564, %add3A_565 : i32
        %dma_start3A_567 = arith.constant 0 : i32
        %dma_start3A_568 = arith.constant 0 : i32
        %dma_start3A_569 = arith.constant 0 : i32
        %dma_start3A_570 = arith.constant 0 : i32
        %dma_start3A_571 = tpu.memref_slice %arg9[%dma_start3A_567, %dma_start3A_568, %dma_start3A_569, %dma_start3A_570] : memref<2x4x128x16xf32, #tpu.memory_space<vmem>> -> memref<1x1x128x16xf32, #tpu.memory_space<vmem>>
        %dma_start3A_572 = tpu.memref_squeeze %dma_start3A_571 : memref<1x1x128x16xf32, #tpu.memory_space<vmem>> -> memref<128x16xf32, #tpu.memory_space<vmem>>
        %dma_start3A_573 = arith.constant 0 : i32
        %dma_start3A_574 = tpu.memref_slice %arg7[%add3A_566, %dma_start3A_573] : memref<80x128xi32, #tpu.memory_space<vmem>> -> memref<1x128xi32, #tpu.memory_space<vmem>>
        %dma_start3A_575 = tpu.memref_squeeze %dma_start3A_574 : memref<1x128xi32, #tpu.memory_space<vmem>> -> memref<128xi32, #tpu.memory_space<vmem>>
        %dma_start3A_576 = arith.constant 0 : i32
        %dma_start3A_577 = arith.constant 0 : i32
        %dma_start3A_578 = tpu.memref_slice %arg17[%dma_start3A_576, %dma_start3A_577] : memref<10240x16xf32, #tpu.memory_space<vmem_shared>> -> memref<10240x16xf32, #tpu.memory_space<vmem_shared>>
        tpu.enqueue_indirect_dma source(%dma_start3A_578 : memref<10240x16xf32, #tpu.memory_space<vmem_shared>>) target(%dma_start3A_572 : memref<128x16xf32, #tpu.memory_space<vmem>>) offsets(%dma_start3A_575 : memref<128xi32, #tpu.memory_space<vmem>>) semaphore(%arg19 : memref<!tpu.dma_semaphore, #tpu.memory_space<semaphore_mem>>)
        %mul3A_579 = arith.constant 4 : i32
        %mul3A_580 = arith.muli %add3A_562, %mul3A_579 : i32
        %add3A_581 = arith.constant 1 : i32
        %add3A_582 = arith.addi %mul3A_580, %add3A_581 : i32
        %dma_start3A_583 = arith.constant 0 : i32
        %dma_start3A_584 = arith.constant 1 : i32
        %dma_start3A_585 = arith.constant 0 : i32
        %dma_start3A_586 = arith.constant 0 : i32
        %dma_start3A_587 = tpu.memref_slice %arg9[%dma_start3A_583, %dma_start3A_584, %dma_start3A_585, %dma_start3A_586] : memref<2x4x128x16xf32, #tpu.memory_space<vmem>> -> memref<1x1x128x16xf32, #tpu.memory_space<vmem>>
        %dma_start3A_588 = tpu.memref_squeeze %dma_start3A_587 : memref<1x1x128x16xf32, #tpu.memory_space<vmem>> -> memref<128x16xf32, #tpu.memory_space<vmem>>
        %dma_start3A_589 = arith.constant 0 : i32
        %dma_start3A_590 = tpu.memref_slice %arg7[%add3A_582, %dma_start3A_589] : memref<80x128xi32, #tpu.memory_space<vmem>> -> memref<1x128xi32, #tpu.memory_space<vmem>>
        %dma_start3A_591 = tpu.memref_squeeze %dma_start3A_590 : memref<1x128xi32, #tpu.memory_space<vmem>> -> memref<128xi32, #tpu.memory_space<vmem>>
        %dma_start3A_592 = arith.constant 0 : i32
        %dma_start3A_593 = arith.constant 0 : i32
        %dma_start3A_594 = tpu.memref_slice %arg17[%dma_start3A_592, %dma_start3A_593] : memref<10240x16xf32, #tpu.memory_space<vmem_shared>> -> memref<10240x16xf32, #tpu.memory_space<vmem_shared>>
        tpu.enqueue_indirect_dma source(%dma_start3A_594 : memref<10240x16xf32, #tpu.memory_space<vmem_shared>>) target(%dma_start3A_588 : memref<128x16xf32, #tpu.memory_space<vmem>>) offsets(%dma_start3A_591 : memref<128xi32, #tpu.memory_space<vmem>>) semaphore(%arg19 : memref<!tpu.dma_semaphore, #tpu.memory_space<semaphore_mem>>)
        %mul3A_595 = arith.constant 4 : i32
        %mul3A_596 = arith.muli %add3A_562, %mul3A_595 : i32
        %add3A_597 = arith.constant 2 : i32
        %add3A_598 = arith.addi %mul3A_596, %add3A_597 : i32
        %dma_start3A_599 = arith.constant 0 : i32
        %dma_start3A_600 = arith.constant 2 : i32
        %dma_start3A_601 = arith.constant 0 : i32
        %dma_start3A_602 = arith.constant 0 : i32
        %dma_start3A_603 = tpu.memref_slice %arg9[%dma_start3A_599, %dma_start3A_600, %dma_start3A_601, %dma_start3A_602] : memref<2x4x128x16xf32, #tpu.memory_space<vmem>> -> memref<1x1x128x16xf32, #tpu.memory_space<vmem>>
        %dma_start3A_604 = tpu.memref_squeeze %dma_start3A_603 : memref<1x1x128x16xf32, #tpu.memory_space<vmem>> -> memref<128x16xf32, #tpu.memory_space<vmem>>
        %dma_start3A_605 = arith.constant 0 : i32
        %dma_start3A_606 = tpu.memref_slice %arg7[%add3A_598, %dma_start3A_605] : memref<80x128xi32, #tpu.memory_space<vmem>> -> memref<1x128xi32, #tpu.memory_space<vmem>>
        %dma_start3A_607 = tpu.memref_squeeze %dma_start3A_606 : memref<1x128xi32, #tpu.memory_space<vmem>> -> memref<128xi32, #tpu.memory_space<vmem>>
        %dma_start3A_608 = arith.constant 0 : i32
        %dma_start3A_609 = arith.constant 0 : i32
        %dma_start3A_610 = tpu.memref_slice %arg17[%dma_start3A_608, %dma_start3A_609] : memref<10240x16xf32, #tpu.memory_space<vmem_shared>> -> memref<10240x16xf32, #tpu.memory_space<vmem_shared>>
        tpu.enqueue_indirect_dma source(%dma_start3A_610 : memref<10240x16xf32, #tpu.memory_space<vmem_shared>>) target(%dma_start3A_604 : memref<128x16xf32, #tpu.memory_space<vmem>>) offsets(%dma_start3A_607 : memref<128xi32, #tpu.memory_space<vmem>>) semaphore(%arg19 : memref<!tpu.dma_semaphore, #tpu.memory_space<semaphore_mem>>)
        %mul3A_611 = arith.constant 4 : i32
        %mul3A_612 = arith.muli %add3A_562, %mul3A_611 : i32
        %add3A_613 = arith.constant 3 : i32
        %add3A_614 = arith.addi %mul3A_612, %add3A_613 : i32
        %dma_start3A_615 = arith.constant 0 : i32
        %dma_start3A_616 = arith.constant 3 : i32
        %dma_start3A_617 = arith.constant 0 : i32
        %dma_start3A_618 = arith.constant 0 : i32
        %dma_start3A_619 = tpu.memref_slice %arg9[%dma_start3A_615, %dma_start3A_616, %dma_start3A_617, %dma_start3A_618] : memref<2x4x128x16xf32, #tpu.memory_space<vmem>> -> memref<1x1x128x16xf32, #tpu.memory_space<vmem>>
        %dma_start3A_620 = tpu.memref_squeeze %dma_start3A_619 : memref<1x1x128x16xf32, #tpu.memory_space<vmem>> -> memref<128x16xf32, #tpu.memory_space<vmem>>
        %dma_start3A_621 = arith.constant 0 : i32
        %dma_start3A_622 = tpu.memref_slice %arg7[%add3A_614, %dma_start3A_621] : memref<80x128xi32, #tpu.memory_space<vmem>> -> memref<1x128xi32, #tpu.memory_space<vmem>>
        %dma_start3A_623 = tpu.memref_squeeze %dma_start3A_622 : memref<1x128xi32, #tpu.memory_space<vmem>> -> memref<128xi32, #tpu.memory_space<vmem>>
        %dma_start3A_624 = arith.constant 0 : i32
        %dma_start3A_625 = arith.constant 0 : i32
        %dma_start3A_626 = tpu.memref_slice %arg17[%dma_start3A_624, %dma_start3A_625] : memref<10240x16xf32, #tpu.memory_space<vmem_shared>> -> memref<10240x16xf32, #tpu.memory_space<vmem_shared>>
        tpu.enqueue_indirect_dma source(%dma_start3A_626 : memref<10240x16xf32, #tpu.memory_space<vmem_shared>>) target(%dma_start3A_620 : memref<128x16xf32, #tpu.memory_space<vmem>>) offsets(%dma_start3A_623 : memref<128xi32, #tpu.memory_space<vmem>>) semaphore(%arg19 : memref<!tpu.dma_semaphore, #tpu.memory_space<semaphore_mem>>)
      } else {
      }
      %add3A_367 = arith.constant 1 : i32
      %add3A_368 = arith.addi %mul3A_103, %add3A_367 : i32
      %dma_wait3A_369 = arith.constant 1 : i32
      %dma_wait3A_370 = arith.constant 0 : i32
      %dma_wait3A_371 = arith.constant 0 : i32
      %dma_wait3A_372 = arith.constant 0 : i32
      %dma_wait3A_373 = tpu.memref_slice %arg9[%dma_wait3A_369, %dma_wait3A_370, %dma_wait3A_371, %dma_wait3A_372] : memref<2x4x128x16xf32, #tpu.memory_space<vmem>> -> memref<1x1x128x16xf32, #tpu.memory_space<vmem>>
      %dma_wait3A_374 = tpu.memref_squeeze %dma_wait3A_373 : memref<1x1x128x16xf32, #tpu.memory_space<vmem>> -> memref<128x16xf32, #tpu.memory_space<vmem>>
      %dma_wait3A_375 = arith.constant 0 : i32
      %dma_wait3A_376 = arith.constant 0 : i32
      %dma_wait3A_377 = tpu.memref_slice %arg17[%dma_wait3A_375, %dma_wait3A_376] : memref<10240x16xf32, #tpu.memory_space<vmem_shared>> -> memref<128x16xf32, #tpu.memory_space<vmem_shared>>
      %dma_wait3A_378 = arith.constant 0 : i32
      %dma_wait3A_379 = arith.constant 0 : i32
      %dma_wait3A_380 = tpu.memref_slice %arg9[%dma_wait3A_369, %dma_wait3A_370, %dma_wait3A_378, %dma_wait3A_379] : memref<2x4x128x16xf32, #tpu.memory_space<vmem>> -> memref<1x1x128x16xf32, #tpu.memory_space<vmem>>
      %dma_wait3A_381 = tpu.memref_squeeze %dma_wait3A_380 : memref<1x1x128x16xf32, #tpu.memory_space<vmem>> -> memref<128x16xf32, #tpu.memory_space<vmem>>
      %dma_wait3A_382 = arith.constant 0 : i32
      %dma_wait3A_383 = arith.constant 0 : i32
      %dma_wait3A_384 = tpu.memref_slice %arg17[%dma_wait3A_382, %dma_wait3A_383] : memref<10240x16xf32, #tpu.memory_space<vmem_shared>> -> memref<128x16xf32, #tpu.memory_space<vmem_shared>>
      tpu.wait_dma2 semaphore(%arg20 : memref<!tpu.dma_semaphore, #tpu.memory_space<semaphore_mem>>) src(%dma_wait3A_384 : memref<128x16xf32, #tpu.memory_space<vmem_shared>>) dst(%dma_wait3A_381 : memref<128x16xf32, #tpu.memory_space<vmem>>)
      %dma_wait3A_385 = arith.constant 1 : i32
      %dma_wait3A_386 = arith.constant 1 : i32
      %dma_wait3A_387 = arith.constant 0 : i32
      %dma_wait3A_388 = arith.constant 0 : i32
      %dma_wait3A_389 = tpu.memref_slice %arg9[%dma_wait3A_385, %dma_wait3A_386, %dma_wait3A_387, %dma_wait3A_388] : memref<2x4x128x16xf32, #tpu.memory_space<vmem>> -> memref<1x1x128x16xf32, #tpu.memory_space<vmem>>
      %dma_wait3A_390 = tpu.memref_squeeze %dma_wait3A_389 : memref<1x1x128x16xf32, #tpu.memory_space<vmem>> -> memref<128x16xf32, #tpu.memory_space<vmem>>
      %dma_wait3A_391 = arith.constant 0 : i32
      %dma_wait3A_392 = arith.constant 0 : i32
      %dma_wait3A_393 = tpu.memref_slice %arg17[%dma_wait3A_391, %dma_wait3A_392] : memref<10240x16xf32, #tpu.memory_space<vmem_shared>> -> memref<128x16xf32, #tpu.memory_space<vmem_shared>>
      %dma_wait3A_394 = arith.constant 0 : i32
      %dma_wait3A_395 = arith.constant 0 : i32
      %dma_wait3A_396 = tpu.memref_slice %arg9[%dma_wait3A_385, %dma_wait3A_386, %dma_wait3A_394, %dma_wait3A_395] : memref<2x4x128x16xf32, #tpu.memory_space<vmem>> -> memref<1x1x128x16xf32, #tpu.memory_space<vmem>>
      %dma_wait3A_397 = tpu.memref_squeeze %dma_wait3A_396 : memref<1x1x128x16xf32, #tpu.memory_space<vmem>> -> memref<128x16xf32, #tpu.memory_space<vmem>>
      %dma_wait3A_398 = arith.constant 0 : i32
      %dma_wait3A_399 = arith.constant 0 : i32
      %dma_wait3A_400 = tpu.memref_slice %arg17[%dma_wait3A_398, %dma_wait3A_399] : memref<10240x16xf32, #tpu.memory_space<vmem_shared>> -> memref<128x16xf32, #tpu.memory_space<vmem_shared>>
      tpu.wait_dma2 semaphore(%arg20 : memref<!tpu.dma_semaphore, #tpu.memory_space<semaphore_mem>>) src(%dma_wait3A_400 : memref<128x16xf32, #tpu.memory_space<vmem_shared>>) dst(%dma_wait3A_397 : memref<128x16xf32, #tpu.memory_space<vmem>>)
      %dma_wait3A_401 = arith.constant 1 : i32
      %dma_wait3A_402 = arith.constant 2 : i32
      %dma_wait3A_403 = arith.constant 0 : i32
      %dma_wait3A_404 = arith.constant 0 : i32
      %dma_wait3A_405 = tpu.memref_slice %arg9[%dma_wait3A_401, %dma_wait3A_402, %dma_wait3A_403, %dma_wait3A_404] : memref<2x4x128x16xf32, #tpu.memory_space<vmem>> -> memref<1x1x128x16xf32, #tpu.memory_space<vmem>>
      %dma_wait3A_406 = tpu.memref_squeeze %dma_wait3A_405 : memref<1x1x128x16xf32, #tpu.memory_space<vmem>> -> memref<128x16xf32, #tpu.memory_space<vmem>>
      %dma_wait3A_407 = arith.constant 0 : i32
      %dma_wait3A_408 = arith.constant 0 : i32
      %dma_wait3A_409 = tpu.memref_slice %arg17[%dma_wait3A_407, %dma_wait3A_408] : memref<10240x16xf32, #tpu.memory_space<vmem_shared>> -> memref<128x16xf32, #tpu.memory_space<vmem_shared>>
      %dma_wait3A_410 = arith.constant 0 : i32
      %dma_wait3A_411 = arith.constant 0 : i32
      %dma_wait3A_412 = tpu.memref_slice %arg9[%dma_wait3A_401, %dma_wait3A_402, %dma_wait3A_410, %dma_wait3A_411] : memref<2x4x128x16xf32, #tpu.memory_space<vmem>> -> memref<1x1x128x16xf32, #tpu.memory_space<vmem>>
      %dma_wait3A_413 = tpu.memref_squeeze %dma_wait3A_412 : memref<1x1x128x16xf32, #tpu.memory_space<vmem>> -> memref<128x16xf32, #tpu.memory_space<vmem>>
      %dma_wait3A_414 = arith.constant 0 : i32
      %dma_wait3A_415 = arith.constant 0 : i32
      %dma_wait3A_416 = tpu.memref_slice %arg17[%dma_wait3A_414, %dma_wait3A_415] : memref<10240x16xf32, #tpu.memory_space<vmem_shared>> -> memref<128x16xf32, #tpu.memory_space<vmem_shared>>
      tpu.wait_dma2 semaphore(%arg20 : memref<!tpu.dma_semaphore, #tpu.memory_space<semaphore_mem>>) src(%dma_wait3A_416 : memref<128x16xf32, #tpu.memory_space<vmem_shared>>) dst(%dma_wait3A_413 : memref<128x16xf32, #tpu.memory_space<vmem>>)
      %dma_wait3A_417 = arith.constant 1 : i32
      %dma_wait3A_418 = arith.constant 3 : i32
      %dma_wait3A_419 = arith.constant 0 : i32
      %dma_wait3A_420 = arith.constant 0 : i32
      %dma_wait3A_421 = tpu.memref_slice %arg9[%dma_wait3A_417, %dma_wait3A_418, %dma_wait3A_419, %dma_wait3A_420] : memref<2x4x128x16xf32, #tpu.memory_space<vmem>> -> memref<1x1x128x16xf32, #tpu.memory_space<vmem>>
      %dma_wait3A_422 = tpu.memref_squeeze %dma_wait3A_421 : memref<1x1x128x16xf32, #tpu.memory_space<vmem>> -> memref<128x16xf32, #tpu.memory_space<vmem>>
      %dma_wait3A_423 = arith.constant 0 : i32
      %dma_wait3A_424 = arith.constant 0 : i32
      %dma_wait3A_425 = tpu.memref_slice %arg17[%dma_wait3A_423, %dma_wait3A_424] : memref<10240x16xf32, #tpu.memory_space<vmem_shared>> -> memref<128x16xf32, #tpu.memory_space<vmem_shared>>
      %dma_wait3A_426 = arith.constant 0 : i32
      %dma_wait3A_427 = arith.constant 0 : i32
      %dma_wait3A_428 = tpu.memref_slice %arg9[%dma_wait3A_417, %dma_wait3A_418, %dma_wait3A_426, %dma_wait3A_427] : memref<2x4x128x16xf32, #tpu.memory_space<vmem>> -> memref<1x1x128x16xf32, #tpu.memory_space<vmem>>
      %dma_wait3A_429 = tpu.memref_squeeze %dma_wait3A_428 : memref<1x1x128x16xf32, #tpu.memory_space<vmem>> -> memref<128x16xf32, #tpu.memory_space<vmem>>
      %dma_wait3A_430 = arith.constant 0 : i32
      %dma_wait3A_431 = arith.constant 0 : i32
      %dma_wait3A_432 = tpu.memref_slice %arg17[%dma_wait3A_430, %dma_wait3A_431] : memref<10240x16xf32, #tpu.memory_space<vmem_shared>> -> memref<128x16xf32, #tpu.memory_space<vmem_shared>>
      tpu.wait_dma2 semaphore(%arg20 : memref<!tpu.dma_semaphore, #tpu.memory_space<semaphore_mem>>) src(%dma_wait3A_432 : memref<128x16xf32, #tpu.memory_space<vmem_shared>>) dst(%dma_wait3A_429 : memref<128x16xf32, #tpu.memory_space<vmem>>)
      %mul3A_433 = arith.constant 4 : i32
      %mul3A_434 = arith.muli %add3A_368, %mul3A_433 : i32
      %add3A_435 = arith.constant 0 : i32
      %add3A_436 = arith.addi %mul3A_434, %add3A_435 : i32
      %dma_start3A_437 = arith.constant 1 : i32
      %dma_start3A_438 = arith.constant 0 : i32
      %dma_start3A_439 = arith.constant 0 : i32
      %dma_start3A_440 = arith.constant 0 : i32
      %dma_start3A_441 = tpu.memref_slice %arg9[%dma_start3A_437, %dma_start3A_438, %dma_start3A_439, %dma_start3A_440] : memref<2x4x128x16xf32, #tpu.memory_space<vmem>> -> memref<1x1x128x16xf32, #tpu.memory_space<vmem>>
      %dma_start3A_442 = tpu.memref_squeeze %dma_start3A_441 : memref<1x1x128x16xf32, #tpu.memory_space<vmem>> -> memref<128x16xf32, #tpu.memory_space<vmem>>
      %dma_start3A_443 = arith.constant 0 : i32
      %dma_start3A_444 = tpu.memref_slice %arg8[%add3A_436, %dma_start3A_443] : memref<80x128xi32, #tpu.memory_space<vmem>> -> memref<1x128xi32, #tpu.memory_space<vmem>>
      %dma_start3A_445 = tpu.memref_squeeze %dma_start3A_444 : memref<1x128xi32, #tpu.memory_space<vmem>> -> memref<128xi32, #tpu.memory_space<vmem>>
      %dma_start3A_446 = arith.constant 0 : i32
      %dma_start3A_447 = arith.constant 0 : i32
      %dma_start3A_448 = tpu.memref_slice %arg16[%dma_start3A_446, %dma_start3A_447] : memref<10240x16xf32, #tpu.memory_space<vmem_shared>> -> memref<10240x16xf32, #tpu.memory_space<vmem_shared>>
      tpu.enqueue_indirect_dma source(%dma_start3A_442 : memref<128x16xf32, #tpu.memory_space<vmem>>) target(%dma_start3A_448 : memref<10240x16xf32, #tpu.memory_space<vmem_shared>>) offsets(%dma_start3A_445 : memref<128xi32, #tpu.memory_space<vmem>>) semaphore(%arg21 : memref<!tpu.dma_semaphore, #tpu.memory_space<semaphore_mem>>) {add = true}
      %mul3A_449 = arith.constant 4 : i32
      %mul3A_450 = arith.muli %add3A_368, %mul3A_449 : i32
      %add3A_451 = arith.constant 1 : i32
      %add3A_452 = arith.addi %mul3A_450, %add3A_451 : i32
      %dma_start3A_453 = arith.constant 1 : i32
      %dma_start3A_454 = arith.constant 1 : i32
      %dma_start3A_455 = arith.constant 0 : i32
      %dma_start3A_456 = arith.constant 0 : i32
      %dma_start3A_457 = tpu.memref_slice %arg9[%dma_start3A_453, %dma_start3A_454, %dma_start3A_455, %dma_start3A_456] : memref<2x4x128x16xf32, #tpu.memory_space<vmem>> -> memref<1x1x128x16xf32, #tpu.memory_space<vmem>>
      %dma_start3A_458 = tpu.memref_squeeze %dma_start3A_457 : memref<1x1x128x16xf32, #tpu.memory_space<vmem>> -> memref<128x16xf32, #tpu.memory_space<vmem>>
      %dma_start3A_459 = arith.constant 0 : i32
      %dma_start3A_460 = tpu.memref_slice %arg8[%add3A_452, %dma_start3A_459] : memref<80x128xi32, #tpu.memory_space<vmem>> -> memref<1x128xi32, #tpu.memory_space<vmem>>
      %dma_start3A_461 = tpu.memref_squeeze %dma_start3A_460 : memref<1x128xi32, #tpu.memory_space<vmem>> -> memref<128xi32, #tpu.memory_space<vmem>>
      %dma_start3A_462 = arith.constant 0 : i32
      %dma_start3A_463 = arith.constant 0 : i32
      %dma_start3A_464 = tpu.memref_slice %arg16[%dma_start3A_462, %dma_start3A_463] : memref<10240x16xf32, #tpu.memory_space<vmem_shared>> -> memref<10240x16xf32, #tpu.memory_space<vmem_shared>>
      tpu.enqueue_indirect_dma source(%dma_start3A_458 : memref<128x16xf32, #tpu.memory_space<vmem>>) target(%dma_start3A_464 : memref<10240x16xf32, #tpu.memory_space<vmem_shared>>) offsets(%dma_start3A_461 : memref<128xi32, #tpu.memory_space<vmem>>) semaphore(%arg21 : memref<!tpu.dma_semaphore, #tpu.memory_space<semaphore_mem>>) {add = true}
      %mul3A_465 = arith.constant 4 : i32
      %mul3A_466 = arith.muli %add3A_368, %mul3A_465 : i32
      %add3A_467 = arith.constant 2 : i32
      %add3A_468 = arith.addi %mul3A_466, %add3A_467 : i32
      %dma_start3A_469 = arith.constant 1 : i32
      %dma_start3A_470 = arith.constant 2 : i32
      %dma_start3A_471 = arith.constant 0 : i32
      %dma_start3A_472 = arith.constant 0 : i32
      %dma_start3A_473 = tpu.memref_slice %arg9[%dma_start3A_469, %dma_start3A_470, %dma_start3A_471, %dma_start3A_472] : memref<2x4x128x16xf32, #tpu.memory_space<vmem>> -> memref<1x1x128x16xf32, #tpu.memory_space<vmem>>
      %dma_start3A_474 = tpu.memref_squeeze %dma_start3A_473 : memref<1x1x128x16xf32, #tpu.memory_space<vmem>> -> memref<128x16xf32, #tpu.memory_space<vmem>>
      %dma_start3A_475 = arith.constant 0 : i32
      %dma_start3A_476 = tpu.memref_slice %arg8[%add3A_468, %dma_start3A_475] : memref<80x128xi32, #tpu.memory_space<vmem>> -> memref<1x128xi32, #tpu.memory_space<vmem>>
      %dma_start3A_477 = tpu.memref_squeeze %dma_start3A_476 : memref<1x128xi32, #tpu.memory_space<vmem>> -> memref<128xi32, #tpu.memory_space<vmem>>
      %dma_start3A_478 = arith.constant 0 : i32
      %dma_start3A_479 = arith.constant 0 : i32
      %dma_start3A_480 = tpu.memref_slice %arg16[%dma_start3A_478, %dma_start3A_479] : memref<10240x16xf32, #tpu.memory_space<vmem_shared>> -> memref<10240x16xf32, #tpu.memory_space<vmem_shared>>
      tpu.enqueue_indirect_dma source(%dma_start3A_474 : memref<128x16xf32, #tpu.memory_space<vmem>>) target(%dma_start3A_480 : memref<10240x16xf32, #tpu.memory_space<vmem_shared>>) offsets(%dma_start3A_477 : memref<128xi32, #tpu.memory_space<vmem>>) semaphore(%arg21 : memref<!tpu.dma_semaphore, #tpu.memory_space<semaphore_mem>>) {add = true}
      %mul3A_481 = arith.constant 4 : i32
      %mul3A_482 = arith.muli %add3A_368, %mul3A_481 : i32
      %add3A_483 = arith.constant 3 : i32
      %add3A_484 = arith.addi %mul3A_482, %add3A_483 : i32
      %dma_start3A_485 = arith.constant 1 : i32
      %dma_start3A_486 = arith.constant 3 : i32
      %dma_start3A_487 = arith.constant 0 : i32
      %dma_start3A_488 = arith.constant 0 : i32
      %dma_start3A_489 = tpu.memref_slice %arg9[%dma_start3A_485, %dma_start3A_486, %dma_start3A_487, %dma_start3A_488] : memref<2x4x128x16xf32, #tpu.memory_space<vmem>> -> memref<1x1x128x16xf32, #tpu.memory_space<vmem>>
      %dma_start3A_490 = tpu.memref_squeeze %dma_start3A_489 : memref<1x1x128x16xf32, #tpu.memory_space<vmem>> -> memref<128x16xf32, #tpu.memory_space<vmem>>
      %dma_start3A_491 = arith.constant 0 : i32
      %dma_start3A_492 = tpu.memref_slice %arg8[%add3A_484, %dma_start3A_491] : memref<80x128xi32, #tpu.memory_space<vmem>> -> memref<1x128xi32, #tpu.memory_space<vmem>>
      %dma_start3A_493 = tpu.memref_squeeze %dma_start3A_492 : memref<1x128xi32, #tpu.memory_space<vmem>> -> memref<128xi32, #tpu.memory_space<vmem>>
      %dma_start3A_494 = arith.constant 0 : i32
      %dma_start3A_495 = arith.constant 0 : i32
      %dma_start3A_496 = tpu.memref_slice %arg16[%dma_start3A_494, %dma_start3A_495] : memref<10240x16xf32, #tpu.memory_space<vmem_shared>> -> memref<10240x16xf32, #tpu.memory_space<vmem_shared>>
      tpu.enqueue_indirect_dma source(%dma_start3A_490 : memref<128x16xf32, #tpu.memory_space<vmem>>) target(%dma_start3A_496 : memref<10240x16xf32, #tpu.memory_space<vmem_shared>>) offsets(%dma_start3A_493 : memref<128xi32, #tpu.memory_space<vmem>>) semaphore(%arg21 : memref<!tpu.dma_semaphore, #tpu.memory_space<semaphore_mem>>) {add = true}
      %dma_wait3A_497 = arith.constant 1 : i32
      %dma_wait3A_498 = arith.constant 0 : i32
      %dma_wait3A_499 = arith.constant 0 : i32
      %dma_wait3A_500 = arith.constant 0 : i32
      %dma_wait3A_501 = tpu.memref_slice %arg9[%dma_wait3A_497, %dma_wait3A_498, %dma_wait3A_499, %dma_wait3A_500] : memref<2x4x128x16xf32, #tpu.memory_space<vmem>> -> memref<1x1x128x16xf32, #tpu.memory_space<vmem>>
      %dma_wait3A_502 = tpu.memref_squeeze %dma_wait3A_501 : memref<1x1x128x16xf32, #tpu.memory_space<vmem>> -> memref<128x16xf32, #tpu.memory_space<vmem>>
      %dma_wait3A_503 = arith.constant 0 : i32
      %dma_wait3A_504 = arith.constant 0 : i32
      %dma_wait3A_505 = tpu.memref_slice %arg17[%dma_wait3A_503, %dma_wait3A_504] : memref<10240x16xf32, #tpu.memory_space<vmem_shared>> -> memref<128x16xf32, #tpu.memory_space<vmem_shared>>
      %dma_wait3A_506 = arith.constant 0 : i32
      %dma_wait3A_507 = arith.constant 0 : i32
      %dma_wait3A_508 = tpu.memref_slice %arg9[%dma_wait3A_497, %dma_wait3A_498, %dma_wait3A_506, %dma_wait3A_507] : memref<2x4x128x16xf32, #tpu.memory_space<vmem>> -> memref<1x1x128x16xf32, #tpu.memory_space<vmem>>
      %dma_wait3A_509 = tpu.memref_squeeze %dma_wait3A_508 : memref<1x1x128x16xf32, #tpu.memory_space<vmem>> -> memref<128x16xf32, #tpu.memory_space<vmem>>
      %dma_wait3A_510 = arith.constant 0 : i32
      %dma_wait3A_511 = arith.constant 0 : i32
      %dma_wait3A_512 = tpu.memref_slice %arg17[%dma_wait3A_510, %dma_wait3A_511] : memref<10240x16xf32, #tpu.memory_space<vmem_shared>> -> memref<128x16xf32, #tpu.memory_space<vmem_shared>>
      tpu.wait_dma2 semaphore(%arg21 : memref<!tpu.dma_semaphore, #tpu.memory_space<semaphore_mem>>) src(%dma_wait3A_512 : memref<128x16xf32, #tpu.memory_space<vmem_shared>>) dst(%dma_wait3A_509 : memref<128x16xf32, #tpu.memory_space<vmem>>)
      %dma_wait3A_513 = arith.constant 1 : i32
      %dma_wait3A_514 = arith.constant 1 : i32
      %dma_wait3A_515 = arith.constant 0 : i32
      %dma_wait3A_516 = arith.constant 0 : i32
      %dma_wait3A_517 = tpu.memref_slice %arg9[%dma_wait3A_513, %dma_wait3A_514, %dma_wait3A_515, %dma_wait3A_516] : memref<2x4x128x16xf32, #tpu.memory_space<vmem>> -> memref<1x1x128x16xf32, #tpu.memory_space<vmem>>
      %dma_wait3A_518 = tpu.memref_squeeze %dma_wait3A_517 : memref<1x1x128x16xf32, #tpu.memory_space<vmem>> -> memref<128x16xf32, #tpu.memory_space<vmem>>
      %dma_wait3A_519 = arith.constant 0 : i32
      %dma_wait3A_520 = arith.constant 0 : i32
      %dma_wait3A_521 = tpu.memref_slice %arg17[%dma_wait3A_519, %dma_wait3A_520] : memref<10240x16xf32, #tpu.memory_space<vmem_shared>> -> memref<128x16xf32, #tpu.memory_space<vmem_shared>>
      %dma_wait3A_522 = arith.constant 0 : i32
      %dma_wait3A_523 = arith.constant 0 : i32
      %dma_wait3A_524 = tpu.memref_slice %arg9[%dma_wait3A_513, %dma_wait3A_514, %dma_wait3A_522, %dma_wait3A_523] : memref<2x4x128x16xf32, #tpu.memory_space<vmem>> -> memref<1x1x128x16xf32, #tpu.memory_space<vmem>>
      %dma_wait3A_525 = tpu.memref_squeeze %dma_wait3A_524 : memref<1x1x128x16xf32, #tpu.memory_space<vmem>> -> memref<128x16xf32, #tpu.memory_space<vmem>>
      %dma_wait3A_526 = arith.constant 0 : i32
      %dma_wait3A_527 = arith.constant 0 : i32
      %dma_wait3A_528 = tpu.memref_slice %arg17[%dma_wait3A_526, %dma_wait3A_527] : memref<10240x16xf32, #tpu.memory_space<vmem_shared>> -> memref<128x16xf32, #tpu.memory_space<vmem_shared>>
      tpu.wait_dma2 semaphore(%arg21 : memref<!tpu.dma_semaphore, #tpu.memory_space<semaphore_mem>>) src(%dma_wait3A_528 : memref<128x16xf32, #tpu.memory_space<vmem_shared>>) dst(%dma_wait3A_525 : memref<128x16xf32, #tpu.memory_space<vmem>>)
      %dma_wait3A_529 = arith.constant 1 : i32
      %dma_wait3A_530 = arith.constant 2 : i32
      %dma_wait3A_531 = arith.constant 0 : i32
      %dma_wait3A_532 = arith.constant 0 : i32
      %dma_wait3A_533 = tpu.memref_slice %arg9[%dma_wait3A_529, %dma_wait3A_530, %dma_wait3A_531, %dma_wait3A_532] : memref<2x4x128x16xf32, #tpu.memory_space<vmem>> -> memref<1x1x128x16xf32, #tpu.memory_space<vmem>>
      %dma_wait3A_534 = tpu.memref_squeeze %dma_wait3A_533 : memref<1x1x128x16xf32, #tpu.memory_space<vmem>> -> memref<128x16xf32, #tpu.memory_space<vmem>>
      %dma_wait3A_535 = arith.constant 0 : i32
      %dma_wait3A_536 = arith.constant 0 : i32
      %dma_wait3A_537 = tpu.memref_slice %arg17[%dma_wait3A_535, %dma_wait3A_536] : memref<10240x16xf32, #tpu.memory_space<vmem_shared>> -> memref<128x16xf32, #tpu.memory_space<vmem_shared>>
      %dma_wait3A_538 = arith.constant 0 : i32
      %dma_wait3A_539 = arith.constant 0 : i32
      %dma_wait3A_540 = tpu.memref_slice %arg9[%dma_wait3A_529, %dma_wait3A_530, %dma_wait3A_538, %dma_wait3A_539] : memref<2x4x128x16xf32, #tpu.memory_space<vmem>> -> memref<1x1x128x16xf32, #tpu.memory_space<vmem>>
      %dma_wait3A_541 = tpu.memref_squeeze %dma_wait3A_540 : memref<1x1x128x16xf32, #tpu.memory_space<vmem>> -> memref<128x16xf32, #tpu.memory_space<vmem>>
      %dma_wait3A_542 = arith.constant 0 : i32
      %dma_wait3A_543 = arith.constant 0 : i32
      %dma_wait3A_544 = tpu.memref_slice %arg17[%dma_wait3A_542, %dma_wait3A_543] : memref<10240x16xf32, #tpu.memory_space<vmem_shared>> -> memref<128x16xf32, #tpu.memory_space<vmem_shared>>
      tpu.wait_dma2 semaphore(%arg21 : memref<!tpu.dma_semaphore, #tpu.memory_space<semaphore_mem>>) src(%dma_wait3A_544 : memref<128x16xf32, #tpu.memory_space<vmem_shared>>) dst(%dma_wait3A_541 : memref<128x16xf32, #tpu.memory_space<vmem>>)
      %dma_wait3A_545 = arith.constant 1 : i32
      %dma_wait3A_546 = arith.constant 3 : i32
      %dma_wait3A_547 = arith.constant 0 : i32
      %dma_wait3A_548 = arith.constant 0 : i32
      %dma_wait3A_549 = tpu.memref_slice %arg9[%dma_wait3A_545, %dma_wait3A_546, %dma_wait3A_547, %dma_wait3A_548] : memref<2x4x128x16xf32, #tpu.memory_space<vmem>> -> memref<1x1x128x16xf32, #tpu.memory_space<vmem>>
      %dma_wait3A_550 = tpu.memref_squeeze %dma_wait3A_549 : memref<1x1x128x16xf32, #tpu.memory_space<vmem>> -> memref<128x16xf32, #tpu.memory_space<vmem>>
      %dma_wait3A_551 = arith.constant 0 : i32
      %dma_wait3A_552 = arith.constant 0 : i32
      %dma_wait3A_553 = tpu.memref_slice %arg17[%dma_wait3A_551, %dma_wait3A_552] : memref<10240x16xf32, #tpu.memory_space<vmem_shared>> -> memref<128x16xf32, #tpu.memory_space<vmem_shared>>
      %dma_wait3A_554 = arith.constant 0 : i32
      %dma_wait3A_555 = arith.constant 0 : i32
      %dma_wait3A_556 = tpu.memref_slice %arg9[%dma_wait3A_545, %dma_wait3A_546, %dma_wait3A_554, %dma_wait3A_555] : memref<2x4x128x16xf32, #tpu.memory_space<vmem>> -> memref<1x1x128x16xf32, #tpu.memory_space<vmem>>
      %dma_wait3A_557 = tpu.memref_squeeze %dma_wait3A_556 : memref<1x1x128x16xf32, #tpu.memory_space<vmem>> -> memref<128x16xf32, #tpu.memory_space<vmem>>
      %dma_wait3A_558 = arith.constant 0 : i32
      %dma_wait3A_559 = arith.constant 0 : i32
      %dma_wait3A_560 = tpu.memref_slice %arg17[%dma_wait3A_558, %dma_wait3A_559] : memref<10240x16xf32, #tpu.memory_space<vmem_shared>> -> memref<128x16xf32, #tpu.memory_space<vmem_shared>>
      tpu.wait_dma2 semaphore(%arg21 : memref<!tpu.dma_semaphore, #tpu.memory_space<semaphore_mem>>) src(%dma_wait3A_560 : memref<128x16xf32, #tpu.memory_space<vmem_shared>>) dst(%dma_wait3A_557 : memref<128x16xf32, #tpu.memory_space<vmem>>)
    }
    %scan3A_99 = arith.constant 10 : i32
    %barrier3A_100 = arith.constant 0 : index
    tpu.barrier barrier_id(%barrier3A_100)
    "tpu.region"() ({
      %run_scoped3A_101 = tpu.sem_alloc : memref<!tpu.dma_semaphore, #tpu.memory_space<semaphore_mem>>
      %dma_start3A_102 = arith.constant 0 : i32
      %dma_start3A_103 = tpu.memref_slice %arg5[%arg0, %mul3A_2, %dma_start3A_102] : memref<2x10240x16xf32, #tpu.memory_space<hbm>> -> memref<1x640x16xf32, #tpu.memory_space<hbm>>
      %dma_start3A_104 = tpu.memref_squeeze %dma_start3A_103 : memref<1x640x16xf32, #tpu.memory_space<hbm>> -> memref<640x16xf32, #tpu.memory_space<hbm>>
      %dma_start3A_105 = arith.constant 0 : i32
      %dma_start3A_106 = tpu.memref_slice %arg16[%mul3A_2, %dma_start3A_105] : memref<10240x16xf32, #tpu.memory_space<vmem_shared>> -> memref<640x16xf32, #tpu.memory_space<vmem_shared>>
      tpu.enqueue_dma source(%dma_start3A_106 : memref<640x16xf32, #tpu.memory_space<vmem_shared>>) target(%dma_start3A_104 : memref<640x16xf32, #tpu.memory_space<hbm>>) target_semaphore(%run_scoped3A_101 : memref<!tpu.dma_semaphore, #tpu.memory_space<semaphore_mem>>)
      %dma_wait3A = arith.constant 0 : i32
      %dma_wait3A_107 = tpu.memref_slice %arg5[%arg0, %mul3A_2, %dma_wait3A] : memref<2x10240x16xf32, #tpu.memory_space<hbm>> -> memref<1x640x16xf32, #tpu.memory_space<hbm>>
      %dma_wait3A_108 = tpu.memref_squeeze %dma_wait3A_107 : memref<1x640x16xf32, #tpu.memory_space<hbm>> -> memref<640x16xf32, #tpu.memory_space<hbm>>
      %dma_wait3A_109 = arith.constant 0 : i32
      %dma_wait3A_110 = tpu.memref_slice %arg16[%mul3A_2, %dma_wait3A_109] : memref<10240x16xf32, #tpu.memory_space<vmem_shared>> -> memref<640x16xf32, #tpu.memory_space<vmem_shared>>
      tpu.wait_dma2 semaphore(%run_scoped3A_101 : memref<!tpu.dma_semaphore, #tpu.memory_space<semaphore_mem>>) src(%dma_wait3A_110 : memref<640x16xf32, #tpu.memory_space<vmem_shared>>) dst(%dma_wait3A_108 : memref<640x16xf32, #tpu.memory_space<hbm>>)
      tpu.yield
    }) : () -> ()
    return
  }
}

module attributes {stable_mosaic.version = 14 : i64} {
  func.func @_tc_m_body(%arg0: memref<1280x1024xf32, #tpu.memory_space<vmem>>, %arg1: memref<1024x128xf32, #tpu.memory_space<vmem>>, %arg2: memref<1280x128xf32, #tpu.memory_space<vmem>>) attributes {dimension_semantics = [], scalar_prefetch = 0 : i64, scratch_operands = 0 : i64, tpu.core_type = #tpu.core_type<tc>} {
    %get3A = arith.constant 0 : index
    %get3A_0 = arith.constant 0 : index
    %get3A_1 = vector.load %arg0[%get3A, %get3A_0] : memref<1280x1024xf32, #tpu.memory_space<vmem>>, vector<1280x1024xf32>
    %get3A_2 = arith.constant 0 : index
    %get3A_3 = arith.constant 0 : index
    %get3A_4 = vector.load %arg1[%get3A_2, %get3A_3] : memref<1024x128xf32, #tpu.memory_space<vmem>>, vector<1024x128xf32>
    %dot_general3A = arith.constant dense<0.000000e+00> : vector<1280x128xf32>
    %dot_general3A_5 = tpu.matmul %get3A_1, %get3A_4, %dot_general3A {dimension_numbers = #tpu.dot_dimension_numbers<[1], [0], [0], [1], [0, 0, 1, 1], [], []>, transpose_lhs_hint = false} : vector<1280x1024xf32>, vector<1024x128xf32>, vector<1280x128xf32> -> vector<1280x128xf32>
    %swap3A = arith.constant 0 : index
    %swap3A_6 = arith.constant 0 : index
    %swap3A_7 = vector.load %arg2[%swap3A, %swap3A_6] : memref<1280x128xf32, #tpu.memory_space<vmem>>, vector<1280x128xf32>
    tpu.vector_store %arg2[%swap3A, %swap3A_6], %dot_general3A_5 {strides = array<i32>} : memref<1280x128xf32, #tpu.memory_space<vmem>>, vector<1280x128xf32>,
    return
  }
}

module attributes {stable_mosaic.version = 14 : i64} {
  func.func @_tc_c_body(%arg0: memref<2x1280x128xf32, #tpu.memory_space<vmem>>, %arg1: memref<1280x128xf32, #tpu.memory_space<vmem>>, %arg2: memref<1280x128xf32, #tpu.memory_space<vmem>>, %arg3: memref<1x128xf32, #tpu.memory_space<vmem>>, %arg4: memref<128x128xf32, #tpu.memory_space<vmem>>, %arg5: memref<128x128xf32, #tpu.memory_space<vmem>>, %arg6: memref<1280x128xf32, #tpu.memory_space<vmem>>) attributes {dimension_semantics = [], scalar_prefetch = 0 : i64, scratch_operands = 0 : i64, tpu.core_type = #tpu.core_type<tc>} {
    %get3A = arith.constant 0 : index
    %get3A_0 = arith.constant 0 : index
    %get3A_1 = arith.constant 0 : index
    %get3A_2 = vector.load %arg0[%get3A, %get3A_0, %get3A_1] : memref<2x1280x128xf32, #tpu.memory_space<vmem>>, vector<1x1280x128xf32>
    %get3A_3 = vector.shape_cast %get3A_2 : vector<1x1280x128xf32> to vector<1280x128xf32>
    %get3A_4 = arith.constant 1 : index
    %get3A_5 = arith.constant 0 : index
    %get3A_6 = arith.constant 0 : index
    %get3A_7 = vector.load %arg0[%get3A_4, %get3A_5, %get3A_6] : memref<2x1280x128xf32, #tpu.memory_space<vmem>>, vector<1x1280x128xf32>
    %get3A_8 = vector.shape_cast %get3A_7 : vector<1x1280x128xf32> to vector<1280x128xf32>
    %add3A = arith.addf %get3A_3, %get3A_8 : vector<1280x128xf32>
    %get3A_9 = arith.constant 0 : index
    %get3A_10 = arith.constant 0 : index
    %get3A_11 = vector.load %arg1[%get3A_9, %get3A_10] : memref<1280x128xf32, #tpu.memory_space<vmem>>, vector<1280x128xf32>
    %add3A_12 = arith.addf %add3A, %get3A_11 : vector<1280x128xf32>
    %get3A_13 = arith.constant 0 : index
    %get3A_14 = arith.constant 0 : index
    %get3A_15 = vector.load %arg2[%get3A_13, %get3A_14] : memref<1280x128xf32, #tpu.memory_space<vmem>>, vector<1280x128xf32>
    %mul3A = arith.mulf %add3A_12, %get3A_15 : vector<1280x128xf32>
    %get3A_16 = arith.constant 0 : index
    %get3A_17 = arith.constant 0 : index
    %get3A_18 = vector.load %arg3[%get3A_16, %get3A_17] : memref<1x128xf32, #tpu.memory_space<vmem>>, vector<1x128xf32>
    %add3A_19 = vector.broadcast %get3A_18 : vector<1x128xf32> to vector<1280x128xf32>
    %add3A_20 = arith.addf %mul3A, %add3A_19 : vector<1280x128xf32>
    %iota3A = tpu.iota {dimensions = array<i32: 1>} : vector<1280x128xi32>
    %jit3A = arith.constant 16 : i32
    %eq3A = arith.constant 0 : i32
    %eq3A_21 = arith.cmpi eq, %jit3A, %eq3A : i32
    %jit3A_22 = arith.constant 1 : i32
    %select_n3A = arith.select %eq3A_21, %jit3A_22, %jit3A : i32
    %rem3A = vector.broadcast %select_n3A : i32 to vector<1280x128xi32>
    %rem3A_23 = arith.remsi %iota3A, %rem3A : vector<1280x128xi32>
    %ne3A = arith.constant 0 : i32
    %ne3A_24 = vector.broadcast %ne3A : i32 to vector<1280x128xi32>
    %ne3A_25 = arith.cmpi ne, %rem3A_23, %ne3A_24 : vector<1280x128xi32>
    %lt3A = arith.constant 0 : i32
    %lt3A_26 = vector.broadcast %lt3A : i32 to vector<1280x128xi32>
    %lt3A_27 = arith.cmpi slt, %rem3A_23, %lt3A_26 : vector<1280x128xi32>
    %lt3A_28 = arith.constant 0 : i32
    %lt3A_29 = arith.cmpi slt, %select_n3A, %lt3A_28 : i32
    %ne3A_30 = vector.broadcast %lt3A_29 : i1 to vector<1280x128xi1>
    %ne3A_31 = vector.broadcast %ne3A_30 : vector<1280x128xi1> to vector<1280x128xi1>
    %ne3A_32 = arith.xori %lt3A_27, %ne3A_31 : vector<1280x128xi1>
    %and3A = arith.andi %ne3A_32, %ne3A_25 : vector<1280x128xi1>
    %add3A_33 = vector.broadcast %select_n3A : i32 to vector<1280x128xi32>
    %add3A_34 = arith.addi %rem3A_23, %add3A_33 : vector<1280x128xi32>
    %select_n3A_35 = arith.select %and3A, %add3A_34, %rem3A_23 : vector<1280x128xi1>, vector<1280x128xi32>
    %lt3A_36 = arith.constant 7 : i32
    %lt3A_37 = vector.broadcast %lt3A_36 : i32 to vector<1280x128xi32>
    %lt3A_38 = arith.cmpi slt, %select_n3A_35, %lt3A_37 : vector<1280x128xi32>
    %jit3A_39 = arith.constant 0xFF800000 : f32
    %broadcast_in_dim3A = vector.broadcast %jit3A_39 : f32 to vector<1280x128xf32>
    %select_n3A_40 = arith.select %lt3A_38, %add3A_20, %broadcast_in_dim3A : vector<1280x128xi1>, vector<1280x128xf32>
    %slice3A = vector.extract_strided_slice %select_n3A_40 {offsets = [0, 1], sizes = [1280, 127], strides = [1, 1]} : vector<1280x128xf32> to vector<1280x127xf32>
    %slice3A_41 = vector.extract_strided_slice %select_n3A_40 {offsets = [0, 0], sizes = [1280, 1], strides = [1, 1]} : vector<1280x128xf32> to vector<1280x1xf32>
    %concatenate3A = tpu.concatenate %slice3A, %slice3A_41 in 1 : vector<1280x127xf32>, vector<1280x1xf32> -> vector<1280x128xf32>
    %max3A = arith.maximumf %select_n3A_40, %concatenate3A : vector<1280x128xf32>
    %slice3A_42 = vector.extract_strided_slice %max3A {offsets = [0, 2], sizes = [1280, 126], strides = [1, 1]} : vector<1280x128xf32> to vector<1280x126xf32>
    %slice3A_43 = vector.extract_strided_slice %max3A {offsets = [0, 0], sizes = [1280, 2], strides = [1, 1]} : vector<1280x128xf32> to vector<1280x2xf32>
    %concatenate3A_44 = tpu.concatenate %slice3A_42, %slice3A_43 in 1 : vector<1280x126xf32>, vector<1280x2xf32> -> vector<1280x128xf32>
    %max3A_45 = arith.maximumf %max3A, %concatenate3A_44 : vector<1280x128xf32>
    %slice3A_46 = vector.extract_strided_slice %max3A_45 {offsets = [0, 4], sizes = [1280, 124], strides = [1, 1]} : vector<1280x128xf32> to vector<1280x124xf32>
    %slice3A_47 = vector.extract_strided_slice %max3A_45 {offsets = [0, 0], sizes = [1280, 4], strides = [1, 1]} : vector<1280x128xf32> to vector<1280x4xf32>
    %concatenate3A_48 = tpu.concatenate %slice3A_46, %slice3A_47 in 1 : vector<1280x124xf32>, vector<1280x4xf32> -> vector<1280x128xf32>
    %max3A_49 = arith.maximumf %max3A_45, %concatenate3A_48 : vector<1280x128xf32>
    %slice3A_50 = vector.extract_strided_slice %max3A_49 {offsets = [0, 8], sizes = [1280, 120], strides = [1, 1]} : vector<1280x128xf32> to vector<1280x120xf32>
    %slice3A_51 = vector.extract_strided_slice %max3A_49 {offsets = [0, 0], sizes = [1280, 8], strides = [1, 1]} : vector<1280x128xf32> to vector<1280x8xf32>
    %concatenate3A_52 = tpu.concatenate %slice3A_50, %slice3A_51 in 1 : vector<1280x120xf32>, vector<1280x8xf32> -> vector<1280x128xf32>
    %max3A_53 = arith.maximumf %max3A_49, %concatenate3A_52 : vector<1280x128xf32>
    %jit3A_54 = arith.constant 16 : i32
    %eq3A_55 = arith.constant 0 : i32
    %eq3A_56 = arith.cmpi eq, %jit3A_54, %eq3A_55 : i32
    %jit3A_57 = arith.constant 1 : i32
    %select_n3A_58 = arith.select %eq3A_56, %jit3A_57, %jit3A_54 : i32
    %rem3A_59 = vector.broadcast %select_n3A_58 : i32 to vector<1280x128xi32>
    %rem3A_60 = arith.remsi %iota3A, %rem3A_59 : vector<1280x128xi32>
    %ne3A_61 = arith.constant 0 : i32
    %ne3A_62 = vector.broadcast %ne3A_61 : i32 to vector<1280x128xi32>
    %ne3A_63 = arith.cmpi ne, %rem3A_60, %ne3A_62 : vector<1280x128xi32>
    %lt3A_64 = arith.constant 0 : i32
    %lt3A_65 = vector.broadcast %lt3A_64 : i32 to vector<1280x128xi32>
    %lt3A_66 = arith.cmpi slt, %rem3A_60, %lt3A_65 : vector<1280x128xi32>
    %lt3A_67 = arith.constant 0 : i32
    %lt3A_68 = arith.cmpi slt, %select_n3A_58, %lt3A_67 : i32
    %ne3A_69 = vector.broadcast %lt3A_68 : i1 to vector<1280x128xi1>
    %ne3A_70 = vector.broadcast %ne3A_69 : vector<1280x128xi1> to vector<1280x128xi1>
    %ne3A_71 = arith.xori %lt3A_66, %ne3A_70 : vector<1280x128xi1>
    %and3A_72 = arith.andi %ne3A_71, %ne3A_63 : vector<1280x128xi1>
    %add3A_73 = vector.broadcast %select_n3A_58 : i32 to vector<1280x128xi32>
    %add3A_74 = arith.addi %rem3A_60, %add3A_73 : vector<1280x128xi32>
    %select_n3A_75 = arith.select %and3A_72, %add3A_74, %rem3A_60 : vector<1280x128xi1>, vector<1280x128xi32>
    %eq3A_76 = arith.constant 0 : i32
    %eq3A_77 = vector.broadcast %eq3A_76 : i32 to vector<1280x128xi32>
    %eq3A_78 = arith.cmpi eq, %select_n3A_75, %eq3A_77 : vector<1280x128xi32>
    %convert_element_type3A = arith.extui %eq3A_78 : vector<1280x128xi1> to vector<1280x128xi32>
    %convert_element_type3A_79 = arith.sitofp %convert_element_type3A : vector<1280x128xi32> to vector<1280x128xf32>
    %mul3A_80 = arith.mulf %max3A_53, %convert_element_type3A_79 : vector<1280x128xf32>
    %get3A_81 = arith.constant 0 : index
    %get3A_82 = arith.constant 0 : index
    %get3A_83 = vector.load %arg4[%get3A_81, %get3A_82] : memref<128x128xf32, #tpu.memory_space<vmem>>, vector<128x128xf32>
    %dot_general3A = arith.constant dense<0.000000e+00> : vector<1280x128xf32>
    %dot_general3A_84 = tpu.matmul %mul3A_80, %get3A_83, %dot_general3A {dimension_numbers = #tpu.dot_dimension_numbers<[1], [0], [0], [1], [0, 0, 1, 1], [], []>, transpose_lhs_hint = false} : vector<1280x128xf32>, vector<128x128xf32>, vector<1280x128xf32> -> vector<1280x128xf32>
    %sub3A = arith.subf %select_n3A_40, %dot_general3A_84 : vector<1280x128xf32>
    %exp3A = math.exp %sub3A : vector<1280x128xf32>
    %get3A_85 = arith.constant 0 : index
    %get3A_86 = arith.constant 0 : index
    %get3A_87 = vector.load %arg5[%get3A_85, %get3A_86] : memref<128x128xf32, #tpu.memory_space<vmem>>, vector<128x128xf32>
    %dot_general3A_88 = arith.constant dense<0.000000e+00> : vector<1280x128xf32>
    %dot_general3A_89 = tpu.matmul %exp3A, %get3A_87, %dot_general3A_88 {dimension_numbers = #tpu.dot_dimension_numbers<[1], [0], [0], [1], [0, 0, 1, 1], [], []>, transpose_lhs_hint = false} : vector<1280x128xf32>, vector<128x128xf32>, vector<1280x128xf32> -> vector<1280x128xf32>
    %sub3A_90 = arith.subf %add3A_20, %dot_general3A_84 : vector<1280x128xf32>
    %log3A = math.log %dot_general3A_89 : vector<1280x128xf32>
    %sub3A_91 = arith.subf %sub3A_90, %log3A : vector<1280x128xf32>
    %swap3A = arith.constant 0 : index
    %swap3A_92 = arith.constant 0 : index
    %swap3A_93 = vector.load %arg6[%swap3A, %swap3A_92] : memref<1280x128xf32, #tpu.memory_space<vmem>>, vector<1280x128xf32>
    tpu.vector_store %arg6[%swap3A, %swap3A_92], %sub3A_91 {strides = array<i32>} : memref<1280x128xf32, #tpu.memory_space<vmem>>, vector<1280x128xf32>,
    return
  }
}

module attributes {stable_mosaic.version = 14 : i64} {
  func.func @_tc_b_body(%arg0: memref<2x1280x128xf32, #tpu.memory_space<vmem>>, %arg1: memref<1280x128xf32, #tpu.memory_space<vmem>>, %arg2: memref<1280x128xf32, #tpu.memory_space<vmem>>, %arg3: memref<1x128xf32, #tpu.memory_space<vmem>>, %arg4: memref<128x128xf32, #tpu.memory_space<vmem>>, %arg5: memref<1280x128xf32, #tpu.memory_space<vmem>>) attributes {dimension_semantics = [], scalar_prefetch = 0 : i64, scratch_operands = 0 : i64, tpu.core_type = #tpu.core_type<tc>} {
    %get3A = arith.constant 0 : index
    %get3A_0 = arith.constant 0 : index
    %get3A_1 = vector.load %arg2[%get3A, %get3A_0] : memref<1280x128xf32, #tpu.memory_space<vmem>>, vector<1280x128xf32>
    %get3A_2 = arith.constant 0 : index
    %get3A_3 = arith.constant 0 : index
    %get3A_4 = arith.constant 0 : index
    %get3A_5 = vector.load %arg0[%get3A_2, %get3A_3, %get3A_4] : memref<2x1280x128xf32, #tpu.memory_space<vmem>>, vector<1x1280x128xf32>
    %get3A_6 = vector.shape_cast %get3A_5 : vector<1x1280x128xf32> to vector<1280x128xf32>
    %get3A_7 = arith.constant 1 : index
    %get3A_8 = arith.constant 0 : index
    %get3A_9 = arith.constant 0 : index
    %get3A_10 = vector.load %arg0[%get3A_7, %get3A_8, %get3A_9] : memref<2x1280x128xf32, #tpu.memory_space<vmem>>, vector<1x1280x128xf32>
    %get3A_11 = vector.shape_cast %get3A_10 : vector<1x1280x128xf32> to vector<1280x128xf32>
    %add3A = arith.addf %get3A_6, %get3A_11 : vector<1280x128xf32>
    %get3A_12 = arith.constant 0 : index
    %get3A_13 = arith.constant 0 : index
    %get3A_14 = vector.load %arg1[%get3A_12, %get3A_13] : memref<1280x128xf32, #tpu.memory_space<vmem>>, vector<1280x128xf32>
    %mul3A = arith.mulf %get3A_14, %get3A_1 : vector<1280x128xf32>
    %add3A_15 = arith.addf %add3A, %mul3A : vector<1280x128xf32>
    %mul3A_16 = arith.mulf %add3A_15, %get3A_1 : vector<1280x128xf32>
    %get3A_17 = arith.constant 0 : index
    %get3A_18 = arith.constant 0 : index
    %get3A_19 = vector.load %arg3[%get3A_17, %get3A_18] : memref<1x128xf32, #tpu.memory_space<vmem>>, vector<1x128xf32>
    %add3A_20 = vector.broadcast %get3A_19 : vector<1x128xf32> to vector<1280x128xf32>
    %add3A_21 = arith.addf %mul3A_16, %add3A_20 : vector<1280x128xf32>
    %max3A = arith.constant 0.000000e+00 : f32
    %max3A_22 = vector.broadcast %max3A : f32 to vector<1280x128xf32>
    %max3A_23 = arith.maximumf %add3A_21, %max3A_22 : vector<1280x128xf32>
    %get3A_24 = arith.constant 0 : index
    %get3A_25 = arith.constant 0 : index
    %get3A_26 = vector.load %arg4[%get3A_24, %get3A_25] : memref<128x128xf32, #tpu.memory_space<vmem>>, vector<128x128xf32>
    %dot_general3A = arith.constant dense<0.000000e+00> : vector<1280x128xf32>
    %dot_general3A_27 = tpu.matmul %max3A_23, %get3A_26, %dot_general3A {dimension_numbers = #tpu.dot_dimension_numbers<[1], [0], [0], [1], [0, 0, 1, 1], [], []>, transpose_lhs_hint = false} : vector<1280x128xf32>, vector<128x128xf32>, vector<1280x128xf32> -> vector<1280x128xf32>
    %mul3A_28 = arith.mulf %dot_general3A_27, %get3A_1 : vector<1280x128xf32>
    %swap3A = arith.constant 0 : index
    %swap3A_29 = arith.constant 0 : index
    %swap3A_30 = vector.load %arg5[%swap3A, %swap3A_29] : memref<1280x128xf32, #tpu.memory_space<vmem>>, vector<1280x128xf32>
    tpu.vector_store %arg5[%swap3A, %swap3A_29], %mul3A_28 {strides = array<i32>} : memref<1280x128xf32, #tpu.memory_space<vmem>>, vector<1280x128xf32>,
    return
  }
}

</mosaic_0001>

<sc_bundles>
// kernel: kernel.10.cloned.1.call-start
scs
__scs_entry_jumppad:
0x0: {  	(pc) =	sbr.rel $0x88, $3  }
0x1: {  	(tag) =	ssettag $0x0;
	lr =	simm.s32 $0x1  }
0x2: {  	[smem:$0x3F9B] =	sst lr;
	_ =	strace $0xD0000000  }
0x3: {  	_ = 	snop  }
0x4: {  	_ = 	snop  }
0x5: {  	_ = 	snop  }
0x6: {  	_ = 	snop  }
0x7: {  	_ = 	snop  }
__scs_overlays_trampoline_lowered:
0x8: {  	[smem:$0x3FAA] =	sst s0  }
0x9: {  	[smem:$0x3FAB] =	sst s1  }
0xa: {  	[smem:$0x3FAC] =	sst s2  }
0xb: {  	[smem:$0x3FAD] =	sst s3  }
0xc: {  	[smem:$0x3FAE] =	sst s4  }
0xd: {  	[smem:$0x3FAF] =	sst s5  }
0xe: {  	[smem:$0x3FB0] =	sst s6  }
0xf: {  	[smem:$0x3FB1] =	sst s7  }
0x10: {  	[smem:$0x3FB2] =	sst s8  }
0x11: {  	[smem:$0x3FB3] =	sst s9;
	s0 =	simm.s32 @!p0 $0x0  }
0x12: {  	s1 =	sld [smem:$0x3F99];
	s0 =	simm.s32 @p0 $0x1  }
0x13: {  	[smem:$0x3FB4] =	sst s0;
	s0 =	simm.s32 @!p1 $0x0  }
0x14: {  	s2 =	sld [smem:$0x3F98];
	s0 =	simm.s32 @p1 $0x1  }
0x15: {  	[smem:$0x3FB5] =	sst s0;
	s0 =	simm.s32 @!p2 $0x0  }
0x16: {  	s3 =	sld [smem:$0x3FDB];
	s0 =	simm.s32 @p2 $0x1  }
0x17: {  	s4 =	simm.s32 $0x1BF5;
	[smem:$0x3FB7] =	sst s0  }
0x18: {  	s0 =	sld [smem:$0x3F9A];
	_ =	swait.ge [sflag:s4], $0x0  }
0x19: {  	s7 =	sld [smem:$0x3F9B]  }
0x1a: {  	s8 =	sadd.s32 $0xFFFFE003, lr  }
0x1b: {  	s9 =	sadd.s32 $0xFFFFFEF7, lr;
	s5 =	simm.s32 $0xFFFFFFFF;
	p2 =	slt.u32 s8, $0xFFFFF086  }
0x1c: {  	p1 =	slt.u32 s9, $0xF7A;
	s5 =	simm.s32 @!p2 $0x0  }
0x1d: {  	s5 =	simm.s32 @p1 $0x1;
	p0 =	seq.s32 s7, s2  }
0x1e: {  	s7 =	smul.u32 @!p0 $0xF7A, s2;
	p2 =	seq.s32 @!p0 s5, $0x0  }
0x1f: {  	s9 =	smul.u32 $0xF7A, s1;
	s8 =	simm.s32 @!p0 $0x1BF5;
	p2 =	por !p2, p0  }
0x20: {  	[sflag:s8] =	ssyncset.s32 @!p0 $0xFFFFF086;
	s6 =	sadd.s32 @!p0 s3, s7;
	s7 =	simm.s32 @!p0 $0x108  }
0x21: {  	s3 =	sadd.s32 s3, s9;
	s6 =	sadd.s32 @!p0 $0x88, s6;
	s7 =	simm.s32 @p2 $0x1082  }
0x22: {  	[simem:s7], [sflag:s8] =	dma.local @!p0 [hbm:s6], $0xF7A  }
0x23: {  	s9 =	sor.u32 $0xD0000000, s2;
	s6 =	simm.s32 $0x108;
	_ =	swait.ge @!p0 [sflag:s8], $0x0  }
0x24: {  	s3 =	sadd.s32 $0x88, s3;
	s6 =	simm.s32 @!p1 $0x1082;
	[sflag:s4] =	ssyncset.s32 $0xFFFFF086  }
0x25: {  	[simem:s6], [sflag:s4] =	dma.local [hbm:s3], $0xF7A  }
0x26: {  	[smem:$0x3F9B] =	sst s1;
	(tag) =	ssettag s2;
	_ =	strace s9  }
0x27: {  	s1 =	sld [smem:$0x3FAB]  }
0x28: {  	s2 =	sld [smem:$0x3FAC]  }
0x29: {  	s4 =	sld [smem:$0x3FAE]  }
0x2a: {  	p0 =	seq.s32 s5, $0x0;
	s5 =	sld [smem:$0x3FAF]  }
0x2b: {  	s6 =	sld [smem:$0x3FB0]  }
0x2c: {  	s7 =	sld [smem:$0x3FB1]  }
0x2d: {  	s3 =	simm.s32 $0x108;
	s8 =	sld [smem:$0x3FB2]  }
0x2e: {  	s3 =	simm.s32 @!p0 $0x1082;
	s9 =	sld [smem:$0x3FB3]  }
0x2f: {  	lr =	sadd.s32 s0, s3;
	s0 =	sld [smem:$0x3FAA]  }
0x30: {  	s3 =	sld [smem:$0x3FAD]  }
0x31: {  	[smem:$0x3FB6] =	sst s10  }
0x32: {  	s10 =	sld [smem:$0x3FB4];
	_ =	sdelay $0x3  }
0x33: {  	p0 =	seq.s32 s10, $0x1;
	s10 =	sld [smem:$0x3FB6];
	_ =	sdelay $0x3  }
0x34: {  	[smem:$0x3FB6] =	sst s10  }
0x35: {  	s10 =	sld [smem:$0x3FB5];
	_ =	sdelay $0x3  }
0x36: {  	p1 =	seq.s32 s10, $0x1;
	s10 =	sld [smem:$0x3FB6];
	_ =	sdelay $0x3  }
0x37: {  	[smem:$0x3FB6] =	sst s10  }
0x38: {  	s10 =	sld [smem:$0x3FB7]  }
0x39: {  	_ = 	snop;
	(pc) =	sbr.ind lr, $3  }
0x3a: {  	_ = 	snop  }
0x3b: {  	_ = 	snop  }
0x3c: {  	p2 =	seq.s32 s10, $0x1;
	s10 =	sld [smem:$0x3FB6]  }
0x3d: {  	_ =	shalt  }
0x3e: {  	_ =	shalt  }
0x3f: {  	_ =	shalt  }
0x40: {  	_ =	shalt  }
0x41: {  	_ =	shalt  }
0x42: {  	_ =	shalt  }
0x43: {  	_ =	shalt  }
0x44: {  	_ =	shalt  }
0x45: {  	_ =	shalt  }
0x46: {  	_ =	shalt  }
0x47: {  	_ =	shalt  }
0x48: {  	_ =	shalt  }
0x49: {  	_ =	shalt  }
0x4a: {  	_ =	shalt  }
0x4b: {  	_ =	shalt  }
0x4c: {  	_ =	shalt  }
0x4d: {  	_ =	shalt  }
0x4e: {  	_ =	shalt  }
0x4f: {  	_ =	shalt  }
0x50: {  	_ =	shalt  }
0x51: {  	_ =	shalt  }
0x52: {  	_ =	shalt  }
0x53: {  	_ =	shalt  }
0x54: {  	_ =	shalt  }
0x55: {  	_ =	shalt  }
0x56: {  	_ =	shalt  }
0x57: {  	_ =	shalt  }
0x58: {  	_ =	shalt  }
0x59: {  	_ =	shalt  }
0x5a: {  	_ =	shalt  }
0x5b: {  	_ =	shalt  }
0x5c: {  	_ =	shalt  }
0x5d: {  	_ =	shalt  }
0x5e: {  	_ =	shalt  }
0x5f: {  	_ =	shalt  }
0x60: {  	_ =	shalt  }
0x61: {  	_ =	shalt  }
0x62: {  	_ =	shalt  }
0x63: {  	_ =	shalt  }
0x64: {  	_ =	shalt  }
0x65: {  	_ =	shalt  }
0x66: {  	_ =	shalt  }
0x67: {  	_ =	shalt  }
0x68: {  	_ =	shalt  }
0x69: {  	_ =	shalt  }
0x6a: {  	_ =	shalt  }
0x6b: {  	_ =	shalt  }
0x6c: {  	_ =	shalt  }
0x6d: {  	_ =	shalt  }
0x6e: {  	_ =	shalt  }
0x6f: {  	_ =	shalt  }
0x70: {  	_ =	shalt  }
0x71: {  	_ =	shalt  }
0x72: {  	_ =	shalt  }
0x73: {  	_ =	shalt  }
0x74: {  	_ =	shalt  }
0x75: {  	_ =	shalt  }
0x76: {  	_ =	shalt  }
0x77: {  	_ =	shalt  }
0x78: {  	_ =	shalt  }
0x79: {  	_ =	shalt  }
0x7a: {  	_ =	shalt  }
0x7b: {  	_ =	shalt  }
0x7c: {  	_ =	shalt  }
0x7d: {  	_ =	shalt  }
0x7e: {  	_ =	shalt  }
0x7f: {  	_ =	shalt  }
0x80: {  	_ =	shalt  }
0x81: {  	_ =	shalt  }
0x82: {  	_ =	shalt  }
0x83: {  	_ =	shalt  }
0x84: {  	_ =	shalt  }
0x85: {  	_ =	shalt  }
0x86: {  	_ =	shalt  }
0x87: {  	_ =	shalt  }
.Lfunc_end0:
.L_simem_size_0:
called_computation.1_lowered:
.L_overlay_start_0:
0x88: {  	s2 =	sld [smem:$0x3FD9]  }
0x89: {  	s3 =	sld [smem:$0x3FFE];
	_ =	sdelay $0x1  }
0x8a: {  	s1 =	srdreg.scid  }
0x8b: {  	s0 =	sand.u32 $0x1, s1  }
0x8c: {  	s17 =	sshll.u32 s0, $0xA;
	s2 =	sadd.s32 s3, s2  }
0x8d: {  	s2 =	sadd.s32 s2, s17  }
0x8e: {  	[smem:$0x3FC2] =	sst s2  }
0x8f: {  	_ = 	snop  }
0x90: {  	s2 =	sld [smem:$0x3FD0];
	(tm) =	ssettm $0x1  }
0x91: {  	s18 =	sld [smem:$0x3FFB];
	_ =	sdelay $0x3  }
0x92: {  	_ =	strace s18  }
0x93: {  	s3 =	sld [smem:$0x3FFC];
	_ =	sdelay $0x3  }
0x94: {  	_ =	strace s3  }
0x95: {  	s3 =	sld [smem:$0x3FFD];
	_ =	sdelay $0x3  }
0x96: {  	_ =	strace s3  }
0x97: {  	_ =	strace $0x8FFFFFFF  }
0x98: {  	s19 =	sld [smem:$0x3FDB];
	_ =	sdelay $0x1  }
0x99: {  	s4 =	simm.s32 $_scs_section_size  }
0x9a: {  	s5 =	simm.s32 $_size__tile_overlayer_lowered;
	s6 =	simm.s32 $_tile_overlayer_lowered  }
0x9b: {  	s22 =	simm.s32 $0x1BFF;
	s21 =	sshll.u32 s6, $0x1;
	s3 =	sadd.s32 s4, s19  }
0x9c: {  	s7 =	simm.s32 $0x0;
	s20 =	sshll.u32 s5, $0x1;
	s5 =	sadd.s32 s21, s3  }
0x9d: {  	[timem:s7], [sflag:s22] =	dma.local [hbm:s5], s20  }
0x9e: {  	_ =	swait.ge [sflag:s22], s20  }
0x9f: {  	s4 =	ssub.s32 $0x0, s20;
	[sflag:s22] =	ssyncset.done $0x0  }
0xa0: {  	[sflag:s22] =	ssyncadd.s32 s4;
	_ =	sdelay $0x1  }
0xa1: {  	s23 =	simm.s32 $0x1B8B  }
0xa2: {  	_ =	swait.ge [sflag:s23], $0x1  }
0xa3: {  	[sflag:s23] =	ssyncset.done $0x0  }
0xa4: {  	s25 =	simm.s32 $0x1B8E;
	s24 =	sld [smem:$0x3FFE];
	[sflag:s23] =	ssyncadd.s32 $0xFFFFFFFF  }
0xa5: {  	s26 =	simm.s32 $execute0_lowered;
	[smem:$0x3FD2] =	sst s25  }
0xa6: {  	s5 =	sshll.u32 s26, $0x1;
	_ =	strace $0x80000049;
	[dreg:$0x1] =	wrdreg $0xFFFFFFFF  }
0xa7: {  	s28 =	simm.s32 $_size_execute0_lowered;
	s3 =	sadd.s32 s3, s5;
	[dreg:$0x0] =	wrdreg $0x0  }
0xa8: {  	s5 =	sshll.u32 s28, $0x1;
	[dreg:$0x2] =	wrdreg s3  }
0xa9: {  	[dreg:$0x3] =	wrdreg s5  }
0xaa: {  	[dreg:$0x4] =	wrdreg $0xC0  }
0xab: {  	_ =	task [dreg:s7], $0x5FFFF  }
0xac: {  	[dreg:$0x1] =	wrdreg $0xFFFFFFFF  }
0xad: {  	[dreg:$0x0] =	wrdreg $0x60  }
0xae: {  	[dreg:$0x2] =	wrdreg s24  }
0xaf: {  	[dreg:$0x3] =	wrdreg s2  }
0xb0: {  	[dreg:$0x4] =	wrdreg $0x90000  }
0xb1: {  	[dreg:$0x5] =	wrdreg $0xB8000  }
0xb2: {  	[dreg:$0x6] =	wrdreg $0x9  }
0xb3: {  	_ =	task.clear_ibuf [dreg:s7], $0x7FFFF;
	_ =	strace $0x90000049  }
0xb4: {  	s29 =	simm.s32 $0x9;
	_ =	strace $0x8000004B  }
0xb5: {  	_ =	swait.ge [sflag:s29], $0x1  }
0xb6: {  	[sflag:s29] =	ssyncadd.s32 $0xFFFFFFFF  }
0xb7: {  	_ =	strace $0x9000004B  }
0xb8: {  	_ =	sfence  }
0xb9: {  	s30 =	sld [smem:$0x0];
	_ =	sdelay $0x2  }
0xba: {  	s31 =	sshll.u32 s1, $0xD;
	s1 =	sshrl.u32 s1, $0x2  }
0xbb: {  	s3 =	sand.u32 $0x4000, s31;
	s1 =	sadd.s32 s1, s30  }
0xbc: {  	s0 =	sor.u32 s3, s0;
	s1 =	sshll.u32 s1, $0x11  }
0xbd: {  	s0 =	sor.u32 s1, s0  }
0xbe: {  	s0 =	sadd.s32 $0x8F2B, s0  }
0xbf: {  	[sflag:s0] =	ssyncadd.remote.s32 $0x1  }
0xc0: {  	_ =	sfence.sel $0xFFFF  }
0xc1: {  	[dreg:$0x0] =	wrdreg $0xFFFFFFFF;
	(pc) =	sbr.abs _section_cstart, $3  }
0xc2: {  	[dreg:$0x1] =	wrdreg $0xFFFFFFFF  }
0xc3: {  	_ =	task.clear_ibuf [dreg:s7], $0x2FFFF;
	_ =	strace $0x9FFFFFFF  }
0xc4: {  	(tm) =	ssettm $0x7FFFFFFF  }
0xc5: {  	_ =	shalt  }
tec
execute0_lowered:
.L_overlay_start_1:
0x0: {  	(tag) =	ssettag $0x1  }
0x1: {  	s0 =	rddreg [dreg:$0x0]  }
0x2: {  	s1 =	srdreg.scid;
	s3 =	rddreg [dreg:$0x2]  }
0x3: {  	s10 =	stileid.u32;
	s4 =	rddreg [dreg:$0x3];
	s5 =	simm.s32 $0x0  }
0x4: {  	s13 =	simm.s32 $0x4;
	s16 =	simm.s32 $0x80;
	s17 =	simm.s32 $0x5000  }
0x5: {  	s18 =	simm.s32 $0x5800;
	s20 =	simm.s32 $0x6000;
	s28 =	simm.s32 $0x1  }
0x6: {  	s29 =	simm.s32 $0x3;
	s30 =	simm.s32 $0x2;
	s31 =	simm.s32 $0x0  }
0x7: {  	s1 =	sand.u32 $0x1, s1;
	s7 =	smul.u32 $0x2800, s10;
	[smem:$0x7FF] =	sst s5  }
0x8: {  	s24 =	sshll.u32 s10, $0x6;
	s2 =	sshll.u32 s1, $0x4;
	s8 =	smul.u32 $0x28000, s1  }
0x9: {  	_ =	strace $0x8000004A;
	s1 =	ssub.s32 $0x2, s1;
	s2 =	sor.u32 s10, s2  }
0xa: {  	s6 =	sshrl.u32 s7, $0x3;
	s23 =	sshrl.u32 s1, $0x1;
	s12 =	sadd.s32 s7, s3  }
0xb: {  	s14 =	sadd.s32 s7, s4;
	s2 =	smul.u32 $0x2800, s2;
	s9 =	sadd.s32 s6, s0  }
0xc: {  	s22 =	sadd.s32 s7, s8;
	s1 =	ssub.s32 s1, s23;
	s12 =	sshrl.u32 s12, $0x3  }
0xd: {  	s14 =	sshrl.u32 s14, $0x3;
	s23 =	simm.s32 $0x7000;
	s6 =	sshrl.u32 s22, $0x3  }
0xe: {  	s25 =	sadd.s32 $0x16A00, s9;
	s11 =	smax.u32 s1, $0x1;
	s22 =	simm.s32 $0x6800  }
0xf: {  	s2 =	sshrl.u32 s2, $0x3;
	[dreg:$0x5] =	wrdreg s25;
	s25 =	simm.s32 $0x8000  }
0x10: {  	s2 =	sadd.s32 s2, s0;
	s0 =	sadd.s32 s6, s0;
	s6 =	sor.u32 $0x1C04, s24  }
0x11: {  	s24 =	simm.s32 $0x7800;
	s26 =	sadd.s32 $0x2A00, s2;
	s9 =	sadd.s32 $0xCA00, s2  }
0x12: {  	s10 =	sadd.s32 $0x1BA00, s0;
	[dreg:$0x6] =	wrdreg s26;
	s26 =	simm.s32 $0x8800  }
.LBB2_1:
0x13: {  	s0 =	rddreg [dreg:$0x1]  }
0x14: {  	[spmem:s12], [sflag:s6] =	dma.local [hbm:s0], $0x500  }
0x15: {  	_ =	swait.ge [sflag:s13], $0x500  }
0x16: {  	[sflag:s13] =	ssyncset.done $0x0  }
0x17: {  	s15 =	rddreg [dreg:$0x5];
	[sflag:s13] =	ssyncadd.s32 $0xFFFFFB00  }
0x18: {  	[spmem:s14], [sflag:s6] =	dma.local [hbm:s15], $0x500  }
0x19: {  	_ =	swait.ge [sflag:s13], $0x500  }
0x1a: {  	[sflag:s13] =	ssyncset.done $0x0  }
0x1b: {  	s19 =	rddreg [dreg:$0x6];
	[sflag:s13] =	ssyncadd.s32 $0xFFFFFB00  }
0x1c: {  	[tilespmem:s5], [sflag:$0x4] =	stream.linear.gather [hbm4b:s19+s5], $0x2800, $0x38;
	[tilespmem:$0xE000] =	vst v63  }
0x1d: {  	_ =	swait.ge [sflag:s13], $0x2800  }
0x1e: {  	[sflag:s13] =	ssyncset.done $0x0  }
0x1f: {  	s21 =	simm.s32 $0x2800;
	[sflag:s13] =	ssyncadd.s32 $0xFFFFD800  }
0x20: {  	[tilespmem:s21], [sflag:$0x4] =	stream.linear.gather [hbm4b:s9+s5], $0x2800, $0x38;
	[tilespmem:$0xE000] =	vst v63  }
0x21: {  	_ =	swait.ge [sflag:s13], $0x2800  }
0x22: {  	[sflag:s13] =	ssyncset.done $0x0  }
0x23: {  	[sflag:s13] =	ssyncadd.s32 $0xFFFFD800  }
0x24: {  	[bflag:$0x0] =	sbarrier.arrive $0xFFFF  }
0x25: {  	[tilespmem:s17], [sflag:$0x1] =	stream.indirect.gather [spmem:s4], $0x10, s5, s16, $0xb8;
	[tilespmem:$0xE000] =	vst v63  }
0x26: {  	_ = 	snop  }
0x27: {  	[tilespmem:s18], [sflag:$0x1] =	stream.indirect.gather [spmem:s4], $0x10, s16, s16, $0xb8;
	[tilespmem:$0xE000] =	vst v63  }
0x28: {  	s1 =	simm.s32 $0x100  }
0x29: {  	[tilespmem:s20], [sflag:$0x1] =	stream.indirect.gather [spmem:s4], $0x10, s1, s16, $0xb8;
	[tilespmem:$0xE000] =	vst v63  }
0x2a: {  	s2 =	simm.s32 $0x180  }
0x2b: {  	[tilespmem:s22], [sflag:$0x1] =	stream.indirect.gather [spmem:s4], $0x10, s2, s16, $0xb8;
	[tilespmem:$0xE000] =	vst v63  }
0x2c: {  	s7 =	simm.s32 $0x200  }
0x2d: {  	[tilespmem:s23], [sflag:$0x2] =	stream.indirect.gather [spmem:s4], $0x10, s7, s16, $0xb8;
	[tilespmem:$0xE000] =	vst v63  }
0x2e: {  	s8 =	simm.s32 $0x280  }
0x2f: {  	[tilespmem:s24], [sflag:$0x2] =	stream.indirect.gather [spmem:s4], $0x10, s8, s16, $0xb8;
	[tilespmem:$0xE000] =	vst v63  }
0x30: {  	s15 =	simm.s32 $0x300  }
0x31: {  	[tilespmem:s25], [sflag:$0x2] =	stream.indirect.gather [spmem:s4], $0x10, s15, s16, $0xb8;
	[tilespmem:$0xE000] =	vst v63  }
0x32: {  	s19 =	simm.s32 $0x380  }
0x33: {  	[tilespmem:s26], [sflag:$0x2] =	stream.indirect.gather [spmem:s4], $0x10, s19, s16, $0xb8;
	[tilespmem:$0xE000] =	vst v63  }
0x34: {  	_ =	swait.ge [sflag:s28], $0x800  }
0x35: {  	[sflag:s28] =	ssyncset.done $0x0  }
0x36: {  	[sflag:s28] =	ssyncadd.s32 $0xFFFFF800  }
0x37: {  	_ =	swait.ge [sflag:s28], $0x800  }
0x38: {  	[sflag:s28] =	ssyncset.done $0x0  }
0x39: {  	[sflag:s28] =	ssyncadd.s32 $0xFFFFF800  }
0x3a: {  	_ =	swait.ge [sflag:s28], $0x800  }
0x3b: {  	[sflag:s28] =	ssyncset.done $0x0  }
0x3c: {  	[sflag:s28] =	ssyncadd.s32 $0xFFFFF800  }
0x3d: {  	_ =	swait.ge [sflag:s28], $0x800  }
0x3e: {  	[sflag:s28] =	ssyncset.done $0x0  }
0x3f: {  	s21 =	simm.s32 $0x2800;
	[sflag:s28] =	ssyncadd.s32 $0xFFFFF800  }
0x40: {  	[spmem:s3] =	stream.indirect.scatter.add.f32 [tilespmem:s17], [sflag:$0x3], $0x10, s21, s16, $0xb8;
	[tilespmem:$0xE000] =	vst v63  }
0x41: {  	s1 =	simm.s32 $0x2880  }
0x42: {  	[spmem:s3] =	stream.indirect.scatter.add.f32 [tilespmem:s18], [sflag:$0x3], $0x10, s1, s16, $0xb8;
	[tilespmem:$0xE000] =	vst v63  }
0x43: {  	s2 =	simm.s32 $0x2900  }
0x44: {  	[spmem:s3] =	stream.indirect.scatter.add.f32 [tilespmem:s20], [sflag:$0x3], $0x10, s2, s16, $0xb8;
	[tilespmem:$0xE000] =	vst v63  }
0x45: {  	s7 =	simm.s32 $0x2980  }
0x46: {  	[spmem:s3] =	stream.indirect.scatter.add.f32 [tilespmem:s22], [sflag:$0x3], $0x10, s7, s16, $0xb8;
	[tilespmem:$0xE000] =	vst v63  }
0x47: {  	_ =	swait.ge [sflag:s29], $0x800  }
0x48: {  	[sflag:s29] =	ssyncset.done $0x0  }
0x49: {  	[sflag:s29] =	ssyncadd.s32 $0xFFFFF800  }
0x4a: {  	_ =	swait.ge [sflag:s29], $0x800  }
0x4b: {  	[sflag:s29] =	ssyncset.done $0x0  }
0x4c: {  	[sflag:s29] =	ssyncadd.s32 $0xFFFFF800  }
0x4d: {  	_ =	swait.ge [sflag:s29], $0x800  }
0x4e: {  	[sflag:s29] =	ssyncset.done $0x0  }
0x4f: {  	[sflag:s29] =	ssyncadd.s32 $0xFFFFF800  }
0x50: {  	p0 =	por $0x0, $0x0;
	_ =	swait.ge [sflag:s29], $0x800  }
0x51: {  	s0 =	simm.s32 @!p0 $0x5000;
	[sflag:s29] =	ssyncset.done $0x0  }
0x52: {  	s1 =	simm.s32 @!p0 $0x400;
	s2 =	simm.s32 @!p0 $0x80;
	[sflag:s29] =	ssyncadd.s32 $0xFFFFF800  }
0x53: {  	[tilespmem:s0], [sflag:$0x1] =	stream.indirect.gather @!p0 [spmem:s4], $0x10, s1, s2, $0xb8;
	[tilespmem:$0xE000] =	vst v63  }
0x54: {  	s0 =	simm.s32 @!p0 $0x480;
	s1 =	simm.s32 @!p0 $0x5800  }
0x55: {  	[tilespmem:s1], [sflag:$0x1] =	stream.indirect.gather @!p0 [spmem:s4], $0x10, s0, s2, $0xb8;
	[tilespmem:$0xE000] =	vst v63  }
0x56: {  	s0 =	simm.s32 @!p0 $0x500;
	s1 =	simm.s32 @!p0 $0x6000  }
0x57: {  	[tilespmem:s1], [sflag:$0x1] =	stream.indirect.gather @!p0 [spmem:s4], $0x10, s0, s2, $0xb8;
	[tilespmem:$0xE000] =	vst v63  }
0x58: {  	s0 =	simm.s32 @!p0 $0x580;
	s1 =	simm.s32 @!p0 $0x6800  }
0x59: {  	[tilespmem:s1], [sflag:$0x1] =	stream.indirect.gather @!p0 [spmem:s4], $0x10, s0, s2, $0xb8;
	[tilespmem:$0xE000] =	vst v63  }
0x5a: {  	_ =	swait.ge [sflag:s30], $0x800  }
0x5b: {  	[sflag:s30] =	ssyncset.done $0x0  }
0x5c: {  	[sflag:s30] =	ssyncadd.s32 $0xFFFFF800  }
0x5d: {  	_ =	swait.ge [sflag:s30], $0x800  }
0x5e: {  	[sflag:s30] =	ssyncset.done $0x0  }
0x5f: {  	[sflag:s30] =	ssyncadd.s32 $0xFFFFF800  }
0x60: {  	_ =	swait.ge [sflag:s30], $0x800  }
0x61: {  	[sflag:s30] =	ssyncset.done $0x0  }
0x62: {  	[sflag:s30] =	ssyncadd.s32 $0xFFFFF800  }
0x63: {  	_ =	swait.ge [sflag:s30], $0x800  }
0x64: {  	[sflag:s30] =	ssyncset.done $0x0  }
0x65: {  	s8 =	simm.s32 $0x2A00;
	[sflag:s30] =	ssyncadd.s32 $0xFFFFF800  }
0x66: {  	[spmem:s3] =	stream.indirect.scatter.add.f32 [tilespmem:s23], [sflag:$0x3], $0x10, s8, s16, $0xb8;
	[tilespmem:$0xE000] =	vst v63  }
0x67: {  	s15 =	simm.s32 $0x2A80  }
0x68: {  	[spmem:s3] =	stream.indirect.scatter.add.f32 [tilespmem:s24], [sflag:$0x3], $0x10, s15, s16, $0xb8;
	[tilespmem:$0xE000] =	vst v63  }
0x69: {  	s19 =	simm.s32 $0x2B00  }
0x6a: {  	[spmem:s3] =	stream.indirect.scatter.add.f32 [tilespmem:s25], [sflag:$0x3], $0x10, s19, s16, $0xb8;
	[tilespmem:$0xE000] =	vst v63  }
0x6b: {  	s21 =	simm.s32 $0x2B80  }
0x6c: {  	[spmem:s3] =	stream.indirect.scatter.add.f32 [tilespmem:s26], [sflag:$0x3], $0x10, s21, s16, $0xb8;
	[tilespmem:$0xE000] =	vst v63  }
0x6d: {  	_ =	swait.ge [sflag:s29], $0x800  }
0x6e: {  	[sflag:s29] =	ssyncset.done $0x0  }
0x6f: {  	[sflag:s29] =	ssyncadd.s32 $0xFFFFF800  }
0x70: {  	_ =	swait.ge [sflag:s29], $0x800  }
0x71: {  	[sflag:s29] =	ssyncset.done $0x0  }
0x72: {  	[sflag:s29] =	ssyncadd.s32 $0xFFFFF800  }
0x73: {  	_ =	swait.ge [sflag:s29], $0x800  }
0x74: {  	[sflag:s29] =	ssyncset.done $0x0  }
0x75: {  	[sflag:s29] =	ssyncadd.s32 $0xFFFFF800  }
0x76: {  	s0 =	simm.s32 $0x1000;
	_ =	swait.ge [sflag:s29], $0x800  }
0x77: {  	s1 =	simm.s32 $0x2000;
	s2 =	simm.s32 $0x400;
	[sflag:s29] =	ssyncset.done $0x0  }
.LBB2_2:
0x78: {  	s19 =	sadd.s32 $0x200, s2  }
0x79: {  	[sflag:s29] =	ssyncadd.s32 $0xFFFFF800;
	s15 =	smov.u32 s1;
	s1 =	sadd.s32 $0x1000, s1  }
0x7a: {  	[tilespmem:s23], [sflag:$0x2] =	stream.indirect.gather [spmem:s4], $0x10, s19, s16, $0xb8;
	[tilespmem:$0xE000] =	vst v63  }
0x7b: {  	p0 =	sne.s32 s1, $0xA000;
	s19 =	sadd.s32 $0x280, s2  }
0x7c: {  	[tilespmem:s24], [sflag:$0x2] =	stream.indirect.gather [spmem:s4], $0x10, s19, s16, $0xb8;
	[tilespmem:$0xE000] =	vst v63  }
0x7d: {  	s19 =	sadd.s32 $0x300, s2  }
0x7e: {  	[tilespmem:s25], [sflag:$0x2] =	stream.indirect.gather [spmem:s4], $0x10, s19, s16, $0xb8;
	[tilespmem:$0xE000] =	vst v63  }
0x7f: {  	s19 =	sadd.s32 $0x380, s2  }
0x80: {  	[tilespmem:s26], [sflag:$0x2] =	stream.indirect.gather [spmem:s4], $0x10, s19, s16, $0xb8;
	[tilespmem:$0xE000] =	vst v63  }
0x81: {  	_ =	swait.ge [sflag:s28], $0x800  }
0x82: {  	[sflag:s28] =	ssyncset.done $0x0  }
0x83: {  	[sflag:s28] =	ssyncadd.s32 $0xFFFFF800  }
0x84: {  	_ =	swait.ge [sflag:s28], $0x800  }
0x85: {  	[sflag:s28] =	ssyncset.done $0x0  }
0x86: {  	[sflag:s28] =	ssyncadd.s32 $0xFFFFF800  }
0x87: {  	_ =	swait.ge [sflag:s28], $0x800  }
0x88: {  	[sflag:s28] =	ssyncset.done $0x0  }
0x89: {  	[sflag:s28] =	ssyncadd.s32 $0xFFFFF800  }
0x8a: {  	_ =	swait.ge [sflag:s28], $0x800  }
0x8b: {  	[sflag:s28] =	ssyncset.done $0x0  }
0x8c: {  	s19 =	sadd.s32 $0x2800, s2;
	[sflag:s28] =	ssyncadd.s32 $0xFFFFF800  }
0x8d: {  	[spmem:s3] =	stream.indirect.scatter.add.f32 [tilespmem:s17], [sflag:$0x3], $0x10, s19, s16, $0xb8;
	[tilespmem:$0xE000] =	vst v63  }
0x8e: {  	s19 =	sadd.s32 $0x2880, s2  }
0x8f: {  	[spmem:s3] =	stream.indirect.scatter.add.f32 [tilespmem:s18], [sflag:$0x3], $0x10, s19, s16, $0xb8;
	[tilespmem:$0xE000] =	vst v63  }
0x90: {  	s19 =	sadd.s32 $0x2900, s2  }
0x91: {  	[spmem:s3] =	stream.indirect.scatter.add.f32 [tilespmem:s20], [sflag:$0x3], $0x10, s19, s16, $0xb8;
	[tilespmem:$0xE000] =	vst v63  }
0x92: {  	s19 =	sadd.s32 $0x2980, s2  }
0x93: {  	[spmem:s3] =	stream.indirect.scatter.add.f32 [tilespmem:s22], [sflag:$0x3], $0x10, s19, s16, $0xb8;
	[tilespmem:$0xE000] =	vst v63  }
0x94: {  	_ =	swait.ge [sflag:s29], $0x800  }
0x95: {  	[sflag:s29] =	ssyncset.done $0x0  }
0x96: {  	[sflag:s29] =	ssyncadd.s32 $0xFFFFF800  }
0x97: {  	_ =	swait.ge [sflag:s29], $0x800  }
0x98: {  	[sflag:s29] =	ssyncset.done $0x0  }
0x99: {  	[sflag:s29] =	ssyncadd.s32 $0xFFFFF800  }
0x9a: {  	_ =	swait.ge [sflag:s29], $0x800  }
0x9b: {  	[sflag:s29] =	ssyncset.done $0x0  }
0x9c: {  	[sflag:s29] =	ssyncadd.s32 $0xFFFFF800  }
0x9d: {  	p1 =	seq.s32 s0, $0x9000;
	_ =	swait.ge [sflag:s29], $0x800  }
0x9e: {  	s0 =	sshra.s32 @!p1 s0, $0x2;
	s19 =	simm.s32 @!p1 $0x5000;
	[sflag:s29] =	ssyncset.done $0x0  }
0x9f: {  	s7 =	simm.s32 @!p1 $0x80;
	s21 =	sadd.s32 @!p1 $0x400, s0;
	[sflag:s29] =	ssyncadd.s32 $0xFFFFF800  }
0xa0: {  	[tilespmem:s19], [sflag:$0x1] =	stream.indirect.gather @!p1 [spmem:s4], $0x10, s21, s7, $0xb8;
	[tilespmem:$0xE000] =	vst v63  }
0xa1: {  	s8 =	sadd.s32 @!p1 $0x500, s0;
	s19 =	sadd.s32 @!p1 $0x480, s0;
	s21 =	simm.s32 @!p1 $0x5800  }
0xa2: {  	[tilespmem:s21], [sflag:$0x1] =	stream.indirect.gather @!p1 [spmem:s4], $0x10, s19, s7, $0xb8;
	[tilespmem:$0xE000] =	vst v63  }
0xa3: {  	s19 =	simm.s32 @!p1 $0x6000;
	s21 =	sadd.s32 @!p1 $0x580, s0;
	s0 =	smov.u32 s15  }
0xa4: {  	[tilespmem:s19], [sflag:$0x1] =	stream.indirect.gather @!p1 [spmem:s4], $0x10, s8, s7, $0xb8;
	[tilespmem:$0xE000] =	vst v63  }
0xa5: {  	s8 =	simm.s32 @!p1 $0x6800  }
0xa6: {  	[tilespmem:s8], [sflag:$0x1] =	stream.indirect.gather @!p1 [spmem:s4], $0x10, s21, s7, $0xb8;
	[tilespmem:$0xE000] =	vst v63  }
0xa7: {  	_ =	swait.ge [sflag:s30], $0x800  }
0xa8: {  	[sflag:s30] =	ssyncset.done $0x0  }
0xa9: {  	[sflag:s30] =	ssyncadd.s32 $0xFFFFF800  }
0xaa: {  	_ =	swait.ge [sflag:s30], $0x800  }
0xab: {  	[sflag:s30] =	ssyncset.done $0x0  }
0xac: {  	[sflag:s30] =	ssyncadd.s32 $0xFFFFF800  }
0xad: {  	_ =	swait.ge [sflag:s30], $0x800  }
0xae: {  	[sflag:s30] =	ssyncset.done $0x0  }
0xaf: {  	[sflag:s30] =	ssyncadd.s32 $0xFFFFF800  }
0xb0: {  	_ =	swait.ge [sflag:s30], $0x800  }
0xb1: {  	[sflag:s30] =	ssyncset.done $0x0  }
0xb2: {  	s7 =	sadd.s32 $0x2A00, s2;
	[sflag:s30] =	ssyncadd.s32 $0xFFFFF800  }
0xb3: {  	[spmem:s3] =	stream.indirect.scatter.add.f32 [tilespmem:s23], [sflag:$0x3], $0x10, s7, s16, $0xb8;
	[tilespmem:$0xE000] =	vst v63  }
0xb4: {  	s7 =	sadd.s32 $0x2A80, s2  }
0xb5: {  	[spmem:s3] =	stream.indirect.scatter.add.f32 [tilespmem:s24], [sflag:$0x3], $0x10, s7, s16, $0xb8;
	[tilespmem:$0xE000] =	vst v63  }
0xb6: {  	s7 =	sadd.s32 $0x2B00, s2  }
0xb7: {  	[spmem:s3] =	stream.indirect.scatter.add.f32 [tilespmem:s25], [sflag:$0x3], $0x10, s7, s16, $0xb8;
	[tilespmem:$0xE000] =	vst v63  }
0xb8: {  	s2 =	sadd.s32 $0x2B80, s2  }
0xb9: {  	[spmem:s3] =	stream.indirect.scatter.add.f32 [tilespmem:s26], [sflag:$0x3], $0x10, s2, s16, $0xb8;
	[tilespmem:$0xE000] =	vst v63  }
0xba: {  	_ =	swait.ge [sflag:s29], $0x800  }
0xbb: {  	[sflag:s29] =	ssyncset.done $0x0  }
0xbc: {  	[sflag:s29] =	ssyncadd.s32 $0xFFFFF800  }
0xbd: {  	_ =	swait.ge [sflag:s29], $0x800  }
0xbe: {  	[sflag:s29] =	ssyncset.done $0x0  }
0xbf: {  	[sflag:s29] =	ssyncadd.s32 $0xFFFFF800  }
.Ltmp0:
0xc0: {  	_ =	swait.ge [sflag:s29], $0x800;
	(pc) =	sbr.rel @p0 .LBB2_2-.Ltmp0, $4  }
0xc1: {  	[sflag:s29] =	ssyncset.done $0x0  }
0xc2: {  	[sflag:s29] =	ssyncadd.s32 $0xFFFFF800  }
0xc3: {  	_ =	swait.ge [sflag:s29], $0x800  }
0xc4: {  	s2 =	sshra.s32 s0, $0x2;
	[sflag:s29] =	ssyncset.done $0x0  }
0xc5: {  	s1 =	sadd.s32 $0x200, s2;
	[sflag:s29] =	ssyncadd.s32 $0xFFFFF800  }
0xc6: {  	[tilespmem:s23], [sflag:$0x2] =	stream.indirect.gather [spmem:s4], $0x10, s1, s16, $0xb8;
	[tilespmem:$0xE000] =	vst v63  }
0xc7: {  	s21 =	sadd.s32 $0x280, s2  }
0xc8: {  	[tilespmem:s24], [sflag:$0x2] =	stream.indirect.gather [spmem:s4], $0x10, s21, s16, $0xb8;
	[tilespmem:$0xE000] =	vst v63  }
0xc9: {  	s7 =	sadd.s32 $0x300, s2  }
0xca: {  	[tilespmem:s25], [sflag:$0x2] =	stream.indirect.gather [spmem:s4], $0x10, s7, s16, $0xb8;
	[tilespmem:$0xE000] =	vst v63  }
0xcb: {  	s8 =	sadd.s32 $0x380, s2  }
0xcc: {  	[tilespmem:s26], [sflag:$0x2] =	stream.indirect.gather [spmem:s4], $0x10, s8, s16, $0xb8;
	[tilespmem:$0xE000] =	vst v63  }
0xcd: {  	_ =	swait.ge [sflag:s28], $0x800  }
0xce: {  	[sflag:s28] =	ssyncset.done $0x0  }
0xcf: {  	[sflag:s28] =	ssyncadd.s32 $0xFFFFF800  }
0xd0: {  	_ =	swait.ge [sflag:s28], $0x800  }
0xd1: {  	[sflag:s28] =	ssyncset.done $0x0  }
0xd2: {  	[sflag:s28] =	ssyncadd.s32 $0xFFFFF800  }
0xd3: {  	_ =	swait.ge [sflag:s28], $0x800  }
0xd4: {  	[sflag:s28] =	ssyncset.done $0x0  }
0xd5: {  	[sflag:s28] =	ssyncadd.s32 $0xFFFFF800  }
0xd6: {  	_ =	swait.ge [sflag:s28], $0x800  }
0xd7: {  	[sflag:s28] =	ssyncset.done $0x0  }
0xd8: {  	s15 =	sadd.s32 $0x2800, s2;
	[sflag:s28] =	ssyncadd.s32 $0xFFFFF800  }
0xd9: {  	[spmem:s3] =	stream.indirect.scatter.add.f32 [tilespmem:s17], [sflag:$0x3], $0x10, s15, s16, $0xb8;
	[tilespmem:$0xE000] =	vst v63  }
0xda: {  	s19 =	sadd.s32 $0x2880, s2  }
0xdb: {  	[spmem:s3] =	stream.indirect.scatter.add.f32 [tilespmem:s18], [sflag:$0x3], $0x10, s19, s16, $0xb8;
	[tilespmem:$0xE000] =	vst v63  }
0xdc: {  	s21 =	sadd.s32 $0x2900, s2  }
0xdd: {  	[spmem:s3] =	stream.indirect.scatter.add.f32 [tilespmem:s20], [sflag:$0x3], $0x10, s21, s16, $0xb8;
	[tilespmem:$0xE000] =	vst v63  }
0xde: {  	s7 =	sadd.s32 $0x2980, s2  }
0xdf: {  	[spmem:s3] =	stream.indirect.scatter.add.f32 [tilespmem:s22], [sflag:$0x3], $0x10, s7, s16, $0xb8;
	[tilespmem:$0xE000] =	vst v63  }
0xe0: {  	_ =	swait.ge [sflag:s29], $0x800  }
0xe1: {  	[sflag:s29] =	ssyncset.done $0x0  }
0xe2: {  	[sflag:s29] =	ssyncadd.s32 $0xFFFFF800  }
0xe3: {  	_ =	swait.ge [sflag:s29], $0x800  }
0xe4: {  	[sflag:s29] =	ssyncset.done $0x0  }
0xe5: {  	[sflag:s29] =	ssyncadd.s32 $0xFFFFF800  }
0xe6: {  	_ =	swait.ge [sflag:s29], $0x800  }
0xe7: {  	[sflag:s29] =	ssyncset.done $0x0  }
0xe8: {  	[sflag:s29] =	ssyncadd.s32 $0xFFFFF800  }
0xe9: {  	p0 =	seq.s32 s0, $0x9000;
	_ =	swait.ge [sflag:s29], $0x800  }
0xea: {  	s0 =	sshra.s32 @!p0 s0, $0x2;
	s1 =	simm.s32 @!p0 $0x5000;
	[sflag:s29] =	ssyncset.done $0x0  }
0xeb: {  	s8 =	simm.s32 @!p0 $0x80;
	s7 =	sadd.s32 @!p0 $0x400, s0;
	[sflag:s29] =	ssyncadd.s32 $0xFFFFF800  }
0xec: {  	[tilespmem:s1], [sflag:$0x1] =	stream.indirect.gather @!p0 [spmem:s4], $0x10, s7, s8, $0xb8;
	[tilespmem:$0xE000] =	vst v63  }
0xed: {  	s1 =	sadd.s32 @!p0 $0x480, s0;
	s7 =	simm.s32 @!p0 $0x5800  }
0xee: {  	[tilespmem:s7], [sflag:$0x1] =	stream.indirect.gather @!p0 [spmem:s4], $0x10, s1, s8, $0xb8;
	[tilespmem:$0xE000] =	vst v63  }
0xef: {  	s1 =	sadd.s32 @!p0 $0x500, s0;
	s7 =	simm.s32 @!p0 $0x6000  }
0xf0: {  	[tilespmem:s7], [sflag:$0x1] =	stream.indirect.gather @!p0 [spmem:s4], $0x10, s1, s8, $0xb8;
	[tilespmem:$0xE000] =	vst v63  }
0xf1: {  	s0 =	sadd.s32 @!p0 $0x580, s0;
	s1 =	simm.s32 @!p0 $0x6800  }
0xf2: {  	[tilespmem:s1], [sflag:$0x1] =	stream.indirect.gather @!p0 [spmem:s4], $0x10, s0, s8, $0xb8;
	[tilespmem:$0xE000] =	vst v63  }
0xf3: {  	_ =	swait.ge [sflag:s30], $0x800  }
0xf4: {  	[sflag:s30] =	ssyncset.done $0x0  }
0xf5: {  	[sflag:s30] =	ssyncadd.s32 $0xFFFFF800  }
0xf6: {  	_ =	swait.ge [sflag:s30], $0x800  }
0xf7: {  	[sflag:s30] =	ssyncset.done $0x0  }
0xf8: {  	[sflag:s30] =	ssyncadd.s32 $0xFFFFF800  }
0xf9: {  	_ =	swait.ge [sflag:s30], $0x800  }
0xfa: {  	[sflag:s30] =	ssyncset.done $0x0  }
0xfb: {  	[sflag:s30] =	ssyncadd.s32 $0xFFFFF800  }
0xfc: {  	_ =	swait.ge [sflag:s30], $0x800  }
0xfd: {  	[sflag:s30] =	ssyncset.done $0x0  }
0xfe: {  	s8 =	sadd.s32 $0x2A00, s2;
	[sflag:s30] =	ssyncadd.s32 $0xFFFFF800  }
0xff: {  	[spmem:s3] =	stream.indirect.scatter.add.f32 [tilespmem:s23], [sflag:$0x3], $0x10, s8, s16, $0xb8;
	[tilespmem:$0xE000] =	vst v63  }
0x100: {  	s15 =	sadd.s32 $0x2A80, s2  }
0x101: {  	[spmem:s3] =	stream.indirect.scatter.add.f32 [tilespmem:s24], [sflag:$0x3], $0x10, s15, s16, $0xb8;
	[tilespmem:$0xE000] =	vst v63  }
0x102: {  	s19 =	sadd.s32 $0x2B00, s2  }
0x103: {  	[spmem:s3] =	stream.indirect.scatter.add.f32 [tilespmem:s25], [sflag:$0x3], $0x10, s19, s16, $0xb8;
	[tilespmem:$0xE000] =	vst v63  }
0x104: {  	s21 =	sadd.s32 $0x2B80, s2  }
0x105: {  	[spmem:s3] =	stream.indirect.scatter.add.f32 [tilespmem:s26], [sflag:$0x3], $0x10, s21, s16, $0xb8;
	[tilespmem:$0xE000] =	vst v63  }
0x106: {  	_ =	swait.ge [sflag:s29], $0x800  }
0x107: {  	[sflag:s29] =	ssyncset.done $0x0  }
0x108: {  	[sflag:s29] =	ssyncadd.s32 $0xFFFFF800  }
0x109: {  	_ =	swait.ge [sflag:s29], $0x800  }
0x10a: {  	[sflag:s29] =	ssyncset.done $0x0  }
0x10b: {  	[sflag:s29] =	ssyncadd.s32 $0xFFFFF800  }
0x10c: {  	_ =	swait.ge [sflag:s29], $0x800  }
0x10d: {  	[sflag:s29] =	ssyncset.done $0x0  }
0x10e: {  	[sflag:s29] =	ssyncadd.s32 $0xFFFFF800  }
0x10f: {  	_ =	swait.ge [sflag:s29], $0x800  }
0x110: {  	s31 =	sadd.s32 $0x1, s31;
	[sflag:s29] =	ssyncset.done $0x0  }
0x111: {  	p0 =	sne.s32 s31, s11;
	[sflag:s29] =	ssyncadd.s32 $0xFFFFF800  }
.Ltmp1:
0x112: {  	[bflag:$0x0] =	sbarrier.arrive $0xFFFF;
	(pc) =	sbr.rel @p0 .LBB2_1-.Ltmp1, $4  }
0x113: {  	[hbm:s10], [sflag:s6] =	dma.local [spmem:s12], $0x500  }
0x114: {  	_ =	swait.ge [sflag:s13], $0x500  }
0x115: {  	[sflag:s13] =	ssyncset.done $0x0  }
0x116: {  	[sflag:s13] =	ssyncadd.s32 $0xFFFFFB00  }
0x117: {  	_ =	sfence.sel $0x180000  }
0x118: {  	[bflag:$0x0] =	sbarrier.arrive $0xFFFF  }
0x119: {  	_ =	strace $0x9000004A  }
0x11a: {  	s0 =	stileid.u32;
	[bflag:$0x2] =	sbarrier.arrive $0xFFFF  }
0x11b: {  	p0 =	sne.s32 s0, $0x0;
	s0 =	rddreg [dreg:$0x4]  }
0x11c: {  	s0 =	sadd.s32 @!p0 $0x100000, s0  }
0x11d: {  	[sflag:s0] =	ssyncadd.tile.s32 @!p0 $0x1;
	_ =	shalt  }
.Lfunc_end2:
_tile_overlayer_lowered:
.L_overlay_start_2:
0x11e: {  	(tag) =	ssettag $0x2  }
0x11f: {  	s0 =	rddreg [dreg:$0x0];
	s2 =	stileid.u32  }
0x120: {  	s1 =	rddreg [dreg:$0x1];
	p0 =	sne.s32 s2, $0x0  }
0x121: {  	s3 =	rddreg [dreg:$0x2];
	[bflag:$0x3] =	sbarrier.arrive $0xFFFF;
	s2 =	simm.s32 @!p0 $0x1C04  }
0x122: {  	[timem:s3], [sflag:s2] =	dma.local @!p0 [hbm:s0], s1  }
0x123: {  	s0 =	simm.s32 @!p0 $0x4  }
0x124: {  	_ =	swait.ge @!p0 [sflag:s0], s1  }
0x125: {  	s1 =	ssub.s32 @!p0 $0x0, s1;
	[sflag:s0] =	ssyncset.done @!p0 $0x0  }
0x126: {  	[sflag:s0] =	ssyncadd.s32 @!p0 s1  }
0x127: {  	[bflag:$0x3] =	sbarrier.arrive $0xFFFF  }
0x128: {  	_ =	shalt  }

// kernel: kernel.7.cloned.1.call-start
scs
__scs_entry_jumppad:
0x0: {  	(pc) =	sbr.rel $0x88, $3  }
0x1: {  	(tag) =	ssettag $0x0;
	lr =	simm.s32 $0x1  }
0x2: {  	[smem:$0x3F9B] =	sst lr;
	_ =	strace $0xD0000000  }
0x3: {  	_ = 	snop  }
0x4: {  	_ = 	snop  }
0x5: {  	_ = 	snop  }
0x6: {  	_ = 	snop  }
0x7: {  	_ = 	snop  }
__scs_overlays_trampoline_lowered:
0x8: {  	[smem:$0x3FAA] =	sst s0  }
0x9: {  	[smem:$0x3FAB] =	sst s1  }
0xa: {  	[smem:$0x3FAC] =	sst s2  }
0xb: {  	[smem:$0x3FAD] =	sst s3  }
0xc: {  	[smem:$0x3FAE] =	sst s4  }
0xd: {  	[smem:$0x3FAF] =	sst s5  }
0xe: {  	[smem:$0x3FB0] =	sst s6  }
0xf: {  	[smem:$0x3FB1] =	sst s7  }
0x10: {  	[smem:$0x3FB2] =	sst s8  }
0x11: {  	[smem:$0x3FB3] =	sst s9;
	s0 =	simm.s32 @!p0 $0x0  }
0x12: {  	s1 =	sld [smem:$0x3F99];
	s0 =	simm.s32 @p0 $0x1  }
0x13: {  	[smem:$0x3FB4] =	sst s0;
	s0 =	simm.s32 @!p1 $0x0  }
0x14: {  	s2 =	sld [smem:$0x3F98];
	s0 =	simm.s32 @p1 $0x1  }
0x15: {  	[smem:$0x3FB5] =	sst s0;
	s0 =	simm.s32 @!p2 $0x0  }
0x16: {  	s3 =	sld [smem:$0x3FDB];
	s0 =	simm.s32 @p2 $0x1  }
0x17: {  	s4 =	simm.s32 $0x1BF5;
	[smem:$0x3FB7] =	sst s0  }
0x18: {  	s0 =	sld [smem:$0x3F9A];
	_ =	swait.ge [sflag:s4], $0x0  }
0x19: {  	s7 =	sld [smem:$0x3F9B]  }
0x1a: {  	s8 =	sadd.s32 $0xFFFFE003, lr  }
0x1b: {  	s9 =	sadd.s32 $0xFFFFFEF7, lr;
	s5 =	simm.s32 $0xFFFFFFFF;
	p2 =	slt.u32 s8, $0xFFFFF086  }
0x1c: {  	p1 =	slt.u32 s9, $0xF7A;
	s5 =	simm.s32 @!p2 $0x0  }
0x1d: {  	s5 =	simm.s32 @p1 $0x1;
	p0 =	seq.s32 s7, s2  }
0x1e: {  	s7 =	smul.u32 @!p0 $0xF7A, s2;
	p2 =	seq.s32 @!p0 s5, $0x0  }
0x1f: {  	s9 =	smul.u32 $0xF7A, s1;
	s8 =	simm.s32 @!p0 $0x1BF5;
	p2 =	por !p2, p0  }
0x20: {  	[sflag:s8] =	ssyncset.s32 @!p0 $0xFFFFF086;
	s6 =	sadd.s32 @!p0 s3, s7;
	s7 =	simm.s32 @!p0 $0x108  }
0x21: {  	s3 =	sadd.s32 s3, s9;
	s6 =	sadd.s32 @!p0 $0x88, s6;
	s7 =	simm.s32 @p2 $0x1082  }
0x22: {  	[simem:s7], [sflag:s8] =	dma.local @!p0 [hbm:s6], $0xF7A  }
0x23: {  	s9 =	sor.u32 $0xD0000000, s2;
	s6 =	simm.s32 $0x108;
	_ =	swait.ge @!p0 [sflag:s8], $0x0  }
0x24: {  	s3 =	sadd.s32 $0x88, s3;
	s6 =	simm.s32 @!p1 $0x1082;
	[sflag:s4] =	ssyncset.s32 $0xFFFFF086  }
0x25: {  	[simem:s6], [sflag:s4] =	dma.local [hbm:s3], $0xF7A  }
0x26: {  	[smem:$0x3F9B] =	sst s1;
	(tag) =	ssettag s2;
	_ =	strace s9  }
0x27: {  	s1 =	sld [smem:$0x3FAB]  }
0x28: {  	s2 =	sld [smem:$0x3FAC]  }
0x29: {  	s4 =	sld [smem:$0x3FAE]  }
0x2a: {  	p0 =	seq.s32 s5, $0x0;
	s5 =	sld [smem:$0x3FAF]  }
0x2b: {  	s6 =	sld [smem:$0x3FB0]  }
0x2c: {  	s7 =	sld [smem:$0x3FB1]  }
0x2d: {  	s3 =	simm.s32 $0x108;
	s8 =	sld [smem:$0x3FB2]  }
0x2e: {  	s3 =	simm.s32 @!p0 $0x1082;
	s9 =	sld [smem:$0x3FB3]  }
0x2f: {  	lr =	sadd.s32 s0, s3;
	s0 =	sld [smem:$0x3FAA]  }
0x30: {  	s3 =	sld [smem:$0x3FAD]  }
0x31: {  	[smem:$0x3FB6] =	sst s10  }
0x32: {  	s10 =	sld [smem:$0x3FB4];
	_ =	sdelay $0x3  }
0x33: {  	p0 =	seq.s32 s10, $0x1;
	s10 =	sld [smem:$0x3FB6];
	_ =	sdelay $0x3  }
0x34: {  	[smem:$0x3FB6] =	sst s10  }
0x35: {  	s10 =	sld [smem:$0x3FB5];
	_ =	sdelay $0x3  }
0x36: {  	p1 =	seq.s32 s10, $0x1;
	s10 =	sld [smem:$0x3FB6];
	_ =	sdelay $0x3  }
0x37: {  	[smem:$0x3FB6] =	sst s10  }
0x38: {  	s10 =	sld [smem:$0x3FB7]  }
0x39: {  	_ = 	snop;
	(pc) =	sbr.ind lr, $3  }
0x3a: {  	_ = 	snop  }
0x3b: {  	_ = 	snop  }
0x3c: {  	p2 =	seq.s32 s10, $0x1;
	s10 =	sld [smem:$0x3FB6]  }
0x3d: {  	_ =	shalt  }
0x3e: {  	_ =	shalt  }
0x3f: {  	_ =	shalt  }
0x40: {  	_ =	shalt  }
0x41: {  	_ =	shalt  }
0x42: {  	_ =	shalt  }
0x43: {  	_ =	shalt  }
0x44: {  	_ =	shalt  }
0x45: {  	_ =	shalt  }
0x46: {  	_ =	shalt  }
0x47: {  	_ =	shalt  }
0x48: {  	_ =	shalt  }
0x49: {  	_ =	shalt  }
0x4a: {  	_ =	shalt  }
0x4b: {  	_ =	shalt  }
0x4c: {  	_ =	shalt  }
0x4d: {  	_ =	shalt  }
0x4e: {  	_ =	shalt  }
0x4f: {  	_ =	shalt  }
0x50: {  	_ =	shalt  }
0x51: {  	_ =	shalt  }
0x52: {  	_ =	shalt  }
0x53: {  	_ =	shalt  }
0x54: {  	_ =	shalt  }
0x55: {  	_ =	shalt  }
0x56: {  	_ =	shalt  }
0x57: {  	_ =	shalt  }
0x58: {  	_ =	shalt  }
0x59: {  	_ =	shalt  }
0x5a: {  	_ =	shalt  }
0x5b: {  	_ =	shalt  }
0x5c: {  	_ =	shalt  }
0x5d: {  	_ =	shalt  }
0x5e: {  	_ =	shalt  }
0x5f: {  	_ =	shalt  }
0x60: {  	_ =	shalt  }
0x61: {  	_ =	shalt  }
0x62: {  	_ =	shalt  }
0x63: {  	_ =	shalt  }
0x64: {  	_ =	shalt  }
0x65: {  	_ =	shalt  }
0x66: {  	_ =	shalt  }
0x67: {  	_ =	shalt  }
0x68: {  	_ =	shalt  }
0x69: {  	_ =	shalt  }
0x6a: {  	_ =	shalt  }
0x6b: {  	_ =	shalt  }
0x6c: {  	_ =	shalt  }
0x6d: {  	_ =	shalt  }
0x6e: {  	_ =	shalt  }
0x6f: {  	_ =	shalt  }
0x70: {  	_ =	shalt  }
0x71: {  	_ =	shalt  }
0x72: {  	_ =	shalt  }
0x73: {  	_ =	shalt  }
0x74: {  	_ =	shalt  }
0x75: {  	_ =	shalt  }
0x76: {  	_ =	shalt  }
0x77: {  	_ =	shalt  }
0x78: {  	_ =	shalt  }
0x79: {  	_ =	shalt  }
0x7a: {  	_ =	shalt  }
0x7b: {  	_ =	shalt  }
0x7c: {  	_ =	shalt  }
0x7d: {  	_ =	shalt  }
0x7e: {  	_ =	shalt  }
0x7f: {  	_ =	shalt  }
0x80: {  	_ =	shalt  }
0x81: {  	_ =	shalt  }
0x82: {  	_ =	shalt  }
0x83: {  	_ =	shalt  }
0x84: {  	_ =	shalt  }
0x85: {  	_ =	shalt  }
0x86: {  	_ =	shalt  }
0x87: {  	_ =	shalt  }
.Lfunc_end0:
.L_simem_size_0:
called_computation_lowered:
.L_overlay_start_0:
0x88: {  	s2 =	sld [smem:$0x3FD9]  }
0x89: {  	s3 =	sld [smem:$0x3FFE];
	_ =	sdelay $0x1  }
0x8a: {  	s1 =	srdreg.scid  }
0x8b: {  	s0 =	sand.u32 $0x1, s1  }
0x8c: {  	s17 =	sshll.u32 s0, $0xA;
	s2 =	sadd.s32 s3, s2  }
0x8d: {  	s2 =	sadd.s32 s2, s17  }
0x8e: {  	[smem:$0x3FC2] =	sst s2  }
0x8f: {  	_ = 	snop  }
0x90: {  	s2 =	sld [smem:$0x3FD0];
	(tm) =	ssettm $0x1  }
0x91: {  	s18 =	sld [smem:$0x3FFB];
	_ =	sdelay $0x3  }
0x92: {  	_ =	strace s18  }
0x93: {  	s3 =	sld [smem:$0x3FFC];
	_ =	sdelay $0x3  }
0x94: {  	_ =	strace s3  }
0x95: {  	s3 =	sld [smem:$0x3FFD];
	_ =	sdelay $0x3  }
0x96: {  	_ =	strace s3  }
0x97: {  	_ =	strace $0x8FFFFFFF  }
0x98: {  	s19 =	sld [smem:$0x3FDB];
	_ =	sdelay $0x1  }
0x99: {  	s4 =	simm.s32 $_scs_section_size  }
0x9a: {  	s5 =	simm.s32 $_size__tile_overlayer_lowered;
	s6 =	simm.s32 $_tile_overlayer_lowered  }
0x9b: {  	s22 =	simm.s32 $0x1BFF;
	s21 =	sshll.u32 s6, $0x1;
	s3 =	sadd.s32 s4, s19  }
0x9c: {  	s7 =	simm.s32 $0x0;
	s20 =	sshll.u32 s5, $0x1;
	s5 =	sadd.s32 s21, s3  }
0x9d: {  	[timem:s7], [sflag:s22] =	dma.local [hbm:s5], s20  }
0x9e: {  	_ =	swait.ge [sflag:s22], s20  }
0x9f: {  	s4 =	ssub.s32 $0x0, s20;
	[sflag:s22] =	ssyncset.done $0x0  }
0xa0: {  	[sflag:s22] =	ssyncadd.s32 s4;
	_ =	sdelay $0x1  }
0xa1: {  	s23 =	simm.s32 $0x1B8B  }
0xa2: {  	_ =	swait.ge [sflag:s23], $0x1  }
0xa3: {  	[sflag:s23] =	ssyncset.done $0x0  }
0xa4: {  	s25 =	simm.s32 $0x1B8E;
	s24 =	sld [smem:$0x3FFE];
	[sflag:s23] =	ssyncadd.s32 $0xFFFFFFFF  }
0xa5: {  	s26 =	simm.s32 $execute0_lowered;
	[smem:$0x3FD2] =	sst s25  }
0xa6: {  	s5 =	sshll.u32 s26, $0x1;
	_ =	strace $0x80000046;
	[dreg:$0x1] =	wrdreg $0xFFFFFFFF  }
0xa7: {  	s28 =	simm.s32 $_size_execute0_lowered;
	s3 =	sadd.s32 s3, s5;
	[dreg:$0x0] =	wrdreg $0x0  }
0xa8: {  	s5 =	sshll.u32 s28, $0x1;
	[dreg:$0x2] =	wrdreg s3  }
0xa9: {  	[dreg:$0x3] =	wrdreg s5  }
0xaa: {  	[dreg:$0x4] =	wrdreg $0xC0  }
0xab: {  	_ =	task [dreg:s7], $0x5FFFF  }
0xac: {  	[dreg:$0x1] =	wrdreg $0xFFFFFFFF  }
0xad: {  	[dreg:$0x0] =	wrdreg $0x60  }
0xae: {  	[dreg:$0x2] =	wrdreg s24  }
0xaf: {  	[dreg:$0x3] =	wrdreg s2  }
0xb0: {  	[dreg:$0x4] =	wrdreg $0x182800  }
0xb1: {  	[dreg:$0x5] =	wrdreg $0x1D2800  }
0xb2: {  	[dreg:$0x6] =	wrdreg $0x1AA800  }
0xb3: {  	[dreg:$0x7] =	wrdreg $0x9  }
0xb4: {  	_ =	task.clear_ibuf [dreg:s7], $0x8FFFF;
	_ =	strace $0x90000046  }
0xb5: {  	s29 =	simm.s32 $0x9;
	_ =	strace $0x80000048  }
0xb6: {  	_ =	swait.ge [sflag:s29], $0x1  }
0xb7: {  	[sflag:s29] =	ssyncadd.s32 $0xFFFFFFFF  }
0xb8: {  	_ =	strace $0x90000048  }
0xb9: {  	_ =	sfence  }
0xba: {  	s30 =	sld [smem:$0x0];
	_ =	sdelay $0x2  }
0xbb: {  	s31 =	sshll.u32 s1, $0xD;
	s1 =	sshrl.u32 s1, $0x2  }
0xbc: {  	s3 =	sand.u32 $0x4000, s31;
	s1 =	sadd.s32 s1, s30  }
0xbd: {  	s0 =	sor.u32 s3, s0;
	s1 =	sshll.u32 s1, $0x11  }
0xbe: {  	s0 =	sor.u32 s1, s0  }
0xbf: {  	s0 =	sadd.s32 $0x8F2B, s0  }
0xc0: {  	[sflag:s0] =	ssyncadd.remote.s32 $0x1  }
0xc1: {  	_ =	sfence.sel $0xFFFF  }
0xc2: {  	[dreg:$0x0] =	wrdreg $0xFFFFFFFF;
	(pc) =	sbr.abs _section_cstart, $3  }
0xc3: {  	[dreg:$0x1] =	wrdreg $0xFFFFFFFF  }
0xc4: {  	_ =	task.clear_ibuf [dreg:s7], $0x2FFFF;
	_ =	strace $0x9FFFFFFF  }
0xc5: {  	(tm) =	ssettm $0x7FFFFFFF  }
tec
execute0_lowered:
.L_overlay_start_1:
0x0: {  	(tag) =	ssettag $0x1  }
0x1: {  	s0 =	rddreg [dreg:$0x0]  }
0x2: {  	s2 =	rddreg [dreg:$0x2]  }
0x3: {  	s1 =	rddreg [dreg:$0x3]  }
0x4: {  	s3 =	srdreg.scid;
	s15 =	stileid.u32  }
0x5: {  	s4 =	rddreg [dreg:$0x4];
	s5 =	simm.s32 $0x0;
	s28 =	simm.s32 $0x80  }
0x6: {  	s29 =	simm.s32 $0x5000;
	s30 =	simm.s32 $0x5800;
	s7 =	smul.u32 $0x2800, s15  }
0x7: {  	s31 =	simm.s32 $0x8800;
	s3 =	sand.u32 $0x1, s3;
	s20 =	smul.u32 $0x5000, s15  }
0x8: {  	[smem:$0x7FF] =	sst s5;
	s8 =	sadd.s32 $0x2A00, s0;
	s22 =	smul.u32 $0xA000, s15  }
0x9: {  	s21 =	sshll.u32 s15, $0x6;
	s6 =	smul.u32 $0x28000, s3;
	_ =	strace $0x80000047  }
0xa: {  	s10 =	ssub.s32 $0x2, s3;
	s19 =	sshll.u32 s3, $0x4;
	p0 =	sne.s32 s3, $0x0  }
0xb: {  	s3 =	simm.s32 $0x6000;
	s9 =	sshrl.u32 s7, $0x3;
	s17 =	sshrl.u32 s10, $0x1  }
0xc: {  	s12 =	sor.u32 s15, s19;
	s13 =	sadd.s32 s7, s2;
	s15 =	smul.u32 $0xA00, s15  }
0xd: {  	s23 =	sshrl.u32 s22, $0x2;
	s25 =	sadd.s32 s7, s4;
	s19 =	simm.s32 $0x4  }
0xe: {  	s22 =	simm.s32 $0x7000;
	s6 =	sadd.s32 s7, s6;
	s18 =	ssub.s32 s10, s17  }
0xf: {  	s10 =	sshrl.u32 s20, $0x3;
	s12 =	smul.u32 $0x2800, s12;
	[dreg:$0xd] =	wrdreg s25  }
0x10: {  	s25 =	simm.s32 $0x7800;
	s7 =	simm.s32 $0x2;
	s6 =	sshrl.u32 s6, $0x3  }
0x11: {  	s10 =	sadd.s32 s8, s10;
	s24 =	sshrl.u32 s15, $0x2;
	s17 =	smax.u32 s18, $0x1  }
0x12: {  	s18 =	sshrl.u32 s13, $0x3;
	s15 =	simm.s32 $0x13280;
	s13 =	simm.s32 $0x2800  }
0x13: {  	s11 =	sadd.s32 s6, s0;
	s0 =	sadd.s32 s9, s0;
	s16 =	sadd.s32 $0xA000, s10  }
0x14: {  	s6 =	sor.u32 $0x1C04, s21;
	s10 =	sadd.s32 $0xA500, s10;
	[dreg:$0x7] =	wrdreg s16  }
0x15: {  	s12 =	sshrl.u32 s12, $0x3;
	s14 =	sadd.s32 $0x16A00, s0;
	[dreg:$0x8] =	wrdreg s10  }
0x16: {  	s10 =	sadd.s32 s8, s12;
	s8 =	sadd.s32 s23, s1;
	[dreg:$0x6] =	wrdreg s14  }
0x17: {  	s21 =	simm.s32 $0x6800;
	s1 =	sadd.s32 s24, s1;
	[dreg:$0xa] =	wrdreg s8  }
0x18: {  	s0 =	sadd.s32 $0x25A00, s0;
	s26 =	sadd.s32 $0x1BA00, s11;
	[dreg:$0xb] =	wrdreg s1  }
0x19: {  	s24 =	simm.s32 $0xE000;
	s12 =	sadd.s32 $0xA000, s10;
	[dreg:$0xc] =	wrdreg s0  }
0x1a: {  	[dreg:$0xe] =	wrdreg s26;
	s26 =	simm.s32 $0x8000;
	s0 =	simm.s32 $0x1  }
0x1b: {  	v0 =	vimm.f32 $1.000000000e+00;
	s1 =	simm.s32 $0x3;
	s8 =	simm.s32 $0x0;
	[dreg:$0x9] =	wrdreg s12  }
.LBB2_1:
0x1c: {  	s9 =	rddreg [dreg:$0x1]  }
0x1d: {  	[spmem:s18], [sflag:s6] =	dma.local [hbm:s9], $0x500  }
0x1e: {  	_ =	swait.ge [sflag:s19], $0x500  }
0x1f: {  	[sflag:s19] =	ssyncset.done $0x0  }
0x20: {  	s11 =	rddreg [dreg:$0x6];
	[sflag:s19] =	ssyncadd.s32 $0xFFFFFB00  }
0x21: {  	[tilespmem:s15], [sflag:$0x4] =	stream.linear.gather [hbm4b:s11+s5], $0x2800, $0x38;
	[tilespmem:$0x1FA80] =	vst v63  }
0x22: {  	_ =	swait.ge [sflag:s19], $0x2800  }
0x23: {  	[sflag:s19] =	ssyncset.done $0x0  }
0x24: {  	s12 =	simm.s32 $0x9000;
	s14 =	rddreg [dreg:$0x7];
	[sflag:s19] =	ssyncadd.s32 $0xFFFFD800  }
0x25: {  	[tilespmem:s12], [sflag:$0x4] =	stream.linear.gather [hbm4b:s14+s5], $0x2800, $0x38;
	[tilespmem:$0x1FA80] =	vst v63  }
0x26: {  	_ =	swait.ge [sflag:s19], $0x2800  }
0x27: {  	[sflag:s19] =	ssyncset.done $0x0  }
0x28: {  	s20 =	simm.s32 $0xB800;
	s16 =	rddreg [dreg:$0x8];
	[sflag:s19] =	ssyncadd.s32 $0xFFFFD800  }
0x29: {  	[tilespmem:s20], [sflag:$0x4] =	stream.linear.gather [hbm4b:s16+s5], $0x2800, $0x38;
	[tilespmem:$0x1FA80] =	vst v63  }
0x2a: {  	_ =	swait.ge [sflag:s19], $0x2800  }
0x2b: {  	[sflag:s19] =	ssyncset.done $0x0  }
0x2c: {  	[sflag:s19] =	ssyncadd.s32 $0xFFFFD800  }
0x2d: {  	[tilespmem:s5], [sflag:$0x4] =	stream.linear.gather [hbm4b:s10+s5], $0x2800, $0x38;
	[tilespmem:$0x1FA80] =	vst v63  }
0x2e: {  	_ =	swait.ge [sflag:s19], $0x2800  }
0x2f: {  	[sflag:s19] =	ssyncset.done $0x0  }
0x30: {  	s23 =	rddreg [dreg:$0x9];
	[sflag:s19] =	ssyncadd.s32 $0xFFFFD800  }
0x31: {  	[tilespmem:s13], [sflag:$0x4] =	stream.linear.gather [hbm4b:s23+s5], $0x2800, $0x38;
	[tilespmem:$0x1FA80] =	vst v63  }
0x32: {  	_ =	swait.ge [sflag:s19], $0x2800  }
0x33: {  	[sflag:s19] =	ssyncset.done $0x0  }
0x34: {  	[sflag:s19] =	ssyncadd.s32 $0xFFFFD800  }
0x35: {  	[tilespmem:s24], [sflag:$0x4] =	stream.linear.gather [hbm4b:s9+s5], $0x2800, $0x38;
	[tilespmem:$0x1FA80] =	vst v63  }
0x36: {  	_ =	swait.ge [sflag:s19], $0x2800  }
0x37: {  	[sflag:s19] =	ssyncset.done $0x0  }
0x38: {  	s9 =	simm.s32 $0x0;
	[sflag:s19] =	ssyncadd.s32 $0xFFFFD800  }
.LBB2_2:
0x39: {  	s11 =	sshra.s32 s9, $0x2  }
0x3a: {  	v1 =	vld [tilespmem:s11+$0x9000];
	_ =	sdelay $0x7  }
0x3b: {  	[tilespmem:v1+s24+$0x0] =	vst.idx.add.f32.msk $0xffff, v0  }
0x3c: {  	v1 =	vld [tilespmem:s11+$0x9010];
	_ =	sdelay $0x7  }
0x3d: {  	[tilespmem:v1+s24+$0x0] =	vst.idx.add.f32.msk $0xffff, v0  }
0x3e: {  	v1 =	vld [tilespmem:s11+$0x9020];
	_ =	sdelay $0x7  }
0x3f: {  	[tilespmem:v1+s24+$0x0] =	vst.idx.add.f32.msk $0xffff, v0  }
0x40: {  	v1 =	vld [tilespmem:s11+$0x9030];
	_ =	sdelay $0x7  }
0x41: {  	[tilespmem:v1+s24+$0x0] =	vst.idx.add.f32.msk $0xffff, v0  }
0x42: {  	v1 =	vld [tilespmem:s11+$0x9040];
	_ =	sdelay $0x7  }
0x43: {  	[tilespmem:v1+s24+$0x0] =	vst.idx.add.f32.msk $0xffff, v0  }
0x44: {  	v1 =	vld [tilespmem:s11+$0x9050];
	_ =	sdelay $0x7  }
0x45: {  	[tilespmem:v1+s24+$0x0] =	vst.idx.add.f32.msk $0xffff, v0  }
0x46: {  	v1 =	vld [tilespmem:s11+$0x9060];
	_ =	sdelay $0x7  }
0x47: {  	[tilespmem:v1+s24+$0x0] =	vst.idx.add.f32.msk $0xffff, v0  }
0x48: {  	v1 =	vld [tilespmem:s11+$0x9070];
	_ =	sdelay $0x2  }
0x49: {  	p1 =	sne.s32 s9, $0x9E00  }
.Ltmp0:
0x4a: {  	_ = 	snop;
	(pc) =	sbr.rel @p1 .LBB2_2-.Ltmp0, $2  }
0x4b: {  	_ =	sdelay $0x2  }
0x4c: {  	s9 =	sadd.s32 $0x200, s9;
	[tilespmem:v1+s24+$0x0] =	vst.idx.add.f32.msk $0xffff, v0  }
0x4d: {  	s9 =	simm.s32 $0x0  }
.LBB2_4:
0x4e: {  	s11 =	sshra.s32 s9, $0x2  }
0x4f: {  	v1 =	vld [tilespmem:s11+$0xB800];
	_ =	sdelay $0x7  }
0x50: {  	[tilespmem:v1+s24+$0x0] =	vst.idx.add.f32.msk $0xffff, v0  }
0x51: {  	v1 =	vld [tilespmem:s11+$0xB810];
	_ =	sdelay $0x7  }
0x52: {  	[tilespmem:v1+s24+$0x0] =	vst.idx.add.f32.msk $0xffff, v0  }
0x53: {  	v1 =	vld [tilespmem:s11+$0xB820];
	_ =	sdelay $0x7  }
0x54: {  	[tilespmem:v1+s24+$0x0] =	vst.idx.add.f32.msk $0xffff, v0  }
0x55: {  	v1 =	vld [tilespmem:s11+$0xB830];
	_ =	sdelay $0x7  }
0x56: {  	[tilespmem:v1+s24+$0x0] =	vst.idx.add.f32.msk $0xffff, v0  }
0x57: {  	v1 =	vld [tilespmem:s11+$0xB840];
	_ =	sdelay $0x7  }
0x58: {  	[tilespmem:v1+s24+$0x0] =	vst.idx.add.f32.msk $0xffff, v0  }
0x59: {  	v1 =	vld [tilespmem:s11+$0xB850];
	_ =	sdelay $0x7  }
0x5a: {  	[tilespmem:v1+s24+$0x0] =	vst.idx.add.f32.msk $0xffff, v0  }
0x5b: {  	v1 =	vld [tilespmem:s11+$0xB860];
	_ =	sdelay $0x7  }
0x5c: {  	[tilespmem:v1+s24+$0x0] =	vst.idx.add.f32.msk $0xffff, v0  }
0x5d: {  	v1 =	vld [tilespmem:s11+$0xB870];
	_ =	sdelay $0x2  }
0x5e: {  	p1 =	sne.s32 s9, $0x9E00  }
.Ltmp1:
0x5f: {  	_ = 	snop;
	(pc) =	sbr.rel @p1 .LBB2_4-.Ltmp1, $2  }
0x60: {  	_ =	sdelay $0x2  }
0x61: {  	s9 =	sadd.s32 $0x200, s9;
	[tilespmem:v1+s24+$0x0] =	vst.idx.add.f32.msk $0xffff, v0  }
0x62: {  	s9 =	rddreg [dreg:$0xa]  }
0x63: {  	[spmem:s9] =	stream.linear.scatter [tilespmem:s24], [sflag:$0x4], $0x2800, $0x38;
	[tilespmem:$0x1FA80] =	vst v63  }
0x64: {  	_ =	swait.ge [sflag:s19], $0x2800  }
0x65: {  	[sflag:s19] =	ssyncset.done $0x0  }
0x66: {  	[sflag:s19] =	ssyncadd.s32 $0xFFFFD800  }
0x67: {  	[bflag:$0x0] =	sbarrier.arrive $0xFFFF  }
0x68: {  	s11 =	simm.s32 $0x280;
	s12 =	simm.s32 $0x10800;
	s23 =	rddreg [dreg:$0xb]  }
0x69: {  	[tilespmem:s12], [sflag:$0x4] =	stream.strided.gather [spmem:s23], $0x2800, s13, s11, $0x38;
	[tilespmem:$0x1FA80] =	vst v63  }
0x6a: {  	_ =	swait.ge [sflag:s19], $0x2800  }
0x6b: {  	[sflag:s19] =	ssyncset.done $0x0  }
0x6c: {  	s20 =	simm.s32 $0x0;
	[sflag:s19] =	ssyncadd.s32 $0xFFFFD800  }
0x6d: {  	v1 =	vld [tilespmem:s20+$0x10800]  }
0x6e: {  	v2 =	vld [tilespmem:s20+$0x10A80];
	_ =	sdelay $0x1  }
0x6f: {  	v3 =	vld [tilespmem:s20+$0x10D00];
	_ =	sdelay $0x1  }
0x70: {  	v4 =	vld [tilespmem:s20+$0x10F80]  }
0x71: {  	v1 =	vadd.f32 v2, v1  }
0x72: {  	v2 =	vld [tilespmem:s20+$0x11200]  }
0x73: {  	v1 =	vadd.f32 v3, v1  }
0x74: {  	v3 =	vld [tilespmem:s20+$0x11480]  }
0x75: {  	v1 =	vadd.f32 v4, v1  }
0x76: {  	v4 =	vld [tilespmem:s20+$0x11700]  }
0x77: {  	v5 =	vld [tilespmem:s20+$0x11E80];
	v1 =	vadd.f32 v2, v1  }
0x78: {  	s9 =	simm.s32 $0x10;
	v2 =	vld [tilespmem:s20+$0x11980]  }
0x79: {  	v6 =	vld [tilespmem:s9+$0x10800];
	v1 =	vadd.f32 v3, v1  }
0x7a: {  	v3 =	vld [tilespmem:s20+$0x11C00]  }
0x7b: {  	v7 =	vld [tilespmem:s20+$0x12100];
	v1 =	vadd.f32 v4, v1  }
0x7c: {  	v4 =	vld [tilespmem:s9+$0x10A80]  }
0x7d: {  	v8 =	vld [tilespmem:s20+$0x12380];
	v1 =	vadd.f32 v2, v1  }
0x7e: {  	v2 =	vld [tilespmem:s9+$0x10D00]  }
0x7f: {  	v9 =	vld [tilespmem:s20+$0x12600];
	v1 =	vadd.f32 v3, v1  }
0x80: {  	s23 =	simm.s32 $0x20;
	v3 =	vld [tilespmem:s9+$0x10F80]  }
0x81: {  	v10 =	vld [tilespmem:s23+$0x11200];
	v4 =	vadd.f32 v4, v6;
	v1 =	vadd.f32 v5, v1  }
0x82: {  	v5 =	vld [tilespmem:s9+$0x11200]  }
0x83: {  	v2 =	vadd.f32 v2, v4;
	v4 =	vld [tilespmem:s9+$0x11480];
	v1 =	vadd.f32 v7, v1  }
0x84: {  	v7 =	vld [tilespmem:s20+$0x12880]  }
0x85: {  	v2 =	vadd.f32 v3, v2;
	v3 =	vld [tilespmem:s9+$0x11700];
	v1 =	vadd.f32 v8, v1  }
0x86: {  	v8 =	vld [tilespmem:s20+$0x12B00]  }
0x87: {  	v6 =	vld [tilespmem:s20+$0x12D80];
	v2 =	vadd.f32 v5, v2;
	v1 =	vadd.f32 v9, v1  }
0x88: {  	v5 =	vld [tilespmem:s9+$0x11980]  }
0x89: {  	v2 =	vadd.f32 v4, v2;
	v4 =	vld [tilespmem:s9+$0x11C00];
	v1 =	vadd.f32 v7, v1  }
0x8a: {  	v7 =	vld [tilespmem:s23+$0x10800]  }
0x8b: {  	v2 =	vadd.f32 v3, v2;
	v3 =	vld [tilespmem:s23+$0x10A80];
	v1 =	vadd.f32 v8, v1  }
0x8c: {  	v9 =	vld [tilespmem:s9+$0x11E80]  }
0x8d: {  	v2 =	vadd.f32 v5, v2;
	v5 =	vld [tilespmem:s23+$0x10D00];
	v1 =	vadd.f32 v6, v1  }
0x8e: {  	v8 =	vld [tilespmem:s9+$0x12100]  }
0x8f: {  	v2 =	vadd.f32 v4, v2;
	v4 =	vld [tilespmem:s23+$0x10F80];
	v1 =	vadd.f32 $1.000000000e+00, v1  }
0x90: {  	v6 =	vld [tilespmem:s9+$0x12380];
	v3 =	vadd.f32 v3, v7  }
0x91: {  	v12 =	vld [tilespmem:s9+$0x12880];
	v9 =	vadd.f32 v9, v2;
	v11 =	vshra.s32 v1, $0x1;
	v2 =	vmul.f32 $5.000000000e-01, v1  }
0x92: {  	v7 =	vld [tilespmem:s9+$0x12600];
	v3 =	vadd.f32 v5, v3;
	v11 =	vsub.s32 $0x5F3759DF, v11  }
0x93: {  	v5 =	vadd.f32 v8, v9;
	v8 =	vld [tilespmem:s23+$0x11480];
	v9 =	vmul.f32 v11, v2  }
0x94: {  	v13 =	vld [tilespmem:s9+$0x12B00];
	v3 =	vadd.f32 v4, v3  }
0x95: {  	v4 =	vadd.f32 v6, v5;
	v6 =	vld [tilespmem:s23+$0x11700];
	v5 =	vmul.f32 v11, v9  }
0x96: {  	v1 =	vld [tilespmem:s9+$0x12D80];
	v9 =	vadd.f32 v10, v3  }
0x97: {  	v7 =	vadd.f32 v7, v4;
	v4 =	vld [tilespmem:s23+$0x11980];
	v10 =	vsub.f32 $1.500000000e+00, v5  }
0x98: {  	v3 =	vld [tilespmem:s23+$0x11E80];
	v8 =	vadd.f32 v8, v9  }
0x99: {  	s11 =	simm.s32 $0x30;
	v5 =	vld [tilespmem:s23+$0x11C00];
	v12 =	vadd.f32 v12, v7;
	v7 =	vmul.f32 v11, v10  }
0x9a: {  	v9 =	vld [tilespmem:s11+$0x10800];
	v8 =	vadd.f32 v6, v8  }
0x9b: {  	s13 =	simm.s32 $0x100;
	s12 =	simm.s32 $0x0;
	v10 =	vld [tilespmem:s11+$0x10A80];
	v6 =	vadd.f32 v13, v12;
	v11 =	vmul.f32 v7, v2  }
.LBB2_6:
0x9c: {  	p1 =	sne.s32 s13, $0x9C0;
	v4 =	vadd.f32 v4, v8;
	v8 =	vld [tilespmem:s23+$0x12100];
	s14 =	smov.u32 s23;
	s23 =	smov.u32 s11  }
0x9d: {  	v12 =	vld [tilespmem:s23+$0x10D00];
	v1 =	vadd.f32 v1, v6;
	v6 =	vmul.f32 v11, v7  }
0x9e: {  	v4 =	vadd.f32 v5, v4;
	v5 =	vld [tilespmem:s14+$0x12380]  }
0x9f: {  	v11 =	vld [tilespmem:s23+$0x10F80];
	v1 =	vadd.f32 $1.000000000e+00, v1;
	v6 =	vsub.f32 $1.500000000e+00, v6  }
0xa0: {  	v9 =	vadd.f32 v10, v9;
	v3 =	vadd.f32 v3, v4;
	v4 =	vld [tilespmem:s14+$0x12600]  }
0xa1: {  	v10 =	vld [tilespmem:s23+$0x11200];
	v13 =	vshra.s32 v1, $0x1;
	v14 =	vmul.f32 $5.000000000e-01, v1;
	v6 =	vmul.f32 v6, v7  }
0xa2: {  	v7 =	vadd.f32 v12, v9;
	v3 =	vadd.f32 v8, v3;
	v1 =	vld [tilespmem:s14+$0x12D80];
	v8 =	vsub.s32 $0x5F3759DF, v13  }
0xa3: {  	v9 =	vld [tilespmem:s23+$0x11480];
	v12 =	vmul.f32 v8, v14;
	v13 =	vmul.f32 v6, v2;
	v2 =	vmov v14  }
0xa4: {  	v7 =	vadd.f32 v11, v7;
	v3 =	vadd.f32 v5, v3;
	v11 =	vld [tilespmem:s14+$0x12880]  }
0xa5: {  	v14 =	vld [tilespmem:s23+$0x11700];
	v5 =	vmul.f32 v8, v12;
	v12 =	vmul.f32 v13, v6  }
0xa6: {  	v7 =	vadd.f32 v10, v7;
	v10 =	vadd.f32 v4, v3;
	v13 =	vld [tilespmem:s14+$0x12B00]  }
.Ltmp2:
0xa7: {  	v4 =	vld [tilespmem:s23+$0x11980];
	v15 =	vsub.f32 $1.500000000e+00, v5;
	v12 =	vsub.f32 $1.500000000e+00, v12;
	(pc) =	sbr.rel @p1 .LBB2_6-.Ltmp2, $4  }
0xa8: {  	v16 =	vadd.f32 v9, v7;
	v3 =	vld [tilespmem:s23+$0x11E80]  }
0xa9: {  	s11 =	sshra.s32 s13, $0x2;
	v5 =	vld [tilespmem:s23+$0x11C00];
	v11 =	vadd.f32 v11, v10;
	v7 =	vmul.f32 v8, v15;
	v12 =	vmul.f32 v12, v6  }
0xaa: {  	v9 =	vld [tilespmem:s11+$0x10800];
	v8 =	vadd.f32 v14, v16  }
0xab: {  	s13 =	sadd.s32 $0x40, s13;
	v10 =	vld [tilespmem:s11+$0x10A80];
	v6 =	vadd.f32 v13, v11;
	v11 =	vmul.f32 v7, v2;
	[tilespmem:s12+$0x13000] =	vst v12;
	s12 =	smov.u32 s9;
	s9 =	smov.u32 s14  }
0xac: {  	_ = 	snop  }
0xad: {  	v12 =	vld [tilespmem:s11+$0x10D00]  }
0xae: {  	v11 =	vmul.f32 v11, v7  }
0xaf: {  	v13 =	vld [tilespmem:s11+$0x10F80]  }
0xb0: {  	v11 =	vsub.f32 $1.500000000e+00, v11;
	v9 =	vadd.f32 v10, v9  }
0xb1: {  	v37 =	vld [tilespmem:s11+$0x11200]  }
0xb2: {  	v14 =	vld [tilespmem:s23+$0x12100];
	v38 =	vmul.f32 v11, v7;
	v9 =	vadd.f32 v12, v9  }
0xb3: {  	v39 =	vld [tilespmem:s11+$0x11480]  }
0xb4: {  	v15 =	vld [tilespmem:s23+$0x12380];
	v2 =	vmul.f32 v38, v2;
	v9 =	vadd.f32 v13, v9  }
0xb5: {  	v41 =	vld [tilespmem:s11+$0x11700]  }
0xb6: {  	v40 =	vld [tilespmem:s23+$0x12600];
	v2 =	vmul.f32 v2, v38;
	v9 =	vadd.f32 v37, v9  }
0xb7: {  	v42 =	vld [tilespmem:s11+$0x11980]  }
0xb8: {  	v16 =	vld [tilespmem:s23+$0x12D80];
	v2 =	vsub.f32 $1.500000000e+00, v2;
	v9 =	vadd.f32 v39, v9  }
0xb9: {  	v43 =	vld [tilespmem:s11+$0x11C00]  }
0xba: {  	v17 =	vld [tilespmem:s23+$0x12880];
	v2 =	vmul.f32 v2, v38;
	v44 =	vadd.f32 v41, v9  }
0xbb: {  	v4 =	vadd.f32 v4, v8;
	v46 =	vld [tilespmem:s11+$0x11E80]  }
0xbc: {  	v45 =	vld [tilespmem:s23+$0x12B00];
	[tilespmem:s12+$0x13000] =	vst v2;
	v2 =	vadd.f32 v42, v44  }
0xbd: {  	v4 =	vadd.f32 v5, v4;
	v47 =	vld [tilespmem:s11+$0x12100]  }
0xbe: {  	v2 =	vadd.f32 v43, v2  }
0xbf: {  	v3 =	vadd.f32 v3, v4;
	v48 =	vld [tilespmem:s11+$0x12380]  }
0xc0: {  	v2 =	vadd.f32 v46, v2  }
0xc1: {  	v3 =	vadd.f32 v14, v3;
	v49 =	vld [tilespmem:s11+$0x12600]  }
0xc2: {  	v2 =	vadd.f32 v47, v2  }
0xc3: {  	v3 =	vadd.f32 v15, v3;
	v50 =	vld [tilespmem:s11+$0x12880]  }
0xc4: {  	v2 =	vadd.f32 v48, v2  }
0xc5: {  	v3 =	vadd.f32 v40, v3;
	v51 =	vld [tilespmem:s11+$0x12B00]  }
0xc6: {  	v2 =	vadd.f32 v49, v2  }
0xc7: {  	v3 =	vadd.f32 v17, v3;
	v52 =	vld [tilespmem:s11+$0x12D80]  }
0xc8: {  	v2 =	vadd.f32 v50, v2  }
0xc9: {  	v1 =	vadd.f32 v1, v6;
	v3 =	vadd.f32 v45, v3  }
0xca: {  	v2 =	vadd.f32 v51, v2  }
0xcb: {  	v1 =	vadd.f32 $1.000000000e+00, v1;
	v3 =	vadd.f32 v16, v3  }
0xcc: {  	v2 =	vadd.f32 v52, v2  }
0xcd: {  	v53 =	vshra.s32 v1, $0x1;
	v1 =	vmul.f32 $5.000000000e-01, v1;
	v3 =	vadd.f32 $1.000000000e+00, v3  }
0xce: {  	v4 =	vsub.s32 $0x5F3759DF, v53;
	v2 =	vadd.f32 $1.000000000e+00, v2  }
0xcf: {  	v54 =	vmul.f32 v4, v1;
	v55 =	vshra.s32 v3, $0x1;
	v3 =	vmul.f32 $5.000000000e-01, v3  }
0xd0: {  	v6 =	vsub.s32 $0x5F3759DF, v55;
	v56 =	vshra.s32 v2, $0x1;
	v2 =	vmul.f32 $5.000000000e-01, v2  }
0xd1: {  	v57 =	vmul.f32 v6, v3;
	v7 =	vsub.s32 $0x5F3759DF, v56  }
0xd2: {  	v5 =	vmul.f32 v4, v54;
	v58 =	vmul.f32 v7, v2  }
0xd3: {  	v8 =	vmul.f32 v6, v57  }
0xd4: {  	v5 =	vsub.f32 $1.500000000e+00, v5;
	v9 =	vmul.f32 v7, v58  }
0xd5: {  	v8 =	vsub.f32 $1.500000000e+00, v8  }
0xd6: {  	v4 =	vmul.f32 v4, v5;
	v59 =	vsub.f32 $1.500000000e+00, v9  }
0xd7: {  	v6 =	vmul.f32 v6, v8  }
0xd8: {  	v60 =	vmul.f32 v4, v1;
	v5 =	vmul.f32 v7, v59  }
0xd9: {  	v61 =	vmul.f32 v6, v3  }
0xda: {  	v8 =	vmul.f32 v60, v4;
	v62 =	vmul.f32 v5, v2  }
0xdb: {  	v7 =	vmul.f32 v61, v6  }
0xdc: {  	v8 =	vsub.f32 $1.500000000e+00, v8;
	v9 =	vmul.f32 v62, v5  }
0xdd: {  	v7 =	vsub.f32 $1.500000000e+00, v7  }
0xde: {  	v4 =	vmul.f32 v8, v4;
	v63 =	vsub.f32 $1.500000000e+00, v9  }
0xdf: {  	v6 =	vmul.f32 v7, v6  }
0xe0: {  	v1 =	vmul.f32 v4, v1;
	v5 =	vmul.f32 v63, v5  }
0xe1: {  	v3 =	vmul.f32 v6, v3  }
0xe2: {  	v1 =	vmul.f32 v1, v4;
	v2 =	vmul.f32 v5, v2  }
0xe3: {  	v3 =	vmul.f32 v3, v6  }
0xe4: {  	v1 =	vsub.f32 $1.500000000e+00, v1;
	v2 =	vmul.f32 v2, v5  }
0xe5: {  	v3 =	vsub.f32 $1.500000000e+00, v3  }
0xe6: {  	v1 =	vmul.f32 v1, v4;
	v2 =	vsub.f32 $1.500000000e+00, v2  }
0xe7: {  	v3 =	vmul.f32 v3, v6  }
0xe8: {  	[tilespmem:s9+$0x13000] =	vst v1;
	v1 =	vmul.f32 v2, v5  }
0xe9: {  	[tilespmem:s23+$0x13000] =	vst v3  }
0xea: {  	[tilespmem:s11+$0x13000] =	vst v1  }
0xeb: {  	s9 =	simm.s32 $0x13000;
	v2 =	vld [tilespmem:s20+$0x132B0]  }
0xec: {  	s11 =	simm.s32 $0x400;
	v1 =	vld [tilespmem:s9+$0x0]  }
.LBB2_8:
0xed: {  	p1 =	sne.s32 s11, $0x9C00;
	v3 =	vld [tilespmem:s20+$0x13290]  }
0xee: {  	v4 =	vld [tilespmem:s20+$0x13280]  }
0xef: {  	v5 =	vld [tilespmem:s20+$0x132A0]  }
0xf0: {  	v6 =	vld [tilespmem:s20+$0x132F0]  }
0xf1: {  	v7 =	vbroadcast v1, $0x0;
	v8 =	vbroadcast v1, $0x1;
	v9 =	vld [tilespmem:s20+$0x132D0]  }
0xf2: {  	v10 =	vbroadcast v1, $0x2;
	v11 =	vbroadcast v1, $0x3;
	v12 =	vld [tilespmem:s20+$0x132C0]  }
0xf3: {  	v4 =	vmul.f32 v7, v4;
	[tilespmem:s20+$0x15A80] =	vst v7;
	v3 =	vmul.f32 v3, v8;
	v7 =	vld [tilespmem:s20+$0x132E0]  }
0xf4: {  	v2 =	vmul.f32 v2, v11;
	[tilespmem:s20+$0x15A90] =	vst v8;
	v5 =	vmul.f32 v5, v10;
	v8 =	vld [tilespmem:s20+$0x13330]  }
0xf5: {  	v13 =	vbroadcast v1, $0x5;
	[tilespmem:s20+$0x13280] =	vst v4;
	v4 =	vbroadcast v1, $0x4;
	v14 =	vld [tilespmem:s20+$0x13310]  }
0xf6: {  	v15 =	vbroadcast v1, $0x7;
	[tilespmem:s20+$0x13290] =	vst v3;
	v3 =	vbroadcast v1, $0x6;
	v16 =	vld [tilespmem:s20+$0x13300]  }
0xf7: {  	v9 =	vmul.f32 v9, v13;
	[tilespmem:s20+$0x132A0] =	vst v5;
	v5 =	vmul.f32 v12, v4;
	v12 =	vld [tilespmem:s20+$0x13320]  }
0xf8: {  	v6 =	vmul.f32 v6, v15;
	[tilespmem:s20+$0x132B0] =	vst v2;
	v2 =	vmul.f32 v7, v3;
	v7 =	vld [tilespmem:s20+$0x13370]  }
0xf9: {  	v17 =	vbroadcast v1, $0x9;
	[tilespmem:s20+$0x132C0] =	vst v5;
	v5 =	vbroadcast v1, $0x8;
	v18 =	vld [tilespmem:s20+$0x13350]  }
0xfa: {  	v19 =	vbroadcast v1, $0xB;
	[tilespmem:s20+$0x132D0] =	vst v9;
	v9 =	vbroadcast v1, $0xA;
	v20 =	vld [tilespmem:s20+$0x13340]  }
0xfb: {  	v14 =	vmul.f32 v14, v17;
	[tilespmem:s20+$0x132E0] =	vst v2;
	v2 =	vmul.f32 v16, v5;
	v16 =	vld [tilespmem:s20+$0x13360]  }
0xfc: {  	v8 =	vmul.f32 v8, v19;
	[tilespmem:s20+$0x132F0] =	vst v6;
	v6 =	vmul.f32 v12, v9  }
0xfd: {  	v12 =	vbroadcast v1, $0xD;
	[tilespmem:s20+$0x13300] =	vst v2;
	v2 =	vbroadcast v1, $0xC  }
0xfe: {  	[tilespmem:s20+$0x13310] =	vst v14;
	v14 =	vbroadcast v1, $0xE;
	v1 =	vbroadcast v1, $0xF  }
0xff: {  	v18 =	vmul.f32 v18, v12;
	[tilespmem:s20+$0x13320] =	vst v6;
	v6 =	vmul.f32 v20, v2  }
0x100: {  	[tilespmem:s20+$0x13330] =	vst v8;
	v8 =	vmul.f32 v16, v14;
	v7 =	vmul.f32 v7, v1  }
0x101: {  	[tilespmem:s20+$0x13340] =	vst v6  }
0x102: {  	[tilespmem:s20+$0x13350] =	vst v18  }
0x103: {  	[tilespmem:s20+$0x13360] =	vst v8  }
0x104: {  	[tilespmem:s20+$0x13370] =	vst v7  }
0x105: {  	[tilespmem:s20+$0x15AA0] =	vst v10  }
0x106: {  	[tilespmem:s20+$0x15AB0] =	vst v11  }
0x107: {  	[tilespmem:s20+$0x15AC0] =	vst v4  }
0x108: {  	[tilespmem:s20+$0x15AD0] =	vst v13  }
0x109: {  	[tilespmem:s20+$0x15AE0] =	vst v3  }
0x10a: {  	[tilespmem:s20+$0x15AF0] =	vst v15  }
0x10b: {  	[tilespmem:s20+$0x15B00] =	vst v5  }
0x10c: {  	[tilespmem:s20+$0x15B10] =	vst v17  }
0x10d: {  	[tilespmem:s20+$0x15B20] =	vst v9  }
0x10e: {  	[tilespmem:s20+$0x15B30] =	vst v19  }
.Ltmp3:
0x10f: {  	[tilespmem:s20+$0x15B40] =	vst v2;
	(pc) =	sbr.rel @p1 .LBB2_8-.Ltmp3, $4  }
0x110: {  	[tilespmem:s20+$0x15B50] =	vst v12  }
0x111: {  	s12 =	sshra.s32 s11, $0x2;
	[tilespmem:s20+$0x15B60] =	vst v14  }
0x112: {  	s9 =	sadd.s32 $0x10, s9;
	v2 =	vld [tilespmem:s12+$0x132B0];
	[tilespmem:s20+$0x15B70] =	vst v1;
	s20 =	smov.u32 s12  }
0x113: {  	s11 =	sadd.s32 $0x400, s11;
	v1 =	vld [tilespmem:s9+$0x0]  }
0x114: {  	_ =	sdelay $0x3  }
0x115: {  	v7 =	vbroadcast v1, $0x0  }
0x116: {  	v10 =	vbroadcast v1, $0x1  }
0x117: {  	v12 =	vbroadcast v1, $0x2;
	[tilespmem:s20+$0x15A80] =	vst v7  }
0x118: {  	v54 =	vbroadcast v1, $0x3;
	[tilespmem:s20+$0x15A90] =	vst v10  }
0x119: {  	v13 =	vbroadcast v1, $0x4;
	[tilespmem:s20+$0x15AA0] =	vst v12  }
0x11a: {  	v14 =	vbroadcast v1, $0x5;
	[tilespmem:s20+$0x15AB0] =	vst v54  }
0x11b: {  	v15 =	vbroadcast v1, $0x6;
	[tilespmem:s20+$0x15AC0] =	vst v13  }
0x11c: {  	v16 =	vbroadcast v1, $0x7;
	[tilespmem:s20+$0x15AD0] =	vst v14  }
0x11d: {  	v57 =	vbroadcast v1, $0x8;
	[tilespmem:s20+$0x15AE0] =	vst v15  }
0x11e: {  	v4 =	vld [tilespmem:s20+$0x13280];
	v18 =	vbroadcast v1, $0x9;
	[tilespmem:s20+$0x15AF0] =	vst v16  }
0x11f: {  	v3 =	vld [tilespmem:s20+$0x13290];
	v58 =	vbroadcast v1, $0xA;
	[tilespmem:s20+$0x15B00] =	vst v57  }
0x120: {  	v5 =	vld [tilespmem:s20+$0x132A0];
	v20 =	vbroadcast v1, $0xB;
	[tilespmem:s20+$0x15B10] =	vst v18  }
0x121: {  	v60 =	vbroadcast v1, $0xD;
	[tilespmem:s20+$0x15B20] =	vst v58  }
0x122: {  	v9 =	vld [tilespmem:s20+$0x132C0];
	v61 =	vbroadcast v1, $0xE;
	[tilespmem:s20+$0x15B30] =	vst v20  }
0x123: {  	v8 =	vld [tilespmem:s20+$0x132D0];
	v4 =	vmul.f32 v7, v4;
	[tilespmem:s20+$0x15B50] =	vst v60  }
0x124: {  	v11 =	vld [tilespmem:s20+$0x132E0];
	v3 =	vmul.f32 v3, v10;
	[tilespmem:s20+$0x15B60] =	vst v61  }
0x125: {  	v6 =	vld [tilespmem:s20+$0x132F0];
	v5 =	vmul.f32 v5, v12;
	[tilespmem:s20+$0x13280] =	vst v4  }
0x126: {  	v52 =	vld [tilespmem:s20+$0x13330];
	v2 =	vmul.f32 v2, v54;
	[tilespmem:s20+$0x13290] =	vst v3  }
0x127: {  	v19 =	vld [tilespmem:s20+$0x13360];
	v9 =	vmul.f32 v9, v13;
	[tilespmem:s20+$0x132A0] =	vst v5  }
0x128: {  	v53 =	vld [tilespmem:s20+$0x13310];
	v8 =	vmul.f32 v8, v14;
	[tilespmem:s20+$0x132B0] =	vst v2  }
0x129: {  	v55 =	vld [tilespmem:s20+$0x13320];
	v11 =	vmul.f32 v11, v15;
	[tilespmem:s20+$0x132C0] =	vst v9  }
0x12a: {  	v6 =	vmul.f32 v6, v16;
	v3 =	vld [tilespmem:s20+$0x13300];
	[tilespmem:s20+$0x132D0] =	vst v8  }
0x12b: {  	v56 =	vld [tilespmem:s20+$0x13350];
	v59 =	vmul.f32 v52, v20;
	[tilespmem:s20+$0x132E0] =	vst v11  }
0x12c: {  	v63 =	vmul.f32 v19, v61;
	[tilespmem:s20+$0x132F0] =	vst v6  }
0x12d: {  	v4 =	vmul.f32 v53, v18;
	[tilespmem:s20+$0x13330] =	vst v59  }
0x12e: {  	v17 =	vld [tilespmem:s20+$0x13340];
	v5 =	vmul.f32 v55, v58;
	[tilespmem:s20+$0x13360] =	vst v63  }
0x12f: {  	v2 =	vld [tilespmem:s20+$0x13370];
	[tilespmem:s20+$0x13310] =	vst v4;
	v3 =	vmul.f32 v3, v57  }
0x130: {  	v9 =	vmul.f32 v56, v60;
	[tilespmem:s20+$0x13320] =	vst v5  }
0x131: {  	[tilespmem:s20+$0x13300] =	vst v3;
	v3 =	vbroadcast v1, $0xC  }
0x132: {  	[tilespmem:s20+$0x13350] =	vst v9;
	v1 =	vbroadcast v1, $0xF  }
0x133: {  	v62 =	vmul.f32 v17, v3;
	[tilespmem:s20+$0x15B40] =	vst v3  }
0x134: {  	v2 =	vmul.f32 v2, v1;
	[tilespmem:s20+$0x15B70] =	vst v1  }
0x135: {  	[tilespmem:s20+$0x13340] =	vst v62  }
0x136: {  	s9 =	simm.s32 @!p0 $0x0;
	s11 =	simm.s32 @!p0 $0x15A80;
	s12 =	rddreg [dreg:$0xc];
	[tilespmem:s20+$0x13370] =	vst v2  }
0x137: {  	[hbm4b:s12+s9] =	stream.linear.scatter @!p0 [tilespmem:s11], [sflag:$0x4], $0x2800, $0x38;
	[tilespmem:$0x1FA80] =	vst v63  }
0x138: {  	s9 =	simm.s32 @!p0 $0x4  }
0x139: {  	_ =	swait.ge @!p0 [sflag:s9], $0x2800  }
0x13a: {  	[sflag:s9] =	ssyncset.done @!p0 $0x0  }
0x13b: {  	s11 =	rddreg [dreg:$0xd];
	[sflag:s9] =	ssyncadd.s32 @!p0 $0xFFFFD800  }
0x13c: {  	[spmem:s11] =	stream.linear.scatter [tilespmem:s15], [sflag:$0x4], $0x2800, $0x38;
	[tilespmem:$0x1FA80] =	vst v63  }
0x13d: {  	_ =	swait.ge [sflag:s19], $0x2800  }
0x13e: {  	[sflag:s19] =	ssyncset.done $0x0  }
0x13f: {  	[sflag:s19] =	ssyncadd.s32 $0xFFFFD800  }
0x140: {  	s12 =	simm.s32 $0x0;
	[bflag:$0x0] =	sbarrier.arrive $0xFFFF  }
0x141: {  	[tilespmem:s29], [sflag:$0x1] =	stream.indirect.gather [spmem:s4], $0x10, s12, s28, $0xb8;
	[tilespmem:$0x1FA80] =	vst v63  }
0x142: {  	_ = 	snop  }
0x143: {  	[tilespmem:s30], [sflag:$0x1] =	stream.indirect.gather [spmem:s4], $0x10, s28, s28, $0xb8;
	[tilespmem:$0x1FA80] =	vst v63  }
0x144: {  	s13 =	simm.s32 $0x100  }
0x145: {  	[tilespmem:s3], [sflag:$0x1] =	stream.indirect.gather [spmem:s4], $0x10, s13, s28, $0xb8;
	[tilespmem:$0x1FA80] =	vst v63  }
0x146: {  	s14 =	simm.s32 $0x180  }
0x147: {  	[tilespmem:s21], [sflag:$0x1] =	stream.indirect.gather [spmem:s4], $0x10, s14, s28, $0xb8;
	[tilespmem:$0x1FA80] =	vst v63  }
0x148: {  	s15 =	simm.s32 $0x200  }
0x149: {  	[tilespmem:s22], [sflag:$0x2] =	stream.indirect.gather [spmem:s4], $0x10, s15, s28, $0xb8;
	[tilespmem:$0x1FA80] =	vst v63  }
0x14a: {  	s16 =	simm.s32 $0x280  }
0x14b: {  	[tilespmem:s25], [sflag:$0x2] =	stream.indirect.gather [spmem:s4], $0x10, s16, s28, $0xb8;
	[tilespmem:$0x1FA80] =	vst v63  }
0x14c: {  	s20 =	simm.s32 $0x300  }
0x14d: {  	[tilespmem:s26], [sflag:$0x2] =	stream.indirect.gather [spmem:s4], $0x10, s20, s28, $0xb8;
	[tilespmem:$0x1FA80] =	vst v63  }
0x14e: {  	s23 =	simm.s32 $0x380  }
0x14f: {  	[tilespmem:s31], [sflag:$0x2] =	stream.indirect.gather [spmem:s4], $0x10, s23, s28, $0xb8;
	[tilespmem:$0x1FA80] =	vst v63  }
0x150: {  	_ =	swait.ge [sflag:s0], $0x800  }
0x151: {  	[sflag:s0] =	ssyncset.done $0x0  }
0x152: {  	[sflag:s0] =	ssyncadd.s32 $0xFFFFF800  }
0x153: {  	_ =	swait.ge [sflag:s0], $0x800  }
0x154: {  	[sflag:s0] =	ssyncset.done $0x0  }
0x155: {  	[sflag:s0] =	ssyncadd.s32 $0xFFFFF800  }
0x156: {  	_ =	swait.ge [sflag:s0], $0x800  }
0x157: {  	[sflag:s0] =	ssyncset.done $0x0  }
0x158: {  	[sflag:s0] =	ssyncadd.s32 $0xFFFFF800  }
0x159: {  	_ =	swait.ge [sflag:s0], $0x800  }
0x15a: {  	[sflag:s0] =	ssyncset.done $0x0  }
0x15b: {  	s11 =	simm.s32 $0x2800;
	[sflag:s0] =	ssyncadd.s32 $0xFFFFF800  }
0x15c: {  	[spmem:s2] =	stream.indirect.scatter.add.f32 [tilespmem:s29], [sflag:$0x3], $0x10, s11, s28, $0xb8;
	[tilespmem:$0x1FA80] =	vst v63  }
0x15d: {  	s12 =	simm.s32 $0x2880  }
0x15e: {  	[spmem:s2] =	stream.indirect.scatter.add.f32 [tilespmem:s30], [sflag:$0x3], $0x10, s12, s28, $0xb8;
	[tilespmem:$0x1FA80] =	vst v63  }
0x15f: {  	s13 =	simm.s32 $0x2900  }
0x160: {  	[spmem:s2] =	stream.indirect.scatter.add.f32 [tilespmem:s3], [sflag:$0x3], $0x10, s13, s28, $0xb8;
	[tilespmem:$0x1FA80] =	vst v63  }
0x161: {  	s14 =	simm.s32 $0x2980  }
0x162: {  	[spmem:s2] =	stream.indirect.scatter.add.f32 [tilespmem:s21], [sflag:$0x3], $0x10, s14, s28, $0xb8;
	[tilespmem:$0x1FA80] =	vst v63  }
0x163: {  	_ =	swait.ge [sflag:s1], $0x800  }
0x164: {  	[sflag:s1] =	ssyncset.done $0x0  }
0x165: {  	[sflag:s1] =	ssyncadd.s32 $0xFFFFF800  }
0x166: {  	_ =	swait.ge [sflag:s1], $0x800  }
0x167: {  	[sflag:s1] =	ssyncset.done $0x0  }
0x168: {  	[sflag:s1] =	ssyncadd.s32 $0xFFFFF800  }
0x169: {  	_ =	swait.ge [sflag:s1], $0x800  }
0x16a: {  	[sflag:s1] =	ssyncset.done $0x0  }
0x16b: {  	[sflag:s1] =	ssyncadd.s32 $0xFFFFF800  }
0x16c: {  	p1 =	por $0x0, $0x0;
	_ =	swait.ge [sflag:s1], $0x800  }
0x16d: {  	s9 =	simm.s32 @!p1 $0x5000;
	[sflag:s1] =	ssyncset.done $0x0  }
0x16e: {  	s11 =	simm.s32 @!p1 $0x400;
	s12 =	simm.s32 @!p1 $0x80;
	[sflag:s1] =	ssyncadd.s32 $0xFFFFF800  }
0x16f: {  	[tilespmem:s9], [sflag:$0x1] =	stream.indirect.gather @!p1 [spmem:s4], $0x10, s11, s12, $0xb8;
	[tilespmem:$0x1FA80] =	vst v63  }
0x170: {  	s9 =	simm.s32 @!p1 $0x480;
	s11 =	simm.s32 @!p1 $0x5800  }
0x171: {  	[tilespmem:s11], [sflag:$0x1] =	stream.indirect.gather @!p1 [spmem:s4], $0x10, s9, s12, $0xb8;
	[tilespmem:$0x1FA80] =	vst v63  }
0x172: {  	s9 =	simm.s32 @!p1 $0x500;
	s11 =	simm.s32 @!p1 $0x6000  }
0x173: {  	[tilespmem:s11], [sflag:$0x1] =	stream.indirect.gather @!p1 [spmem:s4], $0x10, s9, s12, $0xb8;
	[tilespmem:$0x1FA80] =	vst v63  }
0x174: {  	s9 =	simm.s32 @!p1 $0x580;
	s11 =	simm.s32 @!p1 $0x6800  }
0x175: {  	[tilespmem:s11], [sflag:$0x1] =	stream.indirect.gather @!p1 [spmem:s4], $0x10, s9, s12, $0xb8;
	[tilespmem:$0x1FA80] =	vst v63  }
0x176: {  	_ =	swait.ge [sflag:s7], $0x800  }
0x177: {  	[sflag:s7] =	ssyncset.done $0x0  }
0x178: {  	[sflag:s7] =	ssyncadd.s32 $0xFFFFF800  }
0x179: {  	_ =	swait.ge [sflag:s7], $0x800  }
0x17a: {  	[sflag:s7] =	ssyncset.done $0x0  }
0x17b: {  	[sflag:s7] =	ssyncadd.s32 $0xFFFFF800  }
0x17c: {  	_ =	swait.ge [sflag:s7], $0x800  }
0x17d: {  	[sflag:s7] =	ssyncset.done $0x0  }
0x17e: {  	[sflag:s7] =	ssyncadd.s32 $0xFFFFF800  }
0x17f: {  	_ =	swait.ge [sflag:s7], $0x800  }
0x180: {  	[sflag:s7] =	ssyncset.done $0x0  }
0x181: {  	s15 =	simm.s32 $0x2A00;
	[sflag:s7] =	ssyncadd.s32 $0xFFFFF800  }
0x182: {  	[spmem:s2] =	stream.indirect.scatter.add.f32 [tilespmem:s22], [sflag:$0x3], $0x10, s15, s28, $0xb8;
	[tilespmem:$0x1FA80] =	vst v63  }
0x183: {  	s16 =	simm.s32 $0x2A80  }
0x184: {  	[spmem:s2] =	stream.indirect.scatter.add.f32 [tilespmem:s25], [sflag:$0x3], $0x10, s16, s28, $0xb8;
	[tilespmem:$0x1FA80] =	vst v63  }
0x185: {  	s20 =	simm.s32 $0x2B00  }
0x186: {  	[spmem:s2] =	stream.indirect.scatter.add.f32 [tilespmem:s26], [sflag:$0x3], $0x10, s20, s28, $0xb8;
	[tilespmem:$0x1FA80] =	vst v63  }
0x187: {  	s23 =	simm.s32 $0x2B80  }
0x188: {  	[spmem:s2] =	stream.indirect.scatter.add.f32 [tilespmem:s31], [sflag:$0x3], $0x10, s23, s28, $0xb8;
	[tilespmem:$0x1FA80] =	vst v63  }
0x189: {  	_ =	swait.ge [sflag:s1], $0x800  }
0x18a: {  	[sflag:s1] =	ssyncset.done $0x0  }
0x18b: {  	[sflag:s1] =	ssyncadd.s32 $0xFFFFF800  }
0x18c: {  	_ =	swait.ge [sflag:s1], $0x800  }
0x18d: {  	[sflag:s1] =	ssyncset.done $0x0  }
0x18e: {  	[sflag:s1] =	ssyncadd.s32 $0xFFFFF800  }
0x18f: {  	_ =	swait.ge [sflag:s1], $0x800  }
0x190: {  	[sflag:s1] =	ssyncset.done $0x0  }
0x191: {  	[sflag:s1] =	ssyncadd.s32 $0xFFFFF800  }
0x192: {  	s9 =	simm.s32 $0x400;
	_ =	swait.ge [sflag:s1], $0x800  }
0x193: {  	s20 =	simm.s32 $0x1000;
	s23 =	simm.s32 $0x2000;
	[sflag:s1] =	ssyncset.done $0x0  }
.LBB2_10:
0x194: {  	s12 =	sadd.s32 $0x200, s9  }
0x195: {  	[sflag:s1] =	ssyncadd.s32 $0xFFFFF800;
	s11 =	smov.u32 s23;
	s23 =	sadd.s32 $0x1000, s23  }
0x196: {  	[tilespmem:s22], [sflag:$0x2] =	stream.indirect.gather [spmem:s4], $0x10, s12, s28, $0xb8;
	[tilespmem:$0x1FA80] =	vst v63  }
0x197: {  	p1 =	sne.s32 s23, $0xA000;
	s12 =	sadd.s32 $0x280, s9  }
0x198: {  	[tilespmem:s25], [sflag:$0x2] =	stream.indirect.gather [spmem:s4], $0x10, s12, s28, $0xb8;
	[tilespmem:$0x1FA80] =	vst v63  }
0x199: {  	s12 =	sadd.s32 $0x300, s9  }
0x19a: {  	[tilespmem:s26], [sflag:$0x2] =	stream.indirect.gather [spmem:s4], $0x10, s12, s28, $0xb8;
	[tilespmem:$0x1FA80] =	vst v63  }
0x19b: {  	s12 =	sadd.s32 $0x380, s9  }
0x19c: {  	[tilespmem:s31], [sflag:$0x2] =	stream.indirect.gather [spmem:s4], $0x10, s12, s28, $0xb8;
	[tilespmem:$0x1FA80] =	vst v63  }
0x19d: {  	_ =	swait.ge [sflag:s0], $0x800  }
0x19e: {  	[sflag:s0] =	ssyncset.done $0x0  }
0x19f: {  	[sflag:s0] =	ssyncadd.s32 $0xFFFFF800  }
0x1a0: {  	_ =	swait.ge [sflag:s0], $0x800  }
0x1a1: {  	[sflag:s0] =	ssyncset.done $0x0  }
0x1a2: {  	[sflag:s0] =	ssyncadd.s32 $0xFFFFF800  }
0x1a3: {  	_ =	swait.ge [sflag:s0], $0x800  }
0x1a4: {  	[sflag:s0] =	ssyncset.done $0x0  }
0x1a5: {  	[sflag:s0] =	ssyncadd.s32 $0xFFFFF800  }
0x1a6: {  	_ =	swait.ge [sflag:s0], $0x800  }
0x1a7: {  	[sflag:s0] =	ssyncset.done $0x0  }
0x1a8: {  	s12 =	sadd.s32 $0x2800, s9;
	[sflag:s0] =	ssyncadd.s32 $0xFFFFF800  }
0x1a9: {  	[spmem:s2] =	stream.indirect.scatter.add.f32 [tilespmem:s29], [sflag:$0x3], $0x10, s12, s28, $0xb8;
	[tilespmem:$0x1FA80] =	vst v63  }
0x1aa: {  	s12 =	sadd.s32 $0x2880, s9  }
0x1ab: {  	[spmem:s2] =	stream.indirect.scatter.add.f32 [tilespmem:s30], [sflag:$0x3], $0x10, s12, s28, $0xb8;
	[tilespmem:$0x1FA80] =	vst v63  }
0x1ac: {  	s12 =	sadd.s32 $0x2900, s9  }
0x1ad: {  	[spmem:s2] =	stream.indirect.scatter.add.f32 [tilespmem:s3], [sflag:$0x3], $0x10, s12, s28, $0xb8;
	[tilespmem:$0x1FA80] =	vst v63  }
0x1ae: {  	s12 =	sadd.s32 $0x2980, s9  }
0x1af: {  	[spmem:s2] =	stream.indirect.scatter.add.f32 [tilespmem:s21], [sflag:$0x3], $0x10, s12, s28, $0xb8;
	[tilespmem:$0x1FA80] =	vst v63  }
0x1b0: {  	_ =	swait.ge [sflag:s1], $0x800  }
0x1b1: {  	[sflag:s1] =	ssyncset.done $0x0  }
0x1b2: {  	[sflag:s1] =	ssyncadd.s32 $0xFFFFF800  }
0x1b3: {  	_ =	swait.ge [sflag:s1], $0x800  }
0x1b4: {  	[sflag:s1] =	ssyncset.done $0x0  }
0x1b5: {  	[sflag:s1] =	ssyncadd.s32 $0xFFFFF800  }
0x1b6: {  	_ =	swait.ge [sflag:s1], $0x800  }
0x1b7: {  	[sflag:s1] =	ssyncset.done $0x0  }
0x1b8: {  	[sflag:s1] =	ssyncadd.s32 $0xFFFFF800  }
0x1b9: {  	p2 =	seq.s32 s20, $0x9000;
	_ =	swait.ge [sflag:s1], $0x800  }
0x1ba: {  	s13 =	simm.s32 @!p2 $0x5000;
	s12 =	sshra.s32 @!p2 s20, $0x2;
	[sflag:s1] =	ssyncset.done $0x0  }
0x1bb: {  	s15 =	simm.s32 @!p2 $0x80;
	s14 =	sadd.s32 @!p2 $0x400, s12;
	[sflag:s1] =	ssyncadd.s32 $0xFFFFF800  }
0x1bc: {  	[tilespmem:s13], [sflag:$0x1] =	stream.indirect.gather @!p2 [spmem:s4], $0x10, s14, s15, $0xb8;
	[tilespmem:$0x1FA80] =	vst v63  }
0x1bd: {  	s16 =	sadd.s32 @!p2 $0x500, s12;
	s13 =	sadd.s32 @!p2 $0x480, s12;
	s14 =	simm.s32 @!p2 $0x5800  }
0x1be: {  	[tilespmem:s14], [sflag:$0x1] =	stream.indirect.gather @!p2 [spmem:s4], $0x10, s13, s15, $0xb8;
	[tilespmem:$0x1FA80] =	vst v63  }
0x1bf: {  	s20 =	smov.u32 s11;
	s12 =	sadd.s32 @!p2 $0x580, s12;
	s13 =	simm.s32 @!p2 $0x6000  }
0x1c0: {  	[tilespmem:s13], [sflag:$0x1] =	stream.indirect.gather @!p2 [spmem:s4], $0x10, s16, s15, $0xb8;
	[tilespmem:$0x1FA80] =	vst v63  }
0x1c1: {  	s11 =	simm.s32 @!p2 $0x6800  }
0x1c2: {  	[tilespmem:s11], [sflag:$0x1] =	stream.indirect.gather @!p2 [spmem:s4], $0x10, s12, s15, $0xb8;
	[tilespmem:$0x1FA80] =	vst v63  }
0x1c3: {  	_ =	swait.ge [sflag:s7], $0x800  }
0x1c4: {  	[sflag:s7] =	ssyncset.done $0x0  }
0x1c5: {  	[sflag:s7] =	ssyncadd.s32 $0xFFFFF800  }
0x1c6: {  	_ =	swait.ge [sflag:s7], $0x800  }
0x1c7: {  	[sflag:s7] =	ssyncset.done $0x0  }
0x1c8: {  	[sflag:s7] =	ssyncadd.s32 $0xFFFFF800  }
0x1c9: {  	_ =	swait.ge [sflag:s7], $0x800  }
0x1ca: {  	[sflag:s7] =	ssyncset.done $0x0  }
0x1cb: {  	[sflag:s7] =	ssyncadd.s32 $0xFFFFF800  }
0x1cc: {  	_ =	swait.ge [sflag:s7], $0x800  }
0x1cd: {  	[sflag:s7] =	ssyncset.done $0x0  }
0x1ce: {  	s11 =	sadd.s32 $0x2A00, s9;
	[sflag:s7] =	ssyncadd.s32 $0xFFFFF800  }
0x1cf: {  	[spmem:s2] =	stream.indirect.scatter.add.f32 [tilespmem:s22], [sflag:$0x3], $0x10, s11, s28, $0xb8;
	[tilespmem:$0x1FA80] =	vst v63  }
0x1d0: {  	s11 =	sadd.s32 $0x2A80, s9  }
0x1d1: {  	[spmem:s2] =	stream.indirect.scatter.add.f32 [tilespmem:s25], [sflag:$0x3], $0x10, s11, s28, $0xb8;
	[tilespmem:$0x1FA80] =	vst v63  }
0x1d2: {  	s11 =	sadd.s32 $0x2B00, s9  }
0x1d3: {  	[spmem:s2] =	stream.indirect.scatter.add.f32 [tilespmem:s26], [sflag:$0x3], $0x10, s11, s28, $0xb8;
	[tilespmem:$0x1FA80] =	vst v63  }
0x1d4: {  	s9 =	sadd.s32 $0x2B80, s9  }
0x1d5: {  	[spmem:s2] =	stream.indirect.scatter.add.f32 [tilespmem:s31], [sflag:$0x3], $0x10, s9, s28, $0xb8;
	[tilespmem:$0x1FA80] =	vst v63  }
0x1d6: {  	_ =	swait.ge [sflag:s1], $0x800  }
0x1d7: {  	[sflag:s1] =	ssyncset.done $0x0  }
0x1d8: {  	[sflag:s1] =	ssyncadd.s32 $0xFFFFF800  }
0x1d9: {  	_ =	swait.ge [sflag:s1], $0x800  }
0x1da: {  	[sflag:s1] =	ssyncset.done $0x0  }
0x1db: {  	[sflag:s1] =	ssyncadd.s32 $0xFFFFF800  }
.Ltmp4:
0x1dc: {  	_ =	swait.ge [sflag:s1], $0x800;
	(pc) =	sbr.rel @p1 .LBB2_10-.Ltmp4, $4  }
0x1dd: {  	[sflag:s1] =	ssyncset.done $0x0  }
0x1de: {  	[sflag:s1] =	ssyncadd.s32 $0xFFFFF800  }
0x1df: {  	_ =	swait.ge [sflag:s1], $0x800  }
0x1e0: {  	s9 =	sshra.s32 s20, $0x2;
	[sflag:s1] =	ssyncset.done $0x0  }
0x1e1: {  	s11 =	sadd.s32 $0x200, s9;
	[sflag:s1] =	ssyncadd.s32 $0xFFFFF800  }
0x1e2: {  	[tilespmem:s22], [sflag:$0x2] =	stream.indirect.gather [spmem:s4], $0x10, s11, s28, $0xb8;
	[tilespmem:$0x1FA80] =	vst v63  }
0x1e3: {  	s13 =	sadd.s32 $0x280, s9  }
0x1e4: {  	[tilespmem:s25], [sflag:$0x2] =	stream.indirect.gather [spmem:s4], $0x10, s13, s28, $0xb8;
	[tilespmem:$0x1FA80] =	vst v63  }
0x1e5: {  	s14 =	sadd.s32 $0x300, s9  }
0x1e6: {  	[tilespmem:s26], [sflag:$0x2] =	stream.indirect.gather [spmem:s4], $0x10, s14, s28, $0xb8;
	[tilespmem:$0x1FA80] =	vst v63  }
0x1e7: {  	s15 =	sadd.s32 $0x380, s9  }
0x1e8: {  	[tilespmem:s31], [sflag:$0x2] =	stream.indirect.gather [spmem:s4], $0x10, s15, s28, $0xb8;
	[tilespmem:$0x1FA80] =	vst v63  }
0x1e9: {  	_ =	swait.ge [sflag:s0], $0x800  }
0x1ea: {  	[sflag:s0] =	ssyncset.done $0x0  }
0x1eb: {  	[sflag:s0] =	ssyncadd.s32 $0xFFFFF800  }
0x1ec: {  	_ =	swait.ge [sflag:s0], $0x800  }
0x1ed: {  	[sflag:s0] =	ssyncset.done $0x0  }
0x1ee: {  	[sflag:s0] =	ssyncadd.s32 $0xFFFFF800  }
0x1ef: {  	_ =	swait.ge [sflag:s0], $0x800  }
0x1f0: {  	[sflag:s0] =	ssyncset.done $0x0  }
0x1f1: {  	[sflag:s0] =	ssyncadd.s32 $0xFFFFF800  }
0x1f2: {  	_ =	swait.ge [sflag:s0], $0x800  }
0x1f3: {  	[sflag:s0] =	ssyncset.done $0x0  }
0x1f4: {  	s16 =	sadd.s32 $0x2800, s9;
	[sflag:s0] =	ssyncadd.s32 $0xFFFFF800  }
0x1f5: {  	[spmem:s2] =	stream.indirect.scatter.add.f32 [tilespmem:s29], [sflag:$0x3], $0x10, s16, s28, $0xb8;
	[tilespmem:$0x1FA80] =	vst v63  }
0x1f6: {  	s23 =	sadd.s32 $0x2880, s9  }
0x1f7: {  	[spmem:s2] =	stream.indirect.scatter.add.f32 [tilespmem:s30], [sflag:$0x3], $0x10, s23, s28, $0xb8;
	[tilespmem:$0x1FA80] =	vst v63  }
0x1f8: {  	s12 =	sadd.s32 $0x2900, s9  }
0x1f9: {  	[spmem:s2] =	stream.indirect.scatter.add.f32 [tilespmem:s3], [sflag:$0x3], $0x10, s12, s28, $0xb8;
	[tilespmem:$0x1FA80] =	vst v63  }
0x1fa: {  	s13 =	sadd.s32 $0x2980, s9  }
0x1fb: {  	[spmem:s2] =	stream.indirect.scatter.add.f32 [tilespmem:s21], [sflag:$0x3], $0x10, s13, s28, $0xb8;
	[tilespmem:$0x1FA80] =	vst v63  }
0x1fc: {  	_ =	swait.ge [sflag:s1], $0x800  }
0x1fd: {  	[sflag:s1] =	ssyncset.done $0x0  }
0x1fe: {  	[sflag:s1] =	ssyncadd.s32 $0xFFFFF800  }
0x1ff: {  	_ =	swait.ge [sflag:s1], $0x800  }
0x200: {  	[sflag:s1] =	ssyncset.done $0x0  }
0x201: {  	[sflag:s1] =	ssyncadd.s32 $0xFFFFF800  }
0x202: {  	_ =	swait.ge [sflag:s1], $0x800  }
0x203: {  	[sflag:s1] =	ssyncset.done $0x0  }
0x204: {  	[sflag:s1] =	ssyncadd.s32 $0xFFFFF800  }
0x205: {  	p1 =	seq.s32 s20, $0x9000;
	_ =	swait.ge [sflag:s1], $0x800  }
0x206: {  	s11 =	sshra.s32 @!p1 s20, $0x2;
	s14 =	simm.s32 @!p1 $0x80;
	[sflag:s1] =	ssyncset.done $0x0  }
0x207: {  	s12 =	simm.s32 @!p1 $0x5000;
	s13 =	sadd.s32 @!p1 $0x400, s11;
	[sflag:s1] =	ssyncadd.s32 $0xFFFFF800  }
0x208: {  	[tilespmem:s12], [sflag:$0x1] =	stream.indirect.gather @!p1 [spmem:s4], $0x10, s13, s14, $0xb8;
	[tilespmem:$0x1FA80] =	vst v63  }
0x209: {  	s12 =	sadd.s32 @!p1 $0x480, s11;
	s13 =	simm.s32 @!p1 $0x5800  }
0x20a: {  	[tilespmem:s13], [sflag:$0x1] =	stream.indirect.gather @!p1 [spmem:s4], $0x10, s12, s14, $0xb8;
	[tilespmem:$0x1FA80] =	vst v63  }
0x20b: {  	s12 =	sadd.s32 @!p1 $0x500, s11;
	s13 =	simm.s32 @!p1 $0x6000  }
0x20c: {  	[tilespmem:s13], [sflag:$0x1] =	stream.indirect.gather @!p1 [spmem:s4], $0x10, s12, s14, $0xb8;
	[tilespmem:$0x1FA80] =	vst v63  }
0x20d: {  	s11 =	sadd.s32 @!p1 $0x580, s11;
	s12 =	simm.s32 @!p1 $0x6800  }
0x20e: {  	[tilespmem:s12], [sflag:$0x1] =	stream.indirect.gather @!p1 [spmem:s4], $0x10, s11, s14, $0xb8;
	[tilespmem:$0x1FA80] =	vst v63  }
0x20f: {  	_ =	swait.ge [sflag:s7], $0x800  }
0x210: {  	[sflag:s7] =	ssyncset.done $0x0  }
0x211: {  	[sflag:s7] =	ssyncadd.s32 $0xFFFFF800  }
0x212: {  	_ =	swait.ge [sflag:s7], $0x800  }
0x213: {  	[sflag:s7] =	ssyncset.done $0x0  }
0x214: {  	[sflag:s7] =	ssyncadd.s32 $0xFFFFF800  }
0x215: {  	_ =	swait.ge [sflag:s7], $0x800  }
0x216: {  	[sflag:s7] =	ssyncset.done $0x0  }
0x217: {  	[sflag:s7] =	ssyncadd.s32 $0xFFFFF800  }
0x218: {  	_ =	swait.ge [sflag:s7], $0x800  }
0x219: {  	[sflag:s7] =	ssyncset.done $0x0  }
0x21a: {  	s14 =	sadd.s32 $0x2A00, s9;
	[sflag:s7] =	ssyncadd.s32 $0xFFFFF800  }
0x21b: {  	[spmem:s2] =	stream.indirect.scatter.add.f32 [tilespmem:s22], [sflag:$0x3], $0x10, s14, s28, $0xb8;
	[tilespmem:$0x1FA80] =	vst v63  }
0x21c: {  	s15 =	sadd.s32 $0x2A80, s9  }
0x21d: {  	[spmem:s2] =	stream.indirect.scatter.add.f32 [tilespmem:s25], [sflag:$0x3], $0x10, s15, s28, $0xb8;
	[tilespmem:$0x1FA80] =	vst v63  }
0x21e: {  	s16 =	sadd.s32 $0x2B00, s9  }
0x21f: {  	[spmem:s2] =	stream.indirect.scatter.add.f32 [tilespmem:s26], [sflag:$0x3], $0x10, s16, s28, $0xb8;
	[tilespmem:$0x1FA80] =	vst v63  }
0x220: {  	s20 =	sadd.s32 $0x2B80, s9  }
0x221: {  	[spmem:s2] =	stream.indirect.scatter.add.f32 [tilespmem:s31], [sflag:$0x3], $0x10, s20, s28, $0xb8;
	[tilespmem:$0x1FA80] =	vst v63  }
0x222: {  	_ =	swait.ge [sflag:s1], $0x800  }
0x223: {  	[sflag:s1] =	ssyncset.done $0x0  }
0x224: {  	[sflag:s1] =	ssyncadd.s32 $0xFFFFF800  }
0x225: {  	_ =	swait.ge [sflag:s1], $0x800  }
0x226: {  	[sflag:s1] =	ssyncset.done $0x0  }
0x227: {  	[sflag:s1] =	ssyncadd.s32 $0xFFFFF800  }
0x228: {  	_ =	swait.ge [sflag:s1], $0x800  }
0x229: {  	[sflag:s1] =	ssyncset.done $0x0  }
0x22a: {  	[sflag:s1] =	ssyncadd.s32 $0xFFFFF800  }
0x22b: {  	_ =	swait.ge [sflag:s1], $0x800  }
0x22c: {  	[sflag:s1] =	ssyncset.done $0x0  }
0x22d: {  	s8 =	sadd.s32 $0x1, s8;
	[sflag:s1] =	ssyncadd.s32 $0xFFFFF800  }
0x22e: {  	p1 =	sne.s32 s8, s17;
	[bflag:$0x0] =	sbarrier.arrive $0xFFFF  }
.Ltmp5:
0x22f: {  	s23 =	rddreg [dreg:$0xe];
	(pc) =	sbr.rel @p1 .LBB2_1-.Ltmp5, $4  }
0x230: {  	[hbm:s23], [sflag:s6] =	dma.local [spmem:s18], $0x500  }
0x231: {  	_ =	swait.ge [sflag:s19], $0x500  }
0x232: {  	[sflag:s19] =	ssyncset.done $0x0  }
0x233: {  	s13 =	simm.s32 $0x2800;
	s15 =	simm.s32 $0x13280;
	[sflag:s19] =	ssyncadd.s32 $0xFFFFFB00  }
0x234: {  	_ =	sfence.sel $0x180000  }
0x235: {  	[bflag:$0x0] =	sbarrier.arrive $0xFFFF  }
0x236: {  	_ =	strace $0x90000047  }
0x237: {  	s0 =	stileid.u32;
	[bflag:$0x2] =	sbarrier.arrive $0xFFFF  }
0x238: {  	p0 =	sne.s32 s0, $0x0;
	s0 =	rddreg [dreg:$0x5]  }
0x239: {  	s0 =	sadd.s32 @!p0 $0x100000, s0  }
0x23a: {  	[sflag:s0] =	ssyncadd.tile.s32 @!p0 $0x1;
	_ =	shalt  }
.Lfunc_end2:
_tile_overlayer_lowered:
.L_overlay_start_2:
0x23b: {  	(tag) =	ssettag $0x2  }
0x23c: {  	s0 =	rddreg [dreg:$0x0];
	s2 =	stileid.u32  }
0x23d: {  	s1 =	rddreg [dreg:$0x1];
	p0 =	sne.s32 s2, $0x0  }
0x23e: {  	s3 =	rddreg [dreg:$0x2];
	[bflag:$0x3] =	sbarrier.arrive $0xFFFF;
	s2 =	simm.s32 @!p0 $0x1C04  }
0x23f: {  	[timem:s3], [sflag:s2] =	dma.local @!p0 [hbm:s0], s1  }
0x240: {  	s0 =	simm.s32 @!p0 $0x4  }
0x241: {  	_ =	swait.ge @!p0 [sflag:s0], s1  }
0x242: {  	s1 =	ssub.s32 @!p0 $0x0, s1;
	[sflag:s0] =	ssyncset.done @!p0 $0x0  }
0x243: {  	[sflag:s0] =	ssyncadd.s32 @!p0 s1  }
0x244: {  	[bflag:$0x3] =	sbarrier.arrive $0xFFFF  }
0x245: {  	_ =	shalt  }

</sc_bundles>
